<compile_context>
chip_gen: v7x
topology: tpu7x:2x2x1
jax: 0.10.2.dev20260603
libtpu: 0.0.44.dev20260713+nightly
codegen_flags: <defaults>
</compile_context>

<pallas_src>
import functools

import numpy as np
import jax
import jax.numpy as jnp
from jax import lax
from jax.experimental import pallas as pl
from jax.experimental.pallas import tpu as pltpu
from jax.experimental.pallas import tpu_sc as plsc

_WINDOW = 96
_SENT = 120
_FS = 500
_DOWN_FS = 100
_NPATCH = _SENT // 12
_MAXPEAKS = 25
_NLEAD = 12
_LANES = 128
_NBLKS = 9
_BBLK = 64
_UBLK = 16
_NC = 2
_NS = 16


def _downsample_weights(L=5000, scale=_DOWN_FS / _FS):
    Lo = int(L * scale)
    src = (np.arange(Lo) + 0.5) / scale - 0.5
    src = np.clip(src, 0.0, L - 1)
    lo = np.floor(src).astype(np.int64)
    hi = np.minimum(lo + 1, L - 1)
    frac = (src - lo).astype(np.float32)
    base = 5 * np.arange(Lo)
    olo = lo - base - 1
    ohi = hi - base - 1
    assert olo.min() >= 0 and ohi.max() <= 2, "static interp offsets changed"
    w = np.zeros((3, Lo), np.float32)
    w[olo, np.arange(Lo)] += (1.0 - frac)
    w[ohi, np.arange(Lo)] += frac
    return w


_W3 = _downsample_weights()
_LD = _W3.shape[1]


def _qrs_body(xtt_ref, w_ref, tbl_ref, grow_ref, idxr_ref, t_ref, s_ref):
    B = xtt_ref.shape[0]
    Ld = _LD
    W = _WINDOW
    P = _NPATCH
    S = _SENT

    xtt = xtt_ref[...]
    w = w_ref[...]
    ds = (xtt[:, :, 0] * w[0][None, None, :]
          + xtt[:, :, 1] * w[1][None, None, :]
          + xtt[:, :, 2] * w[2][None, None, :])
    sig = ds[:, 0]

    dsp = jnp.concatenate(
        [ds, jnp.zeros((B, _NLEAD, _NBLKS * _LANES - Ld), jnp.float32)],
        axis=2)
    for k in range(_NBLKS):
        tbl_ref[:, k, :] = jnp.reshape(
            dsp[:, :, k * _LANES:(k + 1) * _LANES], (B * _NLEAD, _LANES))

    mu = jnp.mean(sig, axis=1, keepdims=True)
    var = jnp.mean((sig - mu) ** 2, axis=1, keepdims=True)
    thr = mu + 1.5 * jnp.sqrt(var)
    sl = jnp.concatenate([sig[:, :1], sig[:, :-1]], axis=1)
    sr = jnp.concatenate([sig[:, 1:], sig[:, -1:]], axis=1)
    ii = jax.lax.broadcasted_iota(jnp.int32, (B, Ld), 1)
    cand = ((sig > sl) & (sig >= sr) & (sig > thr)
            & (ii >= 1) & (ii <= Ld - 2))

    amp = jnp.where(cand, sig, -jnp.inf)
    kept = jnp.zeros((B, Ld), dtype=jnp.bool_)
    for _ in range(_MAXPEAKS):
        rowmax = jnp.max(amp, axis=1, keepdims=True)
        valid = rowmax > -jnp.inf
        pm = jnp.min(jnp.where(amp == rowmax, ii, Ld), axis=1, keepdims=True)
        kept = kept | (valid & (ii == pm))
        amp = jnp.where(valid & (jnp.abs(ii - pm) < 40), -jnp.inf, amp)

    has = jnp.any(kept, axis=1, keepdims=True)
    smax = jnp.max(sig, axis=1, keepdims=True)
    pmax = jnp.min(jnp.where(sig == smax, ii, Ld), axis=1, keepdims=True)
    kept = (kept & has) | ((ii == pmax) & jnp.logical_not(has))
    m = jnp.sum(kept.astype(jnp.int32), axis=1, keepdims=True)

    cols = []
    kk = kept
    for _ in range(_MAXPEAKS):
        ps = jnp.min(jnp.where(kk, ii, Ld), axis=1, keepdims=True)
        cols.append(jnp.where(ps < Ld, ps, 0))
        kk = kk & (ii != ps)
    qrs = jnp.concatenate(cols, axis=1)

    pp = jax.lax.broadcasted_iota(jnp.int32, (B, W), 1)
    blks = []
    for j in range(P):
        qj = qrs[:, j:j + 1]
        qn = qrs[:, j + 1:j + 2]
        if j == 0:
            left = jnp.zeros_like(qj)
        else:
            qp = qrs[:, j - 1:j]
            left = (qp + qj) // 2
        right = jnp.where(m == j + 1, Ld, (qj + qn) // 2)
        right = jnp.minimum(right, Ld)
        ws = jnp.maximum(right - left, 1)
        off = jnp.where(ws < W, (W - ws) // 2, -((ws - W) // 2))
        idx_j = left + jnp.clip(pp - off, 0, ws - 1)
        idx_j = jnp.clip(idx_j, 0, Ld - 1)
        blk_j = idx_j[:, 0:1] // _LANES
        blks.append(blk_j)
        idxr_ref[:, j, :] = jnp.where(m > j, idx_j - _LANES * blk_j, 300)
    blk = jnp.concatenate(blks, axis=1)

    bglob = (jax.lax.broadcasted_iota(jnp.int32, (B, P, _NLEAD, 2), 0)
             + pl.program_id(0) * B)
    li = jax.lax.broadcasted_iota(jnp.int32, (B, P, _NLEAD, 2), 2)
    hi2 = jax.lax.broadcasted_iota(jnp.int32, (B, P, _NLEAD, 2), 3)
    grow_ref[...] = ((bglob * _NLEAD + li) * _NBLKS
                     + blk[:, :, None, None] + hi2)

    ps2 = jax.lax.broadcasted_iota(jnp.int32, (B, S), 1)
    vals = qrs // 100 + 1
    pmod = ps2 % m
    t = jnp.zeros((B, S), jnp.int32)
    for s in range(_MAXPEAKS):
        t = t + jnp.where(pmod == s, vals[:, s:s + 1], 0)
    act = ps2 < 12 * m
    t_ref[...] = jnp.where(act, t, 0)
    s_ref[...] = jnp.where(act, ps2 // m + 1, 0)


def _unpack_body(rows_ref, idxr_ref, out_ref):
    B = idxr_ref.shape[0]
    P = _NPATCH
    W = _WINDOW
    G = B * P
    rows = jnp.reshape(rows_ref[...], (G, _NLEAD, 2, _LANES))
    ir = jnp.reshape(idxr_ref[...], (G, W))
    qq = jax.lax.broadcasted_iota(jnp.int32, (G, W, _LANES), 2)
    dn = (((2,), (2,)), ((0,), (0,)))
    out = jnp.zeros((G, _NLEAD, W), jnp.float32)
    for h in range(2):
        sel_h = (ir[:, :, None] == qq + h * _LANES).astype(jnp.float32)
        out = out + lax.dot_general(
            rows[:, :, h, :], sel_h, dimension_numbers=dn,
            preferred_element_type=jnp.float32)
    out_ref[...] = jnp.reshape(out, (B, P, _NLEAD, W))


def _sc_gather_fn(nrows):
    nw = _NC * _NS
    per_w = nrows // nw
    chunks = per_w // 128
    assert per_w * nw == nrows and chunks * 128 == per_w

    mesh = plsc.VectorSubcoreMesh(core_axis_name="c", subcore_axis_name="s",
                                  num_cores=_NC, num_subcores=_NS)

    @functools.partial(
        pl.kernel,
        out_type=jax.ShapeDtypeStruct((nrows, _LANES), jnp.float32),
        mesh=mesh,
        scratch_types=[
            pltpu.VMEM((chunks, 128), jnp.int32),
            pltpu.VMEM((128, _LANES), jnp.float32),
            pltpu.VMEM((128, _LANES), jnp.float32),
            pltpu.SemaphoreType.DMA,
            pltpu.SemaphoreType.DMA,
        ],
    )
    def k(tbl_hbm, idx_hbm, out_hbm, idx_v, rows_a, rows_b, sem_a, sem_b):
        wid = lax.axis_index("s") * _NC + lax.axis_index("c")
        base = wid * per_w
        pltpu.sync_copy(idx_hbm.at[wid], idx_v)
        bufs = (rows_a, rows_b)
        sems = (sem_a, sem_b)
        cps = [None, None]
        cps[0] = pltpu.async_copy(tbl_hbm.at[idx_v.at[0]], bufs[0], sems[0])
        for h in range(1, chunks):
            cps[h % 2] = pltpu.async_copy(
                tbl_hbm.at[idx_v.at[h]], bufs[h % 2], sems[h % 2])
            cps[(h - 1) % 2].wait()
            pltpu.sync_copy(bufs[(h - 1) % 2],
                            out_hbm.at[pl.ds(base + (h - 1) * 128, 128)])
        cps[(chunks - 1) % 2].wait()
        pltpu.sync_copy(bufs[(chunks - 1) % 2],
                        out_hbm.at[pl.ds(base + (chunks - 1) * 128, 128)])

    return k


def kernel(x):
    B, C, L = x.shape
    Ld = _LD
    ph = jnp.reshape(x, (B, C, Ld, 5))[..., 1:4]
    xtt = jnp.transpose(ph, (0, 1, 3, 2))
    w = jnp.asarray(_W3)

    nblk = B // _BBLK
    tbl, grow, idxr, t, s = pl.pallas_call(
        _qrs_body,
        grid=(nblk,),
        in_specs=[
            pl.BlockSpec((_BBLK, _NLEAD, 3, Ld), lambda i: (i, 0, 0, 0)),
            pl.BlockSpec((3, Ld), lambda i: (0, 0)),
        ],
        out_specs=[
            pl.BlockSpec((_BBLK * _NLEAD, _NBLKS, _LANES),
                         lambda i: (i, 0, 0)),
            pl.BlockSpec((_BBLK, _NPATCH, _NLEAD, 2), lambda i: (i, 0, 0, 0)),
            pl.BlockSpec((_BBLK, _NPATCH, _WINDOW), lambda i: (i, 0, 0)),
            pl.BlockSpec((_BBLK, _SENT), lambda i: (i, 0)),
            pl.BlockSpec((_BBLK, _SENT), lambda i: (i, 0)),
        ],
        out_shape=[
            jax.ShapeDtypeStruct((B * _NLEAD, _NBLKS, _LANES), jnp.float32),
            jax.ShapeDtypeStruct((B, _NPATCH, _NLEAD, 2), jnp.int32),
            jax.ShapeDtypeStruct((B, _NPATCH, _WINDOW), jnp.int32),
            jax.ShapeDtypeStruct((B, _SENT), jnp.int32),
            jax.ShapeDtypeStruct((B, _SENT), jnp.int32),
        ],
    )(xtt, w)

    nreal = B * _NPATCH * _NLEAD * 2
    nw = _NC * _NS
    nrows = ((nreal + 128 * nw - 1) // (128 * nw)) * 128 * nw
    gflat = jnp.concatenate(
        [jnp.reshape(grow, (nreal,)),
         jnp.zeros((nrows - nreal,), jnp.int32)])
    idx3 = jnp.reshape(gflat, (nw, nrows // (128 * nw), 128))
    rows = _sc_gather_fn(nrows)(
        jnp.reshape(tbl, (B * _NLEAD * _NBLKS, _LANES)), idx3)

    per_step = _UBLK * _NPATCH * _NLEAD * 2
    patches = pl.pallas_call(
        _unpack_body,
        grid=(B // _UBLK,),
        in_specs=[
            pl.BlockSpec((per_step, _LANES), lambda i: (i, 0)),
            pl.BlockSpec((_UBLK, _NPATCH, _WINDOW), lambda i: (i, 0, 0)),
        ],
        out_specs=pl.BlockSpec((_UBLK, _NPATCH, _NLEAD, _WINDOW),
                               lambda i: (i, 0, 0, 0)),
        out_shape=jax.ShapeDtypeStruct((B, _NPATCH, _NLEAD, _WINDOW),
                                       jnp.float32),
    )(rows, idxr)

    x_pad = jnp.reshape(patches, (B, 12, -1, _WINDOW))
    return (x_pad, t, s)

# --- scband reference (transcript-rebuilt; emitter-appended) ---
"""Pipeline reference for scband-qrs-tokenizer-88948772700621 (READ-ONLY COPY).

The authoritative reference and input builder live on the scoring server;
editing this copy changes nothing except your own understanding.
"""

import jax, jax.numpy as jnp
import numpy as np

WINDOW_SIZE = 96
SENTENCE_LEN = 120
NUM_BEATS = 1
FS = 500
DOWN_FS = 100


def _interp_indices(L, scale):
    Lo = int(L * scale)
    src = (np.arange(Lo) + 0.5) / scale - 0.5
    src = np.clip(src, 0.0, L - 1)
    lo = np.floor(src).astype(np.int64)
    hi = np.minimum(lo + 1, L - 1)
    frac = (src - lo).astype(np.float32)
    return lo, hi, frac


def _detect_peaks(sig, min_dist=40):
    # deterministic surrogate for nk.ecg_peaks: thresholded local maxima with
    # greedy min-distance suppression (amplitude-ordered)
    thr = sig.mean() + 1.5 * sig.std()
    c = np.where((sig[1:-1] > sig[:-2]) & (sig[1:-1] >= sig[2:]) & (sig[1:-1] > thr))[0] + 1
    order = c[np.argsort(-sig[c])]
    kept = []
    for p in order:
        if all(abs(int(p) - q) >= min_dist for q in kept):
            kept.append(int(p))
    kept = np.sort(np.asarray(kept, dtype=np.int64))
    if kept.size == 0:
        kept = np.asarray([int(np.argmax(sig))], dtype=np.int64)
    return kept


def setup_inputs(seed: int = 0):
    key = jax.random.key(seed)
    x = jax.random.normal(key, (64, 12, 5000), dtype=jnp.float32)
    return {'x': x}


def reference(x):
    B, C, L = x.shape
    lo, hi, frac = _interp_indices(L, DOWN_FS / FS)
    # F.interpolate(mode='linear', align_corners=False) equivalent (gather + lerp)
    x_ds = x[..., lo] * (1.0 - frac) + x[..., hi] * frac
    Ld = x_ds.shape[-1]
    W = WINDOW_SIZE
    S = SENTENCE_LEN
    P = S // 12
    pos = jnp.arange(Ld, dtype=jnp.int32)

    def detect(sig):
        thr = sig.mean() + 1.5 * sig.std()
        inner = (sig[1:-1] > sig[:-2]) & (sig[1:-1] >= sig[2:]) & (sig[1:-1] > thr)
        cand = jnp.zeros((Ld,), dtype=bool).at[1:Ld - 1].set(inner)
        amp = jnp.where(cand, sig, -jnp.inf)
        order = jnp.argsort(-amp)

        def body(t, kept):
            p = order[t]
            conflict = jnp.any(kept & (jnp.abs(pos - p) < 40))
            take = cand[p] & (~conflict)
            return kept.at[p].set(kept[p] | take)

        kept = jax.lax.fori_loop(0, Ld, body, jnp.zeros((Ld,), dtype=bool))
        has = jnp.any(kept)
        fallback = jnp.zeros((Ld,), dtype=bool).at[jnp.argmax(sig)].set(True)
        kept = jnp.where(has, kept, fallback)
        m = jnp.sum(kept).astype(jnp.int32)
        rank = jnp.cumsum(kept).astype(jnp.int32) - 1
        qrs = jnp.zeros((Ld,), dtype=jnp.int32).at[
            jnp.where(kept, rank, Ld)].set(pos, mode='drop')
        return qrs, m

    def build(sig_ds, qrs, m):
        j = jnp.arange(P, dtype=jnp.int32)
        qj = qrs[j]
        q_prev = qrs[jnp.clip(j - 1, 0, Ld - 1)]
        q_next = qrs[jnp.clip(j + 1, 0, Ld - 1)]
        left = jnp.where(j == 0, 0, (q_prev + qj) // 2)
        right = jnp.where(j == m - 1, Ld, (qj + q_next) // 2)
        right = jnp.minimum(right, Ld)
        w = right - left
        ws = jnp.maximum(w, 1)
        off = jnp.where(ws < W, (W - ws) // 2, -((ws - W) // 2))
        p = jnp.arange(W, dtype=jnp.int32)
        idx = left[:, None] + jnp.clip(p[None, :] - off[:, None], 0, ws[:, None] - 1)
        idx = jnp.clip(idx, 0, Ld - 1)
        patch = sig_ds[:, idx]
        patch = jnp.where((j < m)[None, :, None], patch, jnp.zeros_like(patch))
        return jnp.transpose(patch, (1, 0, 2))

    def tokens(qrs, m):
        p = jnp.arange(S, dtype=jnp.int32)
        vals = qrs // 100 + 1
        t = jnp.where(p < 12 * m, vals[jnp.mod(p, m)], 0)
        s = jnp.where(p < 12 * m, p // m + 1, 0)
        return t, s

    qrs, m = jax.vmap(detect)(x_ds[:, 0, :])
    patches = jax.vmap(build)(x_ds, qrs, m)
    x_pad = patches.reshape(B, S, W).reshape(B, 12, -1, W)
    t_indices, s_indices = jax.vmap(tokens)(qrs, m)
    return (x_pad, t_indices, s_indices)

if __name__ == "__main__":
    import jax
    _d = setup_inputs()
    print(jax.jit(kernel)(*tuple(_d.values())))

</pallas_src>

<mosaic_0001>
#map = affine_map<(d0, d1) -> (0, 0)>
#map1 = affine_map<(d0, d1) -> (0, 0, 0)>
module attributes {stable_mosaic.version = 14 : i64} {
  func.func @k(%arg0: i32, %arg1: i32, %arg2: memref<6912x128xf32, #tpu.memory_space<hbm>>, %arg3: memref<32x4x128xi32, #tpu.memory_space<hbm>>, %arg4: memref<16384x128xf32, #tpu.memory_space<hbm>>, %arg5: memref<4x128xi32, #tpu.memory_space<vmem>>, %arg6: memref<128x128xf32, #tpu.memory_space<vmem>>, %arg7: memref<128x128xf32, #tpu.memory_space<vmem>>, %arg8: memref<!tpu.dma_semaphore, #tpu.memory_space<semaphore_mem>>, %arg9: memref<!tpu.dma_semaphore, #tpu.memory_space<semaphore_mem>>) attributes {dimension_semantics = [#tpu.dimension_semantics<core_parallel>, #tpu.dimension_semantics<subcore_parallel>], iteration_bounds = array<i64: 2, 16>, scalar_prefetch = 0 : i64, scratch_operands = 5 : i64, tpu.core_type = #tpu.core_type<sc_vector_subcore>, window_params = [{transform_indices = #map}, {transform_indices = #map1}, {transform_indices = #map}]} {
    %mul3A = arith.constant 2 : i32
    %mul3A_0 = arith.muli %arg1, %mul3A : i32
    %add3A = arith.addi %mul3A_0, %arg0 : i32
    %mul3A_1 = arith.constant 512 : i32
    %mul3A_2 = arith.muli %add3A, %mul3A_1 : i32
    "tpu.region"() ({
      %run_scoped3A = tpu.sem_alloc : memref<!tpu.dma_semaphore, #tpu.memory_space<semaphore_mem>>
      %dma_start3A_65 = arith.constant 0 : i32
      %dma_start3A_66 = arith.constant 0 : i32
      %dma_start3A_67 = tpu.memref_slice %arg3[%add3A, %dma_start3A_65, %dma_start3A_66] : memref<32x4x128xi32, #tpu.memory_space<hbm>> -> memref<1x4x128xi32, #tpu.memory_space<hbm>>
      %dma_start3A_68 = tpu.memref_squeeze %dma_start3A_67 : memref<1x4x128xi32, #tpu.memory_space<hbm>> -> memref<4x128xi32, #tpu.memory_space<hbm>>
      %dma_start3A_69 = arith.constant 0 : i32
      %dma_start3A_70 = arith.constant 0 : i32
      %dma_start3A_71 = tpu.memref_slice %arg3[%add3A, %dma_start3A_69, %dma_start3A_70] : memref<32x4x128xi32, #tpu.memory_space<hbm>> -> memref<1x4x128xi32, #tpu.memory_space<hbm>>
      %dma_start3A_72 = tpu.memref_squeeze %dma_start3A_71 : memref<1x4x128xi32, #tpu.memory_space<hbm>> -> memref<4x128xi32, #tpu.memory_space<hbm>>
      tpu.enqueue_dma source(%dma_start3A_72 : memref<4x128xi32, #tpu.memory_space<hbm>>) target(%arg5 : memref<4x128xi32, #tpu.memory_space<vmem>>) target_semaphore(%run_scoped3A : memref<!tpu.dma_semaphore, #tpu.memory_space<semaphore_mem>>)
      %dma_wait3A_73 = arith.constant 0 : i32
      %dma_wait3A_74 = arith.constant 0 : i32
      %dma_wait3A_75 = tpu.memref_slice %arg3[%add3A, %dma_wait3A_73, %dma_wait3A_74] : memref<32x4x128xi32, #tpu.memory_space<hbm>> -> memref<1x4x128xi32, #tpu.memory_space<hbm>>
      %dma_wait3A_76 = tpu.memref_squeeze %dma_wait3A_75 : memref<1x4x128xi32, #tpu.memory_space<hbm>> -> memref<4x128xi32, #tpu.memory_space<hbm>>
      %dma_wait3A_77 = arith.constant 0 : i32
      %dma_wait3A_78 = arith.constant 0 : i32
      %dma_wait3A_79 = tpu.memref_slice %arg3[%add3A, %dma_wait3A_77, %dma_wait3A_78] : memref<32x4x128xi32, #tpu.memory_space<hbm>> -> memref<1x4x128xi32, #tpu.memory_space<hbm>>
      %dma_wait3A_80 = tpu.memref_squeeze %dma_wait3A_79 : memref<1x4x128xi32, #tpu.memory_space<hbm>> -> memref<4x128xi32, #tpu.memory_space<hbm>>
      tpu.wait_dma2 semaphore(%run_scoped3A : memref<!tpu.dma_semaphore, #tpu.memory_space<semaphore_mem>>) src(%dma_wait3A_80 : memref<4x128xi32, #tpu.memory_space<hbm>>) dst(%arg5 : memref<4x128xi32, #tpu.memory_space<vmem>>)
      tpu.yield
    }) : () -> ()
    %dma_start3A = arith.constant 0 : i32
    %dma_start3A_3 = arith.constant 0 : i32
    %dma_start3A_4 = tpu.memref_slice %arg5[%dma_start3A, %dma_start3A_3] : memref<4x128xi32, #tpu.memory_space<vmem>> -> memref<1x128xi32, #tpu.memory_space<vmem>>
    %dma_start3A_5 = tpu.memref_squeeze %dma_start3A_4 : memref<1x128xi32, #tpu.memory_space<vmem>> -> memref<128xi32, #tpu.memory_space<vmem>>
    %dma_start3A_6 = arith.constant 0 : i32
    %dma_start3A_7 = arith.constant 0 : i32
    %dma_start3A_8 = tpu.memref_slice %arg2[%dma_start3A_6, %dma_start3A_7] : memref<6912x128xf32, #tpu.memory_space<hbm>> -> memref<6912x128xf32, #tpu.memory_space<hbm>>
    tpu.enqueue_indirect_dma source(%dma_start3A_8 : memref<6912x128xf32, #tpu.memory_space<hbm>>) target(%arg6 : memref<128x128xf32, #tpu.memory_space<vmem>>) offsets(%dma_start3A_5 : memref<128xi32, #tpu.memory_space<vmem>>) semaphore(%arg8 : memref<!tpu.dma_semaphore, #tpu.memory_space<semaphore_mem>>)
    %dma_start3A_9 = arith.constant 1 : i32
    %dma_start3A_10 = arith.constant 0 : i32
    %dma_start3A_11 = tpu.memref_slice %arg5[%dma_start3A_9, %dma_start3A_10] : memref<4x128xi32, #tpu.memory_space<vmem>> -> memref<1x128xi32, #tpu.memory_space<vmem>>
    %dma_start3A_12 = tpu.memref_squeeze %dma_start3A_11 : memref<1x128xi32, #tpu.memory_space<vmem>> -> memref<128xi32, #tpu.memory_space<vmem>>
    %dma_start3A_13 = arith.constant 0 : i32
    %dma_start3A_14 = arith.constant 0 : i32
    %dma_start3A_15 = tpu.memref_slice %arg2[%dma_start3A_13, %dma_start3A_14] : memref<6912x128xf32, #tpu.memory_space<hbm>> -> memref<6912x128xf32, #tpu.memory_space<hbm>>
    tpu.enqueue_indirect_dma source(%dma_start3A_15 : memref<6912x128xf32, #tpu.memory_space<hbm>>) target(%arg7 : memref<128x128xf32, #tpu.memory_space<vmem>>) offsets(%dma_start3A_12 : memref<128xi32, #tpu.memory_space<vmem>>) semaphore(%arg9 : memref<!tpu.dma_semaphore, #tpu.memory_space<semaphore_mem>>)
    %dma_wait3A = arith.constant 0 : i32
    %dma_wait3A_16 = arith.constant 0 : i32
    %dma_wait3A_17 = tpu.memref_slice %arg5[%dma_wait3A, %dma_wait3A_16] : memref<4x128xi32, #tpu.memory_space<vmem>> -> memref<1x128xi32, #tpu.memory_space<vmem>>
    %dma_wait3A_18 = tpu.memref_squeeze %dma_wait3A_17 : memref<1x128xi32, #tpu.memory_space<vmem>> -> memref<128xi32, #tpu.memory_space<vmem>>
    %dma_wait3A_19 = arith.constant 0 : i32
    %dma_wait3A_20 = arith.constant 0 : i32
    %dma_wait3A_21 = tpu.memref_slice %arg2[%dma_wait3A_19, %dma_wait3A_20] : memref<6912x128xf32, #tpu.memory_space<hbm>> -> memref<6912x128xf32, #tpu.memory_space<hbm>>
    tpu.wait_indirect_dma semaphore(%arg8 : memref<!tpu.dma_semaphore, #tpu.memory_space<semaphore_mem>>) src(%dma_wait3A_21 : memref<6912x128xf32, #tpu.memory_space<hbm>>) dst(%arg6 : memref<128x128xf32, #tpu.memory_space<vmem>>)
    %add3A_22 = arith.constant 0 : i32
    %add3A_23 = arith.addi %mul3A_2, %add3A_22 : i32
    "tpu.region"() ({
      %run_scoped3A = tpu.sem_alloc : memref<!tpu.dma_semaphore, #tpu.memory_space<semaphore_mem>>
      %dma_start3A_65 = arith.constant 0 : i32
      %dma_start3A_66 = tpu.memref_slice %arg4[%add3A_23, %dma_start3A_65] : memref<16384x128xf32, #tpu.memory_space<hbm>> -> memref<128x128xf32, #tpu.memory_space<hbm>>
      %dma_start3A_67 = arith.constant 0 : i32
      %dma_start3A_68 = tpu.memref_slice %arg4[%add3A_23, %dma_start3A_67] : memref<16384x128xf32, #tpu.memory_space<hbm>> -> memref<128x128xf32, #tpu.memory_space<hbm>>
      tpu.enqueue_dma source(%arg6 : memref<128x128xf32, #tpu.memory_space<vmem>>) target(%dma_start3A_68 : memref<128x128xf32, #tpu.memory_space<hbm>>) target_semaphore(%run_scoped3A : memref<!tpu.dma_semaphore, #tpu.memory_space<semaphore_mem>>)
      %dma_wait3A_69 = arith.constant 0 : i32
      %dma_wait3A_70 = tpu.memref_slice %arg4[%add3A_23, %dma_wait3A_69] : memref<16384x128xf32, #tpu.memory_space<hbm>> -> memref<128x128xf32, #tpu.memory_space<hbm>>
      %dma_wait3A_71 = arith.constant 0 : i32
      %dma_wait3A_72 = tpu.memref_slice %arg4[%add3A_23, %dma_wait3A_71] : memref<16384x128xf32, #tpu.memory_space<hbm>> -> memref<128x128xf32, #tpu.memory_space<hbm>>
      tpu.wait_dma2 semaphore(%run_scoped3A : memref<!tpu.dma_semaphore, #tpu.memory_space<semaphore_mem>>) src(%arg6 : memref<128x128xf32, #tpu.memory_space<vmem>>) dst(%dma_wait3A_72 : memref<128x128xf32, #tpu.memory_space<hbm>>)
      tpu.yield
    }) : () -> ()
    %dma_start3A_24 = arith.constant 2 : i32
    %dma_start3A_25 = arith.constant 0 : i32
    %dma_start3A_26 = tpu.memref_slice %arg5[%dma_start3A_24, %dma_start3A_25] : memref<4x128xi32, #tpu.memory_space<vmem>> -> memref<1x128xi32, #tpu.memory_space<vmem>>
    %dma_start3A_27 = tpu.memref_squeeze %dma_start3A_26 : memref<1x128xi32, #tpu.memory_space<vmem>> -> memref<128xi32, #tpu.memory_space<vmem>>
    %dma_start3A_28 = arith.constant 0 : i32
    %dma_start3A_29 = arith.constant 0 : i32
    %dma_start3A_30 = tpu.memref_slice %arg2[%dma_start3A_28, %dma_start3A_29] : memref<6912x128xf32, #tpu.memory_space<hbm>> -> memref<6912x128xf32, #tpu.memory_space<hbm>>
    tpu.enqueue_indirect_dma source(%dma_start3A_30 : memref<6912x128xf32, #tpu.memory_space<hbm>>) target(%arg6 : memref<128x128xf32, #tpu.memory_space<vmem>>) offsets(%dma_start3A_27 : memref<128xi32, #tpu.memory_space<vmem>>) semaphore(%arg8 : memref<!tpu.dma_semaphore, #tpu.memory_space<semaphore_mem>>)
    %dma_wait3A_31 = arith.constant 1 : i32
    %dma_wait3A_32 = arith.constant 0 : i32
    %dma_wait3A_33 = tpu.memref_slice %arg5[%dma_wait3A_31, %dma_wait3A_32] : memref<4x128xi32, #tpu.memory_space<vmem>> -> memref<1x128xi32, #tpu.memory_space<vmem>>
    %dma_wait3A_34 = tpu.memref_squeeze %dma_wait3A_33 : memref<1x128xi32, #tpu.memory_space<vmem>> -> memref<128xi32, #tpu.memory_space<vmem>>
    %dma_wait3A_35 = arith.constant 0 : i32
    %dma_wait3A_36 = arith.constant 0 : i32
    %dma_wait3A_37 = tpu.memref_slice %arg2[%dma_wait3A_35, %dma_wait3A_36] : memref<6912x128xf32, #tpu.memory_space<hbm>> -> memref<6912x128xf32, #tpu.memory_space<hbm>>
    tpu.wait_indirect_dma semaphore(%arg9 : memref<!tpu.dma_semaphore, #tpu.memory_space<semaphore_mem>>) src(%dma_wait3A_37 : memref<6912x128xf32, #tpu.memory_space<hbm>>) dst(%arg7 : memref<128x128xf32, #tpu.memory_space<vmem>>)
    %add3A_38 = arith.constant 128 : i32
    %add3A_39 = arith.addi %mul3A_2, %add3A_38 : i32
    "tpu.region"() ({
      %run_scoped3A = tpu.sem_alloc : memref<!tpu.dma_semaphore, #tpu.memory_space<semaphore_mem>>
      %dma_start3A_65 = arith.constant 0 : i32
      %dma_start3A_66 = tpu.memref_slice %arg4[%add3A_39, %dma_start3A_65] : memref<16384x128xf32, #tpu.memory_space<hbm>> -> memref<128x128xf32, #tpu.memory_space<hbm>>
      %dma_start3A_67 = arith.constant 0 : i32
      %dma_start3A_68 = tpu.memref_slice %arg4[%add3A_39, %dma_start3A_67] : memref<16384x128xf32, #tpu.memory_space<hbm>> -> memref<128x128xf32, #tpu.memory_space<hbm>>
      tpu.enqueue_dma source(%arg7 : memref<128x128xf32, #tpu.memory_space<vmem>>) target(%dma_start3A_68 : memref<128x128xf32, #tpu.memory_space<hbm>>) target_semaphore(%run_scoped3A : memref<!tpu.dma_semaphore, #tpu.memory_space<semaphore_mem>>)
      %dma_wait3A_69 = arith.constant 0 : i32
      %dma_wait3A_70 = tpu.memref_slice %arg4[%add3A_39, %dma_wait3A_69] : memref<16384x128xf32, #tpu.memory_space<hbm>> -> memref<128x128xf32, #tpu.memory_space<hbm>>
      %dma_wait3A_71 = arith.constant 0 : i32
      %dma_wait3A_72 = tpu.memref_slice %arg4[%add3A_39, %dma_wait3A_71] : memref<16384x128xf32, #tpu.memory_space<hbm>> -> memref<128x128xf32, #tpu.memory_space<hbm>>
      tpu.wait_dma2 semaphore(%run_scoped3A : memref<!tpu.dma_semaphore, #tpu.memory_space<semaphore_mem>>) src(%arg7 : memref<128x128xf32, #tpu.memory_space<vmem>>) dst(%dma_wait3A_72 : memref<128x128xf32, #tpu.memory_space<hbm>>)
      tpu.yield
    }) : () -> ()
    %dma_start3A_40 = arith.constant 3 : i32
    %dma_start3A_41 = arith.constant 0 : i32
    %dma_start3A_42 = tpu.memref_slice %arg5[%dma_start3A_40, %dma_start3A_41] : memref<4x128xi32, #tpu.memory_space<vmem>> -> memref<1x128xi32, #tpu.memory_space<vmem>>
    %dma_start3A_43 = tpu.memref_squeeze %dma_start3A_42 : memref<1x128xi32, #tpu.memory_space<vmem>> -> memref<128xi32, #tpu.memory_space<vmem>>
    %dma_start3A_44 = arith.constant 0 : i32
    %dma_start3A_45 = arith.constant 0 : i32
    %dma_start3A_46 = tpu.memref_slice %arg2[%dma_start3A_44, %dma_start3A_45] : memref<6912x128xf32, #tpu.memory_space<hbm>> -> memref<6912x128xf32, #tpu.memory_space<hbm>>
    tpu.enqueue_indirect_dma source(%dma_start3A_46 : memref<6912x128xf32, #tpu.memory_space<hbm>>) target(%arg7 : memref<128x128xf32, #tpu.memory_space<vmem>>) offsets(%dma_start3A_43 : memref<128xi32, #tpu.memory_space<vmem>>) semaphore(%arg9 : memref<!tpu.dma_semaphore, #tpu.memory_space<semaphore_mem>>)
    %dma_wait3A_47 = arith.constant 2 : i32
    %dma_wait3A_48 = arith.constant 0 : i32
    %dma_wait3A_49 = tpu.memref_slice %arg5[%dma_wait3A_47, %dma_wait3A_48] : memref<4x128xi32, #tpu.memory_space<vmem>> -> memref<1x128xi32, #tpu.memory_space<vmem>>
    %dma_wait3A_50 = tpu.memref_squeeze %dma_wait3A_49 : memref<1x128xi32, #tpu.memory_space<vmem>> -> memref<128xi32, #tpu.memory_space<vmem>>
    %dma_wait3A_51 = arith.constant 0 : i32
    %dma_wait3A_52 = arith.constant 0 : i32
    %dma_wait3A_53 = tpu.memref_slice %arg2[%dma_wait3A_51, %dma_wait3A_52] : memref<6912x128xf32, #tpu.memory_space<hbm>> -> memref<6912x128xf32, #tpu.memory_space<hbm>>
    tpu.wait_indirect_dma semaphore(%arg8 : memref<!tpu.dma_semaphore, #tpu.memory_space<semaphore_mem>>) src(%dma_wait3A_53 : memref<6912x128xf32, #tpu.memory_space<hbm>>) dst(%arg6 : memref<128x128xf32, #tpu.memory_space<vmem>>)
    %add3A_54 = arith.constant 256 : i32
    %add3A_55 = arith.addi %mul3A_2, %add3A_54 : i32
    "tpu.region"() ({
      %run_scoped3A = tpu.sem_alloc : memref<!tpu.dma_semaphore, #tpu.memory_space<semaphore_mem>>
      %dma_start3A_65 = arith.constant 0 : i32
      %dma_start3A_66 = tpu.memref_slice %arg4[%add3A_55, %dma_start3A_65] : memref<16384x128xf32, #tpu.memory_space<hbm>> -> memref<128x128xf32, #tpu.memory_space<hbm>>
      %dma_start3A_67 = arith.constant 0 : i32
      %dma_start3A_68 = tpu.memref_slice %arg4[%add3A_55, %dma_start3A_67] : memref<16384x128xf32, #tpu.memory_space<hbm>> -> memref<128x128xf32, #tpu.memory_space<hbm>>
      tpu.enqueue_dma source(%arg6 : memref<128x128xf32, #tpu.memory_space<vmem>>) target(%dma_start3A_68 : memref<128x128xf32, #tpu.memory_space<hbm>>) target_semaphore(%run_scoped3A : memref<!tpu.dma_semaphore, #tpu.memory_space<semaphore_mem>>)
      %dma_wait3A_69 = arith.constant 0 : i32
      %dma_wait3A_70 = tpu.memref_slice %arg4[%add3A_55, %dma_wait3A_69] : memref<16384x128xf32, #tpu.memory_space<hbm>> -> memref<128x128xf32, #tpu.memory_space<hbm>>
      %dma_wait3A_71 = arith.constant 0 : i32
      %dma_wait3A_72 = tpu.memref_slice %arg4[%add3A_55, %dma_wait3A_71] : memref<16384x128xf32, #tpu.memory_space<hbm>> -> memref<128x128xf32, #tpu.memory_space<hbm>>
      tpu.wait_dma2 semaphore(%run_scoped3A : memref<!tpu.dma_semaphore, #tpu.memory_space<semaphore_mem>>) src(%arg6 : memref<128x128xf32, #tpu.memory_space<vmem>>) dst(%dma_wait3A_72 : memref<128x128xf32, #tpu.memory_space<hbm>>)
      tpu.yield
    }) : () -> ()
    %dma_wait3A_56 = arith.constant 3 : i32
    %dma_wait3A_57 = arith.constant 0 : i32
    %dma_wait3A_58 = tpu.memref_slice %arg5[%dma_wait3A_56, %dma_wait3A_57] : memref<4x128xi32, #tpu.memory_space<vmem>> -> memref<1x128xi32, #tpu.memory_space<vmem>>
    %dma_wait3A_59 = tpu.memref_squeeze %dma_wait3A_58 : memref<1x128xi32, #tpu.memory_space<vmem>> -> memref<128xi32, #tpu.memory_space<vmem>>
    %dma_wait3A_60 = arith.constant 0 : i32
    %dma_wait3A_61 = arith.constant 0 : i32
    %dma_wait3A_62 = tpu.memref_slice %arg2[%dma_wait3A_60, %dma_wait3A_61] : memref<6912x128xf32, #tpu.memory_space<hbm>> -> memref<6912x128xf32, #tpu.memory_space<hbm>>
    tpu.wait_indirect_dma semaphore(%arg9 : memref<!tpu.dma_semaphore, #tpu.memory_space<semaphore_mem>>) src(%dma_wait3A_62 : memref<6912x128xf32, #tpu.memory_space<hbm>>) dst(%arg7 : memref<128x128xf32, #tpu.memory_space<vmem>>)
    %add3A_63 = arith.constant 384 : i32
    %add3A_64 = arith.addi %mul3A_2, %add3A_63 : i32
    "tpu.region"() ({
      %run_scoped3A = tpu.sem_alloc : memref<!tpu.dma_semaphore, #tpu.memory_space<semaphore_mem>>
      %dma_start3A_65 = arith.constant 0 : i32
      %dma_start3A_66 = tpu.memref_slice %arg4[%add3A_64, %dma_start3A_65] : memref<16384x128xf32, #tpu.memory_space<hbm>> -> memref<128x128xf32, #tpu.memory_space<hbm>>
      %dma_start3A_67 = arith.constant 0 : i32
      %dma_start3A_68 = tpu.memref_slice %arg4[%add3A_64, %dma_start3A_67] : memref<16384x128xf32, #tpu.memory_space<hbm>> -> memref<128x128xf32, #tpu.memory_space<hbm>>
      tpu.enqueue_dma source(%arg7 : memref<128x128xf32, #tpu.memory_space<vmem>>) target(%dma_start3A_68 : memref<128x128xf32, #tpu.memory_space<hbm>>) target_semaphore(%run_scoped3A : memref<!tpu.dma_semaphore, #tpu.memory_space<semaphore_mem>>)
      %dma_wait3A_69 = arith.constant 0 : i32
      %dma_wait3A_70 = tpu.memref_slice %arg4[%add3A_64, %dma_wait3A_69] : memref<16384x128xf32, #tpu.memory_space<hbm>> -> memref<128x128xf32, #tpu.memory_space<hbm>>
      %dma_wait3A_71 = arith.constant 0 : i32
      %dma_wait3A_72 = tpu.memref_slice %arg4[%add3A_64, %dma_wait3A_71] : memref<16384x128xf32, #tpu.memory_space<hbm>> -> memref<128x128xf32, #tpu.memory_space<hbm>>
      tpu.wait_dma2 semaphore(%run_scoped3A : memref<!tpu.dma_semaphore, #tpu.memory_space<semaphore_mem>>) src(%arg7 : memref<128x128xf32, #tpu.memory_space<vmem>>) dst(%dma_wait3A_72 : memref<128x128xf32, #tpu.memory_space<hbm>>)
      tpu.yield
    }) : () -> ()
    return
  }
}

module attributes {stable_mosaic.version = 14 : i64} {
  func.func @_qrs_body(%arg0: i32, %arg1: memref<64x12x3x1000xf32, #tpu.memory_space<vmem>>, %arg2: memref<3x1000xf32, #tpu.memory_space<vmem>>, %arg3: memref<768x9x128xf32, #tpu.memory_space<vmem>>, %arg4: memref<64x10x12x2xi32, #tpu.memory_space<vmem>>, %arg5: memref<64x10x96xi32, #tpu.memory_space<vmem>>, %arg6: memref<64x120xi32, #tpu.memory_space<vmem>>, %arg7: memref<64x120xi32, #tpu.memory_space<vmem>>) attributes {dimension_semantics = [#tpu.dimension_semantics<arbitrary>], iteration_bounds = array<i64: 1>, scalar_prefetch = 0 : i64, scratch_operands = 0 : i64, tpu.core_type = #tpu.core_type<tc>, window_params = [{transform_indices = @transform_0, window_bounds = array<i64: 64, 12, 3, 1000>}, {pipeline_mode = #tpu.pipeline_mode<synchronous>, transform_indices = @transform_1, window_bounds = array<i64: 3, 1000>}, {transform_indices = @transform_2, window_bounds = array<i64: 768, 9, 128>}, {transform_indices = @transform_3, window_bounds = array<i64: 64, 10, 12, 2>}, {transform_indices = @transform_4, window_bounds = array<i64: 64, 10, 96>}, {transform_indices = @transform_5, window_bounds = array<i64: 64, 120>}, {transform_indices = @transform_6, window_bounds = array<i64: 64, 120>}]} {
    %get3A = arith.constant 0 : index
    %get3A_0 = arith.constant 0 : index
    %get3A_1 = arith.constant 0 : index
    %get3A_2 = arith.constant 0 : index
    %get3A_3 = vector.load %arg1[%get3A, %get3A_0, %get3A_1, %get3A_2] : memref<64x12x3x1000xf32, #tpu.memory_space<vmem>>, vector<64x12x3x1000xf32>
    %get3A_4 = arith.constant 0 : index
    %get3A_5 = arith.constant 0 : index
    %get3A_6 = vector.load %arg2[%get3A_4, %get3A_5] : memref<3x1000xf32, #tpu.memory_space<vmem>>, vector<3x1000xf32>
    %slice3A = vector.extract_strided_slice %get3A_3 {offsets = [0, 0, 0, 0], sizes = [64, 12, 1, 1000], strides = [1, 1, 1, 1]} : vector<64x12x3x1000xf32> to vector<64x12x1x1000xf32>
    %squeeze3A = vector.shape_cast %slice3A : vector<64x12x1x1000xf32> to vector<64x12x1000xf32>
    %slice3A_7 = vector.extract_strided_slice %get3A_6 {offsets = [0, 0], sizes = [1, 1000], strides = [1, 1]} : vector<3x1000xf32> to vector<1x1000xf32>
    %squeeze3A_8 = vector.shape_cast %slice3A_7 : vector<1x1000xf32> to vector<1000xf32>
    %broadcast_in_dim3A = vector.shape_cast %squeeze3A_8 : vector<1000xf32> to vector<1x1x1000xf32>
    %mul3A = vector.broadcast %broadcast_in_dim3A : vector<1x1x1000xf32> to vector<64x12x1000xf32>
    %mul3A_9 = arith.mulf %squeeze3A, %mul3A : vector<64x12x1000xf32>
    %slice3A_10 = vector.extract_strided_slice %get3A_3 {offsets = [0, 0, 1, 0], sizes = [64, 12, 1, 1000], strides = [1, 1, 1, 1]} : vector<64x12x3x1000xf32> to vector<64x12x1x1000xf32>
    %squeeze3A_11 = vector.shape_cast %slice3A_10 : vector<64x12x1x1000xf32> to vector<64x12x1000xf32>
    %slice3A_12 = vector.extract_strided_slice %get3A_6 {offsets = [1, 0], sizes = [1, 1000], strides = [1, 1]} : vector<3x1000xf32> to vector<1x1000xf32>
    %squeeze3A_13 = vector.shape_cast %slice3A_12 : vector<1x1000xf32> to vector<1000xf32>
    %broadcast_in_dim3A_14 = vector.shape_cast %squeeze3A_13 : vector<1000xf32> to vector<1x1x1000xf32>
    %mul3A_15 = vector.broadcast %broadcast_in_dim3A_14 : vector<1x1x1000xf32> to vector<64x12x1000xf32>
    %mul3A_16 = arith.mulf %squeeze3A_11, %mul3A_15 : vector<64x12x1000xf32>
    %add3A = arith.addf %mul3A_9, %mul3A_16 : vector<64x12x1000xf32>
    %slice3A_17 = vector.extract_strided_slice %get3A_3 {offsets = [0, 0, 2, 0], sizes = [64, 12, 1, 1000], strides = [1, 1, 1, 1]} : vector<64x12x3x1000xf32> to vector<64x12x1x1000xf32>
    %squeeze3A_18 = vector.shape_cast %slice3A_17 : vector<64x12x1x1000xf32> to vector<64x12x1000xf32>
    %slice3A_19 = vector.extract_strided_slice %get3A_6 {offsets = [2, 0], sizes = [1, 1000], strides = [1, 1]} : vector<3x1000xf32> to vector<1x1000xf32>
    %squeeze3A_20 = vector.shape_cast %slice3A_19 : vector<1x1000xf32> to vector<1000xf32>
    %broadcast_in_dim3A_21 = vector.shape_cast %squeeze3A_20 : vector<1000xf32> to vector<1x1x1000xf32>
    %mul3A_22 = vector.broadcast %broadcast_in_dim3A_21 : vector<1x1x1000xf32> to vector<64x12x1000xf32>
    %mul3A_23 = arith.mulf %squeeze3A_18, %mul3A_22 : vector<64x12x1000xf32>
    %add3A_24 = arith.addf %add3A, %mul3A_23 : vector<64x12x1000xf32>
    %slice3A_25 = vector.extract_strided_slice %add3A_24 {offsets = [0, 0, 0], sizes = [64, 1, 1000], strides = [1, 1, 1]} : vector<64x12x1000xf32> to vector<64x1x1000xf32>
    %squeeze3A_26 = vector.shape_cast %slice3A_25 : vector<64x1x1000xf32> to vector<64x1000xf32>
    %broadcast_in_dim3A_27 = arith.constant 0.000000e+00 : f32
    %broadcast_in_dim3A_28 = vector.broadcast %broadcast_in_dim3A_27 : f32 to vector<64x12x152xf32>
    %concatenate3A = tpu.concatenate %add3A_24, %broadcast_in_dim3A_28 in 2 : vector<64x12x1000xf32>, vector<64x12x152xf32> -> vector<64x12x1152xf32>
    %slice3A_29 = vector.extract_strided_slice %concatenate3A {offsets = [0, 0, 0], sizes = [64, 12, 128], strides = [1, 1, 1]} : vector<64x12x1152xf32> to vector<64x12x128xf32>
    %reshape3A = vector.shape_cast %slice3A_29 : vector<64x12x128xf32> to vector<768x128xf32>
    %swap3A = arith.constant 0 : index
    %swap3A_30 = arith.constant 0 : index
    %swap3A_31 = arith.constant 0 : index
    %swap3A_32 = vector.load %arg3[%swap3A, %swap3A_30, %swap3A_31] : memref<768x9x128xf32, #tpu.memory_space<vmem>>, vector<768x1x128xf32>
    %swap3A_33 = vector.shape_cast %swap3A_32 : vector<768x1x128xf32> to vector<768x128xf32>
    %swap3A_34 = vector.shape_cast %reshape3A : vector<768x128xf32> to vector<768x1x128xf32>
    tpu.vector_store %arg3[%swap3A, %swap3A_30, %swap3A_31], %swap3A_34 {strides = array<i32>} : memref<768x9x128xf32, #tpu.memory_space<vmem>>, vector<768x1x128xf32>,
    %slice3A_35 = vector.extract_strided_slice %concatenate3A {offsets = [0, 0, 128], sizes = [64, 12, 128], strides = [1, 1, 1]} : vector<64x12x1152xf32> to vector<64x12x128xf32>
    %reshape3A_36 = vector.shape_cast %slice3A_35 : vector<64x12x128xf32> to vector<768x128xf32>
    %swap3A_37 = arith.constant 0 : index
    %swap3A_38 = arith.constant 1 : index
    %swap3A_39 = arith.constant 0 : index
    %swap3A_40 = vector.load %arg3[%swap3A_37, %swap3A_38, %swap3A_39] : memref<768x9x128xf32, #tpu.memory_space<vmem>>, vector<768x1x128xf32>
    %swap3A_41 = vector.shape_cast %swap3A_40 : vector<768x1x128xf32> to vector<768x128xf32>
    %swap3A_42 = vector.shape_cast %reshape3A_36 : vector<768x128xf32> to vector<768x1x128xf32>
    tpu.vector_store %arg3[%swap3A_37, %swap3A_38, %swap3A_39], %swap3A_42 {strides = array<i32>} : memref<768x9x128xf32, #tpu.memory_space<vmem>>, vector<768x1x128xf32>,
    %slice3A_43 = vector.extract_strided_slice %concatenate3A {offsets = [0, 0, 256], sizes = [64, 12, 128], strides = [1, 1, 1]} : vector<64x12x1152xf32> to vector<64x12x128xf32>
    %reshape3A_44 = vector.shape_cast %slice3A_43 : vector<64x12x128xf32> to vector<768x128xf32>
    %swap3A_45 = arith.constant 0 : index
    %swap3A_46 = arith.constant 2 : index
    %swap3A_47 = arith.constant 0 : index
    %swap3A_48 = vector.load %arg3[%swap3A_45, %swap3A_46, %swap3A_47] : memref<768x9x128xf32, #tpu.memory_space<vmem>>, vector<768x1x128xf32>
    %swap3A_49 = vector.shape_cast %swap3A_48 : vector<768x1x128xf32> to vector<768x128xf32>
    %swap3A_50 = vector.shape_cast %reshape3A_44 : vector<768x128xf32> to vector<768x1x128xf32>
    tpu.vector_store %arg3[%swap3A_45, %swap3A_46, %swap3A_47], %swap3A_50 {strides = array<i32>} : memref<768x9x128xf32, #tpu.memory_space<vmem>>, vector<768x1x128xf32>,
    %slice3A_51 = vector.extract_strided_slice %concatenate3A {offsets = [0, 0, 384], sizes = [64, 12, 128], strides = [1, 1, 1]} : vector<64x12x1152xf32> to vector<64x12x128xf32>
    %reshape3A_52 = vector.shape_cast %slice3A_51 : vector<64x12x128xf32> to vector<768x128xf32>
    %swap3A_53 = arith.constant 0 : index
    %swap3A_54 = arith.constant 3 : index
    %swap3A_55 = arith.constant 0 : index
    %swap3A_56 = vector.load %arg3[%swap3A_53, %swap3A_54, %swap3A_55] : memref<768x9x128xf32, #tpu.memory_space<vmem>>, vector<768x1x128xf32>
    %swap3A_57 = vector.shape_cast %swap3A_56 : vector<768x1x128xf32> to vector<768x128xf32>
    %swap3A_58 = vector.shape_cast %reshape3A_52 : vector<768x128xf32> to vector<768x1x128xf32>
    tpu.vector_store %arg3[%swap3A_53, %swap3A_54, %swap3A_55], %swap3A_58 {strides = array<i32>} : memref<768x9x128xf32, #tpu.memory_space<vmem>>, vector<768x1x128xf32>,
    %slice3A_59 = vector.extract_strided_slice %concatenate3A {offsets = [0, 0, 512], sizes = [64, 12, 128], strides = [1, 1, 1]} : vector<64x12x1152xf32> to vector<64x12x128xf32>
    %reshape3A_60 = vector.shape_cast %slice3A_59 : vector<64x12x128xf32> to vector<768x128xf32>
    %swap3A_61 = arith.constant 0 : index
    %swap3A_62 = arith.constant 4 : index
    %swap3A_63 = arith.constant 0 : index
    %swap3A_64 = vector.load %arg3[%swap3A_61, %swap3A_62, %swap3A_63] : memref<768x9x128xf32, #tpu.memory_space<vmem>>, vector<768x1x128xf32>
    %swap3A_65 = vector.shape_cast %swap3A_64 : vector<768x1x128xf32> to vector<768x128xf32>
    %swap3A_66 = vector.shape_cast %reshape3A_60 : vector<768x128xf32> to vector<768x1x128xf32>
    tpu.vector_store %arg3[%swap3A_61, %swap3A_62, %swap3A_63], %swap3A_66 {strides = array<i32>} : memref<768x9x128xf32, #tpu.memory_space<vmem>>, vector<768x1x128xf32>,
    %slice3A_67 = vector.extract_strided_slice %concatenate3A {offsets = [0, 0, 640], sizes = [64, 12, 128], strides = [1, 1, 1]} : vector<64x12x1152xf32> to vector<64x12x128xf32>
    %reshape3A_68 = vector.shape_cast %slice3A_67 : vector<64x12x128xf32> to vector<768x128xf32>
    %swap3A_69 = arith.constant 0 : index
    %swap3A_70 = arith.constant 5 : index
    %swap3A_71 = arith.constant 0 : index
    %swap3A_72 = vector.load %arg3[%swap3A_69, %swap3A_70, %swap3A_71] : memref<768x9x128xf32, #tpu.memory_space<vmem>>, vector<768x1x128xf32>
    %swap3A_73 = vector.shape_cast %swap3A_72 : vector<768x1x128xf32> to vector<768x128xf32>
    %swap3A_74 = vector.shape_cast %reshape3A_68 : vector<768x128xf32> to vector<768x1x128xf32>
    tpu.vector_store %arg3[%swap3A_69, %swap3A_70, %swap3A_71], %swap3A_74 {strides = array<i32>} : memref<768x9x128xf32, #tpu.memory_space<vmem>>, vector<768x1x128xf32>,
    %slice3A_75 = vector.extract_strided_slice %concatenate3A {offsets = [0, 0, 768], sizes = [64, 12, 128], strides = [1, 1, 1]} : vector<64x12x1152xf32> to vector<64x12x128xf32>
    %reshape3A_76 = vector.shape_cast %slice3A_75 : vector<64x12x128xf32> to vector<768x128xf32>
    %swap3A_77 = arith.constant 0 : index
    %swap3A_78 = arith.constant 6 : index
    %swap3A_79 = arith.constant 0 : index
    %swap3A_80 = vector.load %arg3[%swap3A_77, %swap3A_78, %swap3A_79] : memref<768x9x128xf32, #tpu.memory_space<vmem>>, vector<768x1x128xf32>
    %swap3A_81 = vector.shape_cast %swap3A_80 : vector<768x1x128xf32> to vector<768x128xf32>
    %swap3A_82 = vector.shape_cast %reshape3A_76 : vector<768x128xf32> to vector<768x1x128xf32>
    tpu.vector_store %arg3[%swap3A_77, %swap3A_78, %swap3A_79], %swap3A_82 {strides = array<i32>} : memref<768x9x128xf32, #tpu.memory_space<vmem>>, vector<768x1x128xf32>,
    %slice3A_83 = vector.extract_strided_slice %concatenate3A {offsets = [0, 0, 896], sizes = [64, 12, 128], strides = [1, 1, 1]} : vector<64x12x1152xf32> to vector<64x12x128xf32>
    %reshape3A_84 = vector.shape_cast %slice3A_83 : vector<64x12x128xf32> to vector<768x128xf32>
    %swap3A_85 = arith.constant 0 : index
    %swap3A_86 = arith.constant 7 : index
    %swap3A_87 = arith.constant 0 : index
    %swap3A_88 = vector.load %arg3[%swap3A_85, %swap3A_86, %swap3A_87] : memref<768x9x128xf32, #tpu.memory_space<vmem>>, vector<768x1x128xf32>
    %swap3A_89 = vector.shape_cast %swap3A_88 : vector<768x1x128xf32> to vector<768x128xf32>
    %swap3A_90 = vector.shape_cast %reshape3A_84 : vector<768x128xf32> to vector<768x1x128xf32>
    tpu.vector_store %arg3[%swap3A_85, %swap3A_86, %swap3A_87], %swap3A_90 {strides = array<i32>} : memref<768x9x128xf32, #tpu.memory_space<vmem>>, vector<768x1x128xf32>,
    %slice3A_91 = vector.extract_strided_slice %concatenate3A {offsets = [0, 0, 1024], sizes = [64, 12, 128], strides = [1, 1, 1]} : vector<64x12x1152xf32> to vector<64x12x128xf32>
    %reshape3A_92 = vector.shape_cast %slice3A_91 : vector<64x12x128xf32> to vector<768x128xf32>
    %swap3A_93 = arith.constant 0 : index
    %swap3A_94 = arith.constant 8 : index
    %swap3A_95 = arith.constant 0 : index
    %swap3A_96 = vector.load %arg3[%swap3A_93, %swap3A_94, %swap3A_95] : memref<768x9x128xf32, #tpu.memory_space<vmem>>, vector<768x1x128xf32>
    %swap3A_97 = vector.shape_cast %swap3A_96 : vector<768x1x128xf32> to vector<768x128xf32>
    %swap3A_98 = vector.shape_cast %reshape3A_92 : vector<768x128xf32> to vector<768x1x128xf32>
    tpu.vector_store %arg3[%swap3A_93, %swap3A_94, %swap3A_95], %swap3A_98 {strides = array<i32>} : memref<768x9x128xf32, #tpu.memory_space<vmem>>, vector<768x1x128xf32>,
    %reduce_sum3A = arith.constant dense<0.000000e+00> : vector<64xf32>
    %reduce_sum3A_99 = vector.multi_reduction <add>, %squeeze3A_26, %reduce_sum3A [1] : vector<64x1000xf32> to vector<64xf32>
    %broadcast_in_dim3A_100 = vector.shape_cast %reduce_sum3A_99 : vector<64xf32> to vector<64x1xf32>
    %div3A = arith.constant 1.000000e+03 : f32
    %div3A_101 = vector.broadcast %div3A : f32 to vector<64x1xf32>
    %div3A_102 = arith.divf %broadcast_in_dim3A_100, %div3A_101 : vector<64x1xf32>
    %sub3A = vector.broadcast %div3A_102 : vector<64x1xf32> to vector<64x1000xf32>
    %sub3A_103 = arith.subf %squeeze3A_26, %sub3A : vector<64x1000xf32>
    %integer_pow3A = arith.mulf %sub3A_103, %sub3A_103 : vector<64x1000xf32>
    %reduce_sum3A_104 = arith.constant dense<0.000000e+00> : vector<64xf32>
    %reduce_sum3A_105 = vector.multi_reduction <add>, %integer_pow3A, %reduce_sum3A_104 [1] : vector<64x1000xf32> to vector<64xf32>
    %broadcast_in_dim3A_106 = vector.shape_cast %reduce_sum3A_105 : vector<64xf32> to vector<64x1xf32>
    %div3A_107 = arith.constant 1.000000e+03 : f32
    %div3A_108 = vector.broadcast %div3A_107 : f32 to vector<64x1xf32>
    %div3A_109 = arith.divf %broadcast_in_dim3A_106, %div3A_108 : vector<64x1xf32>
    %sqrt3A = math.sqrt %div3A_109 : vector<64x1xf32>
    %mul3A_110 = arith.constant 1.500000e+00 : f32
    %mul3A_111 = vector.broadcast %mul3A_110 : f32 to vector<64x1xf32>
    %mul3A_112 = arith.mulf %mul3A_111, %sqrt3A : vector<64x1xf32>
    %add3A_113 = arith.addf %div3A_102, %mul3A_112 : vector<64x1xf32>
    %slice3A_114 = vector.extract_strided_slice %squeeze3A_26 {offsets = [0, 0], sizes = [64, 1], strides = [1, 1]} : vector<64x1000xf32> to vector<64x1xf32>
    %slice3A_115 = vector.extract_strided_slice %squeeze3A_26 {offsets = [0, 0], sizes = [64, 999], strides = [1, 1]} : vector<64x1000xf32> to vector<64x999xf32>
    %concatenate3A_116 = tpu.concatenate %slice3A_114, %slice3A_115 in 1 : vector<64x1xf32>, vector<64x999xf32> -> vector<64x1000xf32>
    %slice3A_117 = vector.extract_strided_slice %squeeze3A_26 {offsets = [0, 1], sizes = [64, 999], strides = [1, 1]} : vector<64x1000xf32> to vector<64x999xf32>
    %slice3A_118 = vector.extract_strided_slice %squeeze3A_26 {offsets = [0, 999], sizes = [64, 1], strides = [1, 1]} : vector<64x1000xf32> to vector<64x1xf32>
    %concatenate3A_119 = tpu.concatenate %slice3A_117, %slice3A_118 in 1 : vector<64x999xf32>, vector<64x1xf32> -> vector<64x1000xf32>
    %iota3A = tpu.iota {dimensions = array<i32: 1>} : vector<64x1000xi32>
    %gt3A = arith.cmpf ogt, %squeeze3A_26, %concatenate3A_116 : vector<64x1000xf32>
    %ge3A = arith.cmpf oge, %squeeze3A_26, %concatenate3A_119 : vector<64x1000xf32>
    %and3A = arith.andi %gt3A, %ge3A : vector<64x1000xi1>
    %gt3A_120 = vector.broadcast %add3A_113 : vector<64x1xf32> to vector<64x1000xf32>
    %gt3A_121 = arith.cmpf ogt, %squeeze3A_26, %gt3A_120 : vector<64x1000xf32>
    %and3A_122 = arith.andi %and3A, %gt3A_121 : vector<64x1000xi1>
    %ge3A_123 = arith.constant 1 : i32
    %ge3A_124 = vector.broadcast %ge3A_123 : i32 to vector<64x1000xi32>
    %ge3A_125 = arith.cmpi sge, %iota3A, %ge3A_124 : vector<64x1000xi32>
    %and3A_126 = arith.andi %and3A_122, %ge3A_125 : vector<64x1000xi1>
    %le3A = arith.constant 998 : i32
    %le3A_127 = vector.broadcast %le3A : i32 to vector<64x1000xi32>
    %le3A_128 = arith.cmpi sle, %iota3A, %le3A_127 : vector<64x1000xi32>
    %and3A_129 = arith.andi %and3A_126, %le3A_128 : vector<64x1000xi1>
    %jit3A = arith.constant 0xFF800000 : f32
    %broadcast_in_dim3A_130 = vector.broadcast %jit3A : f32 to vector<64x1000xf32>
    %select_n3A = arith.select %and3A_129, %squeeze3A_26, %broadcast_in_dim3A_130 : vector<64x1000xi1>, vector<64x1000xf32>
    %broadcast_in_dim3A_131 = arith.constant false
    %broadcast_in_dim3A_132 = vector.broadcast %broadcast_in_dim3A_131 : i1 to vector<64x1000xi1>
    %reduce_max3A = arith.constant dense<0xFF800000> : vector<64xf32>
    %reduce_max3A_133 = vector.multi_reduction <maximumf>, %select_n3A, %reduce_max3A [1] : vector<64x1000xf32> to vector<64xf32>
    %broadcast_in_dim3A_134 = vector.shape_cast %reduce_max3A_133 : vector<64xf32> to vector<64x1xf32>
    %gt3A_135 = arith.constant 0xFF800000 : f32
    %gt3A_136 = vector.broadcast %gt3A_135 : f32 to vector<64x1xf32>
    %gt3A_137 = arith.cmpf ogt, %broadcast_in_dim3A_134, %gt3A_136 : vector<64x1xf32>
    %eq3A = vector.broadcast %broadcast_in_dim3A_134 : vector<64x1xf32> to vector<64x1000xf32>
    %eq3A_138 = arith.cmpf oeq, %select_n3A, %eq3A : vector<64x1000xf32>
    %jit3A_139 = arith.constant 1000 : i32
    %broadcast_in_dim3A_140 = vector.broadcast %jit3A_139 : i32 to vector<64x1000xi32>
    %select_n3A_141 = arith.select %eq3A_138, %iota3A, %broadcast_in_dim3A_140 : vector<64x1000xi1>, vector<64x1000xi32>
    %reduce_min3A = arith.constant dense<2147483647> : vector<64xi32>
    %reduce_min3A_142 = vector.multi_reduction <minsi>, %select_n3A_141, %reduce_min3A [1] : vector<64x1000xi32> to vector<64xi32>
    %broadcast_in_dim3A_143 = vector.shape_cast %reduce_min3A_142 : vector<64xi32> to vector<64x1xi32>
    %eq3A_144 = vector.broadcast %broadcast_in_dim3A_143 : vector<64x1xi32> to vector<64x1000xi32>
    %eq3A_145 = arith.cmpi eq, %iota3A, %eq3A_144 : vector<64x1000xi32>
    %and3A_146 = vector.broadcast %gt3A_137 : vector<64x1xi1> to vector<64x1000xi1>
    %and3A_147 = arith.andi %and3A_146, %eq3A_145 : vector<64x1000xi1>
    %or3A = arith.ori %broadcast_in_dim3A_132, %and3A_147 : vector<64x1000xi1>
    %sub3A_148 = vector.broadcast %broadcast_in_dim3A_143 : vector<64x1xi32> to vector<64x1000xi32>
    %sub3A_149 = arith.subi %iota3A, %sub3A_148 : vector<64x1000xi32>
    %abs3A = math.absi %sub3A_149 : vector<64x1000xi32>
    %lt3A = arith.constant 40 : i32
    %lt3A_150 = vector.broadcast %lt3A : i32 to vector<64x1000xi32>
    %lt3A_151 = arith.cmpi slt, %abs3A, %lt3A_150 : vector<64x1000xi32>
    %and3A_152 = vector.broadcast %gt3A_137 : vector<64x1xi1> to vector<64x1000xi1>
    %and3A_153 = arith.andi %and3A_152, %lt3A_151 : vector<64x1000xi1>
    %jit3A_154 = arith.constant 0xFF800000 : f32
    %broadcast_in_dim3A_155 = vector.broadcast %jit3A_154 : f32 to vector<64x1000xf32>
    %select_n3A_156 = arith.select %and3A_153, %broadcast_in_dim3A_155, %select_n3A : vector<64x1000xi1>, vector<64x1000xf32>
    %reduce_max3A_157 = arith.constant dense<0xFF800000> : vector<64xf32>
    %reduce_max3A_158 = vector.multi_reduction <maximumf>, %select_n3A_156, %reduce_max3A_157 [1] : vector<64x1000xf32> to vector<64xf32>
    %broadcast_in_dim3A_159 = vector.shape_cast %reduce_max3A_158 : vector<64xf32> to vector<64x1xf32>
    %gt3A_160 = arith.constant 0xFF800000 : f32
    %gt3A_161 = vector.broadcast %gt3A_160 : f32 to vector<64x1xf32>
    %gt3A_162 = arith.cmpf ogt, %broadcast_in_dim3A_159, %gt3A_161 : vector<64x1xf32>
    %eq3A_163 = vector.broadcast %broadcast_in_dim3A_159 : vector<64x1xf32> to vector<64x1000xf32>
    %eq3A_164 = arith.cmpf oeq, %select_n3A_156, %eq3A_163 : vector<64x1000xf32>
    %jit3A_165 = arith.constant 1000 : i32
    %broadcast_in_dim3A_166 = vector.broadcast %jit3A_165 : i32 to vector<64x1000xi32>
    %select_n3A_167 = arith.select %eq3A_164, %iota3A, %broadcast_in_dim3A_166 : vector<64x1000xi1>, vector<64x1000xi32>
    %reduce_min3A_168 = arith.constant dense<2147483647> : vector<64xi32>
    %reduce_min3A_169 = vector.multi_reduction <minsi>, %select_n3A_167, %reduce_min3A_168 [1] : vector<64x1000xi32> to vector<64xi32>
    %broadcast_in_dim3A_170 = vector.shape_cast %reduce_min3A_169 : vector<64xi32> to vector<64x1xi32>
    %eq3A_171 = vector.broadcast %broadcast_in_dim3A_170 : vector<64x1xi32> to vector<64x1000xi32>
    %eq3A_172 = arith.cmpi eq, %iota3A, %eq3A_171 : vector<64x1000xi32>
    %and3A_173 = vector.broadcast %gt3A_162 : vector<64x1xi1> to vector<64x1000xi1>
    %and3A_174 = arith.andi %and3A_173, %eq3A_172 : vector<64x1000xi1>
    %or3A_175 = arith.ori %or3A, %and3A_174 : vector<64x1000xi1>
    %sub3A_176 = vector.broadcast %broadcast_in_dim3A_170 : vector<64x1xi32> to vector<64x1000xi32>
    %sub3A_177 = arith.subi %iota3A, %sub3A_176 : vector<64x1000xi32>
    %abs3A_178 = math.absi %sub3A_177 : vector<64x1000xi32>
    %lt3A_179 = arith.constant 40 : i32
    %lt3A_180 = vector.broadcast %lt3A_179 : i32 to vector<64x1000xi32>
    %lt3A_181 = arith.cmpi slt, %abs3A_178, %lt3A_180 : vector<64x1000xi32>
    %and3A_182 = vector.broadcast %gt3A_162 : vector<64x1xi1> to vector<64x1000xi1>
    %and3A_183 = arith.andi %and3A_182, %lt3A_181 : vector<64x1000xi1>
    %jit3A_184 = arith.constant 0xFF800000 : f32
    %broadcast_in_dim3A_185 = vector.broadcast %jit3A_184 : f32 to vector<64x1000xf32>
    %select_n3A_186 = arith.select %and3A_183, %broadcast_in_dim3A_185, %select_n3A_156 : vector<64x1000xi1>, vector<64x1000xf32>
    %reduce_max3A_187 = arith.constant dense<0xFF800000> : vector<64xf32>
    %reduce_max3A_188 = vector.multi_reduction <maximumf>, %select_n3A_186, %reduce_max3A_187 [1] : vector<64x1000xf32> to vector<64xf32>
    %broadcast_in_dim3A_189 = vector.shape_cast %reduce_max3A_188 : vector<64xf32> to vector<64x1xf32>
    %gt3A_190 = arith.constant 0xFF800000 : f32
    %gt3A_191 = vector.broadcast %gt3A_190 : f32 to vector<64x1xf32>
    %gt3A_192 = arith.cmpf ogt, %broadcast_in_dim3A_189, %gt3A_191 : vector<64x1xf32>
    %eq3A_193 = vector.broadcast %broadcast_in_dim3A_189 : vector<64x1xf32> to vector<64x1000xf32>
    %eq3A_194 = arith.cmpf oeq, %select_n3A_186, %eq3A_193 : vector<64x1000xf32>
    %jit3A_195 = arith.constant 1000 : i32
    %broadcast_in_dim3A_196 = vector.broadcast %jit3A_195 : i32 to vector<64x1000xi32>
    %select_n3A_197 = arith.select %eq3A_194, %iota3A, %broadcast_in_dim3A_196 : vector<64x1000xi1>, vector<64x1000xi32>
    %reduce_min3A_198 = arith.constant dense<2147483647> : vector<64xi32>
    %reduce_min3A_199 = vector.multi_reduction <minsi>, %select_n3A_197, %reduce_min3A_198 [1] : vector<64x1000xi32> to vector<64xi32>
    %broadcast_in_dim3A_200 = vector.shape_cast %reduce_min3A_199 : vector<64xi32> to vector<64x1xi32>
    %eq3A_201 = vector.broadcast %broadcast_in_dim3A_200 : vector<64x1xi32> to vector<64x1000xi32>
    %eq3A_202 = arith.cmpi eq, %iota3A, %eq3A_201 : vector<64x1000xi32>
    %and3A_203 = vector.broadcast %gt3A_192 : vector<64x1xi1> to vector<64x1000xi1>
    %and3A_204 = arith.andi %and3A_203, %eq3A_202 : vector<64x1000xi1>
    %or3A_205 = arith.ori %or3A_175, %and3A_204 : vector<64x1000xi1>
    %sub3A_206 = vector.broadcast %broadcast_in_dim3A_200 : vector<64x1xi32> to vector<64x1000xi32>
    %sub3A_207 = arith.subi %iota3A, %sub3A_206 : vector<64x1000xi32>
    %abs3A_208 = math.absi %sub3A_207 : vector<64x1000xi32>
    %lt3A_209 = arith.constant 40 : i32
    %lt3A_210 = vector.broadcast %lt3A_209 : i32 to vector<64x1000xi32>
    %lt3A_211 = arith.cmpi slt, %abs3A_208, %lt3A_210 : vector<64x1000xi32>
    %and3A_212 = vector.broadcast %gt3A_192 : vector<64x1xi1> to vector<64x1000xi1>
    %and3A_213 = arith.andi %and3A_212, %lt3A_211 : vector<64x1000xi1>
    %jit3A_214 = arith.constant 0xFF800000 : f32
    %broadcast_in_dim3A_215 = vector.broadcast %jit3A_214 : f32 to vector<64x1000xf32>
    %select_n3A_216 = arith.select %and3A_213, %broadcast_in_dim3A_215, %select_n3A_186 : vector<64x1000xi1>, vector<64x1000xf32>
    %reduce_max3A_217 = arith.constant dense<0xFF800000> : vector<64xf32>
    %reduce_max3A_218 = vector.multi_reduction <maximumf>, %select_n3A_216, %reduce_max3A_217 [1] : vector<64x1000xf32> to vector<64xf32>
    %broadcast_in_dim3A_219 = vector.shape_cast %reduce_max3A_218 : vector<64xf32> to vector<64x1xf32>
    %gt3A_220 = arith.constant 0xFF800000 : f32
    %gt3A_221 = vector.broadcast %gt3A_220 : f32 to vector<64x1xf32>
    %gt3A_222 = arith.cmpf ogt, %broadcast_in_dim3A_219, %gt3A_221 : vector<64x1xf32>
    %eq3A_223 = vector.broadcast %broadcast_in_dim3A_219 : vector<64x1xf32> to vector<64x1000xf32>
    %eq3A_224 = arith.cmpf oeq, %select_n3A_216, %eq3A_223 : vector<64x1000xf32>
    %jit3A_225 = arith.constant 1000 : i32
    %broadcast_in_dim3A_226 = vector.broadcast %jit3A_225 : i32 to vector<64x1000xi32>
    %select_n3A_227 = arith.select %eq3A_224, %iota3A, %broadcast_in_dim3A_226 : vector<64x1000xi1>, vector<64x1000xi32>
    %reduce_min3A_228 = arith.constant dense<2147483647> : vector<64xi32>
    %reduce_min3A_229 = vector.multi_reduction <minsi>, %select_n3A_227, %reduce_min3A_228 [1] : vector<64x1000xi32> to vector<64xi32>
    %broadcast_in_dim3A_230 = vector.shape_cast %reduce_min3A_229 : vector<64xi32> to vector<64x1xi32>
    %eq3A_231 = vector.broadcast %broadcast_in_dim3A_230 : vector<64x1xi32> to vector<64x1000xi32>
    %eq3A_232 = arith.cmpi eq, %iota3A, %eq3A_231 : vector<64x1000xi32>
    %and3A_233 = vector.broadcast %gt3A_222 : vector<64x1xi1> to vector<64x1000xi1>
    %and3A_234 = arith.andi %and3A_233, %eq3A_232 : vector<64x1000xi1>
    %or3A_235 = arith.ori %or3A_205, %and3A_234 : vector<64x1000xi1>
    %sub3A_236 = vector.broadcast %broadcast_in_dim3A_230 : vector<64x1xi32> to vector<64x1000xi32>
    %sub3A_237 = arith.subi %iota3A, %sub3A_236 : vector<64x1000xi32>
    %abs3A_238 = math.absi %sub3A_237 : vector<64x1000xi32>
    %lt3A_239 = arith.constant 40 : i32
    %lt3A_240 = vector.broadcast %lt3A_239 : i32 to vector<64x1000xi32>
    %lt3A_241 = arith.cmpi slt, %abs3A_238, %lt3A_240 : vector<64x1000xi32>
    %and3A_242 = vector.broadcast %gt3A_222 : vector<64x1xi1> to vector<64x1000xi1>
    %and3A_243 = arith.andi %and3A_242, %lt3A_241 : vector<64x1000xi1>
    %jit3A_244 = arith.constant 0xFF800000 : f32
    %broadcast_in_dim3A_245 = vector.broadcast %jit3A_244 : f32 to vector<64x1000xf32>
    %select_n3A_246 = arith.select %and3A_243, %broadcast_in_dim3A_245, %select_n3A_216 : vector<64x1000xi1>, vector<64x1000xf32>
    %reduce_max3A_247 = arith.constant dense<0xFF800000> : vector<64xf32>
    %reduce_max3A_248 = vector.multi_reduction <maximumf>, %select_n3A_246, %reduce_max3A_247 [1] : vector<64x1000xf32> to vector<64xf32>
    %broadcast_in_dim3A_249 = vector.shape_cast %reduce_max3A_248 : vector<64xf32> to vector<64x1xf32>
    %gt3A_250 = arith.constant 0xFF800000 : f32
    %gt3A_251 = vector.broadcast %gt3A_250 : f32 to vector<64x1xf32>
    %gt3A_252 = arith.cmpf ogt, %broadcast_in_dim3A_249, %gt3A_251 : vector<64x1xf32>
    %eq3A_253 = vector.broadcast %broadcast_in_dim3A_249 : vector<64x1xf32> to vector<64x1000xf32>
    %eq3A_254 = arith.cmpf oeq, %select_n3A_246, %eq3A_253 : vector<64x1000xf32>
    %jit3A_255 = arith.constant 1000 : i32
    %broadcast_in_dim3A_256 = vector.broadcast %jit3A_255 : i32 to vector<64x1000xi32>
    %select_n3A_257 = arith.select %eq3A_254, %iota3A, %broadcast_in_dim3A_256 : vector<64x1000xi1>, vector<64x1000xi32>
    %reduce_min3A_258 = arith.constant dense<2147483647> : vector<64xi32>
    %reduce_min3A_259 = vector.multi_reduction <minsi>, %select_n3A_257, %reduce_min3A_258 [1] : vector<64x1000xi32> to vector<64xi32>
    %broadcast_in_dim3A_260 = vector.shape_cast %reduce_min3A_259 : vector<64xi32> to vector<64x1xi32>
    %eq3A_261 = vector.broadcast %broadcast_in_dim3A_260 : vector<64x1xi32> to vector<64x1000xi32>
    %eq3A_262 = arith.cmpi eq, %iota3A, %eq3A_261 : vector<64x1000xi32>
    %and3A_263 = vector.broadcast %gt3A_252 : vector<64x1xi1> to vector<64x1000xi1>
    %and3A_264 = arith.andi %and3A_263, %eq3A_262 : vector<64x1000xi1>
    %or3A_265 = arith.ori %or3A_235, %and3A_264 : vector<64x1000xi1>
    %sub3A_266 = vector.broadcast %broadcast_in_dim3A_260 : vector<64x1xi32> to vector<64x1000xi32>
    %sub3A_267 = arith.subi %iota3A, %sub3A_266 : vector<64x1000xi32>
    %abs3A_268 = math.absi %sub3A_267 : vector<64x1000xi32>
    %lt3A_269 = arith.constant 40 : i32
    %lt3A_270 = vector.broadcast %lt3A_269 : i32 to vector<64x1000xi32>
    %lt3A_271 = arith.cmpi slt, %abs3A_268, %lt3A_270 : vector<64x1000xi32>
    %and3A_272 = vector.broadcast %gt3A_252 : vector<64x1xi1> to vector<64x1000xi1>
    %and3A_273 = arith.andi %and3A_272, %lt3A_271 : vector<64x1000xi1>
    %jit3A_274 = arith.constant 0xFF800000 : f32
    %broadcast_in_dim3A_275 = vector.broadcast %jit3A_274 : f32 to vector<64x1000xf32>
    %select_n3A_276 = arith.select %and3A_273, %broadcast_in_dim3A_275, %select_n3A_246 : vector<64x1000xi1>, vector<64x1000xf32>
    %reduce_max3A_277 = arith.constant dense<0xFF800000> : vector<64xf32>
    %reduce_max3A_278 = vector.multi_reduction <maximumf>, %select_n3A_276, %reduce_max3A_277 [1] : vector<64x1000xf32> to vector<64xf32>
    %broadcast_in_dim3A_279 = vector.shape_cast %reduce_max3A_278 : vector<64xf32> to vector<64x1xf32>
    %gt3A_280 = arith.constant 0xFF800000 : f32
    %gt3A_281 = vector.broadcast %gt3A_280 : f32 to vector<64x1xf32>
    %gt3A_282 = arith.cmpf ogt, %broadcast_in_dim3A_279, %gt3A_281 : vector<64x1xf32>
    %eq3A_283 = vector.broadcast %broadcast_in_dim3A_279 : vector<64x1xf32> to vector<64x1000xf32>
    %eq3A_284 = arith.cmpf oeq, %select_n3A_276, %eq3A_283 : vector<64x1000xf32>
    %jit3A_285 = arith.constant 1000 : i32
    %broadcast_in_dim3A_286 = vector.broadcast %jit3A_285 : i32 to vector<64x1000xi32>
    %select_n3A_287 = arith.select %eq3A_284, %iota3A, %broadcast_in_dim3A_286 : vector<64x1000xi1>, vector<64x1000xi32>
    %reduce_min3A_288 = arith.constant dense<2147483647> : vector<64xi32>
    %reduce_min3A_289 = vector.multi_reduction <minsi>, %select_n3A_287, %reduce_min3A_288 [1] : vector<64x1000xi32> to vector<64xi32>
    %broadcast_in_dim3A_290 = vector.shape_cast %reduce_min3A_289 : vector<64xi32> to vector<64x1xi32>
    %eq3A_291 = vector.broadcast %broadcast_in_dim3A_290 : vector<64x1xi32> to vector<64x1000xi32>
    %eq3A_292 = arith.cmpi eq, %iota3A, %eq3A_291 : vector<64x1000xi32>
    %and3A_293 = vector.broadcast %gt3A_282 : vector<64x1xi1> to vector<64x1000xi1>
    %and3A_294 = arith.andi %and3A_293, %eq3A_292 : vector<64x1000xi1>
    %or3A_295 = arith.ori %or3A_265, %and3A_294 : vector<64x1000xi1>
    %sub3A_296 = vector.broadcast %broadcast_in_dim3A_290 : vector<64x1xi32> to vector<64x1000xi32>
    %sub3A_297 = arith.subi %iota3A, %sub3A_296 : vector<64x1000xi32>
    %abs3A_298 = math.absi %sub3A_297 : vector<64x1000xi32>
    %lt3A_299 = arith.constant 40 : i32
    %lt3A_300 = vector.broadcast %lt3A_299 : i32 to vector<64x1000xi32>
    %lt3A_301 = arith.cmpi slt, %abs3A_298, %lt3A_300 : vector<64x1000xi32>
    %and3A_302 = vector.broadcast %gt3A_282 : vector<64x1xi1> to vector<64x1000xi1>
    %and3A_303 = arith.andi %and3A_302, %lt3A_301 : vector<64x1000xi1>
    %jit3A_304 = arith.constant 0xFF800000 : f32
    %broadcast_in_dim3A_305 = vector.broadcast %jit3A_304 : f32 to vector<64x1000xf32>
    %select_n3A_306 = arith.select %and3A_303, %broadcast_in_dim3A_305, %select_n3A_276 : vector<64x1000xi1>, vector<64x1000xf32>
    %reduce_max3A_307 = arith.constant dense<0xFF800000> : vector<64xf32>
    %reduce_max3A_308 = vector.multi_reduction <maximumf>, %select_n3A_306, %reduce_max3A_307 [1] : vector<64x1000xf32> to vector<64xf32>
    %broadcast_in_dim3A_309 = vector.shape_cast %reduce_max3A_308 : vector<64xf32> to vector<64x1xf32>
    %gt3A_310 = arith.constant 0xFF800000 : f32
    %gt3A_311 = vector.broadcast %gt3A_310 : f32 to vector<64x1xf32>
    %gt3A_312 = arith.cmpf ogt, %broadcast_in_dim3A_309, %gt3A_311 : vector<64x1xf32>
    %eq3A_313 = vector.broadcast %broadcast_in_dim3A_309 : vector<64x1xf32> to vector<64x1000xf32>
    %eq3A_314 = arith.cmpf oeq, %select_n3A_306, %eq3A_313 : vector<64x1000xf32>
    %jit3A_315 = arith.constant 1000 : i32
    %broadcast_in_dim3A_316 = vector.broadcast %jit3A_315 : i32 to vector<64x1000xi32>
    %select_n3A_317 = arith.select %eq3A_314, %iota3A, %broadcast_in_dim3A_316 : vector<64x1000xi1>, vector<64x1000xi32>
    %reduce_min3A_318 = arith.constant dense<2147483647> : vector<64xi32>
    %reduce_min3A_319 = vector.multi_reduction <minsi>, %select_n3A_317, %reduce_min3A_318 [1] : vector<64x1000xi32> to vector<64xi32>
    %broadcast_in_dim3A_320 = vector.shape_cast %reduce_min3A_319 : vector<64xi32> to vector<64x1xi32>
    %eq3A_321 = vector.broadcast %broadcast_in_dim3A_320 : vector<64x1xi32> to vector<64x1000xi32>
    %eq3A_322 = arith.cmpi eq, %iota3A, %eq3A_321 : vector<64x1000xi32>
    %and3A_323 = vector.broadcast %gt3A_312 : vector<64x1xi1> to vector<64x1000xi1>
    %and3A_324 = arith.andi %and3A_323, %eq3A_322 : vector<64x1000xi1>
    %or3A_325 = arith.ori %or3A_295, %and3A_324 : vector<64x1000xi1>
    %sub3A_326 = vector.broadcast %broadcast_in_dim3A_320 : vector<64x1xi32> to vector<64x1000xi32>
    %sub3A_327 = arith.subi %iota3A, %sub3A_326 : vector<64x1000xi32>
    %abs3A_328 = math.absi %sub3A_327 : vector<64x1000xi32>
    %lt3A_329 = arith.constant 40 : i32
    %lt3A_330 = vector.broadcast %lt3A_329 : i32 to vector<64x1000xi32>
    %lt3A_331 = arith.cmpi slt, %abs3A_328, %lt3A_330 : vector<64x1000xi32>
    %and3A_332 = vector.broadcast %gt3A_312 : vector<64x1xi1> to vector<64x1000xi1>
    %and3A_333 = arith.andi %and3A_332, %lt3A_331 : vector<64x1000xi1>
    %jit3A_334 = arith.constant 0xFF800000 : f32
    %broadcast_in_dim3A_335 = vector.broadcast %jit3A_334 : f32 to vector<64x1000xf32>
    %select_n3A_336 = arith.select %and3A_333, %broadcast_in_dim3A_335, %select_n3A_306 : vector<64x1000xi1>, vector<64x1000xf32>
    %reduce_max3A_337 = arith.constant dense<0xFF800000> : vector<64xf32>
    %reduce_max3A_338 = vector.multi_reduction <maximumf>, %select_n3A_336, %reduce_max3A_337 [1] : vector<64x1000xf32> to vector<64xf32>
    %broadcast_in_dim3A_339 = vector.shape_cast %reduce_max3A_338 : vector<64xf32> to vector<64x1xf32>
    %gt3A_340 = arith.constant 0xFF800000 : f32
    %gt3A_341 = vector.broadcast %gt3A_340 : f32 to vector<64x1xf32>
    %gt3A_342 = arith.cmpf ogt, %broadcast_in_dim3A_339, %gt3A_341 : vector<64x1xf32>
    %eq3A_343 = vector.broadcast %broadcast_in_dim3A_339 : vector<64x1xf32> to vector<64x1000xf32>
    %eq3A_344 = arith.cmpf oeq, %select_n3A_336, %eq3A_343 : vector<64x1000xf32>
    %jit3A_345 = arith.constant 1000 : i32
    %broadcast_in_dim3A_346 = vector.broadcast %jit3A_345 : i32 to vector<64x1000xi32>
    %select_n3A_347 = arith.select %eq3A_344, %iota3A, %broadcast_in_dim3A_346 : vector<64x1000xi1>, vector<64x1000xi32>
    %reduce_min3A_348 = arith.constant dense<2147483647> : vector<64xi32>
    %reduce_min3A_349 = vector.multi_reduction <minsi>, %select_n3A_347, %reduce_min3A_348 [1] : vector<64x1000xi32> to vector<64xi32>
    %broadcast_in_dim3A_350 = vector.shape_cast %reduce_min3A_349 : vector<64xi32> to vector<64x1xi32>
    %eq3A_351 = vector.broadcast %broadcast_in_dim3A_350 : vector<64x1xi32> to vector<64x1000xi32>
    %eq3A_352 = arith.cmpi eq, %iota3A, %eq3A_351 : vector<64x1000xi32>
    %and3A_353 = vector.broadcast %gt3A_342 : vector<64x1xi1> to vector<64x1000xi1>
    %and3A_354 = arith.andi %and3A_353, %eq3A_352 : vector<64x1000xi1>
    %or3A_355 = arith.ori %or3A_325, %and3A_354 : vector<64x1000xi1>
    %sub3A_356 = vector.broadcast %broadcast_in_dim3A_350 : vector<64x1xi32> to vector<64x1000xi32>
    %sub3A_357 = arith.subi %iota3A, %sub3A_356 : vector<64x1000xi32>
    %abs3A_358 = math.absi %sub3A_357 : vector<64x1000xi32>
    %lt3A_359 = arith.constant 40 : i32
    %lt3A_360 = vector.broadcast %lt3A_359 : i32 to vector<64x1000xi32>
    %lt3A_361 = arith.cmpi slt, %abs3A_358, %lt3A_360 : vector<64x1000xi32>
    %and3A_362 = vector.broadcast %gt3A_342 : vector<64x1xi1> to vector<64x1000xi1>
    %and3A_363 = arith.andi %and3A_362, %lt3A_361 : vector<64x1000xi1>
    %jit3A_364 = arith.constant 0xFF800000 : f32
    %broadcast_in_dim3A_365 = vector.broadcast %jit3A_364 : f32 to vector<64x1000xf32>
    %select_n3A_366 = arith.select %and3A_363, %broadcast_in_dim3A_365, %select_n3A_336 : vector<64x1000xi1>, vector<64x1000xf32>
    %reduce_max3A_367 = arith.constant dense<0xFF800000> : vector<64xf32>
    %reduce_max3A_368 = vector.multi_reduction <maximumf>, %select_n3A_366, %reduce_max3A_367 [1] : vector<64x1000xf32> to vector<64xf32>
    %broadcast_in_dim3A_369 = vector.shape_cast %reduce_max3A_368 : vector<64xf32> to vector<64x1xf32>
    %gt3A_370 = arith.constant 0xFF800000 : f32
    %gt3A_371 = vector.broadcast %gt3A_370 : f32 to vector<64x1xf32>
    %gt3A_372 = arith.cmpf ogt, %broadcast_in_dim3A_369, %gt3A_371 : vector<64x1xf32>
    %eq3A_373 = vector.broadcast %broadcast_in_dim3A_369 : vector<64x1xf32> to vector<64x1000xf32>
    %eq3A_374 = arith.cmpf oeq, %select_n3A_366, %eq3A_373 : vector<64x1000xf32>
    %jit3A_375 = arith.constant 1000 : i32
    %broadcast_in_dim3A_376 = vector.broadcast %jit3A_375 : i32 to vector<64x1000xi32>
    %select_n3A_377 = arith.select %eq3A_374, %iota3A, %broadcast_in_dim3A_376 : vector<64x1000xi1>, vector<64x1000xi32>
    %reduce_min3A_378 = arith.constant dense<2147483647> : vector<64xi32>
    %reduce_min3A_379 = vector.multi_reduction <minsi>, %select_n3A_377, %reduce_min3A_378 [1] : vector<64x1000xi32> to vector<64xi32>
    %broadcast_in_dim3A_380 = vector.shape_cast %reduce_min3A_379 : vector<64xi32> to vector<64x1xi32>
    %eq3A_381 = vector.broadcast %broadcast_in_dim3A_380 : vector<64x1xi32> to vector<64x1000xi32>
    %eq3A_382 = arith.cmpi eq, %iota3A, %eq3A_381 : vector<64x1000xi32>
    %and3A_383 = vector.broadcast %gt3A_372 : vector<64x1xi1> to vector<64x1000xi1>
    %and3A_384 = arith.andi %and3A_383, %eq3A_382 : vector<64x1000xi1>
    %or3A_385 = arith.ori %or3A_355, %and3A_384 : vector<64x1000xi1>
    %sub3A_386 = vector.broadcast %broadcast_in_dim3A_380 : vector<64x1xi32> to vector<64x1000xi32>
    %sub3A_387 = arith.subi %iota3A, %sub3A_386 : vector<64x1000xi32>
    %abs3A_388 = math.absi %sub3A_387 : vector<64x1000xi32>
    %lt3A_389 = arith.constant 40 : i32
    %lt3A_390 = vector.broadcast %lt3A_389 : i32 to vector<64x1000xi32>
    %lt3A_391 = arith.cmpi slt, %abs3A_388, %lt3A_390 : vector<64x1000xi32>
    %and3A_392 = vector.broadcast %gt3A_372 : vector<64x1xi1> to vector<64x1000xi1>
    %and3A_393 = arith.andi %and3A_392, %lt3A_391 : vector<64x1000xi1>
    %jit3A_394 = arith.constant 0xFF800000 : f32
    %broadcast_in_dim3A_395 = vector.broadcast %jit3A_394 : f32 to vector<64x1000xf32>
    %select_n3A_396 = arith.select %and3A_393, %broadcast_in_dim3A_395, %select_n3A_366 : vector<64x1000xi1>, vector<64x1000xf32>
    %reduce_max3A_397 = arith.constant dense<0xFF800000> : vector<64xf32>
    %reduce_max3A_398 = vector.multi_reduction <maximumf>, %select_n3A_396, %reduce_max3A_397 [1] : vector<64x1000xf32> to vector<64xf32>
    %broadcast_in_dim3A_399 = vector.shape_cast %reduce_max3A_398 : vector<64xf32> to vector<64x1xf32>
    %gt3A_400 = arith.constant 0xFF800000 : f32
    %gt3A_401 = vector.broadcast %gt3A_400 : f32 to vector<64x1xf32>
    %gt3A_402 = arith.cmpf ogt, %broadcast_in_dim3A_399, %gt3A_401 : vector<64x1xf32>
    %eq3A_403 = vector.broadcast %broadcast_in_dim3A_399 : vector<64x1xf32> to vector<64x1000xf32>
    %eq3A_404 = arith.cmpf oeq, %select_n3A_396, %eq3A_403 : vector<64x1000xf32>
    %jit3A_405 = arith.constant 1000 : i32
    %broadcast_in_dim3A_406 = vector.broadcast %jit3A_405 : i32 to vector<64x1000xi32>
    %select_n3A_407 = arith.select %eq3A_404, %iota3A, %broadcast_in_dim3A_406 : vector<64x1000xi1>, vector<64x1000xi32>
    %reduce_min3A_408 = arith.constant dense<2147483647> : vector<64xi32>
    %reduce_min3A_409 = vector.multi_reduction <minsi>, %select_n3A_407, %reduce_min3A_408 [1] : vector<64x1000xi32> to vector<64xi32>
    %broadcast_in_dim3A_410 = vector.shape_cast %reduce_min3A_409 : vector<64xi32> to vector<64x1xi32>
    %eq3A_411 = vector.broadcast %broadcast_in_dim3A_410 : vector<64x1xi32> to vector<64x1000xi32>
    %eq3A_412 = arith.cmpi eq, %iota3A, %eq3A_411 : vector<64x1000xi32>
    %and3A_413 = vector.broadcast %gt3A_402 : vector<64x1xi1> to vector<64x1000xi1>
    %and3A_414 = arith.andi %and3A_413, %eq3A_412 : vector<64x1000xi1>
    %or3A_415 = arith.ori %or3A_385, %and3A_414 : vector<64x1000xi1>
    %sub3A_416 = vector.broadcast %broadcast_in_dim3A_410 : vector<64x1xi32> to vector<64x1000xi32>
    %sub3A_417 = arith.subi %iota3A, %sub3A_416 : vector<64x1000xi32>
    %abs3A_418 = math.absi %sub3A_417 : vector<64x1000xi32>
    %lt3A_419 = arith.constant 40 : i32
    %lt3A_420 = vector.broadcast %lt3A_419 : i32 to vector<64x1000xi32>
    %lt3A_421 = arith.cmpi slt, %abs3A_418, %lt3A_420 : vector<64x1000xi32>
    %and3A_422 = vector.broadcast %gt3A_402 : vector<64x1xi1> to vector<64x1000xi1>
    %and3A_423 = arith.andi %and3A_422, %lt3A_421 : vector<64x1000xi1>
    %jit3A_424 = arith.constant 0xFF800000 : f32
    %broadcast_in_dim3A_425 = vector.broadcast %jit3A_424 : f32 to vector<64x1000xf32>
    %select_n3A_426 = arith.select %and3A_423, %broadcast_in_dim3A_425, %select_n3A_396 : vector<64x1000xi1>, vector<64x1000xf32>
    %reduce_max3A_427 = arith.constant dense<0xFF800000> : vector<64xf32>
    %reduce_max3A_428 = vector.multi_reduction <maximumf>, %select_n3A_426, %reduce_max3A_427 [1] : vector<64x1000xf32> to vector<64xf32>
    %broadcast_in_dim3A_429 = vector.shape_cast %reduce_max3A_428 : vector<64xf32> to vector<64x1xf32>
    %gt3A_430 = arith.constant 0xFF800000 : f32
    %gt3A_431 = vector.broadcast %gt3A_430 : f32 to vector<64x1xf32>
    %gt3A_432 = arith.cmpf ogt, %broadcast_in_dim3A_429, %gt3A_431 : vector<64x1xf32>
    %eq3A_433 = vector.broadcast %broadcast_in_dim3A_429 : vector<64x1xf32> to vector<64x1000xf32>
    %eq3A_434 = arith.cmpf oeq, %select_n3A_426, %eq3A_433 : vector<64x1000xf32>
    %jit3A_435 = arith.constant 1000 : i32
    %broadcast_in_dim3A_436 = vector.broadcast %jit3A_435 : i32 to vector<64x1000xi32>
    %select_n3A_437 = arith.select %eq3A_434, %iota3A, %broadcast_in_dim3A_436 : vector<64x1000xi1>, vector<64x1000xi32>
    %reduce_min3A_438 = arith.constant dense<2147483647> : vector<64xi32>
    %reduce_min3A_439 = vector.multi_reduction <minsi>, %select_n3A_437, %reduce_min3A_438 [1] : vector<64x1000xi32> to vector<64xi32>
    %broadcast_in_dim3A_440 = vector.shape_cast %reduce_min3A_439 : vector<64xi32> to vector<64x1xi32>
    %eq3A_441 = vector.broadcast %broadcast_in_dim3A_440 : vector<64x1xi32> to vector<64x1000xi32>
    %eq3A_442 = arith.cmpi eq, %iota3A, %eq3A_441 : vector<64x1000xi32>
    %and3A_443 = vector.broadcast %gt3A_432 : vector<64x1xi1> to vector<64x1000xi1>
    %and3A_444 = arith.andi %and3A_443, %eq3A_442 : vector<64x1000xi1>
    %or3A_445 = arith.ori %or3A_415, %and3A_444 : vector<64x1000xi1>
    %sub3A_446 = vector.broadcast %broadcast_in_dim3A_440 : vector<64x1xi32> to vector<64x1000xi32>
    %sub3A_447 = arith.subi %iota3A, %sub3A_446 : vector<64x1000xi32>
    %abs3A_448 = math.absi %sub3A_447 : vector<64x1000xi32>
    %lt3A_449 = arith.constant 40 : i32
    %lt3A_450 = vector.broadcast %lt3A_449 : i32 to vector<64x1000xi32>
    %lt3A_451 = arith.cmpi slt, %abs3A_448, %lt3A_450 : vector<64x1000xi32>
    %and3A_452 = vector.broadcast %gt3A_432 : vector<64x1xi1> to vector<64x1000xi1>
    %and3A_453 = arith.andi %and3A_452, %lt3A_451 : vector<64x1000xi1>
    %jit3A_454 = arith.constant 0xFF800000 : f32
    %broadcast_in_dim3A_455 = vector.broadcast %jit3A_454 : f32 to vector<64x1000xf32>
    %select_n3A_456 = arith.select %and3A_453, %broadcast_in_dim3A_455, %select_n3A_426 : vector<64x1000xi1>, vector<64x1000xf32>
    %reduce_max3A_457 = arith.constant dense<0xFF800000> : vector<64xf32>
    %reduce_max3A_458 = vector.multi_reduction <maximumf>, %select_n3A_456, %reduce_max3A_457 [1] : vector<64x1000xf32> to vector<64xf32>
    %broadcast_in_dim3A_459 = vector.shape_cast %reduce_max3A_458 : vector<64xf32> to vector<64x1xf32>
    %gt3A_460 = arith.constant 0xFF800000 : f32
    %gt3A_461 = vector.broadcast %gt3A_460 : f32 to vector<64x1xf32>
    %gt3A_462 = arith.cmpf ogt, %broadcast_in_dim3A_459, %gt3A_461 : vector<64x1xf32>
    %eq3A_463 = vector.broadcast %broadcast_in_dim3A_459 : vector<64x1xf32> to vector<64x1000xf32>
    %eq3A_464 = arith.cmpf oeq, %select_n3A_456, %eq3A_463 : vector<64x1000xf32>
    %jit3A_465 = arith.constant 1000 : i32
    %broadcast_in_dim3A_466 = vector.broadcast %jit3A_465 : i32 to vector<64x1000xi32>
    %select_n3A_467 = arith.select %eq3A_464, %iota3A, %broadcast_in_dim3A_466 : vector<64x1000xi1>, vector<64x1000xi32>
    %reduce_min3A_468 = arith.constant dense<2147483647> : vector<64xi32>
    %reduce_min3A_469 = vector.multi_reduction <minsi>, %select_n3A_467, %reduce_min3A_468 [1] : vector<64x1000xi32> to vector<64xi32>
    %broadcast_in_dim3A_470 = vector.shape_cast %reduce_min3A_469 : vector<64xi32> to vector<64x1xi32>
    %eq3A_471 = vector.broadcast %broadcast_in_dim3A_470 : vector<64x1xi32> to vector<64x1000xi32>
    %eq3A_472 = arith.cmpi eq, %iota3A, %eq3A_471 : vector<64x1000xi32>
    %and3A_473 = vector.broadcast %gt3A_462 : vector<64x1xi1> to vector<64x1000xi1>
    %and3A_474 = arith.andi %and3A_473, %eq3A_472 : vector<64x1000xi1>
    %or3A_475 = arith.ori %or3A_445, %and3A_474 : vector<64x1000xi1>
    %sub3A_476 = vector.broadcast %broadcast_in_dim3A_470 : vector<64x1xi32> to vector<64x1000xi32>
    %sub3A_477 = arith.subi %iota3A, %sub3A_476 : vector<64x1000xi32>
    %abs3A_478 = math.absi %sub3A_477 : vector<64x1000xi32>
    %lt3A_479 = arith.constant 40 : i32
    %lt3A_480 = vector.broadcast %lt3A_479 : i32 to vector<64x1000xi32>
    %lt3A_481 = arith.cmpi slt, %abs3A_478, %lt3A_480 : vector<64x1000xi32>
    %and3A_482 = vector.broadcast %gt3A_462 : vector<64x1xi1> to vector<64x1000xi1>
    %and3A_483 = arith.andi %and3A_482, %lt3A_481 : vector<64x1000xi1>
    %jit3A_484 = arith.constant 0xFF800000 : f32
    %broadcast_in_dim3A_485 = vector.broadcast %jit3A_484 : f32 to vector<64x1000xf32>
    %select_n3A_486 = arith.select %and3A_483, %broadcast_in_dim3A_485, %select_n3A_456 : vector<64x1000xi1>, vector<64x1000xf32>
    %reduce_max3A_487 = arith.constant dense<0xFF800000> : vector<64xf32>
    %reduce_max3A_488 = vector.multi_reduction <maximumf>, %select_n3A_486, %reduce_max3A_487 [1] : vector<64x1000xf32> to vector<64xf32>
    %broadcast_in_dim3A_489 = vector.shape_cast %reduce_max3A_488 : vector<64xf32> to vector<64x1xf32>
    %gt3A_490 = arith.constant 0xFF800000 : f32
    %gt3A_491 = vector.broadcast %gt3A_490 : f32 to vector<64x1xf32>
    %gt3A_492 = arith.cmpf ogt, %broadcast_in_dim3A_489, %gt3A_491 : vector<64x1xf32>
    %eq3A_493 = vector.broadcast %broadcast_in_dim3A_489 : vector<64x1xf32> to vector<64x1000xf32>
    %eq3A_494 = arith.cmpf oeq, %select_n3A_486, %eq3A_493 : vector<64x1000xf32>
    %jit3A_495 = arith.constant 1000 : i32
    %broadcast_in_dim3A_496 = vector.broadcast %jit3A_495 : i32 to vector<64x1000xi32>
    %select_n3A_497 = arith.select %eq3A_494, %iota3A, %broadcast_in_dim3A_496 : vector<64x1000xi1>, vector<64x1000xi32>
    %reduce_min3A_498 = arith.constant dense<2147483647> : vector<64xi32>
    %reduce_min3A_499 = vector.multi_reduction <minsi>, %select_n3A_497, %reduce_min3A_498 [1] : vector<64x1000xi32> to vector<64xi32>
    %broadcast_in_dim3A_500 = vector.shape_cast %reduce_min3A_499 : vector<64xi32> to vector<64x1xi32>
    %eq3A_501 = vector.broadcast %broadcast_in_dim3A_500 : vector<64x1xi32> to vector<64x1000xi32>
    %eq3A_502 = arith.cmpi eq, %iota3A, %eq3A_501 : vector<64x1000xi32>
    %and3A_503 = vector.broadcast %gt3A_492 : vector<64x1xi1> to vector<64x1000xi1>
    %and3A_504 = arith.andi %and3A_503, %eq3A_502 : vector<64x1000xi1>
    %or3A_505 = arith.ori %or3A_475, %and3A_504 : vector<64x1000xi1>
    %sub3A_506 = vector.broadcast %broadcast_in_dim3A_500 : vector<64x1xi32> to vector<64x1000xi32>
    %sub3A_507 = arith.subi %iota3A, %sub3A_506 : vector<64x1000xi32>
    %abs3A_508 = math.absi %sub3A_507 : vector<64x1000xi32>
    %lt3A_509 = arith.constant 40 : i32
    %lt3A_510 = vector.broadcast %lt3A_509 : i32 to vector<64x1000xi32>
    %lt3A_511 = arith.cmpi slt, %abs3A_508, %lt3A_510 : vector<64x1000xi32>
    %and3A_512 = vector.broadcast %gt3A_492 : vector<64x1xi1> to vector<64x1000xi1>
    %and3A_513 = arith.andi %and3A_512, %lt3A_511 : vector<64x1000xi1>
    %jit3A_514 = arith.constant 0xFF800000 : f32
    %broadcast_in_dim3A_515 = vector.broadcast %jit3A_514 : f32 to vector<64x1000xf32>
    %select_n3A_516 = arith.select %and3A_513, %broadcast_in_dim3A_515, %select_n3A_486 : vector<64x1000xi1>, vector<64x1000xf32>
    %reduce_max3A_517 = arith.constant dense<0xFF800000> : vector<64xf32>
    %reduce_max3A_518 = vector.multi_reduction <maximumf>, %select_n3A_516, %reduce_max3A_517 [1] : vector<64x1000xf32> to vector<64xf32>
    %broadcast_in_dim3A_519 = vector.shape_cast %reduce_max3A_518 : vector<64xf32> to vector<64x1xf32>
    %gt3A_520 = arith.constant 0xFF800000 : f32
    %gt3A_521 = vector.broadcast %gt3A_520 : f32 to vector<64x1xf32>
    %gt3A_522 = arith.cmpf ogt, %broadcast_in_dim3A_519, %gt3A_521 : vector<64x1xf32>
    %eq3A_523 = vector.broadcast %broadcast_in_dim3A_519 : vector<64x1xf32> to vector<64x1000xf32>
    %eq3A_524 = arith.cmpf oeq, %select_n3A_516, %eq3A_523 : vector<64x1000xf32>
    %jit3A_525 = arith.constant 1000 : i32
    %broadcast_in_dim3A_526 = vector.broadcast %jit3A_525 : i32 to vector<64x1000xi32>
    %select_n3A_527 = arith.select %eq3A_524, %iota3A, %broadcast_in_dim3A_526 : vector<64x1000xi1>, vector<64x1000xi32>
    %reduce_min3A_528 = arith.constant dense<2147483647> : vector<64xi32>
    %reduce_min3A_529 = vector.multi_reduction <minsi>, %select_n3A_527, %reduce_min3A_528 [1] : vector<64x1000xi32> to vector<64xi32>
    %broadcast_in_dim3A_530 = vector.shape_cast %reduce_min3A_529 : vector<64xi32> to vector<64x1xi32>
    %eq3A_531 = vector.broadcast %broadcast_in_dim3A_530 : vector<64x1xi32> to vector<64x1000xi32>
    %eq3A_532 = arith.cmpi eq, %iota3A, %eq3A_531 : vector<64x1000xi32>
    %and3A_533 = vector.broadcast %gt3A_522 : vector<64x1xi1> to vector<64x1000xi1>
    %and3A_534 = arith.andi %and3A_533, %eq3A_532 : vector<64x1000xi1>
    %or3A_535 = arith.ori %or3A_505, %and3A_534 : vector<64x1000xi1>
    %sub3A_536 = vector.broadcast %broadcast_in_dim3A_530 : vector<64x1xi32> to vector<64x1000xi32>
    %sub3A_537 = arith.subi %iota3A, %sub3A_536 : vector<64x1000xi32>
    %abs3A_538 = math.absi %sub3A_537 : vector<64x1000xi32>
    %lt3A_539 = arith.constant 40 : i32
    %lt3A_540 = vector.broadcast %lt3A_539 : i32 to vector<64x1000xi32>
    %lt3A_541 = arith.cmpi slt, %abs3A_538, %lt3A_540 : vector<64x1000xi32>
    %and3A_542 = vector.broadcast %gt3A_522 : vector<64x1xi1> to vector<64x1000xi1>
    %and3A_543 = arith.andi %and3A_542, %lt3A_541 : vector<64x1000xi1>
    %jit3A_544 = arith.constant 0xFF800000 : f32
    %broadcast_in_dim3A_545 = vector.broadcast %jit3A_544 : f32 to vector<64x1000xf32>
    %select_n3A_546 = arith.select %and3A_543, %broadcast_in_dim3A_545, %select_n3A_516 : vector<64x1000xi1>, vector<64x1000xf32>
    %reduce_max3A_547 = arith.constant dense<0xFF800000> : vector<64xf32>
    %reduce_max3A_548 = vector.multi_reduction <maximumf>, %select_n3A_546, %reduce_max3A_547 [1] : vector<64x1000xf32> to vector<64xf32>
    %broadcast_in_dim3A_549 = vector.shape_cast %reduce_max3A_548 : vector<64xf32> to vector<64x1xf32>
    %gt3A_550 = arith.constant 0xFF800000 : f32
    %gt3A_551 = vector.broadcast %gt3A_550 : f32 to vector<64x1xf32>
    %gt3A_552 = arith.cmpf ogt, %broadcast_in_dim3A_549, %gt3A_551 : vector<64x1xf32>
    %eq3A_553 = vector.broadcast %broadcast_in_dim3A_549 : vector<64x1xf32> to vector<64x1000xf32>
    %eq3A_554 = arith.cmpf oeq, %select_n3A_546, %eq3A_553 : vector<64x1000xf32>
    %jit3A_555 = arith.constant 1000 : i32
    %broadcast_in_dim3A_556 = vector.broadcast %jit3A_555 : i32 to vector<64x1000xi32>
    %select_n3A_557 = arith.select %eq3A_554, %iota3A, %broadcast_in_dim3A_556 : vector<64x1000xi1>, vector<64x1000xi32>
    %reduce_min3A_558 = arith.constant dense<2147483647> : vector<64xi32>
    %reduce_min3A_559 = vector.multi_reduction <minsi>, %select_n3A_557, %reduce_min3A_558 [1] : vector<64x1000xi32> to vector<64xi32>
    %broadcast_in_dim3A_560 = vector.shape_cast %reduce_min3A_559 : vector<64xi32> to vector<64x1xi32>
    %eq3A_561 = vector.broadcast %broadcast_in_dim3A_560 : vector<64x1xi32> to vector<64x1000xi32>
    %eq3A_562 = arith.cmpi eq, %iota3A, %eq3A_561 : vector<64x1000xi32>
    %and3A_563 = vector.broadcast %gt3A_552 : vector<64x1xi1> to vector<64x1000xi1>
    %and3A_564 = arith.andi %and3A_563, %eq3A_562 : vector<64x1000xi1>
    %or3A_565 = arith.ori %or3A_535, %and3A_564 : vector<64x1000xi1>
    %sub3A_566 = vector.broadcast %broadcast_in_dim3A_560 : vector<64x1xi32> to vector<64x1000xi32>
    %sub3A_567 = arith.subi %iota3A, %sub3A_566 : vector<64x1000xi32>
    %abs3A_568 = math.absi %sub3A_567 : vector<64x1000xi32>
    %lt3A_569 = arith.constant 40 : i32
    %lt3A_570 = vector.broadcast %lt3A_569 : i32 to vector<64x1000xi32>
    %lt3A_571 = arith.cmpi slt, %abs3A_568, %lt3A_570 : vector<64x1000xi32>
    %and3A_572 = vector.broadcast %gt3A_552 : vector<64x1xi1> to vector<64x1000xi1>
    %and3A_573 = arith.andi %and3A_572, %lt3A_571 : vector<64x1000xi1>
    %jit3A_574 = arith.constant 0xFF800000 : f32
    %broadcast_in_dim3A_575 = vector.broadcast %jit3A_574 : f32 to vector<64x1000xf32>
    %select_n3A_576 = arith.select %and3A_573, %broadcast_in_dim3A_575, %select_n3A_546 : vector<64x1000xi1>, vector<64x1000xf32>
    %reduce_max3A_577 = arith.constant dense<0xFF800000> : vector<64xf32>
    %reduce_max3A_578 = vector.multi_reduction <maximumf>, %select_n3A_576, %reduce_max3A_577 [1] : vector<64x1000xf32> to vector<64xf32>
    %broadcast_in_dim3A_579 = vector.shape_cast %reduce_max3A_578 : vector<64xf32> to vector<64x1xf32>
    %gt3A_580 = arith.constant 0xFF800000 : f32
    %gt3A_581 = vector.broadcast %gt3A_580 : f32 to vector<64x1xf32>
    %gt3A_582 = arith.cmpf ogt, %broadcast_in_dim3A_579, %gt3A_581 : vector<64x1xf32>
    %eq3A_583 = vector.broadcast %broadcast_in_dim3A_579 : vector<64x1xf32> to vector<64x1000xf32>
    %eq3A_584 = arith.cmpf oeq, %select_n3A_576, %eq3A_583 : vector<64x1000xf32>
    %jit3A_585 = arith.constant 1000 : i32
    %broadcast_in_dim3A_586 = vector.broadcast %jit3A_585 : i32 to vector<64x1000xi32>
    %select_n3A_587 = arith.select %eq3A_584, %iota3A, %broadcast_in_dim3A_586 : vector<64x1000xi1>, vector<64x1000xi32>
    %reduce_min3A_588 = arith.constant dense<2147483647> : vector<64xi32>
    %reduce_min3A_589 = vector.multi_reduction <minsi>, %select_n3A_587, %reduce_min3A_588 [1] : vector<64x1000xi32> to vector<64xi32>
    %broadcast_in_dim3A_590 = vector.shape_cast %reduce_min3A_589 : vector<64xi32> to vector<64x1xi32>
    %eq3A_591 = vector.broadcast %broadcast_in_dim3A_590 : vector<64x1xi32> to vector<64x1000xi32>
    %eq3A_592 = arith.cmpi eq, %iota3A, %eq3A_591 : vector<64x1000xi32>
    %and3A_593 = vector.broadcast %gt3A_582 : vector<64x1xi1> to vector<64x1000xi1>
    %and3A_594 = arith.andi %and3A_593, %eq3A_592 : vector<64x1000xi1>
    %or3A_595 = arith.ori %or3A_565, %and3A_594 : vector<64x1000xi1>
    %sub3A_596 = vector.broadcast %broadcast_in_dim3A_590 : vector<64x1xi32> to vector<64x1000xi32>
    %sub3A_597 = arith.subi %iota3A, %sub3A_596 : vector<64x1000xi32>
    %abs3A_598 = math.absi %sub3A_597 : vector<64x1000xi32>
    %lt3A_599 = arith.constant 40 : i32
    %lt3A_600 = vector.broadcast %lt3A_599 : i32 to vector<64x1000xi32>
    %lt3A_601 = arith.cmpi slt, %abs3A_598, %lt3A_600 : vector<64x1000xi32>
    %and3A_602 = vector.broadcast %gt3A_582 : vector<64x1xi1> to vector<64x1000xi1>
    %and3A_603 = arith.andi %and3A_602, %lt3A_601 : vector<64x1000xi1>
    %jit3A_604 = arith.constant 0xFF800000 : f32
    %broadcast_in_dim3A_605 = vector.broadcast %jit3A_604 : f32 to vector<64x1000xf32>
    %select_n3A_606 = arith.select %and3A_603, %broadcast_in_dim3A_605, %select_n3A_576 : vector<64x1000xi1>, vector<64x1000xf32>
    %reduce_max3A_607 = arith.constant dense<0xFF800000> : vector<64xf32>
    %reduce_max3A_608 = vector.multi_reduction <maximumf>, %select_n3A_606, %reduce_max3A_607 [1] : vector<64x1000xf32> to vector<64xf32>
    %broadcast_in_dim3A_609 = vector.shape_cast %reduce_max3A_608 : vector<64xf32> to vector<64x1xf32>
    %gt3A_610 = arith.constant 0xFF800000 : f32
    %gt3A_611 = vector.broadcast %gt3A_610 : f32 to vector<64x1xf32>
    %gt3A_612 = arith.cmpf ogt, %broadcast_in_dim3A_609, %gt3A_611 : vector<64x1xf32>
    %eq3A_613 = vector.broadcast %broadcast_in_dim3A_609 : vector<64x1xf32> to vector<64x1000xf32>
    %eq3A_614 = arith.cmpf oeq, %select_n3A_606, %eq3A_613 : vector<64x1000xf32>
    %jit3A_615 = arith.constant 1000 : i32
    %broadcast_in_dim3A_616 = vector.broadcast %jit3A_615 : i32 to vector<64x1000xi32>
    %select_n3A_617 = arith.select %eq3A_614, %iota3A, %broadcast_in_dim3A_616 : vector<64x1000xi1>, vector<64x1000xi32>
    %reduce_min3A_618 = arith.constant dense<2147483647> : vector<64xi32>
    %reduce_min3A_619 = vector.multi_reduction <minsi>, %select_n3A_617, %reduce_min3A_618 [1] : vector<64x1000xi32> to vector<64xi32>
    %broadcast_in_dim3A_620 = vector.shape_cast %reduce_min3A_619 : vector<64xi32> to vector<64x1xi32>
    %eq3A_621 = vector.broadcast %broadcast_in_dim3A_620 : vector<64x1xi32> to vector<64x1000xi32>
    %eq3A_622 = arith.cmpi eq, %iota3A, %eq3A_621 : vector<64x1000xi32>
    %and3A_623 = vector.broadcast %gt3A_612 : vector<64x1xi1> to vector<64x1000xi1>
    %and3A_624 = arith.andi %and3A_623, %eq3A_622 : vector<64x1000xi1>
    %or3A_625 = arith.ori %or3A_595, %and3A_624 : vector<64x1000xi1>
    %sub3A_626 = vector.broadcast %broadcast_in_dim3A_620 : vector<64x1xi32> to vector<64x1000xi32>
    %sub3A_627 = arith.subi %iota3A, %sub3A_626 : vector<64x1000xi32>
    %abs3A_628 = math.absi %sub3A_627 : vector<64x1000xi32>
    %lt3A_629 = arith.constant 40 : i32
    %lt3A_630 = vector.broadcast %lt3A_629 : i32 to vector<64x1000xi32>
    %lt3A_631 = arith.cmpi slt, %abs3A_628, %lt3A_630 : vector<64x1000xi32>
    %and3A_632 = vector.broadcast %gt3A_612 : vector<64x1xi1> to vector<64x1000xi1>
    %and3A_633 = arith.andi %and3A_632, %lt3A_631 : vector<64x1000xi1>
    %jit3A_634 = arith.constant 0xFF800000 : f32
    %broadcast_in_dim3A_635 = vector.broadcast %jit3A_634 : f32 to vector<64x1000xf32>
    %select_n3A_636 = arith.select %and3A_633, %broadcast_in_dim3A_635, %select_n3A_606 : vector<64x1000xi1>, vector<64x1000xf32>
    %reduce_max3A_637 = arith.constant dense<0xFF800000> : vector<64xf32>
    %reduce_max3A_638 = vector.multi_reduction <maximumf>, %select_n3A_636, %reduce_max3A_637 [1] : vector<64x1000xf32> to vector<64xf32>
    %broadcast_in_dim3A_639 = vector.shape_cast %reduce_max3A_638 : vector<64xf32> to vector<64x1xf32>
    %gt3A_640 = arith.constant 0xFF800000 : f32
    %gt3A_641 = vector.broadcast %gt3A_640 : f32 to vector<64x1xf32>
    %gt3A_642 = arith.cmpf ogt, %broadcast_in_dim3A_639, %gt3A_641 : vector<64x1xf32>
    %eq3A_643 = vector.broadcast %broadcast_in_dim3A_639 : vector<64x1xf32> to vector<64x1000xf32>
    %eq3A_644 = arith.cmpf oeq, %select_n3A_636, %eq3A_643 : vector<64x1000xf32>
    %jit3A_645 = arith.constant 1000 : i32
    %broadcast_in_dim3A_646 = vector.broadcast %jit3A_645 : i32 to vector<64x1000xi32>
    %select_n3A_647 = arith.select %eq3A_644, %iota3A, %broadcast_in_dim3A_646 : vector<64x1000xi1>, vector<64x1000xi32>
    %reduce_min3A_648 = arith.constant dense<2147483647> : vector<64xi32>
    %reduce_min3A_649 = vector.multi_reduction <minsi>, %select_n3A_647, %reduce_min3A_648 [1] : vector<64x1000xi32> to vector<64xi32>
    %broadcast_in_dim3A_650 = vector.shape_cast %reduce_min3A_649 : vector<64xi32> to vector<64x1xi32>
    %eq3A_651 = vector.broadcast %broadcast_in_dim3A_650 : vector<64x1xi32> to vector<64x1000xi32>
    %eq3A_652 = arith.cmpi eq, %iota3A, %eq3A_651 : vector<64x1000xi32>
    %and3A_653 = vector.broadcast %gt3A_642 : vector<64x1xi1> to vector<64x1000xi1>
    %and3A_654 = arith.andi %and3A_653, %eq3A_652 : vector<64x1000xi1>
    %or3A_655 = arith.ori %or3A_625, %and3A_654 : vector<64x1000xi1>
    %sub3A_656 = vector.broadcast %broadcast_in_dim3A_650 : vector<64x1xi32> to vector<64x1000xi32>
    %sub3A_657 = arith.subi %iota3A, %sub3A_656 : vector<64x1000xi32>
    %abs3A_658 = math.absi %sub3A_657 : vector<64x1000xi32>
    %lt3A_659 = arith.constant 40 : i32
    %lt3A_660 = vector.broadcast %lt3A_659 : i32 to vector<64x1000xi32>
    %lt3A_661 = arith.cmpi slt, %abs3A_658, %lt3A_660 : vector<64x1000xi32>
    %and3A_662 = vector.broadcast %gt3A_642 : vector<64x1xi1> to vector<64x1000xi1>
    %and3A_663 = arith.andi %and3A_662, %lt3A_661 : vector<64x1000xi1>
    %jit3A_664 = arith.constant 0xFF800000 : f32
    %broadcast_in_dim3A_665 = vector.broadcast %jit3A_664 : f32 to vector<64x1000xf32>
    %select_n3A_666 = arith.select %and3A_663, %broadcast_in_dim3A_665, %select_n3A_636 : vector<64x1000xi1>, vector<64x1000xf32>
    %reduce_max3A_667 = arith.constant dense<0xFF800000> : vector<64xf32>
    %reduce_max3A_668 = vector.multi_reduction <maximumf>, %select_n3A_666, %reduce_max3A_667 [1] : vector<64x1000xf32> to vector<64xf32>
    %broadcast_in_dim3A_669 = vector.shape_cast %reduce_max3A_668 : vector<64xf32> to vector<64x1xf32>
    %gt3A_670 = arith.constant 0xFF800000 : f32
    %gt3A_671 = vector.broadcast %gt3A_670 : f32 to vector<64x1xf32>
    %gt3A_672 = arith.cmpf ogt, %broadcast_in_dim3A_669, %gt3A_671 : vector<64x1xf32>
    %eq3A_673 = vector.broadcast %broadcast_in_dim3A_669 : vector<64x1xf32> to vector<64x1000xf32>
    %eq3A_674 = arith.cmpf oeq, %select_n3A_666, %eq3A_673 : vector<64x1000xf32>
    %jit3A_675 = arith.constant 1000 : i32
    %broadcast_in_dim3A_676 = vector.broadcast %jit3A_675 : i32 to vector<64x1000xi32>
    %select_n3A_677 = arith.select %eq3A_674, %iota3A, %broadcast_in_dim3A_676 : vector<64x1000xi1>, vector<64x1000xi32>
    %reduce_min3A_678 = arith.constant dense<2147483647> : vector<64xi32>
    %reduce_min3A_679 = vector.multi_reduction <minsi>, %select_n3A_677, %reduce_min3A_678 [1] : vector<64x1000xi32> to vector<64xi32>
    %broadcast_in_dim3A_680 = vector.shape_cast %reduce_min3A_679 : vector<64xi32> to vector<64x1xi32>
    %eq3A_681 = vector.broadcast %broadcast_in_dim3A_680 : vector<64x1xi32> to vector<64x1000xi32>
    %eq3A_682 = arith.cmpi eq, %iota3A, %eq3A_681 : vector<64x1000xi32>
    %and3A_683 = vector.broadcast %gt3A_672 : vector<64x1xi1> to vector<64x1000xi1>
    %and3A_684 = arith.andi %and3A_683, %eq3A_682 : vector<64x1000xi1>
    %or3A_685 = arith.ori %or3A_655, %and3A_684 : vector<64x1000xi1>
    %sub3A_686 = vector.broadcast %broadcast_in_dim3A_680 : vector<64x1xi32> to vector<64x1000xi32>
    %sub3A_687 = arith.subi %iota3A, %sub3A_686 : vector<64x1000xi32>
    %abs3A_688 = math.absi %sub3A_687 : vector<64x1000xi32>
    %lt3A_689 = arith.constant 40 : i32
    %lt3A_690 = vector.broadcast %lt3A_689 : i32 to vector<64x1000xi32>
    %lt3A_691 = arith.cmpi slt, %abs3A_688, %lt3A_690 : vector<64x1000xi32>
    %and3A_692 = vector.broadcast %gt3A_672 : vector<64x1xi1> to vector<64x1000xi1>
    %and3A_693 = arith.andi %and3A_692, %lt3A_691 : vector<64x1000xi1>
    %jit3A_694 = arith.constant 0xFF800000 : f32
    %broadcast_in_dim3A_695 = vector.broadcast %jit3A_694 : f32 to vector<64x1000xf32>
    %select_n3A_696 = arith.select %and3A_693, %broadcast_in_dim3A_695, %select_n3A_666 : vector<64x1000xi1>, vector<64x1000xf32>
    %reduce_max3A_697 = arith.constant dense<0xFF800000> : vector<64xf32>
    %reduce_max3A_698 = vector.multi_reduction <maximumf>, %select_n3A_696, %reduce_max3A_697 [1] : vector<64x1000xf32> to vector<64xf32>
    %broadcast_in_dim3A_699 = vector.shape_cast %reduce_max3A_698 : vector<64xf32> to vector<64x1xf32>
    %gt3A_700 = arith.constant 0xFF800000 : f32
    %gt3A_701 = vector.broadcast %gt3A_700 : f32 to vector<64x1xf32>
    %gt3A_702 = arith.cmpf ogt, %broadcast_in_dim3A_699, %gt3A_701 : vector<64x1xf32>
    %eq3A_703 = vector.broadcast %broadcast_in_dim3A_699 : vector<64x1xf32> to vector<64x1000xf32>
    %eq3A_704 = arith.cmpf oeq, %select_n3A_696, %eq3A_703 : vector<64x1000xf32>
    %jit3A_705 = arith.constant 1000 : i32
    %broadcast_in_dim3A_706 = vector.broadcast %jit3A_705 : i32 to vector<64x1000xi32>
    %select_n3A_707 = arith.select %eq3A_704, %iota3A, %broadcast_in_dim3A_706 : vector<64x1000xi1>, vector<64x1000xi32>
    %reduce_min3A_708 = arith.constant dense<2147483647> : vector<64xi32>
    %reduce_min3A_709 = vector.multi_reduction <minsi>, %select_n3A_707, %reduce_min3A_708 [1] : vector<64x1000xi32> to vector<64xi32>
    %broadcast_in_dim3A_710 = vector.shape_cast %reduce_min3A_709 : vector<64xi32> to vector<64x1xi32>
    %eq3A_711 = vector.broadcast %broadcast_in_dim3A_710 : vector<64x1xi32> to vector<64x1000xi32>
    %eq3A_712 = arith.cmpi eq, %iota3A, %eq3A_711 : vector<64x1000xi32>
    %and3A_713 = vector.broadcast %gt3A_702 : vector<64x1xi1> to vector<64x1000xi1>
    %and3A_714 = arith.andi %and3A_713, %eq3A_712 : vector<64x1000xi1>
    %or3A_715 = arith.ori %or3A_685, %and3A_714 : vector<64x1000xi1>
    %sub3A_716 = vector.broadcast %broadcast_in_dim3A_710 : vector<64x1xi32> to vector<64x1000xi32>
    %sub3A_717 = arith.subi %iota3A, %sub3A_716 : vector<64x1000xi32>
    %abs3A_718 = math.absi %sub3A_717 : vector<64x1000xi32>
    %lt3A_719 = arith.constant 40 : i32
    %lt3A_720 = vector.broadcast %lt3A_719 : i32 to vector<64x1000xi32>
    %lt3A_721 = arith.cmpi slt, %abs3A_718, %lt3A_720 : vector<64x1000xi32>
    %and3A_722 = vector.broadcast %gt3A_702 : vector<64x1xi1> to vector<64x1000xi1>
    %and3A_723 = arith.andi %and3A_722, %lt3A_721 : vector<64x1000xi1>
    %jit3A_724 = arith.constant 0xFF800000 : f32
    %broadcast_in_dim3A_725 = vector.broadcast %jit3A_724 : f32 to vector<64x1000xf32>
    %select_n3A_726 = arith.select %and3A_723, %broadcast_in_dim3A_725, %select_n3A_696 : vector<64x1000xi1>, vector<64x1000xf32>
    %reduce_max3A_727 = arith.constant dense<0xFF800000> : vector<64xf32>
    %reduce_max3A_728 = vector.multi_reduction <maximumf>, %select_n3A_726, %reduce_max3A_727 [1] : vector<64x1000xf32> to vector<64xf32>
    %broadcast_in_dim3A_729 = vector.shape_cast %reduce_max3A_728 : vector<64xf32> to vector<64x1xf32>
    %gt3A_730 = arith.constant 0xFF800000 : f32
    %gt3A_731 = vector.broadcast %gt3A_730 : f32 to vector<64x1xf32>
    %gt3A_732 = arith.cmpf ogt, %broadcast_in_dim3A_729, %gt3A_731 : vector<64x1xf32>
    %eq3A_733 = vector.broadcast %broadcast_in_dim3A_729 : vector<64x1xf32> to vector<64x1000xf32>
    %eq3A_734 = arith.cmpf oeq, %select_n3A_726, %eq3A_733 : vector<64x1000xf32>
    %jit3A_735 = arith.constant 1000 : i32
    %broadcast_in_dim3A_736 = vector.broadcast %jit3A_735 : i32 to vector<64x1000xi32>
    %select_n3A_737 = arith.select %eq3A_734, %iota3A, %broadcast_in_dim3A_736 : vector<64x1000xi1>, vector<64x1000xi32>
    %reduce_min3A_738 = arith.constant dense<2147483647> : vector<64xi32>
    %reduce_min3A_739 = vector.multi_reduction <minsi>, %select_n3A_737, %reduce_min3A_738 [1] : vector<64x1000xi32> to vector<64xi32>
    %broadcast_in_dim3A_740 = vector.shape_cast %reduce_min3A_739 : vector<64xi32> to vector<64x1xi32>
    %eq3A_741 = vector.broadcast %broadcast_in_dim3A_740 : vector<64x1xi32> to vector<64x1000xi32>
    %eq3A_742 = arith.cmpi eq, %iota3A, %eq3A_741 : vector<64x1000xi32>
    %and3A_743 = vector.broadcast %gt3A_732 : vector<64x1xi1> to vector<64x1000xi1>
    %and3A_744 = arith.andi %and3A_743, %eq3A_742 : vector<64x1000xi1>
    %or3A_745 = arith.ori %or3A_715, %and3A_744 : vector<64x1000xi1>
    %sub3A_746 = vector.broadcast %broadcast_in_dim3A_740 : vector<64x1xi32> to vector<64x1000xi32>
    %sub3A_747 = arith.subi %iota3A, %sub3A_746 : vector<64x1000xi32>
    %abs3A_748 = math.absi %sub3A_747 : vector<64x1000xi32>
    %lt3A_749 = arith.constant 40 : i32
    %lt3A_750 = vector.broadcast %lt3A_749 : i32 to vector<64x1000xi32>
    %lt3A_751 = arith.cmpi slt, %abs3A_748, %lt3A_750 : vector<64x1000xi32>
    %and3A_752 = vector.broadcast %gt3A_732 : vector<64x1xi1> to vector<64x1000xi1>
    %and3A_753 = arith.andi %and3A_752, %lt3A_751 : vector<64x1000xi1>
    %jit3A_754 = arith.constant 0xFF800000 : f32
    %broadcast_in_dim3A_755 = vector.broadcast %jit3A_754 : f32 to vector<64x1000xf32>
    %select_n3A_756 = arith.select %and3A_753, %broadcast_in_dim3A_755, %select_n3A_726 : vector<64x1000xi1>, vector<64x1000xf32>
    %reduce_max3A_757 = arith.constant dense<0xFF800000> : vector<64xf32>
    %reduce_max3A_758 = vector.multi_reduction <maximumf>, %select_n3A_756, %reduce_max3A_757 [1] : vector<64x1000xf32> to vector<64xf32>
    %broadcast_in_dim3A_759 = vector.shape_cast %reduce_max3A_758 : vector<64xf32> to vector<64x1xf32>
    %gt3A_760 = arith.constant 0xFF800000 : f32
    %gt3A_761 = vector.broadcast %gt3A_760 : f32 to vector<64x1xf32>
    %gt3A_762 = arith.cmpf ogt, %broadcast_in_dim3A_759, %gt3A_761 : vector<64x1xf32>
    %eq3A_763 = vector.broadcast %broadcast_in_dim3A_759 : vector<64x1xf32> to vector<64x1000xf32>
    %eq3A_764 = arith.cmpf oeq, %select_n3A_756, %eq3A_763 : vector<64x1000xf32>
    %jit3A_765 = arith.constant 1000 : i32
    %broadcast_in_dim3A_766 = vector.broadcast %jit3A_765 : i32 to vector<64x1000xi32>
    %select_n3A_767 = arith.select %eq3A_764, %iota3A, %broadcast_in_dim3A_766 : vector<64x1000xi1>, vector<64x1000xi32>
    %reduce_min3A_768 = arith.constant dense<2147483647> : vector<64xi32>
    %reduce_min3A_769 = vector.multi_reduction <minsi>, %select_n3A_767, %reduce_min3A_768 [1] : vector<64x1000xi32> to vector<64xi32>
    %broadcast_in_dim3A_770 = vector.shape_cast %reduce_min3A_769 : vector<64xi32> to vector<64x1xi32>
    %eq3A_771 = vector.broadcast %broadcast_in_dim3A_770 : vector<64x1xi32> to vector<64x1000xi32>
    %eq3A_772 = arith.cmpi eq, %iota3A, %eq3A_771 : vector<64x1000xi32>
    %and3A_773 = vector.broadcast %gt3A_762 : vector<64x1xi1> to vector<64x1000xi1>
    %and3A_774 = arith.andi %and3A_773, %eq3A_772 : vector<64x1000xi1>
    %or3A_775 = arith.ori %or3A_745, %and3A_774 : vector<64x1000xi1>
    %sub3A_776 = vector.broadcast %broadcast_in_dim3A_770 : vector<64x1xi32> to vector<64x1000xi32>
    %sub3A_777 = arith.subi %iota3A, %sub3A_776 : vector<64x1000xi32>
    %abs3A_778 = math.absi %sub3A_777 : vector<64x1000xi32>
    %lt3A_779 = arith.constant 40 : i32
    %lt3A_780 = vector.broadcast %lt3A_779 : i32 to vector<64x1000xi32>
    %lt3A_781 = arith.cmpi slt, %abs3A_778, %lt3A_780 : vector<64x1000xi32>
    %and3A_782 = vector.broadcast %gt3A_762 : vector<64x1xi1> to vector<64x1000xi1>
    %and3A_783 = arith.andi %and3A_782, %lt3A_781 : vector<64x1000xi1>
    %jit3A_784 = arith.constant 0xFF800000 : f32
    %broadcast_in_dim3A_785 = vector.broadcast %jit3A_784 : f32 to vector<64x1000xf32>
    %select_n3A_786 = arith.select %and3A_783, %broadcast_in_dim3A_785, %select_n3A_756 : vector<64x1000xi1>, vector<64x1000xf32>
    %reduce_max3A_787 = arith.constant dense<0xFF800000> : vector<64xf32>
    %reduce_max3A_788 = vector.multi_reduction <maximumf>, %select_n3A_786, %reduce_max3A_787 [1] : vector<64x1000xf32> to vector<64xf32>
    %broadcast_in_dim3A_789 = vector.shape_cast %reduce_max3A_788 : vector<64xf32> to vector<64x1xf32>
    %gt3A_790 = arith.constant 0xFF800000 : f32
    %gt3A_791 = vector.broadcast %gt3A_790 : f32 to vector<64x1xf32>
    %gt3A_792 = arith.cmpf ogt, %broadcast_in_dim3A_789, %gt3A_791 : vector<64x1xf32>
    %eq3A_793 = vector.broadcast %broadcast_in_dim3A_789 : vector<64x1xf32> to vector<64x1000xf32>
    %eq3A_794 = arith.cmpf oeq, %select_n3A_786, %eq3A_793 : vector<64x1000xf32>
    %jit3A_795 = arith.constant 1000 : i32
    %broadcast_in_dim3A_796 = vector.broadcast %jit3A_795 : i32 to vector<64x1000xi32>
    %select_n3A_797 = arith.select %eq3A_794, %iota3A, %broadcast_in_dim3A_796 : vector<64x1000xi1>, vector<64x1000xi32>
    %reduce_min3A_798 = arith.constant dense<2147483647> : vector<64xi32>
    %reduce_min3A_799 = vector.multi_reduction <minsi>, %select_n3A_797, %reduce_min3A_798 [1] : vector<64x1000xi32> to vector<64xi32>
    %broadcast_in_dim3A_800 = vector.shape_cast %reduce_min3A_799 : vector<64xi32> to vector<64x1xi32>
    %eq3A_801 = vector.broadcast %broadcast_in_dim3A_800 : vector<64x1xi32> to vector<64x1000xi32>
    %eq3A_802 = arith.cmpi eq, %iota3A, %eq3A_801 : vector<64x1000xi32>
    %and3A_803 = vector.broadcast %gt3A_792 : vector<64x1xi1> to vector<64x1000xi1>
    %and3A_804 = arith.andi %and3A_803, %eq3A_802 : vector<64x1000xi1>
    %or3A_805 = arith.ori %or3A_775, %and3A_804 : vector<64x1000xi1>
    %sub3A_806 = vector.broadcast %broadcast_in_dim3A_800 : vector<64x1xi32> to vector<64x1000xi32>
    %sub3A_807 = arith.subi %iota3A, %sub3A_806 : vector<64x1000xi32>
    %abs3A_808 = math.absi %sub3A_807 : vector<64x1000xi32>
    %lt3A_809 = arith.constant 40 : i32
    %lt3A_810 = vector.broadcast %lt3A_809 : i32 to vector<64x1000xi32>
    %lt3A_811 = arith.cmpi slt, %abs3A_808, %lt3A_810 : vector<64x1000xi32>
    %and3A_812 = vector.broadcast %gt3A_792 : vector<64x1xi1> to vector<64x1000xi1>
    %and3A_813 = arith.andi %and3A_812, %lt3A_811 : vector<64x1000xi1>
    %jit3A_814 = arith.constant 0xFF800000 : f32
    %broadcast_in_dim3A_815 = vector.broadcast %jit3A_814 : f32 to vector<64x1000xf32>
    %select_n3A_816 = arith.select %and3A_813, %broadcast_in_dim3A_815, %select_n3A_786 : vector<64x1000xi1>, vector<64x1000xf32>
    %reduce_max3A_817 = arith.constant dense<0xFF800000> : vector<64xf32>
    %reduce_max3A_818 = vector.multi_reduction <maximumf>, %select_n3A_816, %reduce_max3A_817 [1] : vector<64x1000xf32> to vector<64xf32>
    %broadcast_in_dim3A_819 = vector.shape_cast %reduce_max3A_818 : vector<64xf32> to vector<64x1xf32>
    %gt3A_820 = arith.constant 0xFF800000 : f32
    %gt3A_821 = vector.broadcast %gt3A_820 : f32 to vector<64x1xf32>
    %gt3A_822 = arith.cmpf ogt, %broadcast_in_dim3A_819, %gt3A_821 : vector<64x1xf32>
    %eq3A_823 = vector.broadcast %broadcast_in_dim3A_819 : vector<64x1xf32> to vector<64x1000xf32>
    %eq3A_824 = arith.cmpf oeq, %select_n3A_816, %eq3A_823 : vector<64x1000xf32>
    %jit3A_825 = arith.constant 1000 : i32
    %broadcast_in_dim3A_826 = vector.broadcast %jit3A_825 : i32 to vector<64x1000xi32>
    %select_n3A_827 = arith.select %eq3A_824, %iota3A, %broadcast_in_dim3A_826 : vector<64x1000xi1>, vector<64x1000xi32>
    %reduce_min3A_828 = arith.constant dense<2147483647> : vector<64xi32>
    %reduce_min3A_829 = vector.multi_reduction <minsi>, %select_n3A_827, %reduce_min3A_828 [1] : vector<64x1000xi32> to vector<64xi32>
    %broadcast_in_dim3A_830 = vector.shape_cast %reduce_min3A_829 : vector<64xi32> to vector<64x1xi32>
    %eq3A_831 = vector.broadcast %broadcast_in_dim3A_830 : vector<64x1xi32> to vector<64x1000xi32>
    %eq3A_832 = arith.cmpi eq, %iota3A, %eq3A_831 : vector<64x1000xi32>
    %and3A_833 = vector.broadcast %gt3A_822 : vector<64x1xi1> to vector<64x1000xi1>
    %and3A_834 = arith.andi %and3A_833, %eq3A_832 : vector<64x1000xi1>
    %or3A_835 = arith.ori %or3A_805, %and3A_834 : vector<64x1000xi1>
    %sub3A_836 = vector.broadcast %broadcast_in_dim3A_830 : vector<64x1xi32> to vector<64x1000xi32>
    %sub3A_837 = arith.subi %iota3A, %sub3A_836 : vector<64x1000xi32>
    %abs3A_838 = math.absi %sub3A_837 : vector<64x1000xi32>
    %lt3A_839 = arith.constant 40 : i32
    %lt3A_840 = vector.broadcast %lt3A_839 : i32 to vector<64x1000xi32>
    %lt3A_841 = arith.cmpi slt, %abs3A_838, %lt3A_840 : vector<64x1000xi32>
    %and3A_842 = vector.broadcast %gt3A_822 : vector<64x1xi1> to vector<64x1000xi1>
    %and3A_843 = arith.andi %and3A_842, %lt3A_841 : vector<64x1000xi1>
    %jit3A_844 = arith.constant 0xFF800000 : f32
    %broadcast_in_dim3A_845 = vector.broadcast %jit3A_844 : f32 to vector<64x1000xf32>
    %select_n3A_846 = arith.select %and3A_843, %broadcast_in_dim3A_845, %select_n3A_816 : vector<64x1000xi1>, vector<64x1000xf32>
    %reduce_max3A_847 = arith.constant dense<0xFF800000> : vector<64xf32>
    %reduce_max3A_848 = vector.multi_reduction <maximumf>, %select_n3A_846, %reduce_max3A_847 [1] : vector<64x1000xf32> to vector<64xf32>
    %broadcast_in_dim3A_849 = vector.shape_cast %reduce_max3A_848 : vector<64xf32> to vector<64x1xf32>
    %gt3A_850 = arith.constant 0xFF800000 : f32
    %gt3A_851 = vector.broadcast %gt3A_850 : f32 to vector<64x1xf32>
    %gt3A_852 = arith.cmpf ogt, %broadcast_in_dim3A_849, %gt3A_851 : vector<64x1xf32>
    %eq3A_853 = vector.broadcast %broadcast_in_dim3A_849 : vector<64x1xf32> to vector<64x1000xf32>
    %eq3A_854 = arith.cmpf oeq, %select_n3A_846, %eq3A_853 : vector<64x1000xf32>
    %jit3A_855 = arith.constant 1000 : i32
    %broadcast_in_dim3A_856 = vector.broadcast %jit3A_855 : i32 to vector<64x1000xi32>
    %select_n3A_857 = arith.select %eq3A_854, %iota3A, %broadcast_in_dim3A_856 : vector<64x1000xi1>, vector<64x1000xi32>
    %reduce_min3A_858 = arith.constant dense<2147483647> : vector<64xi32>
    %reduce_min3A_859 = vector.multi_reduction <minsi>, %select_n3A_857, %reduce_min3A_858 [1] : vector<64x1000xi32> to vector<64xi32>
    %broadcast_in_dim3A_860 = vector.shape_cast %reduce_min3A_859 : vector<64xi32> to vector<64x1xi32>
    %eq3A_861 = vector.broadcast %broadcast_in_dim3A_860 : vector<64x1xi32> to vector<64x1000xi32>
    %eq3A_862 = arith.cmpi eq, %iota3A, %eq3A_861 : vector<64x1000xi32>
    %and3A_863 = vector.broadcast %gt3A_852 : vector<64x1xi1> to vector<64x1000xi1>
    %and3A_864 = arith.andi %and3A_863, %eq3A_862 : vector<64x1000xi1>
    %or3A_865 = arith.ori %or3A_835, %and3A_864 : vector<64x1000xi1>
    %reduce_or3A = arith.constant 1.000000e+00 : f32
    %reduce_or3A_866 = arith.constant 0.000000e+00 : f32
    %reduce_or3A_867 = vector.broadcast %reduce_or3A : f32 to vector<64x1000xf32>
    %reduce_or3A_868 = vector.broadcast %reduce_or3A_866 : f32 to vector<64x1000xf32>
    %reduce_or3A_869 = arith.select %or3A_865, %reduce_or3A_867, %reduce_or3A_868 : vector<64x1000xi1>, vector<64x1000xf32>
    %reduce_or3A_870 = arith.constant dense<0xFF800000> : vector<64xf32>
    %reduce_or3A_871 = vector.multi_reduction <maximumf>, %reduce_or3A_869, %reduce_or3A_870 [1] : vector<64x1000xf32> to vector<64xf32>
    %reduce_or3A_872 = arith.constant 0.000000e+00 : f32
    %reduce_or3A_873 = vector.broadcast %reduce_or3A_872 : f32 to vector<64xf32>
    %reduce_or3A_874 = arith.cmpf ogt, %reduce_or3A_871, %reduce_or3A_873 : vector<64xf32>
    %broadcast_in_dim3A_875 = vector.shape_cast %reduce_or3A_874 : vector<64xi1> to vector<64x1xi1>
    %reduce_max3A_876 = arith.constant dense<0xFF800000> : vector<64xf32>
    %reduce_max3A_877 = vector.multi_reduction <maximumf>, %squeeze3A_26, %reduce_max3A_876 [1] : vector<64x1000xf32> to vector<64xf32>
    %broadcast_in_dim3A_878 = vector.shape_cast %reduce_max3A_877 : vector<64xf32> to vector<64x1xf32>
    %eq3A_879 = vector.broadcast %broadcast_in_dim3A_878 : vector<64x1xf32> to vector<64x1000xf32>
    %eq3A_880 = arith.cmpf oeq, %squeeze3A_26, %eq3A_879 : vector<64x1000xf32>
    %jit3A_881 = arith.constant 1000 : i32
    %broadcast_in_dim3A_882 = vector.broadcast %jit3A_881 : i32 to vector<64x1000xi32>
    %select_n3A_883 = arith.select %eq3A_880, %iota3A, %broadcast_in_dim3A_882 : vector<64x1000xi1>, vector<64x1000xi32>
    %reduce_min3A_884 = arith.constant dense<2147483647> : vector<64xi32>
    %reduce_min3A_885 = vector.multi_reduction <minsi>, %select_n3A_883, %reduce_min3A_884 [1] : vector<64x1000xi32> to vector<64xi32>
    %broadcast_in_dim3A_886 = vector.shape_cast %reduce_min3A_885 : vector<64xi32> to vector<64x1xi32>
    %and3A_887 = vector.broadcast %broadcast_in_dim3A_875 : vector<64x1xi1> to vector<64x1000xi1>
    %and3A_888 = arith.andi %or3A_865, %and3A_887 : vector<64x1000xi1>
    %eq3A_889 = vector.broadcast %broadcast_in_dim3A_886 : vector<64x1xi32> to vector<64x1000xi32>
    %eq3A_890 = arith.cmpi eq, %iota3A, %eq3A_889 : vector<64x1000xi32>
    %not3A = arith.constant dense<true> : vector<64x1xi1>
    %not3A_891 = arith.xori %broadcast_in_dim3A_875, %not3A : vector<64x1xi1>
    %and3A_892 = vector.broadcast %not3A_891 : vector<64x1xi1> to vector<64x1000xi1>
    %and3A_893 = arith.andi %eq3A_890, %and3A_892 : vector<64x1000xi1>
    %or3A_894 = arith.ori %and3A_888, %and3A_893 : vector<64x1000xi1>
    %convert_element_type3A = arith.extui %or3A_894 : vector<64x1000xi1> to vector<64x1000xi32>
    %reduce_sum3A_895 = arith.constant dense<0> : vector<64xi32>
    %reduce_sum3A_896 = vector.multi_reduction <add>, %convert_element_type3A, %reduce_sum3A_895 [1] : vector<64x1000xi32> to vector<64xi32>
    %broadcast_in_dim3A_897 = vector.shape_cast %reduce_sum3A_896 : vector<64xi32> to vector<64x1xi32>
    %jit3A_898 = arith.constant 1000 : i32
    %broadcast_in_dim3A_899 = vector.broadcast %jit3A_898 : i32 to vector<64x1000xi32>
    %select_n3A_900 = arith.select %or3A_894, %iota3A, %broadcast_in_dim3A_899 : vector<64x1000xi1>, vector<64x1000xi32>
    %reduce_min3A_901 = arith.constant dense<2147483647> : vector<64xi32>
    %reduce_min3A_902 = vector.multi_reduction <minsi>, %select_n3A_900, %reduce_min3A_901 [1] : vector<64x1000xi32> to vector<64xi32>
    %broadcast_in_dim3A_903 = vector.shape_cast %reduce_min3A_902 : vector<64xi32> to vector<64x1xi32>
    %lt3A_904 = arith.constant 1000 : i32
    %lt3A_905 = vector.broadcast %lt3A_904 : i32 to vector<64x1xi32>
    %lt3A_906 = arith.cmpi slt, %broadcast_in_dim3A_903, %lt3A_905 : vector<64x1xi32>
    %jit3A_907 = arith.constant 0 : i32
    %broadcast_in_dim3A_908 = vector.broadcast %jit3A_907 : i32 to vector<64x1xi32>
    %select_n3A_909 = arith.select %lt3A_906, %broadcast_in_dim3A_903, %broadcast_in_dim3A_908 : vector<64x1xi1>, vector<64x1xi32>
    %ne3A = vector.broadcast %broadcast_in_dim3A_903 : vector<64x1xi32> to vector<64x1000xi32>
    %ne3A_910 = arith.cmpi ne, %iota3A, %ne3A : vector<64x1000xi32>
    %and3A_911 = arith.andi %or3A_894, %ne3A_910 : vector<64x1000xi1>
    %jit3A_912 = arith.constant 1000 : i32
    %broadcast_in_dim3A_913 = vector.broadcast %jit3A_912 : i32 to vector<64x1000xi32>
    %select_n3A_914 = arith.select %and3A_911, %iota3A, %broadcast_in_dim3A_913 : vector<64x1000xi1>, vector<64x1000xi32>
    %reduce_min3A_915 = arith.constant dense<2147483647> : vector<64xi32>
    %reduce_min3A_916 = vector.multi_reduction <minsi>, %select_n3A_914, %reduce_min3A_915 [1] : vector<64x1000xi32> to vector<64xi32>
    %broadcast_in_dim3A_917 = vector.shape_cast %reduce_min3A_916 : vector<64xi32> to vector<64x1xi32>
    %lt3A_918 = arith.constant 1000 : i32
    %lt3A_919 = vector.broadcast %lt3A_918 : i32 to vector<64x1xi32>
    %lt3A_920 = arith.cmpi slt, %broadcast_in_dim3A_917, %lt3A_919 : vector<64x1xi32>
    %jit3A_921 = arith.constant 0 : i32
    %broadcast_in_dim3A_922 = vector.broadcast %jit3A_921 : i32 to vector<64x1xi32>
    %select_n3A_923 = arith.select %lt3A_920, %broadcast_in_dim3A_917, %broadcast_in_dim3A_922 : vector<64x1xi1>, vector<64x1xi32>
    %ne3A_924 = vector.broadcast %broadcast_in_dim3A_917 : vector<64x1xi32> to vector<64x1000xi32>
    %ne3A_925 = arith.cmpi ne, %iota3A, %ne3A_924 : vector<64x1000xi32>
    %and3A_926 = arith.andi %and3A_911, %ne3A_925 : vector<64x1000xi1>
    %jit3A_927 = arith.constant 1000 : i32
    %broadcast_in_dim3A_928 = vector.broadcast %jit3A_927 : i32 to vector<64x1000xi32>
    %select_n3A_929 = arith.select %and3A_926, %iota3A, %broadcast_in_dim3A_928 : vector<64x1000xi1>, vector<64x1000xi32>
    %reduce_min3A_930 = arith.constant dense<2147483647> : vector<64xi32>
    %reduce_min3A_931 = vector.multi_reduction <minsi>, %select_n3A_929, %reduce_min3A_930 [1] : vector<64x1000xi32> to vector<64xi32>
    %broadcast_in_dim3A_932 = vector.shape_cast %reduce_min3A_931 : vector<64xi32> to vector<64x1xi32>
    %lt3A_933 = arith.constant 1000 : i32
    %lt3A_934 = vector.broadcast %lt3A_933 : i32 to vector<64x1xi32>
    %lt3A_935 = arith.cmpi slt, %broadcast_in_dim3A_932, %lt3A_934 : vector<64x1xi32>
    %jit3A_936 = arith.constant 0 : i32
    %broadcast_in_dim3A_937 = vector.broadcast %jit3A_936 : i32 to vector<64x1xi32>
    %select_n3A_938 = arith.select %lt3A_935, %broadcast_in_dim3A_932, %broadcast_in_dim3A_937 : vector<64x1xi1>, vector<64x1xi32>
    %ne3A_939 = vector.broadcast %broadcast_in_dim3A_932 : vector<64x1xi32> to vector<64x1000xi32>
    %ne3A_940 = arith.cmpi ne, %iota3A, %ne3A_939 : vector<64x1000xi32>
    %and3A_941 = arith.andi %and3A_926, %ne3A_940 : vector<64x1000xi1>
    %jit3A_942 = arith.constant 1000 : i32
    %broadcast_in_dim3A_943 = vector.broadcast %jit3A_942 : i32 to vector<64x1000xi32>
    %select_n3A_944 = arith.select %and3A_941, %iota3A, %broadcast_in_dim3A_943 : vector<64x1000xi1>, vector<64x1000xi32>
    %reduce_min3A_945 = arith.constant dense<2147483647> : vector<64xi32>
    %reduce_min3A_946 = vector.multi_reduction <minsi>, %select_n3A_944, %reduce_min3A_945 [1] : vector<64x1000xi32> to vector<64xi32>
    %broadcast_in_dim3A_947 = vector.shape_cast %reduce_min3A_946 : vector<64xi32> to vector<64x1xi32>
    %lt3A_948 = arith.constant 1000 : i32
    %lt3A_949 = vector.broadcast %lt3A_948 : i32 to vector<64x1xi32>
    %lt3A_950 = arith.cmpi slt, %broadcast_in_dim3A_947, %lt3A_949 : vector<64x1xi32>
    %jit3A_951 = arith.constant 0 : i32
    %broadcast_in_dim3A_952 = vector.broadcast %jit3A_951 : i32 to vector<64x1xi32>
    %select_n3A_953 = arith.select %lt3A_950, %broadcast_in_dim3A_947, %broadcast_in_dim3A_952 : vector<64x1xi1>, vector<64x1xi32>
    %ne3A_954 = vector.broadcast %broadcast_in_dim3A_947 : vector<64x1xi32> to vector<64x1000xi32>
    %ne3A_955 = arith.cmpi ne, %iota3A, %ne3A_954 : vector<64x1000xi32>
    %and3A_956 = arith.andi %and3A_941, %ne3A_955 : vector<64x1000xi1>
    %jit3A_957 = arith.constant 1000 : i32
    %broadcast_in_dim3A_958 = vector.broadcast %jit3A_957 : i32 to vector<64x1000xi32>
    %select_n3A_959 = arith.select %and3A_956, %iota3A, %broadcast_in_dim3A_958 : vector<64x1000xi1>, vector<64x1000xi32>
    %reduce_min3A_960 = arith.constant dense<2147483647> : vector<64xi32>
    %reduce_min3A_961 = vector.multi_reduction <minsi>, %select_n3A_959, %reduce_min3A_960 [1] : vector<64x1000xi32> to vector<64xi32>
    %broadcast_in_dim3A_962 = vector.shape_cast %reduce_min3A_961 : vector<64xi32> to vector<64x1xi32>
    %lt3A_963 = arith.constant 1000 : i32
    %lt3A_964 = vector.broadcast %lt3A_963 : i32 to vector<64x1xi32>
    %lt3A_965 = arith.cmpi slt, %broadcast_in_dim3A_962, %lt3A_964 : vector<64x1xi32>
    %jit3A_966 = arith.constant 0 : i32
    %broadcast_in_dim3A_967 = vector.broadcast %jit3A_966 : i32 to vector<64x1xi32>
    %select_n3A_968 = arith.select %lt3A_965, %broadcast_in_dim3A_962, %broadcast_in_dim3A_967 : vector<64x1xi1>, vector<64x1xi32>
    %ne3A_969 = vector.broadcast %broadcast_in_dim3A_962 : vector<64x1xi32> to vector<64x1000xi32>
    %ne3A_970 = arith.cmpi ne, %iota3A, %ne3A_969 : vector<64x1000xi32>
    %and3A_971 = arith.andi %and3A_956, %ne3A_970 : vector<64x1000xi1>
    %jit3A_972 = arith.constant 1000 : i32
    %broadcast_in_dim3A_973 = vector.broadcast %jit3A_972 : i32 to vector<64x1000xi32>
    %select_n3A_974 = arith.select %and3A_971, %iota3A, %broadcast_in_dim3A_973 : vector<64x1000xi1>, vector<64x1000xi32>
    %reduce_min3A_975 = arith.constant dense<2147483647> : vector<64xi32>
    %reduce_min3A_976 = vector.multi_reduction <minsi>, %select_n3A_974, %reduce_min3A_975 [1] : vector<64x1000xi32> to vector<64xi32>
    %broadcast_in_dim3A_977 = vector.shape_cast %reduce_min3A_976 : vector<64xi32> to vector<64x1xi32>
    %lt3A_978 = arith.constant 1000 : i32
    %lt3A_979 = vector.broadcast %lt3A_978 : i32 to vector<64x1xi32>
    %lt3A_980 = arith.cmpi slt, %broadcast_in_dim3A_977, %lt3A_979 : vector<64x1xi32>
    %jit3A_981 = arith.constant 0 : i32
    %broadcast_in_dim3A_982 = vector.broadcast %jit3A_981 : i32 to vector<64x1xi32>
    %select_n3A_983 = arith.select %lt3A_980, %broadcast_in_dim3A_977, %broadcast_in_dim3A_982 : vector<64x1xi1>, vector<64x1xi32>
    %ne3A_984 = vector.broadcast %broadcast_in_dim3A_977 : vector<64x1xi32> to vector<64x1000xi32>
    %ne3A_985 = arith.cmpi ne, %iota3A, %ne3A_984 : vector<64x1000xi32>
    %and3A_986 = arith.andi %and3A_971, %ne3A_985 : vector<64x1000xi1>
    %jit3A_987 = arith.constant 1000 : i32
    %broadcast_in_dim3A_988 = vector.broadcast %jit3A_987 : i32 to vector<64x1000xi32>
    %select_n3A_989 = arith.select %and3A_986, %iota3A, %broadcast_in_dim3A_988 : vector<64x1000xi1>, vector<64x1000xi32>
    %reduce_min3A_990 = arith.constant dense<2147483647> : vector<64xi32>
    %reduce_min3A_991 = vector.multi_reduction <minsi>, %select_n3A_989, %reduce_min3A_990 [1] : vector<64x1000xi32> to vector<64xi32>
    %broadcast_in_dim3A_992 = vector.shape_cast %reduce_min3A_991 : vector<64xi32> to vector<64x1xi32>
    %lt3A_993 = arith.constant 1000 : i32
    %lt3A_994 = vector.broadcast %lt3A_993 : i32 to vector<64x1xi32>
    %lt3A_995 = arith.cmpi slt, %broadcast_in_dim3A_992, %lt3A_994 : vector<64x1xi32>
    %jit3A_996 = arith.constant 0 : i32
    %broadcast_in_dim3A_997 = vector.broadcast %jit3A_996 : i32 to vector<64x1xi32>
    %select_n3A_998 = arith.select %lt3A_995, %broadcast_in_dim3A_992, %broadcast_in_dim3A_997 : vector<64x1xi1>, vector<64x1xi32>
    %ne3A_999 = vector.broadcast %broadcast_in_dim3A_992 : vector<64x1xi32> to vector<64x1000xi32>
    %ne3A_1000 = arith.cmpi ne, %iota3A, %ne3A_999 : vector<64x1000xi32>
    %and3A_1001 = arith.andi %and3A_986, %ne3A_1000 : vector<64x1000xi1>
    %jit3A_1002 = arith.constant 1000 : i32
    %broadcast_in_dim3A_1003 = vector.broadcast %jit3A_1002 : i32 to vector<64x1000xi32>
    %select_n3A_1004 = arith.select %and3A_1001, %iota3A, %broadcast_in_dim3A_1003 : vector<64x1000xi1>, vector<64x1000xi32>
    %reduce_min3A_1005 = arith.constant dense<2147483647> : vector<64xi32>
    %reduce_min3A_1006 = vector.multi_reduction <minsi>, %select_n3A_1004, %reduce_min3A_1005 [1] : vector<64x1000xi32> to vector<64xi32>
    %broadcast_in_dim3A_1007 = vector.shape_cast %reduce_min3A_1006 : vector<64xi32> to vector<64x1xi32>
    %lt3A_1008 = arith.constant 1000 : i32
    %lt3A_1009 = vector.broadcast %lt3A_1008 : i32 to vector<64x1xi32>
    %lt3A_1010 = arith.cmpi slt, %broadcast_in_dim3A_1007, %lt3A_1009 : vector<64x1xi32>
    %jit3A_1011 = arith.constant 0 : i32
    %broadcast_in_dim3A_1012 = vector.broadcast %jit3A_1011 : i32 to vector<64x1xi32>
    %select_n3A_1013 = arith.select %lt3A_1010, %broadcast_in_dim3A_1007, %broadcast_in_dim3A_1012 : vector<64x1xi1>, vector<64x1xi32>
    %ne3A_1014 = vector.broadcast %broadcast_in_dim3A_1007 : vector<64x1xi32> to vector<64x1000xi32>
    %ne3A_1015 = arith.cmpi ne, %iota3A, %ne3A_1014 : vector<64x1000xi32>
    %and3A_1016 = arith.andi %and3A_1001, %ne3A_1015 : vector<64x1000xi1>
    %jit3A_1017 = arith.constant 1000 : i32
    %broadcast_in_dim3A_1018 = vector.broadcast %jit3A_1017 : i32 to vector<64x1000xi32>
    %select_n3A_1019 = arith.select %and3A_1016, %iota3A, %broadcast_in_dim3A_1018 : vector<64x1000xi1>, vector<64x1000xi32>
    %reduce_min3A_1020 = arith.constant dense<2147483647> : vector<64xi32>
    %reduce_min3A_1021 = vector.multi_reduction <minsi>, %select_n3A_1019, %reduce_min3A_1020 [1] : vector<64x1000xi32> to vector<64xi32>
    %broadcast_in_dim3A_1022 = vector.shape_cast %reduce_min3A_1021 : vector<64xi32> to vector<64x1xi32>
    %lt3A_1023 = arith.constant 1000 : i32
    %lt3A_1024 = vector.broadcast %lt3A_1023 : i32 to vector<64x1xi32>
    %lt3A_1025 = arith.cmpi slt, %broadcast_in_dim3A_1022, %lt3A_1024 : vector<64x1xi32>
    %jit3A_1026 = arith.constant 0 : i32
    %broadcast_in_dim3A_1027 = vector.broadcast %jit3A_1026 : i32 to vector<64x1xi32>
    %select_n3A_1028 = arith.select %lt3A_1025, %broadcast_in_dim3A_1022, %broadcast_in_dim3A_1027 : vector<64x1xi1>, vector<64x1xi32>
    %ne3A_1029 = vector.broadcast %broadcast_in_dim3A_1022 : vector<64x1xi32> to vector<64x1000xi32>
    %ne3A_1030 = arith.cmpi ne, %iota3A, %ne3A_1029 : vector<64x1000xi32>
    %and3A_1031 = arith.andi %and3A_1016, %ne3A_1030 : vector<64x1000xi1>
    %jit3A_1032 = arith.constant 1000 : i32
    %broadcast_in_dim3A_1033 = vector.broadcast %jit3A_1032 : i32 to vector<64x1000xi32>
    %select_n3A_1034 = arith.select %and3A_1031, %iota3A, %broadcast_in_dim3A_1033 : vector<64x1000xi1>, vector<64x1000xi32>
    %reduce_min3A_1035 = arith.constant dense<2147483647> : vector<64xi32>
    %reduce_min3A_1036 = vector.multi_reduction <minsi>, %select_n3A_1034, %reduce_min3A_1035 [1] : vector<64x1000xi32> to vector<64xi32>
    %broadcast_in_dim3A_1037 = vector.shape_cast %reduce_min3A_1036 : vector<64xi32> to vector<64x1xi32>
    %lt3A_1038 = arith.constant 1000 : i32
    %lt3A_1039 = vector.broadcast %lt3A_1038 : i32 to vector<64x1xi32>
    %lt3A_1040 = arith.cmpi slt, %broadcast_in_dim3A_1037, %lt3A_1039 : vector<64x1xi32>
    %jit3A_1041 = arith.constant 0 : i32
    %broadcast_in_dim3A_1042 = vector.broadcast %jit3A_1041 : i32 to vector<64x1xi32>
    %select_n3A_1043 = arith.select %lt3A_1040, %broadcast_in_dim3A_1037, %broadcast_in_dim3A_1042 : vector<64x1xi1>, vector<64x1xi32>
    %ne3A_1044 = vector.broadcast %broadcast_in_dim3A_1037 : vector<64x1xi32> to vector<64x1000xi32>
    %ne3A_1045 = arith.cmpi ne, %iota3A, %ne3A_1044 : vector<64x1000xi32>
    %and3A_1046 = arith.andi %and3A_1031, %ne3A_1045 : vector<64x1000xi1>
    %jit3A_1047 = arith.constant 1000 : i32
    %broadcast_in_dim3A_1048 = vector.broadcast %jit3A_1047 : i32 to vector<64x1000xi32>
    %select_n3A_1049 = arith.select %and3A_1046, %iota3A, %broadcast_in_dim3A_1048 : vector<64x1000xi1>, vector<64x1000xi32>
    %reduce_min3A_1050 = arith.constant dense<2147483647> : vector<64xi32>
    %reduce_min3A_1051 = vector.multi_reduction <minsi>, %select_n3A_1049, %reduce_min3A_1050 [1] : vector<64x1000xi32> to vector<64xi32>
    %broadcast_in_dim3A_1052 = vector.shape_cast %reduce_min3A_1051 : vector<64xi32> to vector<64x1xi32>
    %lt3A_1053 = arith.constant 1000 : i32
    %lt3A_1054 = vector.broadcast %lt3A_1053 : i32 to vector<64x1xi32>
    %lt3A_1055 = arith.cmpi slt, %broadcast_in_dim3A_1052, %lt3A_1054 : vector<64x1xi32>
    %jit3A_1056 = arith.constant 0 : i32
    %broadcast_in_dim3A_1057 = vector.broadcast %jit3A_1056 : i32 to vector<64x1xi32>
    %select_n3A_1058 = arith.select %lt3A_1055, %broadcast_in_dim3A_1052, %broadcast_in_dim3A_1057 : vector<64x1xi1>, vector<64x1xi32>
    %ne3A_1059 = vector.broadcast %broadcast_in_dim3A_1052 : vector<64x1xi32> to vector<64x1000xi32>
    %ne3A_1060 = arith.cmpi ne, %iota3A, %ne3A_1059 : vector<64x1000xi32>
    %and3A_1061 = arith.andi %and3A_1046, %ne3A_1060 : vector<64x1000xi1>
    %jit3A_1062 = arith.constant 1000 : i32
    %broadcast_in_dim3A_1063 = vector.broadcast %jit3A_1062 : i32 to vector<64x1000xi32>
    %select_n3A_1064 = arith.select %and3A_1061, %iota3A, %broadcast_in_dim3A_1063 : vector<64x1000xi1>, vector<64x1000xi32>
    %reduce_min3A_1065 = arith.constant dense<2147483647> : vector<64xi32>
    %reduce_min3A_1066 = vector.multi_reduction <minsi>, %select_n3A_1064, %reduce_min3A_1065 [1] : vector<64x1000xi32> to vector<64xi32>
    %broadcast_in_dim3A_1067 = vector.shape_cast %reduce_min3A_1066 : vector<64xi32> to vector<64x1xi32>
    %lt3A_1068 = arith.constant 1000 : i32
    %lt3A_1069 = vector.broadcast %lt3A_1068 : i32 to vector<64x1xi32>
    %lt3A_1070 = arith.cmpi slt, %broadcast_in_dim3A_1067, %lt3A_1069 : vector<64x1xi32>
    %jit3A_1071 = arith.constant 0 : i32
    %broadcast_in_dim3A_1072 = vector.broadcast %jit3A_1071 : i32 to vector<64x1xi32>
    %select_n3A_1073 = arith.select %lt3A_1070, %broadcast_in_dim3A_1067, %broadcast_in_dim3A_1072 : vector<64x1xi1>, vector<64x1xi32>
    %ne3A_1074 = vector.broadcast %broadcast_in_dim3A_1067 : vector<64x1xi32> to vector<64x1000xi32>
    %ne3A_1075 = arith.cmpi ne, %iota3A, %ne3A_1074 : vector<64x1000xi32>
    %and3A_1076 = arith.andi %and3A_1061, %ne3A_1075 : vector<64x1000xi1>
    %jit3A_1077 = arith.constant 1000 : i32
    %broadcast_in_dim3A_1078 = vector.broadcast %jit3A_1077 : i32 to vector<64x1000xi32>
    %select_n3A_1079 = arith.select %and3A_1076, %iota3A, %broadcast_in_dim3A_1078 : vector<64x1000xi1>, vector<64x1000xi32>
    %reduce_min3A_1080 = arith.constant dense<2147483647> : vector<64xi32>
    %reduce_min3A_1081 = vector.multi_reduction <minsi>, %select_n3A_1079, %reduce_min3A_1080 [1] : vector<64x1000xi32> to vector<64xi32>
    %broadcast_in_dim3A_1082 = vector.shape_cast %reduce_min3A_1081 : vector<64xi32> to vector<64x1xi32>
    %lt3A_1083 = arith.constant 1000 : i32
    %lt3A_1084 = vector.broadcast %lt3A_1083 : i32 to vector<64x1xi32>
    %lt3A_1085 = arith.cmpi slt, %broadcast_in_dim3A_1082, %lt3A_1084 : vector<64x1xi32>
    %jit3A_1086 = arith.constant 0 : i32
    %broadcast_in_dim3A_1087 = vector.broadcast %jit3A_1086 : i32 to vector<64x1xi32>
    %select_n3A_1088 = arith.select %lt3A_1085, %broadcast_in_dim3A_1082, %broadcast_in_dim3A_1087 : vector<64x1xi1>, vector<64x1xi32>
    %ne3A_1089 = vector.broadcast %broadcast_in_dim3A_1082 : vector<64x1xi32> to vector<64x1000xi32>
    %ne3A_1090 = arith.cmpi ne, %iota3A, %ne3A_1089 : vector<64x1000xi32>
    %and3A_1091 = arith.andi %and3A_1076, %ne3A_1090 : vector<64x1000xi1>
    %jit3A_1092 = arith.constant 1000 : i32
    %broadcast_in_dim3A_1093 = vector.broadcast %jit3A_1092 : i32 to vector<64x1000xi32>
    %select_n3A_1094 = arith.select %and3A_1091, %iota3A, %broadcast_in_dim3A_1093 : vector<64x1000xi1>, vector<64x1000xi32>
    %reduce_min3A_1095 = arith.constant dense<2147483647> : vector<64xi32>
    %reduce_min3A_1096 = vector.multi_reduction <minsi>, %select_n3A_1094, %reduce_min3A_1095 [1] : vector<64x1000xi32> to vector<64xi32>
    %broadcast_in_dim3A_1097 = vector.shape_cast %reduce_min3A_1096 : vector<64xi32> to vector<64x1xi32>
    %lt3A_1098 = arith.constant 1000 : i32
    %lt3A_1099 = vector.broadcast %lt3A_1098 : i32 to vector<64x1xi32>
    %lt3A_1100 = arith.cmpi slt, %broadcast_in_dim3A_1097, %lt3A_1099 : vector<64x1xi32>
    %jit3A_1101 = arith.constant 0 : i32
    %broadcast_in_dim3A_1102 = vector.broadcast %jit3A_1101 : i32 to vector<64x1xi32>
    %select_n3A_1103 = arith.select %lt3A_1100, %broadcast_in_dim3A_1097, %broadcast_in_dim3A_1102 : vector<64x1xi1>, vector<64x1xi32>
    %ne3A_1104 = vector.broadcast %broadcast_in_dim3A_1097 : vector<64x1xi32> to vector<64x1000xi32>
    %ne3A_1105 = arith.cmpi ne, %iota3A, %ne3A_1104 : vector<64x1000xi32>
    %and3A_1106 = arith.andi %and3A_1091, %ne3A_1105 : vector<64x1000xi1>
    %jit3A_1107 = arith.constant 1000 : i32
    %broadcast_in_dim3A_1108 = vector.broadcast %jit3A_1107 : i32 to vector<64x1000xi32>
    %select_n3A_1109 = arith.select %and3A_1106, %iota3A, %broadcast_in_dim3A_1108 : vector<64x1000xi1>, vector<64x1000xi32>
    %reduce_min3A_1110 = arith.constant dense<2147483647> : vector<64xi32>
    %reduce_min3A_1111 = vector.multi_reduction <minsi>, %select_n3A_1109, %reduce_min3A_1110 [1] : vector<64x1000xi32> to vector<64xi32>
    %broadcast_in_dim3A_1112 = vector.shape_cast %reduce_min3A_1111 : vector<64xi32> to vector<64x1xi32>
    %lt3A_1113 = arith.constant 1000 : i32
    %lt3A_1114 = vector.broadcast %lt3A_1113 : i32 to vector<64x1xi32>
    %lt3A_1115 = arith.cmpi slt, %broadcast_in_dim3A_1112, %lt3A_1114 : vector<64x1xi32>
    %jit3A_1116 = arith.constant 0 : i32
    %broadcast_in_dim3A_1117 = vector.broadcast %jit3A_1116 : i32 to vector<64x1xi32>
    %select_n3A_1118 = arith.select %lt3A_1115, %broadcast_in_dim3A_1112, %broadcast_in_dim3A_1117 : vector<64x1xi1>, vector<64x1xi32>
    %ne3A_1119 = vector.broadcast %broadcast_in_dim3A_1112 : vector<64x1xi32> to vector<64x1000xi32>
    %ne3A_1120 = arith.cmpi ne, %iota3A, %ne3A_1119 : vector<64x1000xi32>
    %and3A_1121 = arith.andi %and3A_1106, %ne3A_1120 : vector<64x1000xi1>
    %jit3A_1122 = arith.constant 1000 : i32
    %broadcast_in_dim3A_1123 = vector.broadcast %jit3A_1122 : i32 to vector<64x1000xi32>
    %select_n3A_1124 = arith.select %and3A_1121, %iota3A, %broadcast_in_dim3A_1123 : vector<64x1000xi1>, vector<64x1000xi32>
    %reduce_min3A_1125 = arith.constant dense<2147483647> : vector<64xi32>
    %reduce_min3A_1126 = vector.multi_reduction <minsi>, %select_n3A_1124, %reduce_min3A_1125 [1] : vector<64x1000xi32> to vector<64xi32>
    %broadcast_in_dim3A_1127 = vector.shape_cast %reduce_min3A_1126 : vector<64xi32> to vector<64x1xi32>
    %lt3A_1128 = arith.constant 1000 : i32
    %lt3A_1129 = vector.broadcast %lt3A_1128 : i32 to vector<64x1xi32>
    %lt3A_1130 = arith.cmpi slt, %broadcast_in_dim3A_1127, %lt3A_1129 : vector<64x1xi32>
    %jit3A_1131 = arith.constant 0 : i32
    %broadcast_in_dim3A_1132 = vector.broadcast %jit3A_1131 : i32 to vector<64x1xi32>
    %select_n3A_1133 = arith.select %lt3A_1130, %broadcast_in_dim3A_1127, %broadcast_in_dim3A_1132 : vector<64x1xi1>, vector<64x1xi32>
    %ne3A_1134 = vector.broadcast %broadcast_in_dim3A_1127 : vector<64x1xi32> to vector<64x1000xi32>
    %ne3A_1135 = arith.cmpi ne, %iota3A, %ne3A_1134 : vector<64x1000xi32>
    %and3A_1136 = arith.andi %and3A_1121, %ne3A_1135 : vector<64x1000xi1>
    %jit3A_1137 = arith.constant 1000 : i32
    %broadcast_in_dim3A_1138 = vector.broadcast %jit3A_1137 : i32 to vector<64x1000xi32>
    %select_n3A_1139 = arith.select %and3A_1136, %iota3A, %broadcast_in_dim3A_1138 : vector<64x1000xi1>, vector<64x1000xi32>
    %reduce_min3A_1140 = arith.constant dense<2147483647> : vector<64xi32>
    %reduce_min3A_1141 = vector.multi_reduction <minsi>, %select_n3A_1139, %reduce_min3A_1140 [1] : vector<64x1000xi32> to vector<64xi32>
    %broadcast_in_dim3A_1142 = vector.shape_cast %reduce_min3A_1141 : vector<64xi32> to vector<64x1xi32>
    %lt3A_1143 = arith.constant 1000 : i32
    %lt3A_1144 = vector.broadcast %lt3A_1143 : i32 to vector<64x1xi32>
    %lt3A_1145 = arith.cmpi slt, %broadcast_in_dim3A_1142, %lt3A_1144 : vector<64x1xi32>
    %jit3A_1146 = arith.constant 0 : i32
    %broadcast_in_dim3A_1147 = vector.broadcast %jit3A_1146 : i32 to vector<64x1xi32>
    %select_n3A_1148 = arith.select %lt3A_1145, %broadcast_in_dim3A_1142, %broadcast_in_dim3A_1147 : vector<64x1xi1>, vector<64x1xi32>
    %ne3A_1149 = vector.broadcast %broadcast_in_dim3A_1142 : vector<64x1xi32> to vector<64x1000xi32>
    %ne3A_1150 = arith.cmpi ne, %iota3A, %ne3A_1149 : vector<64x1000xi32>
    %and3A_1151 = arith.andi %and3A_1136, %ne3A_1150 : vector<64x1000xi1>
    %jit3A_1152 = arith.constant 1000 : i32
    %broadcast_in_dim3A_1153 = vector.broadcast %jit3A_1152 : i32 to vector<64x1000xi32>
    %select_n3A_1154 = arith.select %and3A_1151, %iota3A, %broadcast_in_dim3A_1153 : vector<64x1000xi1>, vector<64x1000xi32>
    %reduce_min3A_1155 = arith.constant dense<2147483647> : vector<64xi32>
    %reduce_min3A_1156 = vector.multi_reduction <minsi>, %select_n3A_1154, %reduce_min3A_1155 [1] : vector<64x1000xi32> to vector<64xi32>
    %broadcast_in_dim3A_1157 = vector.shape_cast %reduce_min3A_1156 : vector<64xi32> to vector<64x1xi32>
    %lt3A_1158 = arith.constant 1000 : i32
    %lt3A_1159 = vector.broadcast %lt3A_1158 : i32 to vector<64x1xi32>
    %lt3A_1160 = arith.cmpi slt, %broadcast_in_dim3A_1157, %lt3A_1159 : vector<64x1xi32>
    %jit3A_1161 = arith.constant 0 : i32
    %broadcast_in_dim3A_1162 = vector.broadcast %jit3A_1161 : i32 to vector<64x1xi32>
    %select_n3A_1163 = arith.select %lt3A_1160, %broadcast_in_dim3A_1157, %broadcast_in_dim3A_1162 : vector<64x1xi1>, vector<64x1xi32>
    %ne3A_1164 = vector.broadcast %broadcast_in_dim3A_1157 : vector<64x1xi32> to vector<64x1000xi32>
    %ne3A_1165 = arith.cmpi ne, %iota3A, %ne3A_1164 : vector<64x1000xi32>
    %and3A_1166 = arith.andi %and3A_1151, %ne3A_1165 : vector<64x1000xi1>
    %jit3A_1167 = arith.constant 1000 : i32
    %broadcast_in_dim3A_1168 = vector.broadcast %jit3A_1167 : i32 to vector<64x1000xi32>
    %select_n3A_1169 = arith.select %and3A_1166, %iota3A, %broadcast_in_dim3A_1168 : vector<64x1000xi1>, vector<64x1000xi32>
    %reduce_min3A_1170 = arith.constant dense<2147483647> : vector<64xi32>
    %reduce_min3A_1171 = vector.multi_reduction <minsi>, %select_n3A_1169, %reduce_min3A_1170 [1] : vector<64x1000xi32> to vector<64xi32>
    %broadcast_in_dim3A_1172 = vector.shape_cast %reduce_min3A_1171 : vector<64xi32> to vector<64x1xi32>
    %lt3A_1173 = arith.constant 1000 : i32
    %lt3A_1174 = vector.broadcast %lt3A_1173 : i32 to vector<64x1xi32>
    %lt3A_1175 = arith.cmpi slt, %broadcast_in_dim3A_1172, %lt3A_1174 : vector<64x1xi32>
    %jit3A_1176 = arith.constant 0 : i32
    %broadcast_in_dim3A_1177 = vector.broadcast %jit3A_1176 : i32 to vector<64x1xi32>
    %select_n3A_1178 = arith.select %lt3A_1175, %broadcast_in_dim3A_1172, %broadcast_in_dim3A_1177 : vector<64x1xi1>, vector<64x1xi32>
    %ne3A_1179 = vector.broadcast %broadcast_in_dim3A_1172 : vector<64x1xi32> to vector<64x1000xi32>
    %ne3A_1180 = arith.cmpi ne, %iota3A, %ne3A_1179 : vector<64x1000xi32>
    %and3A_1181 = arith.andi %and3A_1166, %ne3A_1180 : vector<64x1000xi1>
    %jit3A_1182 = arith.constant 1000 : i32
    %broadcast_in_dim3A_1183 = vector.broadcast %jit3A_1182 : i32 to vector<64x1000xi32>
    %select_n3A_1184 = arith.select %and3A_1181, %iota3A, %broadcast_in_dim3A_1183 : vector<64x1000xi1>, vector<64x1000xi32>
    %reduce_min3A_1185 = arith.constant dense<2147483647> : vector<64xi32>
    %reduce_min3A_1186 = vector.multi_reduction <minsi>, %select_n3A_1184, %reduce_min3A_1185 [1] : vector<64x1000xi32> to vector<64xi32>
    %broadcast_in_dim3A_1187 = vector.shape_cast %reduce_min3A_1186 : vector<64xi32> to vector<64x1xi32>
    %lt3A_1188 = arith.constant 1000 : i32
    %lt3A_1189 = vector.broadcast %lt3A_1188 : i32 to vector<64x1xi32>
    %lt3A_1190 = arith.cmpi slt, %broadcast_in_dim3A_1187, %lt3A_1189 : vector<64x1xi32>
    %jit3A_1191 = arith.constant 0 : i32
    %broadcast_in_dim3A_1192 = vector.broadcast %jit3A_1191 : i32 to vector<64x1xi32>
    %select_n3A_1193 = arith.select %lt3A_1190, %broadcast_in_dim3A_1187, %broadcast_in_dim3A_1192 : vector<64x1xi1>, vector<64x1xi32>
    %ne3A_1194 = vector.broadcast %broadcast_in_dim3A_1187 : vector<64x1xi32> to vector<64x1000xi32>
    %ne3A_1195 = arith.cmpi ne, %iota3A, %ne3A_1194 : vector<64x1000xi32>
    %and3A_1196 = arith.andi %and3A_1181, %ne3A_1195 : vector<64x1000xi1>
    %jit3A_1197 = arith.constant 1000 : i32
    %broadcast_in_dim3A_1198 = vector.broadcast %jit3A_1197 : i32 to vector<64x1000xi32>
    %select_n3A_1199 = arith.select %and3A_1196, %iota3A, %broadcast_in_dim3A_1198 : vector<64x1000xi1>, vector<64x1000xi32>
    %reduce_min3A_1200 = arith.constant dense<2147483647> : vector<64xi32>
    %reduce_min3A_1201 = vector.multi_reduction <minsi>, %select_n3A_1199, %reduce_min3A_1200 [1] : vector<64x1000xi32> to vector<64xi32>
    %broadcast_in_dim3A_1202 = vector.shape_cast %reduce_min3A_1201 : vector<64xi32> to vector<64x1xi32>
    %lt3A_1203 = arith.constant 1000 : i32
    %lt3A_1204 = vector.broadcast %lt3A_1203 : i32 to vector<64x1xi32>
    %lt3A_1205 = arith.cmpi slt, %broadcast_in_dim3A_1202, %lt3A_1204 : vector<64x1xi32>
    %jit3A_1206 = arith.constant 0 : i32
    %broadcast_in_dim3A_1207 = vector.broadcast %jit3A_1206 : i32 to vector<64x1xi32>
    %select_n3A_1208 = arith.select %lt3A_1205, %broadcast_in_dim3A_1202, %broadcast_in_dim3A_1207 : vector<64x1xi1>, vector<64x1xi32>
    %ne3A_1209 = vector.broadcast %broadcast_in_dim3A_1202 : vector<64x1xi32> to vector<64x1000xi32>
    %ne3A_1210 = arith.cmpi ne, %iota3A, %ne3A_1209 : vector<64x1000xi32>
    %and3A_1211 = arith.andi %and3A_1196, %ne3A_1210 : vector<64x1000xi1>
    %jit3A_1212 = arith.constant 1000 : i32
    %broadcast_in_dim3A_1213 = vector.broadcast %jit3A_1212 : i32 to vector<64x1000xi32>
    %select_n3A_1214 = arith.select %and3A_1211, %iota3A, %broadcast_in_dim3A_1213 : vector<64x1000xi1>, vector<64x1000xi32>
    %reduce_min3A_1215 = arith.constant dense<2147483647> : vector<64xi32>
    %reduce_min3A_1216 = vector.multi_reduction <minsi>, %select_n3A_1214, %reduce_min3A_1215 [1] : vector<64x1000xi32> to vector<64xi32>
    %broadcast_in_dim3A_1217 = vector.shape_cast %reduce_min3A_1216 : vector<64xi32> to vector<64x1xi32>
    %lt3A_1218 = arith.constant 1000 : i32
    %lt3A_1219 = vector.broadcast %lt3A_1218 : i32 to vector<64x1xi32>
    %lt3A_1220 = arith.cmpi slt, %broadcast_in_dim3A_1217, %lt3A_1219 : vector<64x1xi32>
    %jit3A_1221 = arith.constant 0 : i32
    %broadcast_in_dim3A_1222 = vector.broadcast %jit3A_1221 : i32 to vector<64x1xi32>
    %select_n3A_1223 = arith.select %lt3A_1220, %broadcast_in_dim3A_1217, %broadcast_in_dim3A_1222 : vector<64x1xi1>, vector<64x1xi32>
    %ne3A_1224 = vector.broadcast %broadcast_in_dim3A_1217 : vector<64x1xi32> to vector<64x1000xi32>
    %ne3A_1225 = arith.cmpi ne, %iota3A, %ne3A_1224 : vector<64x1000xi32>
    %and3A_1226 = arith.andi %and3A_1211, %ne3A_1225 : vector<64x1000xi1>
    %jit3A_1227 = arith.constant 1000 : i32
    %broadcast_in_dim3A_1228 = vector.broadcast %jit3A_1227 : i32 to vector<64x1000xi32>
    %select_n3A_1229 = arith.select %and3A_1226, %iota3A, %broadcast_in_dim3A_1228 : vector<64x1000xi1>, vector<64x1000xi32>
    %reduce_min3A_1230 = arith.constant dense<2147483647> : vector<64xi32>
    %reduce_min3A_1231 = vector.multi_reduction <minsi>, %select_n3A_1229, %reduce_min3A_1230 [1] : vector<64x1000xi32> to vector<64xi32>
    %broadcast_in_dim3A_1232 = vector.shape_cast %reduce_min3A_1231 : vector<64xi32> to vector<64x1xi32>
    %lt3A_1233 = arith.constant 1000 : i32
    %lt3A_1234 = vector.broadcast %lt3A_1233 : i32 to vector<64x1xi32>
    %lt3A_1235 = arith.cmpi slt, %broadcast_in_dim3A_1232, %lt3A_1234 : vector<64x1xi32>
    %jit3A_1236 = arith.constant 0 : i32
    %broadcast_in_dim3A_1237 = vector.broadcast %jit3A_1236 : i32 to vector<64x1xi32>
    %select_n3A_1238 = arith.select %lt3A_1235, %broadcast_in_dim3A_1232, %broadcast_in_dim3A_1237 : vector<64x1xi1>, vector<64x1xi32>
    %ne3A_1239 = vector.broadcast %broadcast_in_dim3A_1232 : vector<64x1xi32> to vector<64x1000xi32>
    %ne3A_1240 = arith.cmpi ne, %iota3A, %ne3A_1239 : vector<64x1000xi32>
    %and3A_1241 = arith.andi %and3A_1226, %ne3A_1240 : vector<64x1000xi1>
    %jit3A_1242 = arith.constant 1000 : i32
    %broadcast_in_dim3A_1243 = vector.broadcast %jit3A_1242 : i32 to vector<64x1000xi32>
    %select_n3A_1244 = arith.select %and3A_1241, %iota3A, %broadcast_in_dim3A_1243 : vector<64x1000xi1>, vector<64x1000xi32>
    %reduce_min3A_1245 = arith.constant dense<2147483647> : vector<64xi32>
    %reduce_min3A_1246 = vector.multi_reduction <minsi>, %select_n3A_1244, %reduce_min3A_1245 [1] : vector<64x1000xi32> to vector<64xi32>
    %broadcast_in_dim3A_1247 = vector.shape_cast %reduce_min3A_1246 : vector<64xi32> to vector<64x1xi32>
    %lt3A_1248 = arith.constant 1000 : i32
    %lt3A_1249 = vector.broadcast %lt3A_1248 : i32 to vector<64x1xi32>
    %lt3A_1250 = arith.cmpi slt, %broadcast_in_dim3A_1247, %lt3A_1249 : vector<64x1xi32>
    %jit3A_1251 = arith.constant 0 : i32
    %broadcast_in_dim3A_1252 = vector.broadcast %jit3A_1251 : i32 to vector<64x1xi32>
    %select_n3A_1253 = arith.select %lt3A_1250, %broadcast_in_dim3A_1247, %broadcast_in_dim3A_1252 : vector<64x1xi1>, vector<64x1xi32>
    %ne3A_1254 = vector.broadcast %broadcast_in_dim3A_1247 : vector<64x1xi32> to vector<64x1000xi32>
    %ne3A_1255 = arith.cmpi ne, %iota3A, %ne3A_1254 : vector<64x1000xi32>
    %and3A_1256 = arith.andi %and3A_1241, %ne3A_1255 : vector<64x1000xi1>
    %jit3A_1257 = arith.constant 1000 : i32
    %broadcast_in_dim3A_1258 = vector.broadcast %jit3A_1257 : i32 to vector<64x1000xi32>
    %select_n3A_1259 = arith.select %and3A_1256, %iota3A, %broadcast_in_dim3A_1258 : vector<64x1000xi1>, vector<64x1000xi32>
    %reduce_min3A_1260 = arith.constant dense<2147483647> : vector<64xi32>
    %reduce_min3A_1261 = vector.multi_reduction <minsi>, %select_n3A_1259, %reduce_min3A_1260 [1] : vector<64x1000xi32> to vector<64xi32>
    %broadcast_in_dim3A_1262 = vector.shape_cast %reduce_min3A_1261 : vector<64xi32> to vector<64x1xi32>
    %lt3A_1263 = arith.constant 1000 : i32
    %lt3A_1264 = vector.broadcast %lt3A_1263 : i32 to vector<64x1xi32>
    %lt3A_1265 = arith.cmpi slt, %broadcast_in_dim3A_1262, %lt3A_1264 : vector<64x1xi32>
    %jit3A_1266 = arith.constant 0 : i32
    %broadcast_in_dim3A_1267 = vector.broadcast %jit3A_1266 : i32 to vector<64x1xi32>
    %select_n3A_1268 = arith.select %lt3A_1265, %broadcast_in_dim3A_1262, %broadcast_in_dim3A_1267 : vector<64x1xi1>, vector<64x1xi32>
    %concatenate3A_1269 = tpu.concatenate %select_n3A_909, %select_n3A_923, %select_n3A_938, %select_n3A_953, %select_n3A_968, %select_n3A_983, %select_n3A_998, %select_n3A_1013, %select_n3A_1028, %select_n3A_1043, %select_n3A_1058, %select_n3A_1073, %select_n3A_1088, %select_n3A_1103, %select_n3A_1118, %select_n3A_1133, %select_n3A_1148, %select_n3A_1163, %select_n3A_1178, %select_n3A_1193, %select_n3A_1208, %select_n3A_1223, %select_n3A_1238, %select_n3A_1253, %select_n3A_1268 in 1 : vector<64x1xi32>, vector<64x1xi32>, vector<64x1xi32>, vector<64x1xi32>, vector<64x1xi32>, vector<64x1xi32>, vector<64x1xi32>, vector<64x1xi32>, vector<64x1xi32>, vector<64x1xi32>, vector<64x1xi32>, vector<64x1xi32>, vector<64x1xi32>, vector<64x1xi32>, vector<64x1xi32>, vector<64x1xi32>, vector<64x1xi32>, vector<64x1xi32>, vector<64x1xi32>, vector<64x1xi32>, vector<64x1xi32>, vector<64x1xi32>, vector<64x1xi32>, vector<64x1xi32>, vector<64x1xi32> -> vector<64x25xi32>
    %iota3A_1270 = tpu.iota {dimensions = array<i32: 1>} : vector<64x96xi32>
    %slice3A_1271 = vector.extract_strided_slice %concatenate3A_1269 {offsets = [0, 0], sizes = [64, 1], strides = [1, 1]} : vector<64x25xi32> to vector<64x1xi32>
    %slice3A_1272 = vector.extract_strided_slice %concatenate3A_1269 {offsets = [0, 1], sizes = [64, 1], strides = [1, 1]} : vector<64x25xi32> to vector<64x1xi32>
    %broadcast_in_dim3A_1273 = arith.constant 0 : i32
    %broadcast_in_dim3A_1274 = vector.broadcast %broadcast_in_dim3A_1273 : i32 to vector<64x1xi32>
    %eq3A_1275 = arith.constant 1 : i32
    %eq3A_1276 = vector.broadcast %eq3A_1275 : i32 to vector<64x1xi32>
    %eq3A_1277 = arith.cmpi eq, %broadcast_in_dim3A_897, %eq3A_1276 : vector<64x1xi32>
    %add3A_1278 = arith.addi %slice3A_1271, %slice3A_1272 : vector<64x1xi32>
    %jit3A_1279 = arith.constant 2 : i32
    %div3A_1280 = vector.broadcast %jit3A_1279 : i32 to vector<64x1xi32>
    %div3A_1281 = arith.divsi %add3A_1278, %div3A_1280 : vector<64x1xi32>
    %sign3A = arith.constant 0 : i32
    %sign3A_1282 = vector.broadcast %sign3A : i32 to vector<64x1xi32>
    %sign3A_1283 = arith.cmpi sgt, %add3A_1278, %sign3A_1282 : vector<64x1xi32>
    %sign3A_1284 = arith.extui %sign3A_1283 : vector<64x1xi1> to vector<64x1xi32>
    %sign3A_1285 = arith.constant 0 : i32
    %sign3A_1286 = vector.broadcast %sign3A_1285 : i32 to vector<64x1xi32>
    %sign3A_1287 = arith.cmpi slt, %add3A_1278, %sign3A_1286 : vector<64x1xi32>
    %sign3A_1288 = arith.extui %sign3A_1287 : vector<64x1xi1> to vector<64x1xi32>
    %sign3A_1289 = arith.subi %sign3A_1284, %sign3A_1288 : vector<64x1xi32>
    %sign3A_1290 = arith.constant 0 : i32
    %sign3A_1291 = arith.cmpi sgt, %jit3A_1279, %sign3A_1290 : i32
    %sign3A_1292 = arith.extui %sign3A_1291 : i1 to i32
    %sign3A_1293 = arith.constant 0 : i32
    %sign3A_1294 = arith.cmpi slt, %jit3A_1279, %sign3A_1293 : i32
    %sign3A_1295 = arith.extui %sign3A_1294 : i1 to i32
    %sign3A_1296 = arith.subi %sign3A_1292, %sign3A_1295 : i32
    %ne3A_1297 = vector.broadcast %sign3A_1296 : i32 to vector<64x1xi32>
    %ne3A_1298 = arith.cmpi ne, %sign3A_1289, %ne3A_1297 : vector<64x1xi32>
    %rem3A = vector.broadcast %jit3A_1279 : i32 to vector<64x1xi32>
    %rem3A_1299 = arith.remsi %add3A_1278, %rem3A : vector<64x1xi32>
    %ne3A_1300 = arith.constant 0 : i32
    %ne3A_1301 = vector.broadcast %ne3A_1300 : i32 to vector<64x1xi32>
    %ne3A_1302 = arith.cmpi ne, %rem3A_1299, %ne3A_1301 : vector<64x1xi32>
    %and3A_1303 = arith.andi %ne3A_1298, %ne3A_1302 : vector<64x1xi1>
    %sub3A_1304 = arith.constant 1 : i32
    %sub3A_1305 = vector.broadcast %sub3A_1304 : i32 to vector<64x1xi32>
    %sub3A_1306 = arith.subi %div3A_1281, %sub3A_1305 : vector<64x1xi32>
    %select_n3A_1307 = arith.select %and3A_1303, %sub3A_1306, %div3A_1281 : vector<64x1xi1>, vector<64x1xi32>
    %jit3A_1308 = arith.constant 1000 : i32
    %broadcast_in_dim3A_1309 = vector.broadcast %jit3A_1308 : i32 to vector<64x1xi32>
    %select_n3A_1310 = arith.select %eq3A_1277, %broadcast_in_dim3A_1309, %select_n3A_1307 : vector<64x1xi1>, vector<64x1xi32>
    %min3A = arith.constant 1000 : i32
    %min3A_1311 = vector.broadcast %min3A : i32 to vector<64x1xi32>
    %min3A_1312 = arith.minsi %select_n3A_1310, %min3A_1311 : vector<64x1xi32>
    %sub3A_1313 = arith.subi %min3A_1312, %broadcast_in_dim3A_1274 : vector<64x1xi32>
    %max3A = arith.constant 1 : i32
    %max3A_1314 = vector.broadcast %max3A : i32 to vector<64x1xi32>
    %max3A_1315 = arith.maxsi %sub3A_1313, %max3A_1314 : vector<64x1xi32>
    %lt3A_1316 = arith.constant 96 : i32
    %lt3A_1317 = vector.broadcast %lt3A_1316 : i32 to vector<64x1xi32>
    %lt3A_1318 = arith.cmpi slt, %max3A_1315, %lt3A_1317 : vector<64x1xi32>
    %sub3A_1319 = arith.constant 96 : i32
    %sub3A_1320 = vector.broadcast %sub3A_1319 : i32 to vector<64x1xi32>
    %sub3A_1321 = arith.subi %sub3A_1320, %max3A_1315 : vector<64x1xi32>
    %jit3A_1322 = arith.constant 2 : i32
    %div3A_1323 = vector.broadcast %jit3A_1322 : i32 to vector<64x1xi32>
    %div3A_1324 = arith.divsi %sub3A_1321, %div3A_1323 : vector<64x1xi32>
    %sign3A_1325 = arith.constant 0 : i32
    %sign3A_1326 = vector.broadcast %sign3A_1325 : i32 to vector<64x1xi32>
    %sign3A_1327 = arith.cmpi sgt, %sub3A_1321, %sign3A_1326 : vector<64x1xi32>
    %sign3A_1328 = arith.extui %sign3A_1327 : vector<64x1xi1> to vector<64x1xi32>
    %sign3A_1329 = arith.constant 0 : i32
    %sign3A_1330 = vector.broadcast %sign3A_1329 : i32 to vector<64x1xi32>
    %sign3A_1331 = arith.cmpi slt, %sub3A_1321, %sign3A_1330 : vector<64x1xi32>
    %sign3A_1332 = arith.extui %sign3A_1331 : vector<64x1xi1> to vector<64x1xi32>
    %sign3A_1333 = arith.subi %sign3A_1328, %sign3A_1332 : vector<64x1xi32>
    %sign3A_1334 = arith.constant 0 : i32
    %sign3A_1335 = arith.cmpi sgt, %jit3A_1322, %sign3A_1334 : i32
    %sign3A_1336 = arith.extui %sign3A_1335 : i1 to i32
    %sign3A_1337 = arith.constant 0 : i32
    %sign3A_1338 = arith.cmpi slt, %jit3A_1322, %sign3A_1337 : i32
    %sign3A_1339 = arith.extui %sign3A_1338 : i1 to i32
    %sign3A_1340 = arith.subi %sign3A_1336, %sign3A_1339 : i32
    %ne3A_1341 = vector.broadcast %sign3A_1340 : i32 to vector<64x1xi32>
    %ne3A_1342 = arith.cmpi ne, %sign3A_1333, %ne3A_1341 : vector<64x1xi32>
    %rem3A_1343 = vector.broadcast %jit3A_1322 : i32 to vector<64x1xi32>
    %rem3A_1344 = arith.remsi %sub3A_1321, %rem3A_1343 : vector<64x1xi32>
    %ne3A_1345 = arith.constant 0 : i32
    %ne3A_1346 = vector.broadcast %ne3A_1345 : i32 to vector<64x1xi32>
    %ne3A_1347 = arith.cmpi ne, %rem3A_1344, %ne3A_1346 : vector<64x1xi32>
    %and3A_1348 = arith.andi %ne3A_1342, %ne3A_1347 : vector<64x1xi1>
    %sub3A_1349 = arith.constant 1 : i32
    %sub3A_1350 = vector.broadcast %sub3A_1349 : i32 to vector<64x1xi32>
    %sub3A_1351 = arith.subi %div3A_1324, %sub3A_1350 : vector<64x1xi32>
    %select_n3A_1352 = arith.select %and3A_1348, %sub3A_1351, %div3A_1324 : vector<64x1xi1>, vector<64x1xi32>
    %sub3A_1353 = arith.constant 96 : i32
    %sub3A_1354 = vector.broadcast %sub3A_1353 : i32 to vector<64x1xi32>
    %sub3A_1355 = arith.subi %max3A_1315, %sub3A_1354 : vector<64x1xi32>
    %jit3A_1356 = arith.constant 2 : i32
    %div3A_1357 = vector.broadcast %jit3A_1356 : i32 to vector<64x1xi32>
    %div3A_1358 = arith.divsi %sub3A_1355, %div3A_1357 : vector<64x1xi32>
    %sign3A_1359 = arith.constant 0 : i32
    %sign3A_1360 = vector.broadcast %sign3A_1359 : i32 to vector<64x1xi32>
    %sign3A_1361 = arith.cmpi sgt, %sub3A_1355, %sign3A_1360 : vector<64x1xi32>
    %sign3A_1362 = arith.extui %sign3A_1361 : vector<64x1xi1> to vector<64x1xi32>
    %sign3A_1363 = arith.constant 0 : i32
    %sign3A_1364 = vector.broadcast %sign3A_1363 : i32 to vector<64x1xi32>
    %sign3A_1365 = arith.cmpi slt, %sub3A_1355, %sign3A_1364 : vector<64x1xi32>
    %sign3A_1366 = arith.extui %sign3A_1365 : vector<64x1xi1> to vector<64x1xi32>
    %sign3A_1367 = arith.subi %sign3A_1362, %sign3A_1366 : vector<64x1xi32>
    %sign3A_1368 = arith.constant 0 : i32
    %sign3A_1369 = arith.cmpi sgt, %jit3A_1356, %sign3A_1368 : i32
    %sign3A_1370 = arith.extui %sign3A_1369 : i1 to i32
    %sign3A_1371 = arith.constant 0 : i32
    %sign3A_1372 = arith.cmpi slt, %jit3A_1356, %sign3A_1371 : i32
    %sign3A_1373 = arith.extui %sign3A_1372 : i1 to i32
    %sign3A_1374 = arith.subi %sign3A_1370, %sign3A_1373 : i32
    %ne3A_1375 = vector.broadcast %sign3A_1374 : i32 to vector<64x1xi32>
    %ne3A_1376 = arith.cmpi ne, %sign3A_1367, %ne3A_1375 : vector<64x1xi32>
    %rem3A_1377 = vector.broadcast %jit3A_1356 : i32 to vector<64x1xi32>
    %rem3A_1378 = arith.remsi %sub3A_1355, %rem3A_1377 : vector<64x1xi32>
    %ne3A_1379 = arith.constant 0 : i32
    %ne3A_1380 = vector.broadcast %ne3A_1379 : i32 to vector<64x1xi32>
    %ne3A_1381 = arith.cmpi ne, %rem3A_1378, %ne3A_1380 : vector<64x1xi32>
    %and3A_1382 = arith.andi %ne3A_1376, %ne3A_1381 : vector<64x1xi1>
    %sub3A_1383 = arith.constant 1 : i32
    %sub3A_1384 = vector.broadcast %sub3A_1383 : i32 to vector<64x1xi32>
    %sub3A_1385 = arith.subi %div3A_1358, %sub3A_1384 : vector<64x1xi32>
    %select_n3A_1386 = arith.select %and3A_1382, %sub3A_1385, %div3A_1358 : vector<64x1xi1>, vector<64x1xi32>
    %neg3A = arith.constant 0 : i32
    %neg3A_1387 = vector.broadcast %neg3A : i32 to vector<64x1xi32>
    %neg3A_1388 = arith.subi %neg3A_1387, %select_n3A_1386 : vector<64x1xi32>
    %select_n3A_1389 = arith.select %lt3A_1318, %select_n3A_1352, %neg3A_1388 : vector<64x1xi1>, vector<64x1xi32>
    %sub3A_1390 = vector.broadcast %select_n3A_1389 : vector<64x1xi32> to vector<64x96xi32>
    %sub3A_1391 = arith.subi %iota3A_1270, %sub3A_1390 : vector<64x96xi32>
    %sub3A_1392 = arith.constant 1 : i32
    %sub3A_1393 = vector.broadcast %sub3A_1392 : i32 to vector<64x1xi32>
    %sub3A_1394 = arith.subi %max3A_1315, %sub3A_1393 : vector<64x1xi32>
    %jit3A_1395 = arith.constant 0 : i32
    %max3A_1396 = vector.broadcast %jit3A_1395 : i32 to vector<64x96xi32>
    %max3A_1397 = arith.maxsi %max3A_1396, %sub3A_1391 : vector<64x96xi32>
    %min3A_1398 = vector.broadcast %sub3A_1394 : vector<64x1xi32> to vector<64x96xi32>
    %min3A_1399 = arith.minsi %min3A_1398, %max3A_1397 : vector<64x96xi32>
    %add3A_1400 = vector.broadcast %broadcast_in_dim3A_1274 : vector<64x1xi32> to vector<64x96xi32>
    %add3A_1401 = arith.addi %add3A_1400, %min3A_1399 : vector<64x96xi32>
    %jit3A_1402 = arith.constant 0 : i32
    %jit3A_1403 = arith.constant 999 : i32
    %max3A_1404 = vector.broadcast %jit3A_1402 : i32 to vector<64x96xi32>
    %max3A_1405 = arith.maxsi %max3A_1404, %add3A_1401 : vector<64x96xi32>
    %min3A_1406 = vector.broadcast %jit3A_1403 : i32 to vector<64x96xi32>
    %min3A_1407 = arith.minsi %min3A_1406, %max3A_1405 : vector<64x96xi32>
    %slice3A_1408 = vector.extract_strided_slice %min3A_1407 {offsets = [0, 0], sizes = [64, 1], strides = [1, 1]} : vector<64x96xi32> to vector<64x1xi32>
    %jit3A_1409 = arith.constant 128 : i32
    %div3A_1410 = vector.broadcast %jit3A_1409 : i32 to vector<64x1xi32>
    %div3A_1411 = arith.divsi %slice3A_1408, %div3A_1410 : vector<64x1xi32>
    %sign3A_1412 = arith.constant 0 : i32
    %sign3A_1413 = vector.broadcast %sign3A_1412 : i32 to vector<64x1xi32>
    %sign3A_1414 = arith.cmpi sgt, %slice3A_1408, %sign3A_1413 : vector<64x1xi32>
    %sign3A_1415 = arith.extui %sign3A_1414 : vector<64x1xi1> to vector<64x1xi32>
    %sign3A_1416 = arith.constant 0 : i32
    %sign3A_1417 = vector.broadcast %sign3A_1416 : i32 to vector<64x1xi32>
    %sign3A_1418 = arith.cmpi slt, %slice3A_1408, %sign3A_1417 : vector<64x1xi32>
    %sign3A_1419 = arith.extui %sign3A_1418 : vector<64x1xi1> to vector<64x1xi32>
    %sign3A_1420 = arith.subi %sign3A_1415, %sign3A_1419 : vector<64x1xi32>
    %sign3A_1421 = arith.constant 0 : i32
    %sign3A_1422 = arith.cmpi sgt, %jit3A_1409, %sign3A_1421 : i32
    %sign3A_1423 = arith.extui %sign3A_1422 : i1 to i32
    %sign3A_1424 = arith.constant 0 : i32
    %sign3A_1425 = arith.cmpi slt, %jit3A_1409, %sign3A_1424 : i32
    %sign3A_1426 = arith.extui %sign3A_1425 : i1 to i32
    %sign3A_1427 = arith.subi %sign3A_1423, %sign3A_1426 : i32
    %ne3A_1428 = vector.broadcast %sign3A_1427 : i32 to vector<64x1xi32>
    %ne3A_1429 = arith.cmpi ne, %sign3A_1420, %ne3A_1428 : vector<64x1xi32>
    %rem3A_1430 = vector.broadcast %jit3A_1409 : i32 to vector<64x1xi32>
    %rem3A_1431 = arith.remsi %slice3A_1408, %rem3A_1430 : vector<64x1xi32>
    %ne3A_1432 = arith.constant 0 : i32
    %ne3A_1433 = vector.broadcast %ne3A_1432 : i32 to vector<64x1xi32>
    %ne3A_1434 = arith.cmpi ne, %rem3A_1431, %ne3A_1433 : vector<64x1xi32>
    %and3A_1435 = arith.andi %ne3A_1429, %ne3A_1434 : vector<64x1xi1>
    %sub3A_1436 = arith.constant 1 : i32
    %sub3A_1437 = vector.broadcast %sub3A_1436 : i32 to vector<64x1xi32>
    %sub3A_1438 = arith.subi %div3A_1411, %sub3A_1437 : vector<64x1xi32>
    %select_n3A_1439 = arith.select %and3A_1435, %sub3A_1438, %div3A_1411 : vector<64x1xi1>, vector<64x1xi32>
    %gt3A_1440 = arith.constant 0 : i32
    %gt3A_1441 = vector.broadcast %gt3A_1440 : i32 to vector<64x1xi32>
    %gt3A_1442 = arith.cmpi sgt, %broadcast_in_dim3A_897, %gt3A_1441 : vector<64x1xi32>
    %mul3A_1443 = arith.constant 128 : i32
    %mul3A_1444 = vector.broadcast %mul3A_1443 : i32 to vector<64x1xi32>
    %mul3A_1445 = arith.muli %mul3A_1444, %select_n3A_1439 : vector<64x1xi32>
    %sub3A_1446 = vector.broadcast %mul3A_1445 : vector<64x1xi32> to vector<64x96xi32>
    %sub3A_1447 = arith.subi %min3A_1407, %sub3A_1446 : vector<64x96xi32>
    %jit3A_1448 = arith.constant 300 : i32
    %broadcast_in_dim3A_1449 = vector.shape_cast %gt3A_1442 : vector<64x1xi1> to vector<64x1xi1>
    %broadcast_in_dim3A_1450 = vector.broadcast %broadcast_in_dim3A_1449 : vector<64x1xi1> to vector<64x96xi1>
    %broadcast_in_dim3A_1451 = vector.broadcast %jit3A_1448 : i32 to vector<64x96xi32>
    %select_n3A_1452 = arith.select %broadcast_in_dim3A_1450, %sub3A_1447, %broadcast_in_dim3A_1451 : vector<64x96xi1>, vector<64x96xi32>
    %swap3A_1453 = arith.constant 0 : index
    %swap3A_1454 = arith.constant 0 : index
    %swap3A_1455 = arith.constant 0 : index
    %swap3A_1456 = vector.load %arg5[%swap3A_1453, %swap3A_1454, %swap3A_1455] : memref<64x10x96xi32, #tpu.memory_space<vmem>>, vector<64x1x96xi32>
    %swap3A_1457 = vector.shape_cast %swap3A_1456 : vector<64x1x96xi32> to vector<64x96xi32>
    %swap3A_1458 = vector.shape_cast %select_n3A_1452 : vector<64x96xi32> to vector<64x1x96xi32>
    tpu.vector_store %arg5[%swap3A_1453, %swap3A_1454, %swap3A_1455], %swap3A_1458 {strides = array<i32>} : memref<64x10x96xi32, #tpu.memory_space<vmem>>, vector<64x1x96xi32>,
    %slice3A_1459 = vector.extract_strided_slice %concatenate3A_1269 {offsets = [0, 1], sizes = [64, 1], strides = [1, 1]} : vector<64x25xi32> to vector<64x1xi32>
    %slice3A_1460 = vector.extract_strided_slice %concatenate3A_1269 {offsets = [0, 2], sizes = [64, 1], strides = [1, 1]} : vector<64x25xi32> to vector<64x1xi32>
    %slice3A_1461 = vector.extract_strided_slice %concatenate3A_1269 {offsets = [0, 0], sizes = [64, 1], strides = [1, 1]} : vector<64x25xi32> to vector<64x1xi32>
    %add3A_1462 = arith.addi %slice3A_1461, %slice3A_1459 : vector<64x1xi32>
    %jit3A_1463 = arith.constant 2 : i32
    %div3A_1464 = vector.broadcast %jit3A_1463 : i32 to vector<64x1xi32>
    %div3A_1465 = arith.divsi %add3A_1462, %div3A_1464 : vector<64x1xi32>
    %sign3A_1466 = arith.constant 0 : i32
    %sign3A_1467 = vector.broadcast %sign3A_1466 : i32 to vector<64x1xi32>
    %sign3A_1468 = arith.cmpi sgt, %add3A_1462, %sign3A_1467 : vector<64x1xi32>
    %sign3A_1469 = arith.extui %sign3A_1468 : vector<64x1xi1> to vector<64x1xi32>
    %sign3A_1470 = arith.constant 0 : i32
    %sign3A_1471 = vector.broadcast %sign3A_1470 : i32 to vector<64x1xi32>
    %sign3A_1472 = arith.cmpi slt, %add3A_1462, %sign3A_1471 : vector<64x1xi32>
    %sign3A_1473 = arith.extui %sign3A_1472 : vector<64x1xi1> to vector<64x1xi32>
    %sign3A_1474 = arith.subi %sign3A_1469, %sign3A_1473 : vector<64x1xi32>
    %sign3A_1475 = arith.constant 0 : i32
    %sign3A_1476 = arith.cmpi sgt, %jit3A_1463, %sign3A_1475 : i32
    %sign3A_1477 = arith.extui %sign3A_1476 : i1 to i32
    %sign3A_1478 = arith.constant 0 : i32
    %sign3A_1479 = arith.cmpi slt, %jit3A_1463, %sign3A_1478 : i32
    %sign3A_1480 = arith.extui %sign3A_1479 : i1 to i32
    %sign3A_1481 = arith.subi %sign3A_1477, %sign3A_1480 : i32
    %ne3A_1482 = vector.broadcast %sign3A_1481 : i32 to vector<64x1xi32>
    %ne3A_1483 = arith.cmpi ne, %sign3A_1474, %ne3A_1482 : vector<64x1xi32>
    %rem3A_1484 = vector.broadcast %jit3A_1463 : i32 to vector<64x1xi32>
    %rem3A_1485 = arith.remsi %add3A_1462, %rem3A_1484 : vector<64x1xi32>
    %ne3A_1486 = arith.constant 0 : i32
    %ne3A_1487 = vector.broadcast %ne3A_1486 : i32 to vector<64x1xi32>
    %ne3A_1488 = arith.cmpi ne, %rem3A_1485, %ne3A_1487 : vector<64x1xi32>
    %and3A_1489 = arith.andi %ne3A_1483, %ne3A_1488 : vector<64x1xi1>
    %sub3A_1490 = arith.constant 1 : i32
    %sub3A_1491 = vector.broadcast %sub3A_1490 : i32 to vector<64x1xi32>
    %sub3A_1492 = arith.subi %div3A_1465, %sub3A_1491 : vector<64x1xi32>
    %select_n3A_1493 = arith.select %and3A_1489, %sub3A_1492, %div3A_1465 : vector<64x1xi1>, vector<64x1xi32>
    %eq3A_1494 = arith.constant 2 : i32
    %eq3A_1495 = vector.broadcast %eq3A_1494 : i32 to vector<64x1xi32>
    %eq3A_1496 = arith.cmpi eq, %broadcast_in_dim3A_897, %eq3A_1495 : vector<64x1xi32>
    %add3A_1497 = arith.addi %slice3A_1459, %slice3A_1460 : vector<64x1xi32>
    %jit3A_1498 = arith.constant 2 : i32
    %div3A_1499 = vector.broadcast %jit3A_1498 : i32 to vector<64x1xi32>
    %div3A_1500 = arith.divsi %add3A_1497, %div3A_1499 : vector<64x1xi32>
    %sign3A_1501 = arith.constant 0 : i32
    %sign3A_1502 = vector.broadcast %sign3A_1501 : i32 to vector<64x1xi32>
    %sign3A_1503 = arith.cmpi sgt, %add3A_1497, %sign3A_1502 : vector<64x1xi32>
    %sign3A_1504 = arith.extui %sign3A_1503 : vector<64x1xi1> to vector<64x1xi32>
    %sign3A_1505 = arith.constant 0 : i32
    %sign3A_1506 = vector.broadcast %sign3A_1505 : i32 to vector<64x1xi32>
    %sign3A_1507 = arith.cmpi slt, %add3A_1497, %sign3A_1506 : vector<64x1xi32>
    %sign3A_1508 = arith.extui %sign3A_1507 : vector<64x1xi1> to vector<64x1xi32>
    %sign3A_1509 = arith.subi %sign3A_1504, %sign3A_1508 : vector<64x1xi32>
    %sign3A_1510 = arith.constant 0 : i32
    %sign3A_1511 = arith.cmpi sgt, %jit3A_1498, %sign3A_1510 : i32
    %sign3A_1512 = arith.extui %sign3A_1511 : i1 to i32
    %sign3A_1513 = arith.constant 0 : i32
    %sign3A_1514 = arith.cmpi slt, %jit3A_1498, %sign3A_1513 : i32
    %sign3A_1515 = arith.extui %sign3A_1514 : i1 to i32
    %sign3A_1516 = arith.subi %sign3A_1512, %sign3A_1515 : i32
    %ne3A_1517 = vector.broadcast %sign3A_1516 : i32 to vector<64x1xi32>
    %ne3A_1518 = arith.cmpi ne, %sign3A_1509, %ne3A_1517 : vector<64x1xi32>
    %rem3A_1519 = vector.broadcast %jit3A_1498 : i32 to vector<64x1xi32>
    %rem3A_1520 = arith.remsi %add3A_1497, %rem3A_1519 : vector<64x1xi32>
    %ne3A_1521 = arith.constant 0 : i32
    %ne3A_1522 = vector.broadcast %ne3A_1521 : i32 to vector<64x1xi32>
    %ne3A_1523 = arith.cmpi ne, %rem3A_1520, %ne3A_1522 : vector<64x1xi32>
    %and3A_1524 = arith.andi %ne3A_1518, %ne3A_1523 : vector<64x1xi1>
    %sub3A_1525 = arith.constant 1 : i32
    %sub3A_1526 = vector.broadcast %sub3A_1525 : i32 to vector<64x1xi32>
    %sub3A_1527 = arith.subi %div3A_1500, %sub3A_1526 : vector<64x1xi32>
    %select_n3A_1528 = arith.select %and3A_1524, %sub3A_1527, %div3A_1500 : vector<64x1xi1>, vector<64x1xi32>
    %jit3A_1529 = arith.constant 1000 : i32
    %broadcast_in_dim3A_1530 = vector.broadcast %jit3A_1529 : i32 to vector<64x1xi32>
    %select_n3A_1531 = arith.select %eq3A_1496, %broadcast_in_dim3A_1530, %select_n3A_1528 : vector<64x1xi1>, vector<64x1xi32>
    %min3A_1532 = arith.constant 1000 : i32
    %min3A_1533 = vector.broadcast %min3A_1532 : i32 to vector<64x1xi32>
    %min3A_1534 = arith.minsi %select_n3A_1531, %min3A_1533 : vector<64x1xi32>
    %sub3A_1535 = arith.subi %min3A_1534, %select_n3A_1493 : vector<64x1xi32>
    %max3A_1536 = arith.constant 1 : i32
    %max3A_1537 = vector.broadcast %max3A_1536 : i32 to vector<64x1xi32>
    %max3A_1538 = arith.maxsi %sub3A_1535, %max3A_1537 : vector<64x1xi32>
    %lt3A_1539 = arith.constant 96 : i32
    %lt3A_1540 = vector.broadcast %lt3A_1539 : i32 to vector<64x1xi32>
    %lt3A_1541 = arith.cmpi slt, %max3A_1538, %lt3A_1540 : vector<64x1xi32>
    %sub3A_1542 = arith.constant 96 : i32
    %sub3A_1543 = vector.broadcast %sub3A_1542 : i32 to vector<64x1xi32>
    %sub3A_1544 = arith.subi %sub3A_1543, %max3A_1538 : vector<64x1xi32>
    %jit3A_1545 = arith.constant 2 : i32
    %div3A_1546 = vector.broadcast %jit3A_1545 : i32 to vector<64x1xi32>
    %div3A_1547 = arith.divsi %sub3A_1544, %div3A_1546 : vector<64x1xi32>
    %sign3A_1548 = arith.constant 0 : i32
    %sign3A_1549 = vector.broadcast %sign3A_1548 : i32 to vector<64x1xi32>
    %sign3A_1550 = arith.cmpi sgt, %sub3A_1544, %sign3A_1549 : vector<64x1xi32>
    %sign3A_1551 = arith.extui %sign3A_1550 : vector<64x1xi1> to vector<64x1xi32>
    %sign3A_1552 = arith.constant 0 : i32
    %sign3A_1553 = vector.broadcast %sign3A_1552 : i32 to vector<64x1xi32>
    %sign3A_1554 = arith.cmpi slt, %sub3A_1544, %sign3A_1553 : vector<64x1xi32>
    %sign3A_1555 = arith.extui %sign3A_1554 : vector<64x1xi1> to vector<64x1xi32>
    %sign3A_1556 = arith.subi %sign3A_1551, %sign3A_1555 : vector<64x1xi32>
    %sign3A_1557 = arith.constant 0 : i32
    %sign3A_1558 = arith.cmpi sgt, %jit3A_1545, %sign3A_1557 : i32
    %sign3A_1559 = arith.extui %sign3A_1558 : i1 to i32
    %sign3A_1560 = arith.constant 0 : i32
    %sign3A_1561 = arith.cmpi slt, %jit3A_1545, %sign3A_1560 : i32
    %sign3A_1562 = arith.extui %sign3A_1561 : i1 to i32
    %sign3A_1563 = arith.subi %sign3A_1559, %sign3A_1562 : i32
    %ne3A_1564 = vector.broadcast %sign3A_1563 : i32 to vector<64x1xi32>
    %ne3A_1565 = arith.cmpi ne, %sign3A_1556, %ne3A_1564 : vector<64x1xi32>
    %rem3A_1566 = vector.broadcast %jit3A_1545 : i32 to vector<64x1xi32>
    %rem3A_1567 = arith.remsi %sub3A_1544, %rem3A_1566 : vector<64x1xi32>
    %ne3A_1568 = arith.constant 0 : i32
    %ne3A_1569 = vector.broadcast %ne3A_1568 : i32 to vector<64x1xi32>
    %ne3A_1570 = arith.cmpi ne, %rem3A_1567, %ne3A_1569 : vector<64x1xi32>
    %and3A_1571 = arith.andi %ne3A_1565, %ne3A_1570 : vector<64x1xi1>
    %sub3A_1572 = arith.constant 1 : i32
    %sub3A_1573 = vector.broadcast %sub3A_1572 : i32 to vector<64x1xi32>
    %sub3A_1574 = arith.subi %div3A_1547, %sub3A_1573 : vector<64x1xi32>
    %select_n3A_1575 = arith.select %and3A_1571, %sub3A_1574, %div3A_1547 : vector<64x1xi1>, vector<64x1xi32>
    %sub3A_1576 = arith.constant 96 : i32
    %sub3A_1577 = vector.broadcast %sub3A_1576 : i32 to vector<64x1xi32>
    %sub3A_1578 = arith.subi %max3A_1538, %sub3A_1577 : vector<64x1xi32>
    %jit3A_1579 = arith.constant 2 : i32
    %div3A_1580 = vector.broadcast %jit3A_1579 : i32 to vector<64x1xi32>
    %div3A_1581 = arith.divsi %sub3A_1578, %div3A_1580 : vector<64x1xi32>
    %sign3A_1582 = arith.constant 0 : i32
    %sign3A_1583 = vector.broadcast %sign3A_1582 : i32 to vector<64x1xi32>
    %sign3A_1584 = arith.cmpi sgt, %sub3A_1578, %sign3A_1583 : vector<64x1xi32>
    %sign3A_1585 = arith.extui %sign3A_1584 : vector<64x1xi1> to vector<64x1xi32>
    %sign3A_1586 = arith.constant 0 : i32
    %sign3A_1587 = vector.broadcast %sign3A_1586 : i32 to vector<64x1xi32>
    %sign3A_1588 = arith.cmpi slt, %sub3A_1578, %sign3A_1587 : vector<64x1xi32>
    %sign3A_1589 = arith.extui %sign3A_1588 : vector<64x1xi1> to vector<64x1xi32>
    %sign3A_1590 = arith.subi %sign3A_1585, %sign3A_1589 : vector<64x1xi32>
    %sign3A_1591 = arith.constant 0 : i32
    %sign3A_1592 = arith.cmpi sgt, %jit3A_1579, %sign3A_1591 : i32
    %sign3A_1593 = arith.extui %sign3A_1592 : i1 to i32
    %sign3A_1594 = arith.constant 0 : i32
    %sign3A_1595 = arith.cmpi slt, %jit3A_1579, %sign3A_1594 : i32
    %sign3A_1596 = arith.extui %sign3A_1595 : i1 to i32
    %sign3A_1597 = arith.subi %sign3A_1593, %sign3A_1596 : i32
    %ne3A_1598 = vector.broadcast %sign3A_1597 : i32 to vector<64x1xi32>
    %ne3A_1599 = arith.cmpi ne, %sign3A_1590, %ne3A_1598 : vector<64x1xi32>
    %rem3A_1600 = vector.broadcast %jit3A_1579 : i32 to vector<64x1xi32>
    %rem3A_1601 = arith.remsi %sub3A_1578, %rem3A_1600 : vector<64x1xi32>
    %ne3A_1602 = arith.constant 0 : i32
    %ne3A_1603 = vector.broadcast %ne3A_1602 : i32 to vector<64x1xi32>
    %ne3A_1604 = arith.cmpi ne, %rem3A_1601, %ne3A_1603 : vector<64x1xi32>
    %and3A_1605 = arith.andi %ne3A_1599, %ne3A_1604 : vector<64x1xi1>
    %sub3A_1606 = arith.constant 1 : i32
    %sub3A_1607 = vector.broadcast %sub3A_1606 : i32 to vector<64x1xi32>
    %sub3A_1608 = arith.subi %div3A_1581, %sub3A_1607 : vector<64x1xi32>
    %select_n3A_1609 = arith.select %and3A_1605, %sub3A_1608, %div3A_1581 : vector<64x1xi1>, vector<64x1xi32>
    %neg3A_1610 = arith.constant 0 : i32
    %neg3A_1611 = vector.broadcast %neg3A_1610 : i32 to vector<64x1xi32>
    %neg3A_1612 = arith.subi %neg3A_1611, %select_n3A_1609 : vector<64x1xi32>
    %select_n3A_1613 = arith.select %lt3A_1541, %select_n3A_1575, %neg3A_1612 : vector<64x1xi1>, vector<64x1xi32>
    %sub3A_1614 = vector.broadcast %select_n3A_1613 : vector<64x1xi32> to vector<64x96xi32>
    %sub3A_1615 = arith.subi %iota3A_1270, %sub3A_1614 : vector<64x96xi32>
    %sub3A_1616 = arith.constant 1 : i32
    %sub3A_1617 = vector.broadcast %sub3A_1616 : i32 to vector<64x1xi32>
    %sub3A_1618 = arith.subi %max3A_1538, %sub3A_1617 : vector<64x1xi32>
    %jit3A_1619 = arith.constant 0 : i32
    %max3A_1620 = vector.broadcast %jit3A_1619 : i32 to vector<64x96xi32>
    %max3A_1621 = arith.maxsi %max3A_1620, %sub3A_1615 : vector<64x96xi32>
    %min3A_1622 = vector.broadcast %sub3A_1618 : vector<64x1xi32> to vector<64x96xi32>
    %min3A_1623 = arith.minsi %min3A_1622, %max3A_1621 : vector<64x96xi32>
    %add3A_1624 = vector.broadcast %select_n3A_1493 : vector<64x1xi32> to vector<64x96xi32>
    %add3A_1625 = arith.addi %add3A_1624, %min3A_1623 : vector<64x96xi32>
    %jit3A_1626 = arith.constant 0 : i32
    %jit3A_1627 = arith.constant 999 : i32
    %max3A_1628 = vector.broadcast %jit3A_1626 : i32 to vector<64x96xi32>
    %max3A_1629 = arith.maxsi %max3A_1628, %add3A_1625 : vector<64x96xi32>
    %min3A_1630 = vector.broadcast %jit3A_1627 : i32 to vector<64x96xi32>
    %min3A_1631 = arith.minsi %min3A_1630, %max3A_1629 : vector<64x96xi32>
    %slice3A_1632 = vector.extract_strided_slice %min3A_1631 {offsets = [0, 0], sizes = [64, 1], strides = [1, 1]} : vector<64x96xi32> to vector<64x1xi32>
    %jit3A_1633 = arith.constant 128 : i32
    %div3A_1634 = vector.broadcast %jit3A_1633 : i32 to vector<64x1xi32>
    %div3A_1635 = arith.divsi %slice3A_1632, %div3A_1634 : vector<64x1xi32>
    %sign3A_1636 = arith.constant 0 : i32
    %sign3A_1637 = vector.broadcast %sign3A_1636 : i32 to vector<64x1xi32>
    %sign3A_1638 = arith.cmpi sgt, %slice3A_1632, %sign3A_1637 : vector<64x1xi32>
    %sign3A_1639 = arith.extui %sign3A_1638 : vector<64x1xi1> to vector<64x1xi32>
    %sign3A_1640 = arith.constant 0 : i32
    %sign3A_1641 = vector.broadcast %sign3A_1640 : i32 to vector<64x1xi32>
    %sign3A_1642 = arith.cmpi slt, %slice3A_1632, %sign3A_1641 : vector<64x1xi32>
    %sign3A_1643 = arith.extui %sign3A_1642 : vector<64x1xi1> to vector<64x1xi32>
    %sign3A_1644 = arith.subi %sign3A_1639, %sign3A_1643 : vector<64x1xi32>
    %sign3A_1645 = arith.constant 0 : i32
    %sign3A_1646 = arith.cmpi sgt, %jit3A_1633, %sign3A_1645 : i32
    %sign3A_1647 = arith.extui %sign3A_1646 : i1 to i32
    %sign3A_1648 = arith.constant 0 : i32
    %sign3A_1649 = arith.cmpi slt, %jit3A_1633, %sign3A_1648 : i32
    %sign3A_1650 = arith.extui %sign3A_1649 : i1 to i32
    %sign3A_1651 = arith.subi %sign3A_1647, %sign3A_1650 : i32
    %ne3A_1652 = vector.broadcast %sign3A_1651 : i32 to vector<64x1xi32>
    %ne3A_1653 = arith.cmpi ne, %sign3A_1644, %ne3A_1652 : vector<64x1xi32>
    %rem3A_1654 = vector.broadcast %jit3A_1633 : i32 to vector<64x1xi32>
    %rem3A_1655 = arith.remsi %slice3A_1632, %rem3A_1654 : vector<64x1xi32>
    %ne3A_1656 = arith.constant 0 : i32
    %ne3A_1657 = vector.broadcast %ne3A_1656 : i32 to vector<64x1xi32>
    %ne3A_1658 = arith.cmpi ne, %rem3A_1655, %ne3A_1657 : vector<64x1xi32>
    %and3A_1659 = arith.andi %ne3A_1653, %ne3A_1658 : vector<64x1xi1>
    %sub3A_1660 = arith.constant 1 : i32
    %sub3A_1661 = vector.broadcast %sub3A_1660 : i32 to vector<64x1xi32>
    %sub3A_1662 = arith.subi %div3A_1635, %sub3A_1661 : vector<64x1xi32>
    %select_n3A_1663 = arith.select %and3A_1659, %sub3A_1662, %div3A_1635 : vector<64x1xi1>, vector<64x1xi32>
    %gt3A_1664 = arith.constant 1 : i32
    %gt3A_1665 = vector.broadcast %gt3A_1664 : i32 to vector<64x1xi32>
    %gt3A_1666 = arith.cmpi sgt, %broadcast_in_dim3A_897, %gt3A_1665 : vector<64x1xi32>
    %mul3A_1667 = arith.constant 128 : i32
    %mul3A_1668 = vector.broadcast %mul3A_1667 : i32 to vector<64x1xi32>
    %mul3A_1669 = arith.muli %mul3A_1668, %select_n3A_1663 : vector<64x1xi32>
    %sub3A_1670 = vector.broadcast %mul3A_1669 : vector<64x1xi32> to vector<64x96xi32>
    %sub3A_1671 = arith.subi %min3A_1631, %sub3A_1670 : vector<64x96xi32>
    %jit3A_1672 = arith.constant 300 : i32
    %broadcast_in_dim3A_1673 = vector.shape_cast %gt3A_1666 : vector<64x1xi1> to vector<64x1xi1>
    %broadcast_in_dim3A_1674 = vector.broadcast %broadcast_in_dim3A_1673 : vector<64x1xi1> to vector<64x96xi1>
    %broadcast_in_dim3A_1675 = vector.broadcast %jit3A_1672 : i32 to vector<64x96xi32>
    %select_n3A_1676 = arith.select %broadcast_in_dim3A_1674, %sub3A_1671, %broadcast_in_dim3A_1675 : vector<64x96xi1>, vector<64x96xi32>
    %swap3A_1677 = arith.constant 0 : index
    %swap3A_1678 = arith.constant 1 : index
    %swap3A_1679 = arith.constant 0 : index
    %swap3A_1680 = vector.load %arg5[%swap3A_1677, %swap3A_1678, %swap3A_1679] : memref<64x10x96xi32, #tpu.memory_space<vmem>>, vector<64x1x96xi32>
    %swap3A_1681 = vector.shape_cast %swap3A_1680 : vector<64x1x96xi32> to vector<64x96xi32>
    %swap3A_1682 = vector.shape_cast %select_n3A_1676 : vector<64x96xi32> to vector<64x1x96xi32>
    tpu.vector_store %arg5[%swap3A_1677, %swap3A_1678, %swap3A_1679], %swap3A_1682 {strides = array<i32>} : memref<64x10x96xi32, #tpu.memory_space<vmem>>, vector<64x1x96xi32>,
    %slice3A_1683 = vector.extract_strided_slice %concatenate3A_1269 {offsets = [0, 2], sizes = [64, 1], strides = [1, 1]} : vector<64x25xi32> to vector<64x1xi32>
    %slice3A_1684 = vector.extract_strided_slice %concatenate3A_1269 {offsets = [0, 3], sizes = [64, 1], strides = [1, 1]} : vector<64x25xi32> to vector<64x1xi32>
    %slice3A_1685 = vector.extract_strided_slice %concatenate3A_1269 {offsets = [0, 1], sizes = [64, 1], strides = [1, 1]} : vector<64x25xi32> to vector<64x1xi32>
    %add3A_1686 = arith.addi %slice3A_1685, %slice3A_1683 : vector<64x1xi32>
    %jit3A_1687 = arith.constant 2 : i32
    %div3A_1688 = vector.broadcast %jit3A_1687 : i32 to vector<64x1xi32>
    %div3A_1689 = arith.divsi %add3A_1686, %div3A_1688 : vector<64x1xi32>
    %sign3A_1690 = arith.constant 0 : i32
    %sign3A_1691 = vector.broadcast %sign3A_1690 : i32 to vector<64x1xi32>
    %sign3A_1692 = arith.cmpi sgt, %add3A_1686, %sign3A_1691 : vector<64x1xi32>
    %sign3A_1693 = arith.extui %sign3A_1692 : vector<64x1xi1> to vector<64x1xi32>
    %sign3A_1694 = arith.constant 0 : i32
    %sign3A_1695 = vector.broadcast %sign3A_1694 : i32 to vector<64x1xi32>
    %sign3A_1696 = arith.cmpi slt, %add3A_1686, %sign3A_1695 : vector<64x1xi32>
    %sign3A_1697 = arith.extui %sign3A_1696 : vector<64x1xi1> to vector<64x1xi32>
    %sign3A_1698 = arith.subi %sign3A_1693, %sign3A_1697 : vector<64x1xi32>
    %sign3A_1699 = arith.constant 0 : i32
    %sign3A_1700 = arith.cmpi sgt, %jit3A_1687, %sign3A_1699 : i32
    %sign3A_1701 = arith.extui %sign3A_1700 : i1 to i32
    %sign3A_1702 = arith.constant 0 : i32
    %sign3A_1703 = arith.cmpi slt, %jit3A_1687, %sign3A_1702 : i32
    %sign3A_1704 = arith.extui %sign3A_1703 : i1 to i32
    %sign3A_1705 = arith.subi %sign3A_1701, %sign3A_1704 : i32
    %ne3A_1706 = vector.broadcast %sign3A_1705 : i32 to vector<64x1xi32>
    %ne3A_1707 = arith.cmpi ne, %sign3A_1698, %ne3A_1706 : vector<64x1xi32>
    %rem3A_1708 = vector.broadcast %jit3A_1687 : i32 to vector<64x1xi32>
    %rem3A_1709 = arith.remsi %add3A_1686, %rem3A_1708 : vector<64x1xi32>
    %ne3A_1710 = arith.constant 0 : i32
    %ne3A_1711 = vector.broadcast %ne3A_1710 : i32 to vector<64x1xi32>
    %ne3A_1712 = arith.cmpi ne, %rem3A_1709, %ne3A_1711 : vector<64x1xi32>
    %and3A_1713 = arith.andi %ne3A_1707, %ne3A_1712 : vector<64x1xi1>
    %sub3A_1714 = arith.constant 1 : i32
    %sub3A_1715 = vector.broadcast %sub3A_1714 : i32 to vector<64x1xi32>
    %sub3A_1716 = arith.subi %div3A_1689, %sub3A_1715 : vector<64x1xi32>
    %select_n3A_1717 = arith.select %and3A_1713, %sub3A_1716, %div3A_1689 : vector<64x1xi1>, vector<64x1xi32>
    %eq3A_1718 = arith.constant 3 : i32
    %eq3A_1719 = vector.broadcast %eq3A_1718 : i32 to vector<64x1xi32>
    %eq3A_1720 = arith.cmpi eq, %broadcast_in_dim3A_897, %eq3A_1719 : vector<64x1xi32>
    %add3A_1721 = arith.addi %slice3A_1683, %slice3A_1684 : vector<64x1xi32>
    %jit3A_1722 = arith.constant 2 : i32
    %div3A_1723 = vector.broadcast %jit3A_1722 : i32 to vector<64x1xi32>
    %div3A_1724 = arith.divsi %add3A_1721, %div3A_1723 : vector<64x1xi32>
    %sign3A_1725 = arith.constant 0 : i32
    %sign3A_1726 = vector.broadcast %sign3A_1725 : i32 to vector<64x1xi32>
    %sign3A_1727 = arith.cmpi sgt, %add3A_1721, %sign3A_1726 : vector<64x1xi32>
    %sign3A_1728 = arith.extui %sign3A_1727 : vector<64x1xi1> to vector<64x1xi32>
    %sign3A_1729 = arith.constant 0 : i32
    %sign3A_1730 = vector.broadcast %sign3A_1729 : i32 to vector<64x1xi32>
    %sign3A_1731 = arith.cmpi slt, %add3A_1721, %sign3A_1730 : vector<64x1xi32>
    %sign3A_1732 = arith.extui %sign3A_1731 : vector<64x1xi1> to vector<64x1xi32>
    %sign3A_1733 = arith.subi %sign3A_1728, %sign3A_1732 : vector<64x1xi32>
    %sign3A_1734 = arith.constant 0 : i32
    %sign3A_1735 = arith.cmpi sgt, %jit3A_1722, %sign3A_1734 : i32
    %sign3A_1736 = arith.extui %sign3A_1735 : i1 to i32
    %sign3A_1737 = arith.constant 0 : i32
    %sign3A_1738 = arith.cmpi slt, %jit3A_1722, %sign3A_1737 : i32
    %sign3A_1739 = arith.extui %sign3A_1738 : i1 to i32
    %sign3A_1740 = arith.subi %sign3A_1736, %sign3A_1739 : i32
    %ne3A_1741 = vector.broadcast %sign3A_1740 : i32 to vector<64x1xi32>
    %ne3A_1742 = arith.cmpi ne, %sign3A_1733, %ne3A_1741 : vector<64x1xi32>
    %rem3A_1743 = vector.broadcast %jit3A_1722 : i32 to vector<64x1xi32>
    %rem3A_1744 = arith.remsi %add3A_1721, %rem3A_1743 : vector<64x1xi32>
    %ne3A_1745 = arith.constant 0 : i32
    %ne3A_1746 = vector.broadcast %ne3A_1745 : i32 to vector<64x1xi32>
    %ne3A_1747 = arith.cmpi ne, %rem3A_1744, %ne3A_1746 : vector<64x1xi32>
    %and3A_1748 = arith.andi %ne3A_1742, %ne3A_1747 : vector<64x1xi1>
    %sub3A_1749 = arith.constant 1 : i32
    %sub3A_1750 = vector.broadcast %sub3A_1749 : i32 to vector<64x1xi32>
    %sub3A_1751 = arith.subi %div3A_1724, %sub3A_1750 : vector<64x1xi32>
    %select_n3A_1752 = arith.select %and3A_1748, %sub3A_1751, %div3A_1724 : vector<64x1xi1>, vector<64x1xi32>
    %jit3A_1753 = arith.constant 1000 : i32
    %broadcast_in_dim3A_1754 = vector.broadcast %jit3A_1753 : i32 to vector<64x1xi32>
    %select_n3A_1755 = arith.select %eq3A_1720, %broadcast_in_dim3A_1754, %select_n3A_1752 : vector<64x1xi1>, vector<64x1xi32>
    %min3A_1756 = arith.constant 1000 : i32
    %min3A_1757 = vector.broadcast %min3A_1756 : i32 to vector<64x1xi32>
    %min3A_1758 = arith.minsi %select_n3A_1755, %min3A_1757 : vector<64x1xi32>
    %sub3A_1759 = arith.subi %min3A_1758, %select_n3A_1717 : vector<64x1xi32>
    %max3A_1760 = arith.constant 1 : i32
    %max3A_1761 = vector.broadcast %max3A_1760 : i32 to vector<64x1xi32>
    %max3A_1762 = arith.maxsi %sub3A_1759, %max3A_1761 : vector<64x1xi32>
    %lt3A_1763 = arith.constant 96 : i32
    %lt3A_1764 = vector.broadcast %lt3A_1763 : i32 to vector<64x1xi32>
    %lt3A_1765 = arith.cmpi slt, %max3A_1762, %lt3A_1764 : vector<64x1xi32>
    %sub3A_1766 = arith.constant 96 : i32
    %sub3A_1767 = vector.broadcast %sub3A_1766 : i32 to vector<64x1xi32>
    %sub3A_1768 = arith.subi %sub3A_1767, %max3A_1762 : vector<64x1xi32>
    %jit3A_1769 = arith.constant 2 : i32
    %div3A_1770 = vector.broadcast %jit3A_1769 : i32 to vector<64x1xi32>
    %div3A_1771 = arith.divsi %sub3A_1768, %div3A_1770 : vector<64x1xi32>
    %sign3A_1772 = arith.constant 0 : i32
    %sign3A_1773 = vector.broadcast %sign3A_1772 : i32 to vector<64x1xi32>
    %sign3A_1774 = arith.cmpi sgt, %sub3A_1768, %sign3A_1773 : vector<64x1xi32>
    %sign3A_1775 = arith.extui %sign3A_1774 : vector<64x1xi1> to vector<64x1xi32>
    %sign3A_1776 = arith.constant 0 : i32
    %sign3A_1777 = vector.broadcast %sign3A_1776 : i32 to vector<64x1xi32>
    %sign3A_1778 = arith.cmpi slt, %sub3A_1768, %sign3A_1777 : vector<64x1xi32>
    %sign3A_1779 = arith.extui %sign3A_1778 : vector<64x1xi1> to vector<64x1xi32>
    %sign3A_1780 = arith.subi %sign3A_1775, %sign3A_1779 : vector<64x1xi32>
    %sign3A_1781 = arith.constant 0 : i32
    %sign3A_1782 = arith.cmpi sgt, %jit3A_1769, %sign3A_1781 : i32
    %sign3A_1783 = arith.extui %sign3A_1782 : i1 to i32
    %sign3A_1784 = arith.constant 0 : i32
    %sign3A_1785 = arith.cmpi slt, %jit3A_1769, %sign3A_1784 : i32
    %sign3A_1786 = arith.extui %sign3A_1785 : i1 to i32
    %sign3A_1787 = arith.subi %sign3A_1783, %sign3A_1786 : i32
    %ne3A_1788 = vector.broadcast %sign3A_1787 : i32 to vector<64x1xi32>
    %ne3A_1789 = arith.cmpi ne, %sign3A_1780, %ne3A_1788 : vector<64x1xi32>
    %rem3A_1790 = vector.broadcast %jit3A_1769 : i32 to vector<64x1xi32>
    %rem3A_1791 = arith.remsi %sub3A_1768, %rem3A_1790 : vector<64x1xi32>
    %ne3A_1792 = arith.constant 0 : i32
    %ne3A_1793 = vector.broadcast %ne3A_1792 : i32 to vector<64x1xi32>
    %ne3A_1794 = arith.cmpi ne, %rem3A_1791, %ne3A_1793 : vector<64x1xi32>
    %and3A_1795 = arith.andi %ne3A_1789, %ne3A_1794 : vector<64x1xi1>
    %sub3A_1796 = arith.constant 1 : i32
    %sub3A_1797 = vector.broadcast %sub3A_1796 : i32 to vector<64x1xi32>
    %sub3A_1798 = arith.subi %div3A_1771, %sub3A_1797 : vector<64x1xi32>
    %select_n3A_1799 = arith.select %and3A_1795, %sub3A_1798, %div3A_1771 : vector<64x1xi1>, vector<64x1xi32>
    %sub3A_1800 = arith.constant 96 : i32
    %sub3A_1801 = vector.broadcast %sub3A_1800 : i32 to vector<64x1xi32>
    %sub3A_1802 = arith.subi %max3A_1762, %sub3A_1801 : vector<64x1xi32>
    %jit3A_1803 = arith.constant 2 : i32
    %div3A_1804 = vector.broadcast %jit3A_1803 : i32 to vector<64x1xi32>
    %div3A_1805 = arith.divsi %sub3A_1802, %div3A_1804 : vector<64x1xi32>
    %sign3A_1806 = arith.constant 0 : i32
    %sign3A_1807 = vector.broadcast %sign3A_1806 : i32 to vector<64x1xi32>
    %sign3A_1808 = arith.cmpi sgt, %sub3A_1802, %sign3A_1807 : vector<64x1xi32>
    %sign3A_1809 = arith.extui %sign3A_1808 : vector<64x1xi1> to vector<64x1xi32>
    %sign3A_1810 = arith.constant 0 : i32
    %sign3A_1811 = vector.broadcast %sign3A_1810 : i32 to vector<64x1xi32>
    %sign3A_1812 = arith.cmpi slt, %sub3A_1802, %sign3A_1811 : vector<64x1xi32>
    %sign3A_1813 = arith.extui %sign3A_1812 : vector<64x1xi1> to vector<64x1xi32>
    %sign3A_1814 = arith.subi %sign3A_1809, %sign3A_1813 : vector<64x1xi32>
    %sign3A_1815 = arith.constant 0 : i32
    %sign3A_1816 = arith.cmpi sgt, %jit3A_1803, %sign3A_1815 : i32
    %sign3A_1817 = arith.extui %sign3A_1816 : i1 to i32
    %sign3A_1818 = arith.constant 0 : i32
    %sign3A_1819 = arith.cmpi slt, %jit3A_1803, %sign3A_1818 : i32
    %sign3A_1820 = arith.extui %sign3A_1819 : i1 to i32
    %sign3A_1821 = arith.subi %sign3A_1817, %sign3A_1820 : i32
    %ne3A_1822 = vector.broadcast %sign3A_1821 : i32 to vector<64x1xi32>
    %ne3A_1823 = arith.cmpi ne, %sign3A_1814, %ne3A_1822 : vector<64x1xi32>
    %rem3A_1824 = vector.broadcast %jit3A_1803 : i32 to vector<64x1xi32>
    %rem3A_1825 = arith.remsi %sub3A_1802, %rem3A_1824 : vector<64x1xi32>
    %ne3A_1826 = arith.constant 0 : i32
    %ne3A_1827 = vector.broadcast %ne3A_1826 : i32 to vector<64x1xi32>
    %ne3A_1828 = arith.cmpi ne, %rem3A_1825, %ne3A_1827 : vector<64x1xi32>
    %and3A_1829 = arith.andi %ne3A_1823, %ne3A_1828 : vector<64x1xi1>
    %sub3A_1830 = arith.constant 1 : i32
    %sub3A_1831 = vector.broadcast %sub3A_1830 : i32 to vector<64x1xi32>
    %sub3A_1832 = arith.subi %div3A_1805, %sub3A_1831 : vector<64x1xi32>
    %select_n3A_1833 = arith.select %and3A_1829, %sub3A_1832, %div3A_1805 : vector<64x1xi1>, vector<64x1xi32>
    %neg3A_1834 = arith.constant 0 : i32
    %neg3A_1835 = vector.broadcast %neg3A_1834 : i32 to vector<64x1xi32>
    %neg3A_1836 = arith.subi %neg3A_1835, %select_n3A_1833 : vector<64x1xi32>
    %select_n3A_1837 = arith.select %lt3A_1765, %select_n3A_1799, %neg3A_1836 : vector<64x1xi1>, vector<64x1xi32>
    %sub3A_1838 = vector.broadcast %select_n3A_1837 : vector<64x1xi32> to vector<64x96xi32>
    %sub3A_1839 = arith.subi %iota3A_1270, %sub3A_1838 : vector<64x96xi32>
    %sub3A_1840 = arith.constant 1 : i32
    %sub3A_1841 = vector.broadcast %sub3A_1840 : i32 to vector<64x1xi32>
    %sub3A_1842 = arith.subi %max3A_1762, %sub3A_1841 : vector<64x1xi32>
    %jit3A_1843 = arith.constant 0 : i32
    %max3A_1844 = vector.broadcast %jit3A_1843 : i32 to vector<64x96xi32>
    %max3A_1845 = arith.maxsi %max3A_1844, %sub3A_1839 : vector<64x96xi32>
    %min3A_1846 = vector.broadcast %sub3A_1842 : vector<64x1xi32> to vector<64x96xi32>
    %min3A_1847 = arith.minsi %min3A_1846, %max3A_1845 : vector<64x96xi32>
    %add3A_1848 = vector.broadcast %select_n3A_1717 : vector<64x1xi32> to vector<64x96xi32>
    %add3A_1849 = arith.addi %add3A_1848, %min3A_1847 : vector<64x96xi32>
    %jit3A_1850 = arith.constant 0 : i32
    %jit3A_1851 = arith.constant 999 : i32
    %max3A_1852 = vector.broadcast %jit3A_1850 : i32 to vector<64x96xi32>
    %max3A_1853 = arith.maxsi %max3A_1852, %add3A_1849 : vector<64x96xi32>
    %min3A_1854 = vector.broadcast %jit3A_1851 : i32 to vector<64x96xi32>
    %min3A_1855 = arith.minsi %min3A_1854, %max3A_1853 : vector<64x96xi32>
    %slice3A_1856 = vector.extract_strided_slice %min3A_1855 {offsets = [0, 0], sizes = [64, 1], strides = [1, 1]} : vector<64x96xi32> to vector<64x1xi32>
    %jit3A_1857 = arith.constant 128 : i32
    %div3A_1858 = vector.broadcast %jit3A_1857 : i32 to vector<64x1xi32>
    %div3A_1859 = arith.divsi %slice3A_1856, %div3A_1858 : vector<64x1xi32>
    %sign3A_1860 = arith.constant 0 : i32
    %sign3A_1861 = vector.broadcast %sign3A_1860 : i32 to vector<64x1xi32>
    %sign3A_1862 = arith.cmpi sgt, %slice3A_1856, %sign3A_1861 : vector<64x1xi32>
    %sign3A_1863 = arith.extui %sign3A_1862 : vector<64x1xi1> to vector<64x1xi32>
    %sign3A_1864 = arith.constant 0 : i32
    %sign3A_1865 = vector.broadcast %sign3A_1864 : i32 to vector<64x1xi32>
    %sign3A_1866 = arith.cmpi slt, %slice3A_1856, %sign3A_1865 : vector<64x1xi32>
    %sign3A_1867 = arith.extui %sign3A_1866 : vector<64x1xi1> to vector<64x1xi32>
    %sign3A_1868 = arith.subi %sign3A_1863, %sign3A_1867 : vector<64x1xi32>
    %sign3A_1869 = arith.constant 0 : i32
    %sign3A_1870 = arith.cmpi sgt, %jit3A_1857, %sign3A_1869 : i32
    %sign3A_1871 = arith.extui %sign3A_1870 : i1 to i32
    %sign3A_1872 = arith.constant 0 : i32
    %sign3A_1873 = arith.cmpi slt, %jit3A_1857, %sign3A_1872 : i32
    %sign3A_1874 = arith.extui %sign3A_1873 : i1 to i32
    %sign3A_1875 = arith.subi %sign3A_1871, %sign3A_1874 : i32
    %ne3A_1876 = vector.broadcast %sign3A_1875 : i32 to vector<64x1xi32>
    %ne3A_1877 = arith.cmpi ne, %sign3A_1868, %ne3A_1876 : vector<64x1xi32>
    %rem3A_1878 = vector.broadcast %jit3A_1857 : i32 to vector<64x1xi32>
    %rem3A_1879 = arith.remsi %slice3A_1856, %rem3A_1878 : vector<64x1xi32>
    %ne3A_1880 = arith.constant 0 : i32
    %ne3A_1881 = vector.broadcast %ne3A_1880 : i32 to vector<64x1xi32>
    %ne3A_1882 = arith.cmpi ne, %rem3A_1879, %ne3A_1881 : vector<64x1xi32>
    %and3A_1883 = arith.andi %ne3A_1877, %ne3A_1882 : vector<64x1xi1>
    %sub3A_1884 = arith.constant 1 : i32
    %sub3A_1885 = vector.broadcast %sub3A_1884 : i32 to vector<64x1xi32>
    %sub3A_1886 = arith.subi %div3A_1859, %sub3A_1885 : vector<64x1xi32>
    %select_n3A_1887 = arith.select %and3A_1883, %sub3A_1886, %div3A_1859 : vector<64x1xi1>, vector<64x1xi32>
    %gt3A_1888 = arith.constant 2 : i32
    %gt3A_1889 = vector.broadcast %gt3A_1888 : i32 to vector<64x1xi32>
    %gt3A_1890 = arith.cmpi sgt, %broadcast_in_dim3A_897, %gt3A_1889 : vector<64x1xi32>
    %mul3A_1891 = arith.constant 128 : i32
    %mul3A_1892 = vector.broadcast %mul3A_1891 : i32 to vector<64x1xi32>
    %mul3A_1893 = arith.muli %mul3A_1892, %select_n3A_1887 : vector<64x1xi32>
    %sub3A_1894 = vector.broadcast %mul3A_1893 : vector<64x1xi32> to vector<64x96xi32>
    %sub3A_1895 = arith.subi %min3A_1855, %sub3A_1894 : vector<64x96xi32>
    %jit3A_1896 = arith.constant 300 : i32
    %broadcast_in_dim3A_1897 = vector.shape_cast %gt3A_1890 : vector<64x1xi1> to vector<64x1xi1>
    %broadcast_in_dim3A_1898 = vector.broadcast %broadcast_in_dim3A_1897 : vector<64x1xi1> to vector<64x96xi1>
    %broadcast_in_dim3A_1899 = vector.broadcast %jit3A_1896 : i32 to vector<64x96xi32>
    %select_n3A_1900 = arith.select %broadcast_in_dim3A_1898, %sub3A_1895, %broadcast_in_dim3A_1899 : vector<64x96xi1>, vector<64x96xi32>
    %swap3A_1901 = arith.constant 0 : index
    %swap3A_1902 = arith.constant 2 : index
    %swap3A_1903 = arith.constant 0 : index
    %swap3A_1904 = vector.load %arg5[%swap3A_1901, %swap3A_1902, %swap3A_1903] : memref<64x10x96xi32, #tpu.memory_space<vmem>>, vector<64x1x96xi32>
    %swap3A_1905 = vector.shape_cast %swap3A_1904 : vector<64x1x96xi32> to vector<64x96xi32>
    %swap3A_1906 = vector.shape_cast %select_n3A_1900 : vector<64x96xi32> to vector<64x1x96xi32>
    tpu.vector_store %arg5[%swap3A_1901, %swap3A_1902, %swap3A_1903], %swap3A_1906 {strides = array<i32>} : memref<64x10x96xi32, #tpu.memory_space<vmem>>, vector<64x1x96xi32>,
    %slice3A_1907 = vector.extract_strided_slice %concatenate3A_1269 {offsets = [0, 3], sizes = [64, 1], strides = [1, 1]} : vector<64x25xi32> to vector<64x1xi32>
    %slice3A_1908 = vector.extract_strided_slice %concatenate3A_1269 {offsets = [0, 4], sizes = [64, 1], strides = [1, 1]} : vector<64x25xi32> to vector<64x1xi32>
    %slice3A_1909 = vector.extract_strided_slice %concatenate3A_1269 {offsets = [0, 2], sizes = [64, 1], strides = [1, 1]} : vector<64x25xi32> to vector<64x1xi32>
    %add3A_1910 = arith.addi %slice3A_1909, %slice3A_1907 : vector<64x1xi32>
    %jit3A_1911 = arith.constant 2 : i32
    %div3A_1912 = vector.broadcast %jit3A_1911 : i32 to vector<64x1xi32>
    %div3A_1913 = arith.divsi %add3A_1910, %div3A_1912 : vector<64x1xi32>
    %sign3A_1914 = arith.constant 0 : i32
    %sign3A_1915 = vector.broadcast %sign3A_1914 : i32 to vector<64x1xi32>
    %sign3A_1916 = arith.cmpi sgt, %add3A_1910, %sign3A_1915 : vector<64x1xi32>
    %sign3A_1917 = arith.extui %sign3A_1916 : vector<64x1xi1> to vector<64x1xi32>
    %sign3A_1918 = arith.constant 0 : i32
    %sign3A_1919 = vector.broadcast %sign3A_1918 : i32 to vector<64x1xi32>
    %sign3A_1920 = arith.cmpi slt, %add3A_1910, %sign3A_1919 : vector<64x1xi32>
    %sign3A_1921 = arith.extui %sign3A_1920 : vector<64x1xi1> to vector<64x1xi32>
    %sign3A_1922 = arith.subi %sign3A_1917, %sign3A_1921 : vector<64x1xi32>
    %sign3A_1923 = arith.constant 0 : i32
    %sign3A_1924 = arith.cmpi sgt, %jit3A_1911, %sign3A_1923 : i32
    %sign3A_1925 = arith.extui %sign3A_1924 : i1 to i32
    %sign3A_1926 = arith.constant 0 : i32
    %sign3A_1927 = arith.cmpi slt, %jit3A_1911, %sign3A_1926 : i32
    %sign3A_1928 = arith.extui %sign3A_1927 : i1 to i32
    %sign3A_1929 = arith.subi %sign3A_1925, %sign3A_1928 : i32
    %ne3A_1930 = vector.broadcast %sign3A_1929 : i32 to vector<64x1xi32>
    %ne3A_1931 = arith.cmpi ne, %sign3A_1922, %ne3A_1930 : vector<64x1xi32>
    %rem3A_1932 = vector.broadcast %jit3A_1911 : i32 to vector<64x1xi32>
    %rem3A_1933 = arith.remsi %add3A_1910, %rem3A_1932 : vector<64x1xi32>
    %ne3A_1934 = arith.constant 0 : i32
    %ne3A_1935 = vector.broadcast %ne3A_1934 : i32 to vector<64x1xi32>
    %ne3A_1936 = arith.cmpi ne, %rem3A_1933, %ne3A_1935 : vector<64x1xi32>
    %and3A_1937 = arith.andi %ne3A_1931, %ne3A_1936 : vector<64x1xi1>
    %sub3A_1938 = arith.constant 1 : i32
    %sub3A_1939 = vector.broadcast %sub3A_1938 : i32 to vector<64x1xi32>
    %sub3A_1940 = arith.subi %div3A_1913, %sub3A_1939 : vector<64x1xi32>
    %select_n3A_1941 = arith.select %and3A_1937, %sub3A_1940, %div3A_1913 : vector<64x1xi1>, vector<64x1xi32>
    %eq3A_1942 = arith.constant 4 : i32
    %eq3A_1943 = vector.broadcast %eq3A_1942 : i32 to vector<64x1xi32>
    %eq3A_1944 = arith.cmpi eq, %broadcast_in_dim3A_897, %eq3A_1943 : vector<64x1xi32>
    %add3A_1945 = arith.addi %slice3A_1907, %slice3A_1908 : vector<64x1xi32>
    %jit3A_1946 = arith.constant 2 : i32
    %div3A_1947 = vector.broadcast %jit3A_1946 : i32 to vector<64x1xi32>
    %div3A_1948 = arith.divsi %add3A_1945, %div3A_1947 : vector<64x1xi32>
    %sign3A_1949 = arith.constant 0 : i32
    %sign3A_1950 = vector.broadcast %sign3A_1949 : i32 to vector<64x1xi32>
    %sign3A_1951 = arith.cmpi sgt, %add3A_1945, %sign3A_1950 : vector<64x1xi32>
    %sign3A_1952 = arith.extui %sign3A_1951 : vector<64x1xi1> to vector<64x1xi32>
    %sign3A_1953 = arith.constant 0 : i32
    %sign3A_1954 = vector.broadcast %sign3A_1953 : i32 to vector<64x1xi32>
    %sign3A_1955 = arith.cmpi slt, %add3A_1945, %sign3A_1954 : vector<64x1xi32>
    %sign3A_1956 = arith.extui %sign3A_1955 : vector<64x1xi1> to vector<64x1xi32>
    %sign3A_1957 = arith.subi %sign3A_1952, %sign3A_1956 : vector<64x1xi32>
    %sign3A_1958 = arith.constant 0 : i32
    %sign3A_1959 = arith.cmpi sgt, %jit3A_1946, %sign3A_1958 : i32
    %sign3A_1960 = arith.extui %sign3A_1959 : i1 to i32
    %sign3A_1961 = arith.constant 0 : i32
    %sign3A_1962 = arith.cmpi slt, %jit3A_1946, %sign3A_1961 : i32
    %sign3A_1963 = arith.extui %sign3A_1962 : i1 to i32
    %sign3A_1964 = arith.subi %sign3A_1960, %sign3A_1963 : i32
    %ne3A_1965 = vector.broadcast %sign3A_1964 : i32 to vector<64x1xi32>
    %ne3A_1966 = arith.cmpi ne, %sign3A_1957, %ne3A_1965 : vector<64x1xi32>
    %rem3A_1967 = vector.broadcast %jit3A_1946 : i32 to vector<64x1xi32>
    %rem3A_1968 = arith.remsi %add3A_1945, %rem3A_1967 : vector<64x1xi32>
    %ne3A_1969 = arith.constant 0 : i32
    %ne3A_1970 = vector.broadcast %ne3A_1969 : i32 to vector<64x1xi32>
    %ne3A_1971 = arith.cmpi ne, %rem3A_1968, %ne3A_1970 : vector<64x1xi32>
    %and3A_1972 = arith.andi %ne3A_1966, %ne3A_1971 : vector<64x1xi1>
    %sub3A_1973 = arith.constant 1 : i32
    %sub3A_1974 = vector.broadcast %sub3A_1973 : i32 to vector<64x1xi32>
    %sub3A_1975 = arith.subi %div3A_1948, %sub3A_1974 : vector<64x1xi32>
    %select_n3A_1976 = arith.select %and3A_1972, %sub3A_1975, %div3A_1948 : vector<64x1xi1>, vector<64x1xi32>
    %jit3A_1977 = arith.constant 1000 : i32
    %broadcast_in_dim3A_1978 = vector.broadcast %jit3A_1977 : i32 to vector<64x1xi32>
    %select_n3A_1979 = arith.select %eq3A_1944, %broadcast_in_dim3A_1978, %select_n3A_1976 : vector<64x1xi1>, vector<64x1xi32>
    %min3A_1980 = arith.constant 1000 : i32
    %min3A_1981 = vector.broadcast %min3A_1980 : i32 to vector<64x1xi32>
    %min3A_1982 = arith.minsi %select_n3A_1979, %min3A_1981 : vector<64x1xi32>
    %sub3A_1983 = arith.subi %min3A_1982, %select_n3A_1941 : vector<64x1xi32>
    %max3A_1984 = arith.constant 1 : i32
    %max3A_1985 = vector.broadcast %max3A_1984 : i32 to vector<64x1xi32>
    %max3A_1986 = arith.maxsi %sub3A_1983, %max3A_1985 : vector<64x1xi32>
    %lt3A_1987 = arith.constant 96 : i32
    %lt3A_1988 = vector.broadcast %lt3A_1987 : i32 to vector<64x1xi32>
    %lt3A_1989 = arith.cmpi slt, %max3A_1986, %lt3A_1988 : vector<64x1xi32>
    %sub3A_1990 = arith.constant 96 : i32
    %sub3A_1991 = vector.broadcast %sub3A_1990 : i32 to vector<64x1xi32>
    %sub3A_1992 = arith.subi %sub3A_1991, %max3A_1986 : vector<64x1xi32>
    %jit3A_1993 = arith.constant 2 : i32
    %div3A_1994 = vector.broadcast %jit3A_1993 : i32 to vector<64x1xi32>
    %div3A_1995 = arith.divsi %sub3A_1992, %div3A_1994 : vector<64x1xi32>
    %sign3A_1996 = arith.constant 0 : i32
    %sign3A_1997 = vector.broadcast %sign3A_1996 : i32 to vector<64x1xi32>
    %sign3A_1998 = arith.cmpi sgt, %sub3A_1992, %sign3A_1997 : vector<64x1xi32>
    %sign3A_1999 = arith.extui %sign3A_1998 : vector<64x1xi1> to vector<64x1xi32>
    %sign3A_2000 = arith.constant 0 : i32
    %sign3A_2001 = vector.broadcast %sign3A_2000 : i32 to vector<64x1xi32>
    %sign3A_2002 = arith.cmpi slt, %sub3A_1992, %sign3A_2001 : vector<64x1xi32>
    %sign3A_2003 = arith.extui %sign3A_2002 : vector<64x1xi1> to vector<64x1xi32>
    %sign3A_2004 = arith.subi %sign3A_1999, %sign3A_2003 : vector<64x1xi32>
    %sign3A_2005 = arith.constant 0 : i32
    %sign3A_2006 = arith.cmpi sgt, %jit3A_1993, %sign3A_2005 : i32
    %sign3A_2007 = arith.extui %sign3A_2006 : i1 to i32
    %sign3A_2008 = arith.constant 0 : i32
    %sign3A_2009 = arith.cmpi slt, %jit3A_1993, %sign3A_2008 : i32
    %sign3A_2010 = arith.extui %sign3A_2009 : i1 to i32
    %sign3A_2011 = arith.subi %sign3A_2007, %sign3A_2010 : i32
    %ne3A_2012 = vector.broadcast %sign3A_2011 : i32 to vector<64x1xi32>
    %ne3A_2013 = arith.cmpi ne, %sign3A_2004, %ne3A_2012 : vector<64x1xi32>
    %rem3A_2014 = vector.broadcast %jit3A_1993 : i32 to vector<64x1xi32>
    %rem3A_2015 = arith.remsi %sub3A_1992, %rem3A_2014 : vector<64x1xi32>
    %ne3A_2016 = arith.constant 0 : i32
    %ne3A_2017 = vector.broadcast %ne3A_2016 : i32 to vector<64x1xi32>
    %ne3A_2018 = arith.cmpi ne, %rem3A_2015, %ne3A_2017 : vector<64x1xi32>
    %and3A_2019 = arith.andi %ne3A_2013, %ne3A_2018 : vector<64x1xi1>
    %sub3A_2020 = arith.constant 1 : i32
    %sub3A_2021 = vector.broadcast %sub3A_2020 : i32 to vector<64x1xi32>
    %sub3A_2022 = arith.subi %div3A_1995, %sub3A_2021 : vector<64x1xi32>
    %select_n3A_2023 = arith.select %and3A_2019, %sub3A_2022, %div3A_1995 : vector<64x1xi1>, vector<64x1xi32>
    %sub3A_2024 = arith.constant 96 : i32
    %sub3A_2025 = vector.broadcast %sub3A_2024 : i32 to vector<64x1xi32>
    %sub3A_2026 = arith.subi %max3A_1986, %sub3A_2025 : vector<64x1xi32>
    %jit3A_2027 = arith.constant 2 : i32
    %div3A_2028 = vector.broadcast %jit3A_2027 : i32 to vector<64x1xi32>
    %div3A_2029 = arith.divsi %sub3A_2026, %div3A_2028 : vector<64x1xi32>
    %sign3A_2030 = arith.constant 0 : i32
    %sign3A_2031 = vector.broadcast %sign3A_2030 : i32 to vector<64x1xi32>
    %sign3A_2032 = arith.cmpi sgt, %sub3A_2026, %sign3A_2031 : vector<64x1xi32>
    %sign3A_2033 = arith.extui %sign3A_2032 : vector<64x1xi1> to vector<64x1xi32>
    %sign3A_2034 = arith.constant 0 : i32
    %sign3A_2035 = vector.broadcast %sign3A_2034 : i32 to vector<64x1xi32>
    %sign3A_2036 = arith.cmpi slt, %sub3A_2026, %sign3A_2035 : vector<64x1xi32>
    %sign3A_2037 = arith.extui %sign3A_2036 : vector<64x1xi1> to vector<64x1xi32>
    %sign3A_2038 = arith.subi %sign3A_2033, %sign3A_2037 : vector<64x1xi32>
    %sign3A_2039 = arith.constant 0 : i32
    %sign3A_2040 = arith.cmpi sgt, %jit3A_2027, %sign3A_2039 : i32
    %sign3A_2041 = arith.extui %sign3A_2040 : i1 to i32
    %sign3A_2042 = arith.constant 0 : i32
    %sign3A_2043 = arith.cmpi slt, %jit3A_2027, %sign3A_2042 : i32
    %sign3A_2044 = arith.extui %sign3A_2043 : i1 to i32
    %sign3A_2045 = arith.subi %sign3A_2041, %sign3A_2044 : i32
    %ne3A_2046 = vector.broadcast %sign3A_2045 : i32 to vector<64x1xi32>
    %ne3A_2047 = arith.cmpi ne, %sign3A_2038, %ne3A_2046 : vector<64x1xi32>
    %rem3A_2048 = vector.broadcast %jit3A_2027 : i32 to vector<64x1xi32>
    %rem3A_2049 = arith.remsi %sub3A_2026, %rem3A_2048 : vector<64x1xi32>
    %ne3A_2050 = arith.constant 0 : i32
    %ne3A_2051 = vector.broadcast %ne3A_2050 : i32 to vector<64x1xi32>
    %ne3A_2052 = arith.cmpi ne, %rem3A_2049, %ne3A_2051 : vector<64x1xi32>
    %and3A_2053 = arith.andi %ne3A_2047, %ne3A_2052 : vector<64x1xi1>
    %sub3A_2054 = arith.constant 1 : i32
    %sub3A_2055 = vector.broadcast %sub3A_2054 : i32 to vector<64x1xi32>
    %sub3A_2056 = arith.subi %div3A_2029, %sub3A_2055 : vector<64x1xi32>
    %select_n3A_2057 = arith.select %and3A_2053, %sub3A_2056, %div3A_2029 : vector<64x1xi1>, vector<64x1xi32>
    %neg3A_2058 = arith.constant 0 : i32
    %neg3A_2059 = vector.broadcast %neg3A_2058 : i32 to vector<64x1xi32>
    %neg3A_2060 = arith.subi %neg3A_2059, %select_n3A_2057 : vector<64x1xi32>
    %select_n3A_2061 = arith.select %lt3A_1989, %select_n3A_2023, %neg3A_2060 : vector<64x1xi1>, vector<64x1xi32>
    %sub3A_2062 = vector.broadcast %select_n3A_2061 : vector<64x1xi32> to vector<64x96xi32>
    %sub3A_2063 = arith.subi %iota3A_1270, %sub3A_2062 : vector<64x96xi32>
    %sub3A_2064 = arith.constant 1 : i32
    %sub3A_2065 = vector.broadcast %sub3A_2064 : i32 to vector<64x1xi32>
    %sub3A_2066 = arith.subi %max3A_1986, %sub3A_2065 : vector<64x1xi32>
    %jit3A_2067 = arith.constant 0 : i32
    %max3A_2068 = vector.broadcast %jit3A_2067 : i32 to vector<64x96xi32>
    %max3A_2069 = arith.maxsi %max3A_2068, %sub3A_2063 : vector<64x96xi32>
    %min3A_2070 = vector.broadcast %sub3A_2066 : vector<64x1xi32> to vector<64x96xi32>
    %min3A_2071 = arith.minsi %min3A_2070, %max3A_2069 : vector<64x96xi32>
    %add3A_2072 = vector.broadcast %select_n3A_1941 : vector<64x1xi32> to vector<64x96xi32>
    %add3A_2073 = arith.addi %add3A_2072, %min3A_2071 : vector<64x96xi32>
    %jit3A_2074 = arith.constant 0 : i32
    %jit3A_2075 = arith.constant 999 : i32
    %max3A_2076 = vector.broadcast %jit3A_2074 : i32 to vector<64x96xi32>
    %max3A_2077 = arith.maxsi %max3A_2076, %add3A_2073 : vector<64x96xi32>
    %min3A_2078 = vector.broadcast %jit3A_2075 : i32 to vector<64x96xi32>
    %min3A_2079 = arith.minsi %min3A_2078, %max3A_2077 : vector<64x96xi32>
    %slice3A_2080 = vector.extract_strided_slice %min3A_2079 {offsets = [0, 0], sizes = [64, 1], strides = [1, 1]} : vector<64x96xi32> to vector<64x1xi32>
    %jit3A_2081 = arith.constant 128 : i32
    %div3A_2082 = vector.broadcast %jit3A_2081 : i32 to vector<64x1xi32>
    %div3A_2083 = arith.divsi %slice3A_2080, %div3A_2082 : vector<64x1xi32>
    %sign3A_2084 = arith.constant 0 : i32
    %sign3A_2085 = vector.broadcast %sign3A_2084 : i32 to vector<64x1xi32>
    %sign3A_2086 = arith.cmpi sgt, %slice3A_2080, %sign3A_2085 : vector<64x1xi32>
    %sign3A_2087 = arith.extui %sign3A_2086 : vector<64x1xi1> to vector<64x1xi32>
    %sign3A_2088 = arith.constant 0 : i32
    %sign3A_2089 = vector.broadcast %sign3A_2088 : i32 to vector<64x1xi32>
    %sign3A_2090 = arith.cmpi slt, %slice3A_2080, %sign3A_2089 : vector<64x1xi32>
    %sign3A_2091 = arith.extui %sign3A_2090 : vector<64x1xi1> to vector<64x1xi32>
    %sign3A_2092 = arith.subi %sign3A_2087, %sign3A_2091 : vector<64x1xi32>
    %sign3A_2093 = arith.constant 0 : i32
    %sign3A_2094 = arith.cmpi sgt, %jit3A_2081, %sign3A_2093 : i32
    %sign3A_2095 = arith.extui %sign3A_2094 : i1 to i32
    %sign3A_2096 = arith.constant 0 : i32
    %sign3A_2097 = arith.cmpi slt, %jit3A_2081, %sign3A_2096 : i32
    %sign3A_2098 = arith.extui %sign3A_2097 : i1 to i32
    %sign3A_2099 = arith.subi %sign3A_2095, %sign3A_2098 : i32
    %ne3A_2100 = vector.broadcast %sign3A_2099 : i32 to vector<64x1xi32>
    %ne3A_2101 = arith.cmpi ne, %sign3A_2092, %ne3A_2100 : vector<64x1xi32>
    %rem3A_2102 = vector.broadcast %jit3A_2081 : i32 to vector<64x1xi32>
    %rem3A_2103 = arith.remsi %slice3A_2080, %rem3A_2102 : vector<64x1xi32>
    %ne3A_2104 = arith.constant 0 : i32
    %ne3A_2105 = vector.broadcast %ne3A_2104 : i32 to vector<64x1xi32>
    %ne3A_2106 = arith.cmpi ne, %rem3A_2103, %ne3A_2105 : vector<64x1xi32>
    %and3A_2107 = arith.andi %ne3A_2101, %ne3A_2106 : vector<64x1xi1>
    %sub3A_2108 = arith.constant 1 : i32
    %sub3A_2109 = vector.broadcast %sub3A_2108 : i32 to vector<64x1xi32>
    %sub3A_2110 = arith.subi %div3A_2083, %sub3A_2109 : vector<64x1xi32>
    %select_n3A_2111 = arith.select %and3A_2107, %sub3A_2110, %div3A_2083 : vector<64x1xi1>, vector<64x1xi32>
    %gt3A_2112 = arith.constant 3 : i32
    %gt3A_2113 = vector.broadcast %gt3A_2112 : i32 to vector<64x1xi32>
    %gt3A_2114 = arith.cmpi sgt, %broadcast_in_dim3A_897, %gt3A_2113 : vector<64x1xi32>
    %mul3A_2115 = arith.constant 128 : i32
    %mul3A_2116 = vector.broadcast %mul3A_2115 : i32 to vector<64x1xi32>
    %mul3A_2117 = arith.muli %mul3A_2116, %select_n3A_2111 : vector<64x1xi32>
    %sub3A_2118 = vector.broadcast %mul3A_2117 : vector<64x1xi32> to vector<64x96xi32>
    %sub3A_2119 = arith.subi %min3A_2079, %sub3A_2118 : vector<64x96xi32>
    %jit3A_2120 = arith.constant 300 : i32
    %broadcast_in_dim3A_2121 = vector.shape_cast %gt3A_2114 : vector<64x1xi1> to vector<64x1xi1>
    %broadcast_in_dim3A_2122 = vector.broadcast %broadcast_in_dim3A_2121 : vector<64x1xi1> to vector<64x96xi1>
    %broadcast_in_dim3A_2123 = vector.broadcast %jit3A_2120 : i32 to vector<64x96xi32>
    %select_n3A_2124 = arith.select %broadcast_in_dim3A_2122, %sub3A_2119, %broadcast_in_dim3A_2123 : vector<64x96xi1>, vector<64x96xi32>
    %swap3A_2125 = arith.constant 0 : index
    %swap3A_2126 = arith.constant 3 : index
    %swap3A_2127 = arith.constant 0 : index
    %swap3A_2128 = vector.load %arg5[%swap3A_2125, %swap3A_2126, %swap3A_2127] : memref<64x10x96xi32, #tpu.memory_space<vmem>>, vector<64x1x96xi32>
    %swap3A_2129 = vector.shape_cast %swap3A_2128 : vector<64x1x96xi32> to vector<64x96xi32>
    %swap3A_2130 = vector.shape_cast %select_n3A_2124 : vector<64x96xi32> to vector<64x1x96xi32>
    tpu.vector_store %arg5[%swap3A_2125, %swap3A_2126, %swap3A_2127], %swap3A_2130 {strides = array<i32>} : memref<64x10x96xi32, #tpu.memory_space<vmem>>, vector<64x1x96xi32>,
    %slice3A_2131 = vector.extract_strided_slice %concatenate3A_1269 {offsets = [0, 4], sizes = [64, 1], strides = [1, 1]} : vector<64x25xi32> to vector<64x1xi32>
    %slice3A_2132 = vector.extract_strided_slice %concatenate3A_1269 {offsets = [0, 5], sizes = [64, 1], strides = [1, 1]} : vector<64x25xi32> to vector<64x1xi32>
    %slice3A_2133 = vector.extract_strided_slice %concatenate3A_1269 {offsets = [0, 3], sizes = [64, 1], strides = [1, 1]} : vector<64x25xi32> to vector<64x1xi32>
    %add3A_2134 = arith.addi %slice3A_2133, %slice3A_2131 : vector<64x1xi32>
    %jit3A_2135 = arith.constant 2 : i32
    %div3A_2136 = vector.broadcast %jit3A_2135 : i32 to vector<64x1xi32>
    %div3A_2137 = arith.divsi %add3A_2134, %div3A_2136 : vector<64x1xi32>
    %sign3A_2138 = arith.constant 0 : i32
    %sign3A_2139 = vector.broadcast %sign3A_2138 : i32 to vector<64x1xi32>
    %sign3A_2140 = arith.cmpi sgt, %add3A_2134, %sign3A_2139 : vector<64x1xi32>
    %sign3A_2141 = arith.extui %sign3A_2140 : vector<64x1xi1> to vector<64x1xi32>
    %sign3A_2142 = arith.constant 0 : i32
    %sign3A_2143 = vector.broadcast %sign3A_2142 : i32 to vector<64x1xi32>
    %sign3A_2144 = arith.cmpi slt, %add3A_2134, %sign3A_2143 : vector<64x1xi32>
    %sign3A_2145 = arith.extui %sign3A_2144 : vector<64x1xi1> to vector<64x1xi32>
    %sign3A_2146 = arith.subi %sign3A_2141, %sign3A_2145 : vector<64x1xi32>
    %sign3A_2147 = arith.constant 0 : i32
    %sign3A_2148 = arith.cmpi sgt, %jit3A_2135, %sign3A_2147 : i32
    %sign3A_2149 = arith.extui %sign3A_2148 : i1 to i32
    %sign3A_2150 = arith.constant 0 : i32
    %sign3A_2151 = arith.cmpi slt, %jit3A_2135, %sign3A_2150 : i32
    %sign3A_2152 = arith.extui %sign3A_2151 : i1 to i32
    %sign3A_2153 = arith.subi %sign3A_2149, %sign3A_2152 : i32
    %ne3A_2154 = vector.broadcast %sign3A_2153 : i32 to vector<64x1xi32>
    %ne3A_2155 = arith.cmpi ne, %sign3A_2146, %ne3A_2154 : vector<64x1xi32>
    %rem3A_2156 = vector.broadcast %jit3A_2135 : i32 to vector<64x1xi32>
    %rem3A_2157 = arith.remsi %add3A_2134, %rem3A_2156 : vector<64x1xi32>
    %ne3A_2158 = arith.constant 0 : i32
    %ne3A_2159 = vector.broadcast %ne3A_2158 : i32 to vector<64x1xi32>
    %ne3A_2160 = arith.cmpi ne, %rem3A_2157, %ne3A_2159 : vector<64x1xi32>
    %and3A_2161 = arith.andi %ne3A_2155, %ne3A_2160 : vector<64x1xi1>
    %sub3A_2162 = arith.constant 1 : i32
    %sub3A_2163 = vector.broadcast %sub3A_2162 : i32 to vector<64x1xi32>
    %sub3A_2164 = arith.subi %div3A_2137, %sub3A_2163 : vector<64x1xi32>
    %select_n3A_2165 = arith.select %and3A_2161, %sub3A_2164, %div3A_2137 : vector<64x1xi1>, vector<64x1xi32>
    %eq3A_2166 = arith.constant 5 : i32
    %eq3A_2167 = vector.broadcast %eq3A_2166 : i32 to vector<64x1xi32>
    %eq3A_2168 = arith.cmpi eq, %broadcast_in_dim3A_897, %eq3A_2167 : vector<64x1xi32>
    %add3A_2169 = arith.addi %slice3A_2131, %slice3A_2132 : vector<64x1xi32>
    %jit3A_2170 = arith.constant 2 : i32
    %div3A_2171 = vector.broadcast %jit3A_2170 : i32 to vector<64x1xi32>
    %div3A_2172 = arith.divsi %add3A_2169, %div3A_2171 : vector<64x1xi32>
    %sign3A_2173 = arith.constant 0 : i32
    %sign3A_2174 = vector.broadcast %sign3A_2173 : i32 to vector<64x1xi32>
    %sign3A_2175 = arith.cmpi sgt, %add3A_2169, %sign3A_2174 : vector<64x1xi32>
    %sign3A_2176 = arith.extui %sign3A_2175 : vector<64x1xi1> to vector<64x1xi32>
    %sign3A_2177 = arith.constant 0 : i32
    %sign3A_2178 = vector.broadcast %sign3A_2177 : i32 to vector<64x1xi32>
    %sign3A_2179 = arith.cmpi slt, %add3A_2169, %sign3A_2178 : vector<64x1xi32>
    %sign3A_2180 = arith.extui %sign3A_2179 : vector<64x1xi1> to vector<64x1xi32>
    %sign3A_2181 = arith.subi %sign3A_2176, %sign3A_2180 : vector<64x1xi32>
    %sign3A_2182 = arith.constant 0 : i32
    %sign3A_2183 = arith.cmpi sgt, %jit3A_2170, %sign3A_2182 : i32
    %sign3A_2184 = arith.extui %sign3A_2183 : i1 to i32
    %sign3A_2185 = arith.constant 0 : i32
    %sign3A_2186 = arith.cmpi slt, %jit3A_2170, %sign3A_2185 : i32
    %sign3A_2187 = arith.extui %sign3A_2186 : i1 to i32
    %sign3A_2188 = arith.subi %sign3A_2184, %sign3A_2187 : i32
    %ne3A_2189 = vector.broadcast %sign3A_2188 : i32 to vector<64x1xi32>
    %ne3A_2190 = arith.cmpi ne, %sign3A_2181, %ne3A_2189 : vector<64x1xi32>
    %rem3A_2191 = vector.broadcast %jit3A_2170 : i32 to vector<64x1xi32>
    %rem3A_2192 = arith.remsi %add3A_2169, %rem3A_2191 : vector<64x1xi32>
    %ne3A_2193 = arith.constant 0 : i32
    %ne3A_2194 = vector.broadcast %ne3A_2193 : i32 to vector<64x1xi32>
    %ne3A_2195 = arith.cmpi ne, %rem3A_2192, %ne3A_2194 : vector<64x1xi32>
    %and3A_2196 = arith.andi %ne3A_2190, %ne3A_2195 : vector<64x1xi1>
    %sub3A_2197 = arith.constant 1 : i32
    %sub3A_2198 = vector.broadcast %sub3A_2197 : i32 to vector<64x1xi32>
    %sub3A_2199 = arith.subi %div3A_2172, %sub3A_2198 : vector<64x1xi32>
    %select_n3A_2200 = arith.select %and3A_2196, %sub3A_2199, %div3A_2172 : vector<64x1xi1>, vector<64x1xi32>
    %jit3A_2201 = arith.constant 1000 : i32
    %broadcast_in_dim3A_2202 = vector.broadcast %jit3A_2201 : i32 to vector<64x1xi32>
    %select_n3A_2203 = arith.select %eq3A_2168, %broadcast_in_dim3A_2202, %select_n3A_2200 : vector<64x1xi1>, vector<64x1xi32>
    %min3A_2204 = arith.constant 1000 : i32
    %min3A_2205 = vector.broadcast %min3A_2204 : i32 to vector<64x1xi32>
    %min3A_2206 = arith.minsi %select_n3A_2203, %min3A_2205 : vector<64x1xi32>
    %sub3A_2207 = arith.subi %min3A_2206, %select_n3A_2165 : vector<64x1xi32>
    %max3A_2208 = arith.constant 1 : i32
    %max3A_2209 = vector.broadcast %max3A_2208 : i32 to vector<64x1xi32>
    %max3A_2210 = arith.maxsi %sub3A_2207, %max3A_2209 : vector<64x1xi32>
    %lt3A_2211 = arith.constant 96 : i32
    %lt3A_2212 = vector.broadcast %lt3A_2211 : i32 to vector<64x1xi32>
    %lt3A_2213 = arith.cmpi slt, %max3A_2210, %lt3A_2212 : vector<64x1xi32>
    %sub3A_2214 = arith.constant 96 : i32
    %sub3A_2215 = vector.broadcast %sub3A_2214 : i32 to vector<64x1xi32>
    %sub3A_2216 = arith.subi %sub3A_2215, %max3A_2210 : vector<64x1xi32>
    %jit3A_2217 = arith.constant 2 : i32
    %div3A_2218 = vector.broadcast %jit3A_2217 : i32 to vector<64x1xi32>
    %div3A_2219 = arith.divsi %sub3A_2216, %div3A_2218 : vector<64x1xi32>
    %sign3A_2220 = arith.constant 0 : i32
    %sign3A_2221 = vector.broadcast %sign3A_2220 : i32 to vector<64x1xi32>
    %sign3A_2222 = arith.cmpi sgt, %sub3A_2216, %sign3A_2221 : vector<64x1xi32>
    %sign3A_2223 = arith.extui %sign3A_2222 : vector<64x1xi1> to vector<64x1xi32>
    %sign3A_2224 = arith.constant 0 : i32
    %sign3A_2225 = vector.broadcast %sign3A_2224 : i32 to vector<64x1xi32>
    %sign3A_2226 = arith.cmpi slt, %sub3A_2216, %sign3A_2225 : vector<64x1xi32>
    %sign3A_2227 = arith.extui %sign3A_2226 : vector<64x1xi1> to vector<64x1xi32>
    %sign3A_2228 = arith.subi %sign3A_2223, %sign3A_2227 : vector<64x1xi32>
    %sign3A_2229 = arith.constant 0 : i32
    %sign3A_2230 = arith.cmpi sgt, %jit3A_2217, %sign3A_2229 : i32
    %sign3A_2231 = arith.extui %sign3A_2230 : i1 to i32
    %sign3A_2232 = arith.constant 0 : i32
    %sign3A_2233 = arith.cmpi slt, %jit3A_2217, %sign3A_2232 : i32
    %sign3A_2234 = arith.extui %sign3A_2233 : i1 to i32
    %sign3A_2235 = arith.subi %sign3A_2231, %sign3A_2234 : i32
    %ne3A_2236 = vector.broadcast %sign3A_2235 : i32 to vector<64x1xi32>
    %ne3A_2237 = arith.cmpi ne, %sign3A_2228, %ne3A_2236 : vector<64x1xi32>
    %rem3A_2238 = vector.broadcast %jit3A_2217 : i32 to vector<64x1xi32>
    %rem3A_2239 = arith.remsi %sub3A_2216, %rem3A_2238 : vector<64x1xi32>
    %ne3A_2240 = arith.constant 0 : i32
    %ne3A_2241 = vector.broadcast %ne3A_2240 : i32 to vector<64x1xi32>
    %ne3A_2242 = arith.cmpi ne, %rem3A_2239, %ne3A_2241 : vector<64x1xi32>
    %and3A_2243 = arith.andi %ne3A_2237, %ne3A_2242 : vector<64x1xi1>
    %sub3A_2244 = arith.constant 1 : i32
    %sub3A_2245 = vector.broadcast %sub3A_2244 : i32 to vector<64x1xi32>
    %sub3A_2246 = arith.subi %div3A_2219, %sub3A_2245 : vector<64x1xi32>
    %select_n3A_2247 = arith.select %and3A_2243, %sub3A_2246, %div3A_2219 : vector<64x1xi1>, vector<64x1xi32>
    %sub3A_2248 = arith.constant 96 : i32
    %sub3A_2249 = vector.broadcast %sub3A_2248 : i32 to vector<64x1xi32>
    %sub3A_2250 = arith.subi %max3A_2210, %sub3A_2249 : vector<64x1xi32>
    %jit3A_2251 = arith.constant 2 : i32
    %div3A_2252 = vector.broadcast %jit3A_2251 : i32 to vector<64x1xi32>
    %div3A_2253 = arith.divsi %sub3A_2250, %div3A_2252 : vector<64x1xi32>
    %sign3A_2254 = arith.constant 0 : i32
    %sign3A_2255 = vector.broadcast %sign3A_2254 : i32 to vector<64x1xi32>
    %sign3A_2256 = arith.cmpi sgt, %sub3A_2250, %sign3A_2255 : vector<64x1xi32>
    %sign3A_2257 = arith.extui %sign3A_2256 : vector<64x1xi1> to vector<64x1xi32>
    %sign3A_2258 = arith.constant 0 : i32
    %sign3A_2259 = vector.broadcast %sign3A_2258 : i32 to vector<64x1xi32>
    %sign3A_2260 = arith.cmpi slt, %sub3A_2250, %sign3A_2259 : vector<64x1xi32>
    %sign3A_2261 = arith.extui %sign3A_2260 : vector<64x1xi1> to vector<64x1xi32>
    %sign3A_2262 = arith.subi %sign3A_2257, %sign3A_2261 : vector<64x1xi32>
    %sign3A_2263 = arith.constant 0 : i32
    %sign3A_2264 = arith.cmpi sgt, %jit3A_2251, %sign3A_2263 : i32
    %sign3A_2265 = arith.extui %sign3A_2264 : i1 to i32
    %sign3A_2266 = arith.constant 0 : i32
    %sign3A_2267 = arith.cmpi slt, %jit3A_2251, %sign3A_2266 : i32
    %sign3A_2268 = arith.extui %sign3A_2267 : i1 to i32
    %sign3A_2269 = arith.subi %sign3A_2265, %sign3A_2268 : i32
    %ne3A_2270 = vector.broadcast %sign3A_2269 : i32 to vector<64x1xi32>
    %ne3A_2271 = arith.cmpi ne, %sign3A_2262, %ne3A_2270 : vector<64x1xi32>
    %rem3A_2272 = vector.broadcast %jit3A_2251 : i32 to vector<64x1xi32>
    %rem3A_2273 = arith.remsi %sub3A_2250, %rem3A_2272 : vector<64x1xi32>
    %ne3A_2274 = arith.constant 0 : i32
    %ne3A_2275 = vector.broadcast %ne3A_2274 : i32 to vector<64x1xi32>
    %ne3A_2276 = arith.cmpi ne, %rem3A_2273, %ne3A_2275 : vector<64x1xi32>
    %and3A_2277 = arith.andi %ne3A_2271, %ne3A_2276 : vector<64x1xi1>
    %sub3A_2278 = arith.constant 1 : i32
    %sub3A_2279 = vector.broadcast %sub3A_2278 : i32 to vector<64x1xi32>
    %sub3A_2280 = arith.subi %div3A_2253, %sub3A_2279 : vector<64x1xi32>
    %select_n3A_2281 = arith.select %and3A_2277, %sub3A_2280, %div3A_2253 : vector<64x1xi1>, vector<64x1xi32>
    %neg3A_2282 = arith.constant 0 : i32
    %neg3A_2283 = vector.broadcast %neg3A_2282 : i32 to vector<64x1xi32>
    %neg3A_2284 = arith.subi %neg3A_2283, %select_n3A_2281 : vector<64x1xi32>
    %select_n3A_2285 = arith.select %lt3A_2213, %select_n3A_2247, %neg3A_2284 : vector<64x1xi1>, vector<64x1xi32>
    %sub3A_2286 = vector.broadcast %select_n3A_2285 : vector<64x1xi32> to vector<64x96xi32>
    %sub3A_2287 = arith.subi %iota3A_1270, %sub3A_2286 : vector<64x96xi32>
    %sub3A_2288 = arith.constant 1 : i32
    %sub3A_2289 = vector.broadcast %sub3A_2288 : i32 to vector<64x1xi32>
    %sub3A_2290 = arith.subi %max3A_2210, %sub3A_2289 : vector<64x1xi32>
    %jit3A_2291 = arith.constant 0 : i32
    %max3A_2292 = vector.broadcast %jit3A_2291 : i32 to vector<64x96xi32>
    %max3A_2293 = arith.maxsi %max3A_2292, %sub3A_2287 : vector<64x96xi32>
    %min3A_2294 = vector.broadcast %sub3A_2290 : vector<64x1xi32> to vector<64x96xi32>
    %min3A_2295 = arith.minsi %min3A_2294, %max3A_2293 : vector<64x96xi32>
    %add3A_2296 = vector.broadcast %select_n3A_2165 : vector<64x1xi32> to vector<64x96xi32>
    %add3A_2297 = arith.addi %add3A_2296, %min3A_2295 : vector<64x96xi32>
    %jit3A_2298 = arith.constant 0 : i32
    %jit3A_2299 = arith.constant 999 : i32
    %max3A_2300 = vector.broadcast %jit3A_2298 : i32 to vector<64x96xi32>
    %max3A_2301 = arith.maxsi %max3A_2300, %add3A_2297 : vector<64x96xi32>
    %min3A_2302 = vector.broadcast %jit3A_2299 : i32 to vector<64x96xi32>
    %min3A_2303 = arith.minsi %min3A_2302, %max3A_2301 : vector<64x96xi32>
    %slice3A_2304 = vector.extract_strided_slice %min3A_2303 {offsets = [0, 0], sizes = [64, 1], strides = [1, 1]} : vector<64x96xi32> to vector<64x1xi32>
    %jit3A_2305 = arith.constant 128 : i32
    %div3A_2306 = vector.broadcast %jit3A_2305 : i32 to vector<64x1xi32>
    %div3A_2307 = arith.divsi %slice3A_2304, %div3A_2306 : vector<64x1xi32>
    %sign3A_2308 = arith.constant 0 : i32
    %sign3A_2309 = vector.broadcast %sign3A_2308 : i32 to vector<64x1xi32>
    %sign3A_2310 = arith.cmpi sgt, %slice3A_2304, %sign3A_2309 : vector<64x1xi32>
    %sign3A_2311 = arith.extui %sign3A_2310 : vector<64x1xi1> to vector<64x1xi32>
    %sign3A_2312 = arith.constant 0 : i32
    %sign3A_2313 = vector.broadcast %sign3A_2312 : i32 to vector<64x1xi32>
    %sign3A_2314 = arith.cmpi slt, %slice3A_2304, %sign3A_2313 : vector<64x1xi32>
    %sign3A_2315 = arith.extui %sign3A_2314 : vector<64x1xi1> to vector<64x1xi32>
    %sign3A_2316 = arith.subi %sign3A_2311, %sign3A_2315 : vector<64x1xi32>
    %sign3A_2317 = arith.constant 0 : i32
    %sign3A_2318 = arith.cmpi sgt, %jit3A_2305, %sign3A_2317 : i32
    %sign3A_2319 = arith.extui %sign3A_2318 : i1 to i32
    %sign3A_2320 = arith.constant 0 : i32
    %sign3A_2321 = arith.cmpi slt, %jit3A_2305, %sign3A_2320 : i32
    %sign3A_2322 = arith.extui %sign3A_2321 : i1 to i32
    %sign3A_2323 = arith.subi %sign3A_2319, %sign3A_2322 : i32
    %ne3A_2324 = vector.broadcast %sign3A_2323 : i32 to vector<64x1xi32>
    %ne3A_2325 = arith.cmpi ne, %sign3A_2316, %ne3A_2324 : vector<64x1xi32>
    %rem3A_2326 = vector.broadcast %jit3A_2305 : i32 to vector<64x1xi32>
    %rem3A_2327 = arith.remsi %slice3A_2304, %rem3A_2326 : vector<64x1xi32>
    %ne3A_2328 = arith.constant 0 : i32
    %ne3A_2329 = vector.broadcast %ne3A_2328 : i32 to vector<64x1xi32>
    %ne3A_2330 = arith.cmpi ne, %rem3A_2327, %ne3A_2329 : vector<64x1xi32>
    %and3A_2331 = arith.andi %ne3A_2325, %ne3A_2330 : vector<64x1xi1>
    %sub3A_2332 = arith.constant 1 : i32
    %sub3A_2333 = vector.broadcast %sub3A_2332 : i32 to vector<64x1xi32>
    %sub3A_2334 = arith.subi %div3A_2307, %sub3A_2333 : vector<64x1xi32>
    %select_n3A_2335 = arith.select %and3A_2331, %sub3A_2334, %div3A_2307 : vector<64x1xi1>, vector<64x1xi32>
    %gt3A_2336 = arith.constant 4 : i32
    %gt3A_2337 = vector.broadcast %gt3A_2336 : i32 to vector<64x1xi32>
    %gt3A_2338 = arith.cmpi sgt, %broadcast_in_dim3A_897, %gt3A_2337 : vector<64x1xi32>
    %mul3A_2339 = arith.constant 128 : i32
    %mul3A_2340 = vector.broadcast %mul3A_2339 : i32 to vector<64x1xi32>
    %mul3A_2341 = arith.muli %mul3A_2340, %select_n3A_2335 : vector<64x1xi32>
    %sub3A_2342 = vector.broadcast %mul3A_2341 : vector<64x1xi32> to vector<64x96xi32>
    %sub3A_2343 = arith.subi %min3A_2303, %sub3A_2342 : vector<64x96xi32>
    %jit3A_2344 = arith.constant 300 : i32
    %broadcast_in_dim3A_2345 = vector.shape_cast %gt3A_2338 : vector<64x1xi1> to vector<64x1xi1>
    %broadcast_in_dim3A_2346 = vector.broadcast %broadcast_in_dim3A_2345 : vector<64x1xi1> to vector<64x96xi1>
    %broadcast_in_dim3A_2347 = vector.broadcast %jit3A_2344 : i32 to vector<64x96xi32>
    %select_n3A_2348 = arith.select %broadcast_in_dim3A_2346, %sub3A_2343, %broadcast_in_dim3A_2347 : vector<64x96xi1>, vector<64x96xi32>
    %swap3A_2349 = arith.constant 0 : index
    %swap3A_2350 = arith.constant 4 : index
    %swap3A_2351 = arith.constant 0 : index
    %swap3A_2352 = vector.load %arg5[%swap3A_2349, %swap3A_2350, %swap3A_2351] : memref<64x10x96xi32, #tpu.memory_space<vmem>>, vector<64x1x96xi32>
    %swap3A_2353 = vector.shape_cast %swap3A_2352 : vector<64x1x96xi32> to vector<64x96xi32>
    %swap3A_2354 = vector.shape_cast %select_n3A_2348 : vector<64x96xi32> to vector<64x1x96xi32>
    tpu.vector_store %arg5[%swap3A_2349, %swap3A_2350, %swap3A_2351], %swap3A_2354 {strides = array<i32>} : memref<64x10x96xi32, #tpu.memory_space<vmem>>, vector<64x1x96xi32>,
    %slice3A_2355 = vector.extract_strided_slice %concatenate3A_1269 {offsets = [0, 5], sizes = [64, 1], strides = [1, 1]} : vector<64x25xi32> to vector<64x1xi32>
    %slice3A_2356 = vector.extract_strided_slice %concatenate3A_1269 {offsets = [0, 6], sizes = [64, 1], strides = [1, 1]} : vector<64x25xi32> to vector<64x1xi32>
    %slice3A_2357 = vector.extract_strided_slice %concatenate3A_1269 {offsets = [0, 4], sizes = [64, 1], strides = [1, 1]} : vector<64x25xi32> to vector<64x1xi32>
    %add3A_2358 = arith.addi %slice3A_2357, %slice3A_2355 : vector<64x1xi32>
    %jit3A_2359 = arith.constant 2 : i32
    %div3A_2360 = vector.broadcast %jit3A_2359 : i32 to vector<64x1xi32>
    %div3A_2361 = arith.divsi %add3A_2358, %div3A_2360 : vector<64x1xi32>
    %sign3A_2362 = arith.constant 0 : i32
    %sign3A_2363 = vector.broadcast %sign3A_2362 : i32 to vector<64x1xi32>
    %sign3A_2364 = arith.cmpi sgt, %add3A_2358, %sign3A_2363 : vector<64x1xi32>
    %sign3A_2365 = arith.extui %sign3A_2364 : vector<64x1xi1> to vector<64x1xi32>
    %sign3A_2366 = arith.constant 0 : i32
    %sign3A_2367 = vector.broadcast %sign3A_2366 : i32 to vector<64x1xi32>
    %sign3A_2368 = arith.cmpi slt, %add3A_2358, %sign3A_2367 : vector<64x1xi32>
    %sign3A_2369 = arith.extui %sign3A_2368 : vector<64x1xi1> to vector<64x1xi32>
    %sign3A_2370 = arith.subi %sign3A_2365, %sign3A_2369 : vector<64x1xi32>
    %sign3A_2371 = arith.constant 0 : i32
    %sign3A_2372 = arith.cmpi sgt, %jit3A_2359, %sign3A_2371 : i32
    %sign3A_2373 = arith.extui %sign3A_2372 : i1 to i32
    %sign3A_2374 = arith.constant 0 : i32
    %sign3A_2375 = arith.cmpi slt, %jit3A_2359, %sign3A_2374 : i32
    %sign3A_2376 = arith.extui %sign3A_2375 : i1 to i32
    %sign3A_2377 = arith.subi %sign3A_2373, %sign3A_2376 : i32
    %ne3A_2378 = vector.broadcast %sign3A_2377 : i32 to vector<64x1xi32>
    %ne3A_2379 = arith.cmpi ne, %sign3A_2370, %ne3A_2378 : vector<64x1xi32>
    %rem3A_2380 = vector.broadcast %jit3A_2359 : i32 to vector<64x1xi32>
    %rem3A_2381 = arith.remsi %add3A_2358, %rem3A_2380 : vector<64x1xi32>
    %ne3A_2382 = arith.constant 0 : i32
    %ne3A_2383 = vector.broadcast %ne3A_2382 : i32 to vector<64x1xi32>
    %ne3A_2384 = arith.cmpi ne, %rem3A_2381, %ne3A_2383 : vector<64x1xi32>
    %and3A_2385 = arith.andi %ne3A_2379, %ne3A_2384 : vector<64x1xi1>
    %sub3A_2386 = arith.constant 1 : i32
    %sub3A_2387 = vector.broadcast %sub3A_2386 : i32 to vector<64x1xi32>
    %sub3A_2388 = arith.subi %div3A_2361, %sub3A_2387 : vector<64x1xi32>
    %select_n3A_2389 = arith.select %and3A_2385, %sub3A_2388, %div3A_2361 : vector<64x1xi1>, vector<64x1xi32>
    %eq3A_2390 = arith.constant 6 : i32
    %eq3A_2391 = vector.broadcast %eq3A_2390 : i32 to vector<64x1xi32>
    %eq3A_2392 = arith.cmpi eq, %broadcast_in_dim3A_897, %eq3A_2391 : vector<64x1xi32>
    %add3A_2393 = arith.addi %slice3A_2355, %slice3A_2356 : vector<64x1xi32>
    %jit3A_2394 = arith.constant 2 : i32
    %div3A_2395 = vector.broadcast %jit3A_2394 : i32 to vector<64x1xi32>
    %div3A_2396 = arith.divsi %add3A_2393, %div3A_2395 : vector<64x1xi32>
    %sign3A_2397 = arith.constant 0 : i32
    %sign3A_2398 = vector.broadcast %sign3A_2397 : i32 to vector<64x1xi32>
    %sign3A_2399 = arith.cmpi sgt, %add3A_2393, %sign3A_2398 : vector<64x1xi32>
    %sign3A_2400 = arith.extui %sign3A_2399 : vector<64x1xi1> to vector<64x1xi32>
    %sign3A_2401 = arith.constant 0 : i32
    %sign3A_2402 = vector.broadcast %sign3A_2401 : i32 to vector<64x1xi32>
    %sign3A_2403 = arith.cmpi slt, %add3A_2393, %sign3A_2402 : vector<64x1xi32>
    %sign3A_2404 = arith.extui %sign3A_2403 : vector<64x1xi1> to vector<64x1xi32>
    %sign3A_2405 = arith.subi %sign3A_2400, %sign3A_2404 : vector<64x1xi32>
    %sign3A_2406 = arith.constant 0 : i32
    %sign3A_2407 = arith.cmpi sgt, %jit3A_2394, %sign3A_2406 : i32
    %sign3A_2408 = arith.extui %sign3A_2407 : i1 to i32
    %sign3A_2409 = arith.constant 0 : i32
    %sign3A_2410 = arith.cmpi slt, %jit3A_2394, %sign3A_2409 : i32
    %sign3A_2411 = arith.extui %sign3A_2410 : i1 to i32
    %sign3A_2412 = arith.subi %sign3A_2408, %sign3A_2411 : i32
    %ne3A_2413 = vector.broadcast %sign3A_2412 : i32 to vector<64x1xi32>
    %ne3A_2414 = arith.cmpi ne, %sign3A_2405, %ne3A_2413 : vector<64x1xi32>
    %rem3A_2415 = vector.broadcast %jit3A_2394 : i32 to vector<64x1xi32>
    %rem3A_2416 = arith.remsi %add3A_2393, %rem3A_2415 : vector<64x1xi32>
    %ne3A_2417 = arith.constant 0 : i32
    %ne3A_2418 = vector.broadcast %ne3A_2417 : i32 to vector<64x1xi32>
    %ne3A_2419 = arith.cmpi ne, %rem3A_2416, %ne3A_2418 : vector<64x1xi32>
    %and3A_2420 = arith.andi %ne3A_2414, %ne3A_2419 : vector<64x1xi1>
    %sub3A_2421 = arith.constant 1 : i32
    %sub3A_2422 = vector.broadcast %sub3A_2421 : i32 to vector<64x1xi32>
    %sub3A_2423 = arith.subi %div3A_2396, %sub3A_2422 : vector<64x1xi32>
    %select_n3A_2424 = arith.select %and3A_2420, %sub3A_2423, %div3A_2396 : vector<64x1xi1>, vector<64x1xi32>
    %jit3A_2425 = arith.constant 1000 : i32
    %broadcast_in_dim3A_2426 = vector.broadcast %jit3A_2425 : i32 to vector<64x1xi32>
    %select_n3A_2427 = arith.select %eq3A_2392, %broadcast_in_dim3A_2426, %select_n3A_2424 : vector<64x1xi1>, vector<64x1xi32>
    %min3A_2428 = arith.constant 1000 : i32
    %min3A_2429 = vector.broadcast %min3A_2428 : i32 to vector<64x1xi32>
    %min3A_2430 = arith.minsi %select_n3A_2427, %min3A_2429 : vector<64x1xi32>
    %sub3A_2431 = arith.subi %min3A_2430, %select_n3A_2389 : vector<64x1xi32>
    %max3A_2432 = arith.constant 1 : i32
    %max3A_2433 = vector.broadcast %max3A_2432 : i32 to vector<64x1xi32>
    %max3A_2434 = arith.maxsi %sub3A_2431, %max3A_2433 : vector<64x1xi32>
    %lt3A_2435 = arith.constant 96 : i32
    %lt3A_2436 = vector.broadcast %lt3A_2435 : i32 to vector<64x1xi32>
    %lt3A_2437 = arith.cmpi slt, %max3A_2434, %lt3A_2436 : vector<64x1xi32>
    %sub3A_2438 = arith.constant 96 : i32
    %sub3A_2439 = vector.broadcast %sub3A_2438 : i32 to vector<64x1xi32>
    %sub3A_2440 = arith.subi %sub3A_2439, %max3A_2434 : vector<64x1xi32>
    %jit3A_2441 = arith.constant 2 : i32
    %div3A_2442 = vector.broadcast %jit3A_2441 : i32 to vector<64x1xi32>
    %div3A_2443 = arith.divsi %sub3A_2440, %div3A_2442 : vector<64x1xi32>
    %sign3A_2444 = arith.constant 0 : i32
    %sign3A_2445 = vector.broadcast %sign3A_2444 : i32 to vector<64x1xi32>
    %sign3A_2446 = arith.cmpi sgt, %sub3A_2440, %sign3A_2445 : vector<64x1xi32>
    %sign3A_2447 = arith.extui %sign3A_2446 : vector<64x1xi1> to vector<64x1xi32>
    %sign3A_2448 = arith.constant 0 : i32
    %sign3A_2449 = vector.broadcast %sign3A_2448 : i32 to vector<64x1xi32>
    %sign3A_2450 = arith.cmpi slt, %sub3A_2440, %sign3A_2449 : vector<64x1xi32>
    %sign3A_2451 = arith.extui %sign3A_2450 : vector<64x1xi1> to vector<64x1xi32>
    %sign3A_2452 = arith.subi %sign3A_2447, %sign3A_2451 : vector<64x1xi32>
    %sign3A_2453 = arith.constant 0 : i32
    %sign3A_2454 = arith.cmpi sgt, %jit3A_2441, %sign3A_2453 : i32
    %sign3A_2455 = arith.extui %sign3A_2454 : i1 to i32
    %sign3A_2456 = arith.constant 0 : i32
    %sign3A_2457 = arith.cmpi slt, %jit3A_2441, %sign3A_2456 : i32
    %sign3A_2458 = arith.extui %sign3A_2457 : i1 to i32
    %sign3A_2459 = arith.subi %sign3A_2455, %sign3A_2458 : i32
    %ne3A_2460 = vector.broadcast %sign3A_2459 : i32 to vector<64x1xi32>
    %ne3A_2461 = arith.cmpi ne, %sign3A_2452, %ne3A_2460 : vector<64x1xi32>
    %rem3A_2462 = vector.broadcast %jit3A_2441 : i32 to vector<64x1xi32>
    %rem3A_2463 = arith.remsi %sub3A_2440, %rem3A_2462 : vector<64x1xi32>
    %ne3A_2464 = arith.constant 0 : i32
    %ne3A_2465 = vector.broadcast %ne3A_2464 : i32 to vector<64x1xi32>
    %ne3A_2466 = arith.cmpi ne, %rem3A_2463, %ne3A_2465 : vector<64x1xi32>
    %and3A_2467 = arith.andi %ne3A_2461, %ne3A_2466 : vector<64x1xi1>
    %sub3A_2468 = arith.constant 1 : i32
    %sub3A_2469 = vector.broadcast %sub3A_2468 : i32 to vector<64x1xi32>
    %sub3A_2470 = arith.subi %div3A_2443, %sub3A_2469 : vector<64x1xi32>
    %select_n3A_2471 = arith.select %and3A_2467, %sub3A_2470, %div3A_2443 : vector<64x1xi1>, vector<64x1xi32>
    %sub3A_2472 = arith.constant 96 : i32
    %sub3A_2473 = vector.broadcast %sub3A_2472 : i32 to vector<64x1xi32>
    %sub3A_2474 = arith.subi %max3A_2434, %sub3A_2473 : vector<64x1xi32>
    %jit3A_2475 = arith.constant 2 : i32
    %div3A_2476 = vector.broadcast %jit3A_2475 : i32 to vector<64x1xi32>
    %div3A_2477 = arith.divsi %sub3A_2474, %div3A_2476 : vector<64x1xi32>
    %sign3A_2478 = arith.constant 0 : i32
    %sign3A_2479 = vector.broadcast %sign3A_2478 : i32 to vector<64x1xi32>
    %sign3A_2480 = arith.cmpi sgt, %sub3A_2474, %sign3A_2479 : vector<64x1xi32>
    %sign3A_2481 = arith.extui %sign3A_2480 : vector<64x1xi1> to vector<64x1xi32>
    %sign3A_2482 = arith.constant 0 : i32
    %sign3A_2483 = vector.broadcast %sign3A_2482 : i32 to vector<64x1xi32>
    %sign3A_2484 = arith.cmpi slt, %sub3A_2474, %sign3A_2483 : vector<64x1xi32>
    %sign3A_2485 = arith.extui %sign3A_2484 : vector<64x1xi1> to vector<64x1xi32>
    %sign3A_2486 = arith.subi %sign3A_2481, %sign3A_2485 : vector<64x1xi32>
    %sign3A_2487 = arith.constant 0 : i32
    %sign3A_2488 = arith.cmpi sgt, %jit3A_2475, %sign3A_2487 : i32
    %sign3A_2489 = arith.extui %sign3A_2488 : i1 to i32
    %sign3A_2490 = arith.constant 0 : i32
    %sign3A_2491 = arith.cmpi slt, %jit3A_2475, %sign3A_2490 : i32
    %sign3A_2492 = arith.extui %sign3A_2491 : i1 to i32
    %sign3A_2493 = arith.subi %sign3A_2489, %sign3A_2492 : i32
    %ne3A_2494 = vector.broadcast %sign3A_2493 : i32 to vector<64x1xi32>
    %ne3A_2495 = arith.cmpi ne, %sign3A_2486, %ne3A_2494 : vector<64x1xi32>
    %rem3A_2496 = vector.broadcast %jit3A_2475 : i32 to vector<64x1xi32>
    %rem3A_2497 = arith.remsi %sub3A_2474, %rem3A_2496 : vector<64x1xi32>
    %ne3A_2498 = arith.constant 0 : i32
    %ne3A_2499 = vector.broadcast %ne3A_2498 : i32 to vector<64x1xi32>
    %ne3A_2500 = arith.cmpi ne, %rem3A_2497, %ne3A_2499 : vector<64x1xi32>
    %and3A_2501 = arith.andi %ne3A_2495, %ne3A_2500 : vector<64x1xi1>
    %sub3A_2502 = arith.constant 1 : i32
    %sub3A_2503 = vector.broadcast %sub3A_2502 : i32 to vector<64x1xi32>
    %sub3A_2504 = arith.subi %div3A_2477, %sub3A_2503 : vector<64x1xi32>
    %select_n3A_2505 = arith.select %and3A_2501, %sub3A_2504, %div3A_2477 : vector<64x1xi1>, vector<64x1xi32>
    %neg3A_2506 = arith.constant 0 : i32
    %neg3A_2507 = vector.broadcast %neg3A_2506 : i32 to vector<64x1xi32>
    %neg3A_2508 = arith.subi %neg3A_2507, %select_n3A_2505 : vector<64x1xi32>
    %select_n3A_2509 = arith.select %lt3A_2437, %select_n3A_2471, %neg3A_2508 : vector<64x1xi1>, vector<64x1xi32>
    %sub3A_2510 = vector.broadcast %select_n3A_2509 : vector<64x1xi32> to vector<64x96xi32>
    %sub3A_2511 = arith.subi %iota3A_1270, %sub3A_2510 : vector<64x96xi32>
    %sub3A_2512 = arith.constant 1 : i32
    %sub3A_2513 = vector.broadcast %sub3A_2512 : i32 to vector<64x1xi32>
    %sub3A_2514 = arith.subi %max3A_2434, %sub3A_2513 : vector<64x1xi32>
    %jit3A_2515 = arith.constant 0 : i32
    %max3A_2516 = vector.broadcast %jit3A_2515 : i32 to vector<64x96xi32>
    %max3A_2517 = arith.maxsi %max3A_2516, %sub3A_2511 : vector<64x96xi32>
    %min3A_2518 = vector.broadcast %sub3A_2514 : vector<64x1xi32> to vector<64x96xi32>
    %min3A_2519 = arith.minsi %min3A_2518, %max3A_2517 : vector<64x96xi32>
    %add3A_2520 = vector.broadcast %select_n3A_2389 : vector<64x1xi32> to vector<64x96xi32>
    %add3A_2521 = arith.addi %add3A_2520, %min3A_2519 : vector<64x96xi32>
    %jit3A_2522 = arith.constant 0 : i32
    %jit3A_2523 = arith.constant 999 : i32
    %max3A_2524 = vector.broadcast %jit3A_2522 : i32 to vector<64x96xi32>
    %max3A_2525 = arith.maxsi %max3A_2524, %add3A_2521 : vector<64x96xi32>
    %min3A_2526 = vector.broadcast %jit3A_2523 : i32 to vector<64x96xi32>
    %min3A_2527 = arith.minsi %min3A_2526, %max3A_2525 : vector<64x96xi32>
    %slice3A_2528 = vector.extract_strided_slice %min3A_2527 {offsets = [0, 0], sizes = [64, 1], strides = [1, 1]} : vector<64x96xi32> to vector<64x1xi32>
    %jit3A_2529 = arith.constant 128 : i32
    %div3A_2530 = vector.broadcast %jit3A_2529 : i32 to vector<64x1xi32>
    %div3A_2531 = arith.divsi %slice3A_2528, %div3A_2530 : vector<64x1xi32>
    %sign3A_2532 = arith.constant 0 : i32
    %sign3A_2533 = vector.broadcast %sign3A_2532 : i32 to vector<64x1xi32>
    %sign3A_2534 = arith.cmpi sgt, %slice3A_2528, %sign3A_2533 : vector<64x1xi32>
    %sign3A_2535 = arith.extui %sign3A_2534 : vector<64x1xi1> to vector<64x1xi32>
    %sign3A_2536 = arith.constant 0 : i32
    %sign3A_2537 = vector.broadcast %sign3A_2536 : i32 to vector<64x1xi32>
    %sign3A_2538 = arith.cmpi slt, %slice3A_2528, %sign3A_2537 : vector<64x1xi32>
    %sign3A_2539 = arith.extui %sign3A_2538 : vector<64x1xi1> to vector<64x1xi32>
    %sign3A_2540 = arith.subi %sign3A_2535, %sign3A_2539 : vector<64x1xi32>
    %sign3A_2541 = arith.constant 0 : i32
    %sign3A_2542 = arith.cmpi sgt, %jit3A_2529, %sign3A_2541 : i32
    %sign3A_2543 = arith.extui %sign3A_2542 : i1 to i32
    %sign3A_2544 = arith.constant 0 : i32
    %sign3A_2545 = arith.cmpi slt, %jit3A_2529, %sign3A_2544 : i32
    %sign3A_2546 = arith.extui %sign3A_2545 : i1 to i32
    %sign3A_2547 = arith.subi %sign3A_2543, %sign3A_2546 : i32
    %ne3A_2548 = vector.broadcast %sign3A_2547 : i32 to vector<64x1xi32>
    %ne3A_2549 = arith.cmpi ne, %sign3A_2540, %ne3A_2548 : vector<64x1xi32>
    %rem3A_2550 = vector.broadcast %jit3A_2529 : i32 to vector<64x1xi32>
    %rem3A_2551 = arith.remsi %slice3A_2528, %rem3A_2550 : vector<64x1xi32>
    %ne3A_2552 = arith.constant 0 : i32
    %ne3A_2553 = vector.broadcast %ne3A_2552 : i32 to vector<64x1xi32>
    %ne3A_2554 = arith.cmpi ne, %rem3A_2551, %ne3A_2553 : vector<64x1xi32>
    %and3A_2555 = arith.andi %ne3A_2549, %ne3A_2554 : vector<64x1xi1>
    %sub3A_2556 = arith.constant 1 : i32
    %sub3A_2557 = vector.broadcast %sub3A_2556 : i32 to vector<64x1xi32>
    %sub3A_2558 = arith.subi %div3A_2531, %sub3A_2557 : vector<64x1xi32>
    %select_n3A_2559 = arith.select %and3A_2555, %sub3A_2558, %div3A_2531 : vector<64x1xi1>, vector<64x1xi32>
    %gt3A_2560 = arith.constant 5 : i32
    %gt3A_2561 = vector.broadcast %gt3A_2560 : i32 to vector<64x1xi32>
    %gt3A_2562 = arith.cmpi sgt, %broadcast_in_dim3A_897, %gt3A_2561 : vector<64x1xi32>
    %mul3A_2563 = arith.constant 128 : i32
    %mul3A_2564 = vector.broadcast %mul3A_2563 : i32 to vector<64x1xi32>
    %mul3A_2565 = arith.muli %mul3A_2564, %select_n3A_2559 : vector<64x1xi32>
    %sub3A_2566 = vector.broadcast %mul3A_2565 : vector<64x1xi32> to vector<64x96xi32>
    %sub3A_2567 = arith.subi %min3A_2527, %sub3A_2566 : vector<64x96xi32>
    %jit3A_2568 = arith.constant 300 : i32
    %broadcast_in_dim3A_2569 = vector.shape_cast %gt3A_2562 : vector<64x1xi1> to vector<64x1xi1>
    %broadcast_in_dim3A_2570 = vector.broadcast %broadcast_in_dim3A_2569 : vector<64x1xi1> to vector<64x96xi1>
    %broadcast_in_dim3A_2571 = vector.broadcast %jit3A_2568 : i32 to vector<64x96xi32>
    %select_n3A_2572 = arith.select %broadcast_in_dim3A_2570, %sub3A_2567, %broadcast_in_dim3A_2571 : vector<64x96xi1>, vector<64x96xi32>
    %swap3A_2573 = arith.constant 0 : index
    %swap3A_2574 = arith.constant 5 : index
    %swap3A_2575 = arith.constant 0 : index
    %swap3A_2576 = vector.load %arg5[%swap3A_2573, %swap3A_2574, %swap3A_2575] : memref<64x10x96xi32, #tpu.memory_space<vmem>>, vector<64x1x96xi32>
    %swap3A_2577 = vector.shape_cast %swap3A_2576 : vector<64x1x96xi32> to vector<64x96xi32>
    %swap3A_2578 = vector.shape_cast %select_n3A_2572 : vector<64x96xi32> to vector<64x1x96xi32>
    tpu.vector_store %arg5[%swap3A_2573, %swap3A_2574, %swap3A_2575], %swap3A_2578 {strides = array<i32>} : memref<64x10x96xi32, #tpu.memory_space<vmem>>, vector<64x1x96xi32>,
    %slice3A_2579 = vector.extract_strided_slice %concatenate3A_1269 {offsets = [0, 6], sizes = [64, 1], strides = [1, 1]} : vector<64x25xi32> to vector<64x1xi32>
    %slice3A_2580 = vector.extract_strided_slice %concatenate3A_1269 {offsets = [0, 7], sizes = [64, 1], strides = [1, 1]} : vector<64x25xi32> to vector<64x1xi32>
    %slice3A_2581 = vector.extract_strided_slice %concatenate3A_1269 {offsets = [0, 5], sizes = [64, 1], strides = [1, 1]} : vector<64x25xi32> to vector<64x1xi32>
    %add3A_2582 = arith.addi %slice3A_2581, %slice3A_2579 : vector<64x1xi32>
    %jit3A_2583 = arith.constant 2 : i32
    %div3A_2584 = vector.broadcast %jit3A_2583 : i32 to vector<64x1xi32>
    %div3A_2585 = arith.divsi %add3A_2582, %div3A_2584 : vector<64x1xi32>
    %sign3A_2586 = arith.constant 0 : i32
    %sign3A_2587 = vector.broadcast %sign3A_2586 : i32 to vector<64x1xi32>
    %sign3A_2588 = arith.cmpi sgt, %add3A_2582, %sign3A_2587 : vector<64x1xi32>
    %sign3A_2589 = arith.extui %sign3A_2588 : vector<64x1xi1> to vector<64x1xi32>
    %sign3A_2590 = arith.constant 0 : i32
    %sign3A_2591 = vector.broadcast %sign3A_2590 : i32 to vector<64x1xi32>
    %sign3A_2592 = arith.cmpi slt, %add3A_2582, %sign3A_2591 : vector<64x1xi32>
    %sign3A_2593 = arith.extui %sign3A_2592 : vector<64x1xi1> to vector<64x1xi32>
    %sign3A_2594 = arith.subi %sign3A_2589, %sign3A_2593 : vector<64x1xi32>
    %sign3A_2595 = arith.constant 0 : i32
    %sign3A_2596 = arith.cmpi sgt, %jit3A_2583, %sign3A_2595 : i32
    %sign3A_2597 = arith.extui %sign3A_2596 : i1 to i32
    %sign3A_2598 = arith.constant 0 : i32
    %sign3A_2599 = arith.cmpi slt, %jit3A_2583, %sign3A_2598 : i32
    %sign3A_2600 = arith.extui %sign3A_2599 : i1 to i32
    %sign3A_2601 = arith.subi %sign3A_2597, %sign3A_2600 : i32
    %ne3A_2602 = vector.broadcast %sign3A_2601 : i32 to vector<64x1xi32>
    %ne3A_2603 = arith.cmpi ne, %sign3A_2594, %ne3A_2602 : vector<64x1xi32>
    %rem3A_2604 = vector.broadcast %jit3A_2583 : i32 to vector<64x1xi32>
    %rem3A_2605 = arith.remsi %add3A_2582, %rem3A_2604 : vector<64x1xi32>
    %ne3A_2606 = arith.constant 0 : i32
    %ne3A_2607 = vector.broadcast %ne3A_2606 : i32 to vector<64x1xi32>
    %ne3A_2608 = arith.cmpi ne, %rem3A_2605, %ne3A_2607 : vector<64x1xi32>
    %and3A_2609 = arith.andi %ne3A_2603, %ne3A_2608 : vector<64x1xi1>
    %sub3A_2610 = arith.constant 1 : i32
    %sub3A_2611 = vector.broadcast %sub3A_2610 : i32 to vector<64x1xi32>
    %sub3A_2612 = arith.subi %div3A_2585, %sub3A_2611 : vector<64x1xi32>
    %select_n3A_2613 = arith.select %and3A_2609, %sub3A_2612, %div3A_2585 : vector<64x1xi1>, vector<64x1xi32>
    %eq3A_2614 = arith.constant 7 : i32
    %eq3A_2615 = vector.broadcast %eq3A_2614 : i32 to vector<64x1xi32>
    %eq3A_2616 = arith.cmpi eq, %broadcast_in_dim3A_897, %eq3A_2615 : vector<64x1xi32>
    %add3A_2617 = arith.addi %slice3A_2579, %slice3A_2580 : vector<64x1xi32>
    %jit3A_2618 = arith.constant 2 : i32
    %div3A_2619 = vector.broadcast %jit3A_2618 : i32 to vector<64x1xi32>
    %div3A_2620 = arith.divsi %add3A_2617, %div3A_2619 : vector<64x1xi32>
    %sign3A_2621 = arith.constant 0 : i32
    %sign3A_2622 = vector.broadcast %sign3A_2621 : i32 to vector<64x1xi32>
    %sign3A_2623 = arith.cmpi sgt, %add3A_2617, %sign3A_2622 : vector<64x1xi32>
    %sign3A_2624 = arith.extui %sign3A_2623 : vector<64x1xi1> to vector<64x1xi32>
    %sign3A_2625 = arith.constant 0 : i32
    %sign3A_2626 = vector.broadcast %sign3A_2625 : i32 to vector<64x1xi32>
    %sign3A_2627 = arith.cmpi slt, %add3A_2617, %sign3A_2626 : vector<64x1xi32>
    %sign3A_2628 = arith.extui %sign3A_2627 : vector<64x1xi1> to vector<64x1xi32>
    %sign3A_2629 = arith.subi %sign3A_2624, %sign3A_2628 : vector<64x1xi32>
    %sign3A_2630 = arith.constant 0 : i32
    %sign3A_2631 = arith.cmpi sgt, %jit3A_2618, %sign3A_2630 : i32
    %sign3A_2632 = arith.extui %sign3A_2631 : i1 to i32
    %sign3A_2633 = arith.constant 0 : i32
    %sign3A_2634 = arith.cmpi slt, %jit3A_2618, %sign3A_2633 : i32
    %sign3A_2635 = arith.extui %sign3A_2634 : i1 to i32
    %sign3A_2636 = arith.subi %sign3A_2632, %sign3A_2635 : i32
    %ne3A_2637 = vector.broadcast %sign3A_2636 : i32 to vector<64x1xi32>
    %ne3A_2638 = arith.cmpi ne, %sign3A_2629, %ne3A_2637 : vector<64x1xi32>
    %rem3A_2639 = vector.broadcast %jit3A_2618 : i32 to vector<64x1xi32>
    %rem3A_2640 = arith.remsi %add3A_2617, %rem3A_2639 : vector<64x1xi32>
    %ne3A_2641 = arith.constant 0 : i32
    %ne3A_2642 = vector.broadcast %ne3A_2641 : i32 to vector<64x1xi32>
    %ne3A_2643 = arith.cmpi ne, %rem3A_2640, %ne3A_2642 : vector<64x1xi32>
    %and3A_2644 = arith.andi %ne3A_2638, %ne3A_2643 : vector<64x1xi1>
    %sub3A_2645 = arith.constant 1 : i32
    %sub3A_2646 = vector.broadcast %sub3A_2645 : i32 to vector<64x1xi32>
    %sub3A_2647 = arith.subi %div3A_2620, %sub3A_2646 : vector<64x1xi32>
    %select_n3A_2648 = arith.select %and3A_2644, %sub3A_2647, %div3A_2620 : vector<64x1xi1>, vector<64x1xi32>
    %jit3A_2649 = arith.constant 1000 : i32
    %broadcast_in_dim3A_2650 = vector.broadcast %jit3A_2649 : i32 to vector<64x1xi32>
    %select_n3A_2651 = arith.select %eq3A_2616, %broadcast_in_dim3A_2650, %select_n3A_2648 : vector<64x1xi1>, vector<64x1xi32>
    %min3A_2652 = arith.constant 1000 : i32
    %min3A_2653 = vector.broadcast %min3A_2652 : i32 to vector<64x1xi32>
    %min3A_2654 = arith.minsi %select_n3A_2651, %min3A_2653 : vector<64x1xi32>
    %sub3A_2655 = arith.subi %min3A_2654, %select_n3A_2613 : vector<64x1xi32>
    %max3A_2656 = arith.constant 1 : i32
    %max3A_2657 = vector.broadcast %max3A_2656 : i32 to vector<64x1xi32>
    %max3A_2658 = arith.maxsi %sub3A_2655, %max3A_2657 : vector<64x1xi32>
    %lt3A_2659 = arith.constant 96 : i32
    %lt3A_2660 = vector.broadcast %lt3A_2659 : i32 to vector<64x1xi32>
    %lt3A_2661 = arith.cmpi slt, %max3A_2658, %lt3A_2660 : vector<64x1xi32>
    %sub3A_2662 = arith.constant 96 : i32
    %sub3A_2663 = vector.broadcast %sub3A_2662 : i32 to vector<64x1xi32>
    %sub3A_2664 = arith.subi %sub3A_2663, %max3A_2658 : vector<64x1xi32>
    %jit3A_2665 = arith.constant 2 : i32
    %div3A_2666 = vector.broadcast %jit3A_2665 : i32 to vector<64x1xi32>
    %div3A_2667 = arith.divsi %sub3A_2664, %div3A_2666 : vector<64x1xi32>
    %sign3A_2668 = arith.constant 0 : i32
    %sign3A_2669 = vector.broadcast %sign3A_2668 : i32 to vector<64x1xi32>
    %sign3A_2670 = arith.cmpi sgt, %sub3A_2664, %sign3A_2669 : vector<64x1xi32>
    %sign3A_2671 = arith.extui %sign3A_2670 : vector<64x1xi1> to vector<64x1xi32>
    %sign3A_2672 = arith.constant 0 : i32
    %sign3A_2673 = vector.broadcast %sign3A_2672 : i32 to vector<64x1xi32>
    %sign3A_2674 = arith.cmpi slt, %sub3A_2664, %sign3A_2673 : vector<64x1xi32>
    %sign3A_2675 = arith.extui %sign3A_2674 : vector<64x1xi1> to vector<64x1xi32>
    %sign3A_2676 = arith.subi %sign3A_2671, %sign3A_2675 : vector<64x1xi32>
    %sign3A_2677 = arith.constant 0 : i32
    %sign3A_2678 = arith.cmpi sgt, %jit3A_2665, %sign3A_2677 : i32
    %sign3A_2679 = arith.extui %sign3A_2678 : i1 to i32
    %sign3A_2680 = arith.constant 0 : i32
    %sign3A_2681 = arith.cmpi slt, %jit3A_2665, %sign3A_2680 : i32
    %sign3A_2682 = arith.extui %sign3A_2681 : i1 to i32
    %sign3A_2683 = arith.subi %sign3A_2679, %sign3A_2682 : i32
    %ne3A_2684 = vector.broadcast %sign3A_2683 : i32 to vector<64x1xi32>
    %ne3A_2685 = arith.cmpi ne, %sign3A_2676, %ne3A_2684 : vector<64x1xi32>
    %rem3A_2686 = vector.broadcast %jit3A_2665 : i32 to vector<64x1xi32>
    %rem3A_2687 = arith.remsi %sub3A_2664, %rem3A_2686 : vector<64x1xi32>
    %ne3A_2688 = arith.constant 0 : i32
    %ne3A_2689 = vector.broadcast %ne3A_2688 : i32 to vector<64x1xi32>
    %ne3A_2690 = arith.cmpi ne, %rem3A_2687, %ne3A_2689 : vector<64x1xi32>
    %and3A_2691 = arith.andi %ne3A_2685, %ne3A_2690 : vector<64x1xi1>
    %sub3A_2692 = arith.constant 1 : i32
    %sub3A_2693 = vector.broadcast %sub3A_2692 : i32 to vector<64x1xi32>
    %sub3A_2694 = arith.subi %div3A_2667, %sub3A_2693 : vector<64x1xi32>
    %select_n3A_2695 = arith.select %and3A_2691, %sub3A_2694, %div3A_2667 : vector<64x1xi1>, vector<64x1xi32>
    %sub3A_2696 = arith.constant 96 : i32
    %sub3A_2697 = vector.broadcast %sub3A_2696 : i32 to vector<64x1xi32>
    %sub3A_2698 = arith.subi %max3A_2658, %sub3A_2697 : vector<64x1xi32>
    %jit3A_2699 = arith.constant 2 : i32
    %div3A_2700 = vector.broadcast %jit3A_2699 : i32 to vector<64x1xi32>
    %div3A_2701 = arith.divsi %sub3A_2698, %div3A_2700 : vector<64x1xi32>
    %sign3A_2702 = arith.constant 0 : i32
    %sign3A_2703 = vector.broadcast %sign3A_2702 : i32 to vector<64x1xi32>
    %sign3A_2704 = arith.cmpi sgt, %sub3A_2698, %sign3A_2703 : vector<64x1xi32>
    %sign3A_2705 = arith.extui %sign3A_2704 : vector<64x1xi1> to vector<64x1xi32>
    %sign3A_2706 = arith.constant 0 : i32
    %sign3A_2707 = vector.broadcast %sign3A_2706 : i32 to vector<64x1xi32>
    %sign3A_2708 = arith.cmpi slt, %sub3A_2698, %sign3A_2707 : vector<64x1xi32>
    %sign3A_2709 = arith.extui %sign3A_2708 : vector<64x1xi1> to vector<64x1xi32>
    %sign3A_2710 = arith.subi %sign3A_2705, %sign3A_2709 : vector<64x1xi32>
    %sign3A_2711 = arith.constant 0 : i32
    %sign3A_2712 = arith.cmpi sgt, %jit3A_2699, %sign3A_2711 : i32
    %sign3A_2713 = arith.extui %sign3A_2712 : i1 to i32
    %sign3A_2714 = arith.constant 0 : i32
    %sign3A_2715 = arith.cmpi slt, %jit3A_2699, %sign3A_2714 : i32
    %sign3A_2716 = arith.extui %sign3A_2715 : i1 to i32
    %sign3A_2717 = arith.subi %sign3A_2713, %sign3A_2716 : i32
    %ne3A_2718 = vector.broadcast %sign3A_2717 : i32 to vector<64x1xi32>
    %ne3A_2719 = arith.cmpi ne, %sign3A_2710, %ne3A_2718 : vector<64x1xi32>
    %rem3A_2720 = vector.broadcast %jit3A_2699 : i32 to vector<64x1xi32>
    %rem3A_2721 = arith.remsi %sub3A_2698, %rem3A_2720 : vector<64x1xi32>
    %ne3A_2722 = arith.constant 0 : i32
    %ne3A_2723 = vector.broadcast %ne3A_2722 : i32 to vector<64x1xi32>
    %ne3A_2724 = arith.cmpi ne, %rem3A_2721, %ne3A_2723 : vector<64x1xi32>
    %and3A_2725 = arith.andi %ne3A_2719, %ne3A_2724 : vector<64x1xi1>
    %sub3A_2726 = arith.constant 1 : i32
    %sub3A_2727 = vector.broadcast %sub3A_2726 : i32 to vector<64x1xi32>
    %sub3A_2728 = arith.subi %div3A_2701, %sub3A_2727 : vector<64x1xi32>
    %select_n3A_2729 = arith.select %and3A_2725, %sub3A_2728, %div3A_2701 : vector<64x1xi1>, vector<64x1xi32>
    %neg3A_2730 = arith.constant 0 : i32
    %neg3A_2731 = vector.broadcast %neg3A_2730 : i32 to vector<64x1xi32>
    %neg3A_2732 = arith.subi %neg3A_2731, %select_n3A_2729 : vector<64x1xi32>
    %select_n3A_2733 = arith.select %lt3A_2661, %select_n3A_2695, %neg3A_2732 : vector<64x1xi1>, vector<64x1xi32>
    %sub3A_2734 = vector.broadcast %select_n3A_2733 : vector<64x1xi32> to vector<64x96xi32>
    %sub3A_2735 = arith.subi %iota3A_1270, %sub3A_2734 : vector<64x96xi32>
    %sub3A_2736 = arith.constant 1 : i32
    %sub3A_2737 = vector.broadcast %sub3A_2736 : i32 to vector<64x1xi32>
    %sub3A_2738 = arith.subi %max3A_2658, %sub3A_2737 : vector<64x1xi32>
    %jit3A_2739 = arith.constant 0 : i32
    %max3A_2740 = vector.broadcast %jit3A_2739 : i32 to vector<64x96xi32>
    %max3A_2741 = arith.maxsi %max3A_2740, %sub3A_2735 : vector<64x96xi32>
    %min3A_2742 = vector.broadcast %sub3A_2738 : vector<64x1xi32> to vector<64x96xi32>
    %min3A_2743 = arith.minsi %min3A_2742, %max3A_2741 : vector<64x96xi32>
    %add3A_2744 = vector.broadcast %select_n3A_2613 : vector<64x1xi32> to vector<64x96xi32>
    %add3A_2745 = arith.addi %add3A_2744, %min3A_2743 : vector<64x96xi32>
    %jit3A_2746 = arith.constant 0 : i32
    %jit3A_2747 = arith.constant 999 : i32
    %max3A_2748 = vector.broadcast %jit3A_2746 : i32 to vector<64x96xi32>
    %max3A_2749 = arith.maxsi %max3A_2748, %add3A_2745 : vector<64x96xi32>
    %min3A_2750 = vector.broadcast %jit3A_2747 : i32 to vector<64x96xi32>
    %min3A_2751 = arith.minsi %min3A_2750, %max3A_2749 : vector<64x96xi32>
    %slice3A_2752 = vector.extract_strided_slice %min3A_2751 {offsets = [0, 0], sizes = [64, 1], strides = [1, 1]} : vector<64x96xi32> to vector<64x1xi32>
    %jit3A_2753 = arith.constant 128 : i32
    %div3A_2754 = vector.broadcast %jit3A_2753 : i32 to vector<64x1xi32>
    %div3A_2755 = arith.divsi %slice3A_2752, %div3A_2754 : vector<64x1xi32>
    %sign3A_2756 = arith.constant 0 : i32
    %sign3A_2757 = vector.broadcast %sign3A_2756 : i32 to vector<64x1xi32>
    %sign3A_2758 = arith.cmpi sgt, %slice3A_2752, %sign3A_2757 : vector<64x1xi32>
    %sign3A_2759 = arith.extui %sign3A_2758 : vector<64x1xi1> to vector<64x1xi32>
    %sign3A_2760 = arith.constant 0 : i32
    %sign3A_2761 = vector.broadcast %sign3A_2760 : i32 to vector<64x1xi32>
    %sign3A_2762 = arith.cmpi slt, %slice3A_2752, %sign3A_2761 : vector<64x1xi32>
    %sign3A_2763 = arith.extui %sign3A_2762 : vector<64x1xi1> to vector<64x1xi32>
    %sign3A_2764 = arith.subi %sign3A_2759, %sign3A_2763 : vector<64x1xi32>
    %sign3A_2765 = arith.constant 0 : i32
    %sign3A_2766 = arith.cmpi sgt, %jit3A_2753, %sign3A_2765 : i32
    %sign3A_2767 = arith.extui %sign3A_2766 : i1 to i32
    %sign3A_2768 = arith.constant 0 : i32
    %sign3A_2769 = arith.cmpi slt, %jit3A_2753, %sign3A_2768 : i32
    %sign3A_2770 = arith.extui %sign3A_2769 : i1 to i32
    %sign3A_2771 = arith.subi %sign3A_2767, %sign3A_2770 : i32
    %ne3A_2772 = vector.broadcast %sign3A_2771 : i32 to vector<64x1xi32>
    %ne3A_2773 = arith.cmpi ne, %sign3A_2764, %ne3A_2772 : vector<64x1xi32>
    %rem3A_2774 = vector.broadcast %jit3A_2753 : i32 to vector<64x1xi32>
    %rem3A_2775 = arith.remsi %slice3A_2752, %rem3A_2774 : vector<64x1xi32>
    %ne3A_2776 = arith.constant 0 : i32
    %ne3A_2777 = vector.broadcast %ne3A_2776 : i32 to vector<64x1xi32>
    %ne3A_2778 = arith.cmpi ne, %rem3A_2775, %ne3A_2777 : vector<64x1xi32>
    %and3A_2779 = arith.andi %ne3A_2773, %ne3A_2778 : vector<64x1xi1>
    %sub3A_2780 = arith.constant 1 : i32
    %sub3A_2781 = vector.broadcast %sub3A_2780 : i32 to vector<64x1xi32>
    %sub3A_2782 = arith.subi %div3A_2755, %sub3A_2781 : vector<64x1xi32>
    %select_n3A_2783 = arith.select %and3A_2779, %sub3A_2782, %div3A_2755 : vector<64x1xi1>, vector<64x1xi32>
    %gt3A_2784 = arith.constant 6 : i32
    %gt3A_2785 = vector.broadcast %gt3A_2784 : i32 to vector<64x1xi32>
    %gt3A_2786 = arith.cmpi sgt, %broadcast_in_dim3A_897, %gt3A_2785 : vector<64x1xi32>
    %mul3A_2787 = arith.constant 128 : i32
    %mul3A_2788 = vector.broadcast %mul3A_2787 : i32 to vector<64x1xi32>
    %mul3A_2789 = arith.muli %mul3A_2788, %select_n3A_2783 : vector<64x1xi32>
    %sub3A_2790 = vector.broadcast %mul3A_2789 : vector<64x1xi32> to vector<64x96xi32>
    %sub3A_2791 = arith.subi %min3A_2751, %sub3A_2790 : vector<64x96xi32>
    %jit3A_2792 = arith.constant 300 : i32
    %broadcast_in_dim3A_2793 = vector.shape_cast %gt3A_2786 : vector<64x1xi1> to vector<64x1xi1>
    %broadcast_in_dim3A_2794 = vector.broadcast %broadcast_in_dim3A_2793 : vector<64x1xi1> to vector<64x96xi1>
    %broadcast_in_dim3A_2795 = vector.broadcast %jit3A_2792 : i32 to vector<64x96xi32>
    %select_n3A_2796 = arith.select %broadcast_in_dim3A_2794, %sub3A_2791, %broadcast_in_dim3A_2795 : vector<64x96xi1>, vector<64x96xi32>
    %swap3A_2797 = arith.constant 0 : index
    %swap3A_2798 = arith.constant 6 : index
    %swap3A_2799 = arith.constant 0 : index
    %swap3A_2800 = vector.load %arg5[%swap3A_2797, %swap3A_2798, %swap3A_2799] : memref<64x10x96xi32, #tpu.memory_space<vmem>>, vector<64x1x96xi32>
    %swap3A_2801 = vector.shape_cast %swap3A_2800 : vector<64x1x96xi32> to vector<64x96xi32>
    %swap3A_2802 = vector.shape_cast %select_n3A_2796 : vector<64x96xi32> to vector<64x1x96xi32>
    tpu.vector_store %arg5[%swap3A_2797, %swap3A_2798, %swap3A_2799], %swap3A_2802 {strides = array<i32>} : memref<64x10x96xi32, #tpu.memory_space<vmem>>, vector<64x1x96xi32>,
    %slice3A_2803 = vector.extract_strided_slice %concatenate3A_1269 {offsets = [0, 7], sizes = [64, 1], strides = [1, 1]} : vector<64x25xi32> to vector<64x1xi32>
    %slice3A_2804 = vector.extract_strided_slice %concatenate3A_1269 {offsets = [0, 8], sizes = [64, 1], strides = [1, 1]} : vector<64x25xi32> to vector<64x1xi32>
    %slice3A_2805 = vector.extract_strided_slice %concatenate3A_1269 {offsets = [0, 6], sizes = [64, 1], strides = [1, 1]} : vector<64x25xi32> to vector<64x1xi32>
    %add3A_2806 = arith.addi %slice3A_2805, %slice3A_2803 : vector<64x1xi32>
    %jit3A_2807 = arith.constant 2 : i32
    %div3A_2808 = vector.broadcast %jit3A_2807 : i32 to vector<64x1xi32>
    %div3A_2809 = arith.divsi %add3A_2806, %div3A_2808 : vector<64x1xi32>
    %sign3A_2810 = arith.constant 0 : i32
    %sign3A_2811 = vector.broadcast %sign3A_2810 : i32 to vector<64x1xi32>
    %sign3A_2812 = arith.cmpi sgt, %add3A_2806, %sign3A_2811 : vector<64x1xi32>
    %sign3A_2813 = arith.extui %sign3A_2812 : vector<64x1xi1> to vector<64x1xi32>
    %sign3A_2814 = arith.constant 0 : i32
    %sign3A_2815 = vector.broadcast %sign3A_2814 : i32 to vector<64x1xi32>
    %sign3A_2816 = arith.cmpi slt, %add3A_2806, %sign3A_2815 : vector<64x1xi32>
    %sign3A_2817 = arith.extui %sign3A_2816 : vector<64x1xi1> to vector<64x1xi32>
    %sign3A_2818 = arith.subi %sign3A_2813, %sign3A_2817 : vector<64x1xi32>
    %sign3A_2819 = arith.constant 0 : i32
    %sign3A_2820 = arith.cmpi sgt, %jit3A_2807, %sign3A_2819 : i32
    %sign3A_2821 = arith.extui %sign3A_2820 : i1 to i32
    %sign3A_2822 = arith.constant 0 : i32
    %sign3A_2823 = arith.cmpi slt, %jit3A_2807, %sign3A_2822 : i32
    %sign3A_2824 = arith.extui %sign3A_2823 : i1 to i32
    %sign3A_2825 = arith.subi %sign3A_2821, %sign3A_2824 : i32
    %ne3A_2826 = vector.broadcast %sign3A_2825 : i32 to vector<64x1xi32>
    %ne3A_2827 = arith.cmpi ne, %sign3A_2818, %ne3A_2826 : vector<64x1xi32>
    %rem3A_2828 = vector.broadcast %jit3A_2807 : i32 to vector<64x1xi32>
    %rem3A_2829 = arith.remsi %add3A_2806, %rem3A_2828 : vector<64x1xi32>
    %ne3A_2830 = arith.constant 0 : i32
    %ne3A_2831 = vector.broadcast %ne3A_2830 : i32 to vector<64x1xi32>
    %ne3A_2832 = arith.cmpi ne, %rem3A_2829, %ne3A_2831 : vector<64x1xi32>
    %and3A_2833 = arith.andi %ne3A_2827, %ne3A_2832 : vector<64x1xi1>
    %sub3A_2834 = arith.constant 1 : i32
    %sub3A_2835 = vector.broadcast %sub3A_2834 : i32 to vector<64x1xi32>
    %sub3A_2836 = arith.subi %div3A_2809, %sub3A_2835 : vector<64x1xi32>
    %select_n3A_2837 = arith.select %and3A_2833, %sub3A_2836, %div3A_2809 : vector<64x1xi1>, vector<64x1xi32>
    %eq3A_2838 = arith.constant 8 : i32
    %eq3A_2839 = vector.broadcast %eq3A_2838 : i32 to vector<64x1xi32>
    %eq3A_2840 = arith.cmpi eq, %broadcast_in_dim3A_897, %eq3A_2839 : vector<64x1xi32>
    %add3A_2841 = arith.addi %slice3A_2803, %slice3A_2804 : vector<64x1xi32>
    %jit3A_2842 = arith.constant 2 : i32
    %div3A_2843 = vector.broadcast %jit3A_2842 : i32 to vector<64x1xi32>
    %div3A_2844 = arith.divsi %add3A_2841, %div3A_2843 : vector<64x1xi32>
    %sign3A_2845 = arith.constant 0 : i32
    %sign3A_2846 = vector.broadcast %sign3A_2845 : i32 to vector<64x1xi32>
    %sign3A_2847 = arith.cmpi sgt, %add3A_2841, %sign3A_2846 : vector<64x1xi32>
    %sign3A_2848 = arith.extui %sign3A_2847 : vector<64x1xi1> to vector<64x1xi32>
    %sign3A_2849 = arith.constant 0 : i32
    %sign3A_2850 = vector.broadcast %sign3A_2849 : i32 to vector<64x1xi32>
    %sign3A_2851 = arith.cmpi slt, %add3A_2841, %sign3A_2850 : vector<64x1xi32>
    %sign3A_2852 = arith.extui %sign3A_2851 : vector<64x1xi1> to vector<64x1xi32>
    %sign3A_2853 = arith.subi %sign3A_2848, %sign3A_2852 : vector<64x1xi32>
    %sign3A_2854 = arith.constant 0 : i32
    %sign3A_2855 = arith.cmpi sgt, %jit3A_2842, %sign3A_2854 : i32
    %sign3A_2856 = arith.extui %sign3A_2855 : i1 to i32
    %sign3A_2857 = arith.constant 0 : i32
    %sign3A_2858 = arith.cmpi slt, %jit3A_2842, %sign3A_2857 : i32
    %sign3A_2859 = arith.extui %sign3A_2858 : i1 to i32
    %sign3A_2860 = arith.subi %sign3A_2856, %sign3A_2859 : i32
    %ne3A_2861 = vector.broadcast %sign3A_2860 : i32 to vector<64x1xi32>
    %ne3A_2862 = arith.cmpi ne, %sign3A_2853, %ne3A_2861 : vector<64x1xi32>
    %rem3A_2863 = vector.broadcast %jit3A_2842 : i32 to vector<64x1xi32>
    %rem3A_2864 = arith.remsi %add3A_2841, %rem3A_2863 : vector<64x1xi32>
    %ne3A_2865 = arith.constant 0 : i32
    %ne3A_2866 = vector.broadcast %ne3A_2865 : i32 to vector<64x1xi32>
    %ne3A_2867 = arith.cmpi ne, %rem3A_2864, %ne3A_2866 : vector<64x1xi32>
    %and3A_2868 = arith.andi %ne3A_2862, %ne3A_2867 : vector<64x1xi1>
    %sub3A_2869 = arith.constant 1 : i32
    %sub3A_2870 = vector.broadcast %sub3A_2869 : i32 to vector<64x1xi32>
    %sub3A_2871 = arith.subi %div3A_2844, %sub3A_2870 : vector<64x1xi32>
    %select_n3A_2872 = arith.select %and3A_2868, %sub3A_2871, %div3A_2844 : vector<64x1xi1>, vector<64x1xi32>
    %jit3A_2873 = arith.constant 1000 : i32
    %broadcast_in_dim3A_2874 = vector.broadcast %jit3A_2873 : i32 to vector<64x1xi32>
    %select_n3A_2875 = arith.select %eq3A_2840, %broadcast_in_dim3A_2874, %select_n3A_2872 : vector<64x1xi1>, vector<64x1xi32>
    %min3A_2876 = arith.constant 1000 : i32
    %min3A_2877 = vector.broadcast %min3A_2876 : i32 to vector<64x1xi32>
    %min3A_2878 = arith.minsi %select_n3A_2875, %min3A_2877 : vector<64x1xi32>
    %sub3A_2879 = arith.subi %min3A_2878, %select_n3A_2837 : vector<64x1xi32>
    %max3A_2880 = arith.constant 1 : i32
    %max3A_2881 = vector.broadcast %max3A_2880 : i32 to vector<64x1xi32>
    %max3A_2882 = arith.maxsi %sub3A_2879, %max3A_2881 : vector<64x1xi32>
    %lt3A_2883 = arith.constant 96 : i32
    %lt3A_2884 = vector.broadcast %lt3A_2883 : i32 to vector<64x1xi32>
    %lt3A_2885 = arith.cmpi slt, %max3A_2882, %lt3A_2884 : vector<64x1xi32>
    %sub3A_2886 = arith.constant 96 : i32
    %sub3A_2887 = vector.broadcast %sub3A_2886 : i32 to vector<64x1xi32>
    %sub3A_2888 = arith.subi %sub3A_2887, %max3A_2882 : vector<64x1xi32>
    %jit3A_2889 = arith.constant 2 : i32
    %div3A_2890 = vector.broadcast %jit3A_2889 : i32 to vector<64x1xi32>
    %div3A_2891 = arith.divsi %sub3A_2888, %div3A_2890 : vector<64x1xi32>
    %sign3A_2892 = arith.constant 0 : i32
    %sign3A_2893 = vector.broadcast %sign3A_2892 : i32 to vector<64x1xi32>
    %sign3A_2894 = arith.cmpi sgt, %sub3A_2888, %sign3A_2893 : vector<64x1xi32>
    %sign3A_2895 = arith.extui %sign3A_2894 : vector<64x1xi1> to vector<64x1xi32>
    %sign3A_2896 = arith.constant 0 : i32
    %sign3A_2897 = vector.broadcast %sign3A_2896 : i32 to vector<64x1xi32>
    %sign3A_2898 = arith.cmpi slt, %sub3A_2888, %sign3A_2897 : vector<64x1xi32>
    %sign3A_2899 = arith.extui %sign3A_2898 : vector<64x1xi1> to vector<64x1xi32>
    %sign3A_2900 = arith.subi %sign3A_2895, %sign3A_2899 : vector<64x1xi32>
    %sign3A_2901 = arith.constant 0 : i32
    %sign3A_2902 = arith.cmpi sgt, %jit3A_2889, %sign3A_2901 : i32
    %sign3A_2903 = arith.extui %sign3A_2902 : i1 to i32
    %sign3A_2904 = arith.constant 0 : i32
    %sign3A_2905 = arith.cmpi slt, %jit3A_2889, %sign3A_2904 : i32
    %sign3A_2906 = arith.extui %sign3A_2905 : i1 to i32
    %sign3A_2907 = arith.subi %sign3A_2903, %sign3A_2906 : i32
    %ne3A_2908 = vector.broadcast %sign3A_2907 : i32 to vector<64x1xi32>
    %ne3A_2909 = arith.cmpi ne, %sign3A_2900, %ne3A_2908 : vector<64x1xi32>
    %rem3A_2910 = vector.broadcast %jit3A_2889 : i32 to vector<64x1xi32>
    %rem3A_2911 = arith.remsi %sub3A_2888, %rem3A_2910 : vector<64x1xi32>
    %ne3A_2912 = arith.constant 0 : i32
    %ne3A_2913 = vector.broadcast %ne3A_2912 : i32 to vector<64x1xi32>
    %ne3A_2914 = arith.cmpi ne, %rem3A_2911, %ne3A_2913 : vector<64x1xi32>
    %and3A_2915 = arith.andi %ne3A_2909, %ne3A_2914 : vector<64x1xi1>
    %sub3A_2916 = arith.constant 1 : i32
    %sub3A_2917 = vector.broadcast %sub3A_2916 : i32 to vector<64x1xi32>
    %sub3A_2918 = arith.subi %div3A_2891, %sub3A_2917 : vector<64x1xi32>
    %select_n3A_2919 = arith.select %and3A_2915, %sub3A_2918, %div3A_2891 : vector<64x1xi1>, vector<64x1xi32>
    %sub3A_2920 = arith.constant 96 : i32
    %sub3A_2921 = vector.broadcast %sub3A_2920 : i32 to vector<64x1xi32>
    %sub3A_2922 = arith.subi %max3A_2882, %sub3A_2921 : vector<64x1xi32>
    %jit3A_2923 = arith.constant 2 : i32
    %div3A_2924 = vector.broadcast %jit3A_2923 : i32 to vector<64x1xi32>
    %div3A_2925 = arith.divsi %sub3A_2922, %div3A_2924 : vector<64x1xi32>
    %sign3A_2926 = arith.constant 0 : i32
    %sign3A_2927 = vector.broadcast %sign3A_2926 : i32 to vector<64x1xi32>
    %sign3A_2928 = arith.cmpi sgt, %sub3A_2922, %sign3A_2927 : vector<64x1xi32>
    %sign3A_2929 = arith.extui %sign3A_2928 : vector<64x1xi1> to vector<64x1xi32>
    %sign3A_2930 = arith.constant 0 : i32
    %sign3A_2931 = vector.broadcast %sign3A_2930 : i32 to vector<64x1xi32>
    %sign3A_2932 = arith.cmpi slt, %sub3A_2922, %sign3A_2931 : vector<64x1xi32>
    %sign3A_2933 = arith.extui %sign3A_2932 : vector<64x1xi1> to vector<64x1xi32>
    %sign3A_2934 = arith.subi %sign3A_2929, %sign3A_2933 : vector<64x1xi32>
    %sign3A_2935 = arith.constant 0 : i32
    %sign3A_2936 = arith.cmpi sgt, %jit3A_2923, %sign3A_2935 : i32
    %sign3A_2937 = arith.extui %sign3A_2936 : i1 to i32
    %sign3A_2938 = arith.constant 0 : i32
    %sign3A_2939 = arith.cmpi slt, %jit3A_2923, %sign3A_2938 : i32
    %sign3A_2940 = arith.extui %sign3A_2939 : i1 to i32
    %sign3A_2941 = arith.subi %sign3A_2937, %sign3A_2940 : i32
    %ne3A_2942 = vector.broadcast %sign3A_2941 : i32 to vector<64x1xi32>
    %ne3A_2943 = arith.cmpi ne, %sign3A_2934, %ne3A_2942 : vector<64x1xi32>
    %rem3A_2944 = vector.broadcast %jit3A_2923 : i32 to vector<64x1xi32>
    %rem3A_2945 = arith.remsi %sub3A_2922, %rem3A_2944 : vector<64x1xi32>
    %ne3A_2946 = arith.constant 0 : i32
    %ne3A_2947 = vector.broadcast %ne3A_2946 : i32 to vector<64x1xi32>
    %ne3A_2948 = arith.cmpi ne, %rem3A_2945, %ne3A_2947 : vector<64x1xi32>
    %and3A_2949 = arith.andi %ne3A_2943, %ne3A_2948 : vector<64x1xi1>
    %sub3A_2950 = arith.constant 1 : i32
    %sub3A_2951 = vector.broadcast %sub3A_2950 : i32 to vector<64x1xi32>
    %sub3A_2952 = arith.subi %div3A_2925, %sub3A_2951 : vector<64x1xi32>
    %select_n3A_2953 = arith.select %and3A_2949, %sub3A_2952, %div3A_2925 : vector<64x1xi1>, vector<64x1xi32>
    %neg3A_2954 = arith.constant 0 : i32
    %neg3A_2955 = vector.broadcast %neg3A_2954 : i32 to vector<64x1xi32>
    %neg3A_2956 = arith.subi %neg3A_2955, %select_n3A_2953 : vector<64x1xi32>
    %select_n3A_2957 = arith.select %lt3A_2885, %select_n3A_2919, %neg3A_2956 : vector<64x1xi1>, vector<64x1xi32>
    %sub3A_2958 = vector.broadcast %select_n3A_2957 : vector<64x1xi32> to vector<64x96xi32>
    %sub3A_2959 = arith.subi %iota3A_1270, %sub3A_2958 : vector<64x96xi32>
    %sub3A_2960 = arith.constant 1 : i32
    %sub3A_2961 = vector.broadcast %sub3A_2960 : i32 to vector<64x1xi32>
    %sub3A_2962 = arith.subi %max3A_2882, %sub3A_2961 : vector<64x1xi32>
    %jit3A_2963 = arith.constant 0 : i32
    %max3A_2964 = vector.broadcast %jit3A_2963 : i32 to vector<64x96xi32>
    %max3A_2965 = arith.maxsi %max3A_2964, %sub3A_2959 : vector<64x96xi32>
    %min3A_2966 = vector.broadcast %sub3A_2962 : vector<64x1xi32> to vector<64x96xi32>
    %min3A_2967 = arith.minsi %min3A_2966, %max3A_2965 : vector<64x96xi32>
    %add3A_2968 = vector.broadcast %select_n3A_2837 : vector<64x1xi32> to vector<64x96xi32>
    %add3A_2969 = arith.addi %add3A_2968, %min3A_2967 : vector<64x96xi32>
    %jit3A_2970 = arith.constant 0 : i32
    %jit3A_2971 = arith.constant 999 : i32
    %max3A_2972 = vector.broadcast %jit3A_2970 : i32 to vector<64x96xi32>
    %max3A_2973 = arith.maxsi %max3A_2972, %add3A_2969 : vector<64x96xi32>
    %min3A_2974 = vector.broadcast %jit3A_2971 : i32 to vector<64x96xi32>
    %min3A_2975 = arith.minsi %min3A_2974, %max3A_2973 : vector<64x96xi32>
    %slice3A_2976 = vector.extract_strided_slice %min3A_2975 {offsets = [0, 0], sizes = [64, 1], strides = [1, 1]} : vector<64x96xi32> to vector<64x1xi32>
    %jit3A_2977 = arith.constant 128 : i32
    %div3A_2978 = vector.broadcast %jit3A_2977 : i32 to vector<64x1xi32>
    %div3A_2979 = arith.divsi %slice3A_2976, %div3A_2978 : vector<64x1xi32>
    %sign3A_2980 = arith.constant 0 : i32
    %sign3A_2981 = vector.broadcast %sign3A_2980 : i32 to vector<64x1xi32>
    %sign3A_2982 = arith.cmpi sgt, %slice3A_2976, %sign3A_2981 : vector<64x1xi32>
    %sign3A_2983 = arith.extui %sign3A_2982 : vector<64x1xi1> to vector<64x1xi32>
    %sign3A_2984 = arith.constant 0 : i32
    %sign3A_2985 = vector.broadcast %sign3A_2984 : i32 to vector<64x1xi32>
    %sign3A_2986 = arith.cmpi slt, %slice3A_2976, %sign3A_2985 : vector<64x1xi32>
    %sign3A_2987 = arith.extui %sign3A_2986 : vector<64x1xi1> to vector<64x1xi32>
    %sign3A_2988 = arith.subi %sign3A_2983, %sign3A_2987 : vector<64x1xi32>
    %sign3A_2989 = arith.constant 0 : i32
    %sign3A_2990 = arith.cmpi sgt, %jit3A_2977, %sign3A_2989 : i32
    %sign3A_2991 = arith.extui %sign3A_2990 : i1 to i32
    %sign3A_2992 = arith.constant 0 : i32
    %sign3A_2993 = arith.cmpi slt, %jit3A_2977, %sign3A_2992 : i32
    %sign3A_2994 = arith.extui %sign3A_2993 : i1 to i32
    %sign3A_2995 = arith.subi %sign3A_2991, %sign3A_2994 : i32
    %ne3A_2996 = vector.broadcast %sign3A_2995 : i32 to vector<64x1xi32>
    %ne3A_2997 = arith.cmpi ne, %sign3A_2988, %ne3A_2996 : vector<64x1xi32>
    %rem3A_2998 = vector.broadcast %jit3A_2977 : i32 to vector<64x1xi32>
    %rem3A_2999 = arith.remsi %slice3A_2976, %rem3A_2998 : vector<64x1xi32>
    %ne3A_3000 = arith.constant 0 : i32
    %ne3A_3001 = vector.broadcast %ne3A_3000 : i32 to vector<64x1xi32>
    %ne3A_3002 = arith.cmpi ne, %rem3A_2999, %ne3A_3001 : vector<64x1xi32>
    %and3A_3003 = arith.andi %ne3A_2997, %ne3A_3002 : vector<64x1xi1>
    %sub3A_3004 = arith.constant 1 : i32
    %sub3A_3005 = vector.broadcast %sub3A_3004 : i32 to vector<64x1xi32>
    %sub3A_3006 = arith.subi %div3A_2979, %sub3A_3005 : vector<64x1xi32>
    %select_n3A_3007 = arith.select %and3A_3003, %sub3A_3006, %div3A_2979 : vector<64x1xi1>, vector<64x1xi32>
    %gt3A_3008 = arith.constant 7 : i32
    %gt3A_3009 = vector.broadcast %gt3A_3008 : i32 to vector<64x1xi32>
    %gt3A_3010 = arith.cmpi sgt, %broadcast_in_dim3A_897, %gt3A_3009 : vector<64x1xi32>
    %mul3A_3011 = arith.constant 128 : i32
    %mul3A_3012 = vector.broadcast %mul3A_3011 : i32 to vector<64x1xi32>
    %mul3A_3013 = arith.muli %mul3A_3012, %select_n3A_3007 : vector<64x1xi32>
    %sub3A_3014 = vector.broadcast %mul3A_3013 : vector<64x1xi32> to vector<64x96xi32>
    %sub3A_3015 = arith.subi %min3A_2975, %sub3A_3014 : vector<64x96xi32>
    %jit3A_3016 = arith.constant 300 : i32
    %broadcast_in_dim3A_3017 = vector.shape_cast %gt3A_3010 : vector<64x1xi1> to vector<64x1xi1>
    %broadcast_in_dim3A_3018 = vector.broadcast %broadcast_in_dim3A_3017 : vector<64x1xi1> to vector<64x96xi1>
    %broadcast_in_dim3A_3019 = vector.broadcast %jit3A_3016 : i32 to vector<64x96xi32>
    %select_n3A_3020 = arith.select %broadcast_in_dim3A_3018, %sub3A_3015, %broadcast_in_dim3A_3019 : vector<64x96xi1>, vector<64x96xi32>
    %swap3A_3021 = arith.constant 0 : index
    %swap3A_3022 = arith.constant 7 : index
    %swap3A_3023 = arith.constant 0 : index
    %swap3A_3024 = vector.load %arg5[%swap3A_3021, %swap3A_3022, %swap3A_3023] : memref<64x10x96xi32, #tpu.memory_space<vmem>>, vector<64x1x96xi32>
    %swap3A_3025 = vector.shape_cast %swap3A_3024 : vector<64x1x96xi32> to vector<64x96xi32>
    %swap3A_3026 = vector.shape_cast %select_n3A_3020 : vector<64x96xi32> to vector<64x1x96xi32>
    tpu.vector_store %arg5[%swap3A_3021, %swap3A_3022, %swap3A_3023], %swap3A_3026 {strides = array<i32>} : memref<64x10x96xi32, #tpu.memory_space<vmem>>, vector<64x1x96xi32>,
    %slice3A_3027 = vector.extract_strided_slice %concatenate3A_1269 {offsets = [0, 8], sizes = [64, 1], strides = [1, 1]} : vector<64x25xi32> to vector<64x1xi32>
    %slice3A_3028 = vector.extract_strided_slice %concatenate3A_1269 {offsets = [0, 9], sizes = [64, 1], strides = [1, 1]} : vector<64x25xi32> to vector<64x1xi32>
    %slice3A_3029 = vector.extract_strided_slice %concatenate3A_1269 {offsets = [0, 7], sizes = [64, 1], strides = [1, 1]} : vector<64x25xi32> to vector<64x1xi32>
    %add3A_3030 = arith.addi %slice3A_3029, %slice3A_3027 : vector<64x1xi32>
    %jit3A_3031 = arith.constant 2 : i32
    %div3A_3032 = vector.broadcast %jit3A_3031 : i32 to vector<64x1xi32>
    %div3A_3033 = arith.divsi %add3A_3030, %div3A_3032 : vector<64x1xi32>
    %sign3A_3034 = arith.constant 0 : i32
    %sign3A_3035 = vector.broadcast %sign3A_3034 : i32 to vector<64x1xi32>
    %sign3A_3036 = arith.cmpi sgt, %add3A_3030, %sign3A_3035 : vector<64x1xi32>
    %sign3A_3037 = arith.extui %sign3A_3036 : vector<64x1xi1> to vector<64x1xi32>
    %sign3A_3038 = arith.constant 0 : i32
    %sign3A_3039 = vector.broadcast %sign3A_3038 : i32 to vector<64x1xi32>
    %sign3A_3040 = arith.cmpi slt, %add3A_3030, %sign3A_3039 : vector<64x1xi32>
    %sign3A_3041 = arith.extui %sign3A_3040 : vector<64x1xi1> to vector<64x1xi32>
    %sign3A_3042 = arith.subi %sign3A_3037, %sign3A_3041 : vector<64x1xi32>
    %sign3A_3043 = arith.constant 0 : i32
    %sign3A_3044 = arith.cmpi sgt, %jit3A_3031, %sign3A_3043 : i32
    %sign3A_3045 = arith.extui %sign3A_3044 : i1 to i32
    %sign3A_3046 = arith.constant 0 : i32
    %sign3A_3047 = arith.cmpi slt, %jit3A_3031, %sign3A_3046 : i32
    %sign3A_3048 = arith.extui %sign3A_3047 : i1 to i32
    %sign3A_3049 = arith.subi %sign3A_3045, %sign3A_3048 : i32
    %ne3A_3050 = vector.broadcast %sign3A_3049 : i32 to vector<64x1xi32>
    %ne3A_3051 = arith.cmpi ne, %sign3A_3042, %ne3A_3050 : vector<64x1xi32>
    %rem3A_3052 = vector.broadcast %jit3A_3031 : i32 to vector<64x1xi32>
    %rem3A_3053 = arith.remsi %add3A_3030, %rem3A_3052 : vector<64x1xi32>
    %ne3A_3054 = arith.constant 0 : i32
    %ne3A_3055 = vector.broadcast %ne3A_3054 : i32 to vector<64x1xi32>
    %ne3A_3056 = arith.cmpi ne, %rem3A_3053, %ne3A_3055 : vector<64x1xi32>
    %and3A_3057 = arith.andi %ne3A_3051, %ne3A_3056 : vector<64x1xi1>
    %sub3A_3058 = arith.constant 1 : i32
    %sub3A_3059 = vector.broadcast %sub3A_3058 : i32 to vector<64x1xi32>
    %sub3A_3060 = arith.subi %div3A_3033, %sub3A_3059 : vector<64x1xi32>
    %select_n3A_3061 = arith.select %and3A_3057, %sub3A_3060, %div3A_3033 : vector<64x1xi1>, vector<64x1xi32>
    %eq3A_3062 = arith.constant 9 : i32
    %eq3A_3063 = vector.broadcast %eq3A_3062 : i32 to vector<64x1xi32>
    %eq3A_3064 = arith.cmpi eq, %broadcast_in_dim3A_897, %eq3A_3063 : vector<64x1xi32>
    %add3A_3065 = arith.addi %slice3A_3027, %slice3A_3028 : vector<64x1xi32>
    %jit3A_3066 = arith.constant 2 : i32
    %div3A_3067 = vector.broadcast %jit3A_3066 : i32 to vector<64x1xi32>
    %div3A_3068 = arith.divsi %add3A_3065, %div3A_3067 : vector<64x1xi32>
    %sign3A_3069 = arith.constant 0 : i32
    %sign3A_3070 = vector.broadcast %sign3A_3069 : i32 to vector<64x1xi32>
    %sign3A_3071 = arith.cmpi sgt, %add3A_3065, %sign3A_3070 : vector<64x1xi32>
    %sign3A_3072 = arith.extui %sign3A_3071 : vector<64x1xi1> to vector<64x1xi32>
    %sign3A_3073 = arith.constant 0 : i32
    %sign3A_3074 = vector.broadcast %sign3A_3073 : i32 to vector<64x1xi32>
    %sign3A_3075 = arith.cmpi slt, %add3A_3065, %sign3A_3074 : vector<64x1xi32>
    %sign3A_3076 = arith.extui %sign3A_3075 : vector<64x1xi1> to vector<64x1xi32>
    %sign3A_3077 = arith.subi %sign3A_3072, %sign3A_3076 : vector<64x1xi32>
    %sign3A_3078 = arith.constant 0 : i32
    %sign3A_3079 = arith.cmpi sgt, %jit3A_3066, %sign3A_3078 : i32
    %sign3A_3080 = arith.extui %sign3A_3079 : i1 to i32
    %sign3A_3081 = arith.constant 0 : i32
    %sign3A_3082 = arith.cmpi slt, %jit3A_3066, %sign3A_3081 : i32
    %sign3A_3083 = arith.extui %sign3A_3082 : i1 to i32
    %sign3A_3084 = arith.subi %sign3A_3080, %sign3A_3083 : i32
    %ne3A_3085 = vector.broadcast %sign3A_3084 : i32 to vector<64x1xi32>
    %ne3A_3086 = arith.cmpi ne, %sign3A_3077, %ne3A_3085 : vector<64x1xi32>
    %rem3A_3087 = vector.broadcast %jit3A_3066 : i32 to vector<64x1xi32>
    %rem3A_3088 = arith.remsi %add3A_3065, %rem3A_3087 : vector<64x1xi32>
    %ne3A_3089 = arith.constant 0 : i32
    %ne3A_3090 = vector.broadcast %ne3A_3089 : i32 to vector<64x1xi32>
    %ne3A_3091 = arith.cmpi ne, %rem3A_3088, %ne3A_3090 : vector<64x1xi32>
    %and3A_3092 = arith.andi %ne3A_3086, %ne3A_3091 : vector<64x1xi1>
    %sub3A_3093 = arith.constant 1 : i32
    %sub3A_3094 = vector.broadcast %sub3A_3093 : i32 to vector<64x1xi32>
    %sub3A_3095 = arith.subi %div3A_3068, %sub3A_3094 : vector<64x1xi32>
    %select_n3A_3096 = arith.select %and3A_3092, %sub3A_3095, %div3A_3068 : vector<64x1xi1>, vector<64x1xi32>
    %jit3A_3097 = arith.constant 1000 : i32
    %broadcast_in_dim3A_3098 = vector.broadcast %jit3A_3097 : i32 to vector<64x1xi32>
    %select_n3A_3099 = arith.select %eq3A_3064, %broadcast_in_dim3A_3098, %select_n3A_3096 : vector<64x1xi1>, vector<64x1xi32>
    %min3A_3100 = arith.constant 1000 : i32
    %min3A_3101 = vector.broadcast %min3A_3100 : i32 to vector<64x1xi32>
    %min3A_3102 = arith.minsi %select_n3A_3099, %min3A_3101 : vector<64x1xi32>
    %sub3A_3103 = arith.subi %min3A_3102, %select_n3A_3061 : vector<64x1xi32>
    %max3A_3104 = arith.constant 1 : i32
    %max3A_3105 = vector.broadcast %max3A_3104 : i32 to vector<64x1xi32>
    %max3A_3106 = arith.maxsi %sub3A_3103, %max3A_3105 : vector<64x1xi32>
    %lt3A_3107 = arith.constant 96 : i32
    %lt3A_3108 = vector.broadcast %lt3A_3107 : i32 to vector<64x1xi32>
    %lt3A_3109 = arith.cmpi slt, %max3A_3106, %lt3A_3108 : vector<64x1xi32>
    %sub3A_3110 = arith.constant 96 : i32
    %sub3A_3111 = vector.broadcast %sub3A_3110 : i32 to vector<64x1xi32>
    %sub3A_3112 = arith.subi %sub3A_3111, %max3A_3106 : vector<64x1xi32>
    %jit3A_3113 = arith.constant 2 : i32
    %div3A_3114 = vector.broadcast %jit3A_3113 : i32 to vector<64x1xi32>
    %div3A_3115 = arith.divsi %sub3A_3112, %div3A_3114 : vector<64x1xi32>
    %sign3A_3116 = arith.constant 0 : i32
    %sign3A_3117 = vector.broadcast %sign3A_3116 : i32 to vector<64x1xi32>
    %sign3A_3118 = arith.cmpi sgt, %sub3A_3112, %sign3A_3117 : vector<64x1xi32>
    %sign3A_3119 = arith.extui %sign3A_3118 : vector<64x1xi1> to vector<64x1xi32>
    %sign3A_3120 = arith.constant 0 : i32
    %sign3A_3121 = vector.broadcast %sign3A_3120 : i32 to vector<64x1xi32>
    %sign3A_3122 = arith.cmpi slt, %sub3A_3112, %sign3A_3121 : vector<64x1xi32>
    %sign3A_3123 = arith.extui %sign3A_3122 : vector<64x1xi1> to vector<64x1xi32>
    %sign3A_3124 = arith.subi %sign3A_3119, %sign3A_3123 : vector<64x1xi32>
    %sign3A_3125 = arith.constant 0 : i32
    %sign3A_3126 = arith.cmpi sgt, %jit3A_3113, %sign3A_3125 : i32
    %sign3A_3127 = arith.extui %sign3A_3126 : i1 to i32
    %sign3A_3128 = arith.constant 0 : i32
    %sign3A_3129 = arith.cmpi slt, %jit3A_3113, %sign3A_3128 : i32
    %sign3A_3130 = arith.extui %sign3A_3129 : i1 to i32
    %sign3A_3131 = arith.subi %sign3A_3127, %sign3A_3130 : i32
    %ne3A_3132 = vector.broadcast %sign3A_3131 : i32 to vector<64x1xi32>
    %ne3A_3133 = arith.cmpi ne, %sign3A_3124, %ne3A_3132 : vector<64x1xi32>
    %rem3A_3134 = vector.broadcast %jit3A_3113 : i32 to vector<64x1xi32>
    %rem3A_3135 = arith.remsi %sub3A_3112, %rem3A_3134 : vector<64x1xi32>
    %ne3A_3136 = arith.constant 0 : i32
    %ne3A_3137 = vector.broadcast %ne3A_3136 : i32 to vector<64x1xi32>
    %ne3A_3138 = arith.cmpi ne, %rem3A_3135, %ne3A_3137 : vector<64x1xi32>
    %and3A_3139 = arith.andi %ne3A_3133, %ne3A_3138 : vector<64x1xi1>
    %sub3A_3140 = arith.constant 1 : i32
    %sub3A_3141 = vector.broadcast %sub3A_3140 : i32 to vector<64x1xi32>
    %sub3A_3142 = arith.subi %div3A_3115, %sub3A_3141 : vector<64x1xi32>
    %select_n3A_3143 = arith.select %and3A_3139, %sub3A_3142, %div3A_3115 : vector<64x1xi1>, vector<64x1xi32>
    %sub3A_3144 = arith.constant 96 : i32
    %sub3A_3145 = vector.broadcast %sub3A_3144 : i32 to vector<64x1xi32>
    %sub3A_3146 = arith.subi %max3A_3106, %sub3A_3145 : vector<64x1xi32>
    %jit3A_3147 = arith.constant 2 : i32
    %div3A_3148 = vector.broadcast %jit3A_3147 : i32 to vector<64x1xi32>
    %div3A_3149 = arith.divsi %sub3A_3146, %div3A_3148 : vector<64x1xi32>
    %sign3A_3150 = arith.constant 0 : i32
    %sign3A_3151 = vector.broadcast %sign3A_3150 : i32 to vector<64x1xi32>
    %sign3A_3152 = arith.cmpi sgt, %sub3A_3146, %sign3A_3151 : vector<64x1xi32>
    %sign3A_3153 = arith.extui %sign3A_3152 : vector<64x1xi1> to vector<64x1xi32>
    %sign3A_3154 = arith.constant 0 : i32
    %sign3A_3155 = vector.broadcast %sign3A_3154 : i32 to vector<64x1xi32>
    %sign3A_3156 = arith.cmpi slt, %sub3A_3146, %sign3A_3155 : vector<64x1xi32>
    %sign3A_3157 = arith.extui %sign3A_3156 : vector<64x1xi1> to vector<64x1xi32>
    %sign3A_3158 = arith.subi %sign3A_3153, %sign3A_3157 : vector<64x1xi32>
    %sign3A_3159 = arith.constant 0 : i32
    %sign3A_3160 = arith.cmpi sgt, %jit3A_3147, %sign3A_3159 : i32
    %sign3A_3161 = arith.extui %sign3A_3160 : i1 to i32
    %sign3A_3162 = arith.constant 0 : i32
    %sign3A_3163 = arith.cmpi slt, %jit3A_3147, %sign3A_3162 : i32
    %sign3A_3164 = arith.extui %sign3A_3163 : i1 to i32
    %sign3A_3165 = arith.subi %sign3A_3161, %sign3A_3164 : i32
    %ne3A_3166 = vector.broadcast %sign3A_3165 : i32 to vector<64x1xi32>
    %ne3A_3167 = arith.cmpi ne, %sign3A_3158, %ne3A_3166 : vector<64x1xi32>
    %rem3A_3168 = vector.broadcast %jit3A_3147 : i32 to vector<64x1xi32>
    %rem3A_3169 = arith.remsi %sub3A_3146, %rem3A_3168 : vector<64x1xi32>
    %ne3A_3170 = arith.constant 0 : i32
    %ne3A_3171 = vector.broadcast %ne3A_3170 : i32 to vector<64x1xi32>
    %ne3A_3172 = arith.cmpi ne, %rem3A_3169, %ne3A_3171 : vector<64x1xi32>
    %and3A_3173 = arith.andi %ne3A_3167, %ne3A_3172 : vector<64x1xi1>
    %sub3A_3174 = arith.constant 1 : i32
    %sub3A_3175 = vector.broadcast %sub3A_3174 : i32 to vector<64x1xi32>
    %sub3A_3176 = arith.subi %div3A_3149, %sub3A_3175 : vector<64x1xi32>
    %select_n3A_3177 = arith.select %and3A_3173, %sub3A_3176, %div3A_3149 : vector<64x1xi1>, vector<64x1xi32>
    %neg3A_3178 = arith.constant 0 : i32
    %neg3A_3179 = vector.broadcast %neg3A_3178 : i32 to vector<64x1xi32>
    %neg3A_3180 = arith.subi %neg3A_3179, %select_n3A_3177 : vector<64x1xi32>
    %select_n3A_3181 = arith.select %lt3A_3109, %select_n3A_3143, %neg3A_3180 : vector<64x1xi1>, vector<64x1xi32>
    %sub3A_3182 = vector.broadcast %select_n3A_3181 : vector<64x1xi32> to vector<64x96xi32>
    %sub3A_3183 = arith.subi %iota3A_1270, %sub3A_3182 : vector<64x96xi32>
    %sub3A_3184 = arith.constant 1 : i32
    %sub3A_3185 = vector.broadcast %sub3A_3184 : i32 to vector<64x1xi32>
    %sub3A_3186 = arith.subi %max3A_3106, %sub3A_3185 : vector<64x1xi32>
    %jit3A_3187 = arith.constant 0 : i32
    %max3A_3188 = vector.broadcast %jit3A_3187 : i32 to vector<64x96xi32>
    %max3A_3189 = arith.maxsi %max3A_3188, %sub3A_3183 : vector<64x96xi32>
    %min3A_3190 = vector.broadcast %sub3A_3186 : vector<64x1xi32> to vector<64x96xi32>
    %min3A_3191 = arith.minsi %min3A_3190, %max3A_3189 : vector<64x96xi32>
    %add3A_3192 = vector.broadcast %select_n3A_3061 : vector<64x1xi32> to vector<64x96xi32>
    %add3A_3193 = arith.addi %add3A_3192, %min3A_3191 : vector<64x96xi32>
    %jit3A_3194 = arith.constant 0 : i32
    %jit3A_3195 = arith.constant 999 : i32
    %max3A_3196 = vector.broadcast %jit3A_3194 : i32 to vector<64x96xi32>
    %max3A_3197 = arith.maxsi %max3A_3196, %add3A_3193 : vector<64x96xi32>
    %min3A_3198 = vector.broadcast %jit3A_3195 : i32 to vector<64x96xi32>
    %min3A_3199 = arith.minsi %min3A_3198, %max3A_3197 : vector<64x96xi32>
    %slice3A_3200 = vector.extract_strided_slice %min3A_3199 {offsets = [0, 0], sizes = [64, 1], strides = [1, 1]} : vector<64x96xi32> to vector<64x1xi32>
    %jit3A_3201 = arith.constant 128 : i32
    %div3A_3202 = vector.broadcast %jit3A_3201 : i32 to vector<64x1xi32>
    %div3A_3203 = arith.divsi %slice3A_3200, %div3A_3202 : vector<64x1xi32>
    %sign3A_3204 = arith.constant 0 : i32
    %sign3A_3205 = vector.broadcast %sign3A_3204 : i32 to vector<64x1xi32>
    %sign3A_3206 = arith.cmpi sgt, %slice3A_3200, %sign3A_3205 : vector<64x1xi32>
    %sign3A_3207 = arith.extui %sign3A_3206 : vector<64x1xi1> to vector<64x1xi32>
    %sign3A_3208 = arith.constant 0 : i32
    %sign3A_3209 = vector.broadcast %sign3A_3208 : i32 to vector<64x1xi32>
    %sign3A_3210 = arith.cmpi slt, %slice3A_3200, %sign3A_3209 : vector<64x1xi32>
    %sign3A_3211 = arith.extui %sign3A_3210 : vector<64x1xi1> to vector<64x1xi32>
    %sign3A_3212 = arith.subi %sign3A_3207, %sign3A_3211 : vector<64x1xi32>
    %sign3A_3213 = arith.constant 0 : i32
    %sign3A_3214 = arith.cmpi sgt, %jit3A_3201, %sign3A_3213 : i32
    %sign3A_3215 = arith.extui %sign3A_3214 : i1 to i32
    %sign3A_3216 = arith.constant 0 : i32
    %sign3A_3217 = arith.cmpi slt, %jit3A_3201, %sign3A_3216 : i32
    %sign3A_3218 = arith.extui %sign3A_3217 : i1 to i32
    %sign3A_3219 = arith.subi %sign3A_3215, %sign3A_3218 : i32
    %ne3A_3220 = vector.broadcast %sign3A_3219 : i32 to vector<64x1xi32>
    %ne3A_3221 = arith.cmpi ne, %sign3A_3212, %ne3A_3220 : vector<64x1xi32>
    %rem3A_3222 = vector.broadcast %jit3A_3201 : i32 to vector<64x1xi32>
    %rem3A_3223 = arith.remsi %slice3A_3200, %rem3A_3222 : vector<64x1xi32>
    %ne3A_3224 = arith.constant 0 : i32
    %ne3A_3225 = vector.broadcast %ne3A_3224 : i32 to vector<64x1xi32>
    %ne3A_3226 = arith.cmpi ne, %rem3A_3223, %ne3A_3225 : vector<64x1xi32>
    %and3A_3227 = arith.andi %ne3A_3221, %ne3A_3226 : vector<64x1xi1>
    %sub3A_3228 = arith.constant 1 : i32
    %sub3A_3229 = vector.broadcast %sub3A_3228 : i32 to vector<64x1xi32>
    %sub3A_3230 = arith.subi %div3A_3203, %sub3A_3229 : vector<64x1xi32>
    %select_n3A_3231 = arith.select %and3A_3227, %sub3A_3230, %div3A_3203 : vector<64x1xi1>, vector<64x1xi32>
    %gt3A_3232 = arith.constant 8 : i32
    %gt3A_3233 = vector.broadcast %gt3A_3232 : i32 to vector<64x1xi32>
    %gt3A_3234 = arith.cmpi sgt, %broadcast_in_dim3A_897, %gt3A_3233 : vector<64x1xi32>
    %mul3A_3235 = arith.constant 128 : i32
    %mul3A_3236 = vector.broadcast %mul3A_3235 : i32 to vector<64x1xi32>
    %mul3A_3237 = arith.muli %mul3A_3236, %select_n3A_3231 : vector<64x1xi32>
    %sub3A_3238 = vector.broadcast %mul3A_3237 : vector<64x1xi32> to vector<64x96xi32>
    %sub3A_3239 = arith.subi %min3A_3199, %sub3A_3238 : vector<64x96xi32>
    %jit3A_3240 = arith.constant 300 : i32
    %broadcast_in_dim3A_3241 = vector.shape_cast %gt3A_3234 : vector<64x1xi1> to vector<64x1xi1>
    %broadcast_in_dim3A_3242 = vector.broadcast %broadcast_in_dim3A_3241 : vector<64x1xi1> to vector<64x96xi1>
    %broadcast_in_dim3A_3243 = vector.broadcast %jit3A_3240 : i32 to vector<64x96xi32>
    %select_n3A_3244 = arith.select %broadcast_in_dim3A_3242, %sub3A_3239, %broadcast_in_dim3A_3243 : vector<64x96xi1>, vector<64x96xi32>
    %swap3A_3245 = arith.constant 0 : index
    %swap3A_3246 = arith.constant 8 : index
    %swap3A_3247 = arith.constant 0 : index
    %swap3A_3248 = vector.load %arg5[%swap3A_3245, %swap3A_3246, %swap3A_3247] : memref<64x10x96xi32, #tpu.memory_space<vmem>>, vector<64x1x96xi32>
    %swap3A_3249 = vector.shape_cast %swap3A_3248 : vector<64x1x96xi32> to vector<64x96xi32>
    %swap3A_3250 = vector.shape_cast %select_n3A_3244 : vector<64x96xi32> to vector<64x1x96xi32>
    tpu.vector_store %arg5[%swap3A_3245, %swap3A_3246, %swap3A_3247], %swap3A_3250 {strides = array<i32>} : memref<64x10x96xi32, #tpu.memory_space<vmem>>, vector<64x1x96xi32>,
    %slice3A_3251 = vector.extract_strided_slice %concatenate3A_1269 {offsets = [0, 9], sizes = [64, 1], strides = [1, 1]} : vector<64x25xi32> to vector<64x1xi32>
    %slice3A_3252 = vector.extract_strided_slice %concatenate3A_1269 {offsets = [0, 10], sizes = [64, 1], strides = [1, 1]} : vector<64x25xi32> to vector<64x1xi32>
    %slice3A_3253 = vector.extract_strided_slice %concatenate3A_1269 {offsets = [0, 8], sizes = [64, 1], strides = [1, 1]} : vector<64x25xi32> to vector<64x1xi32>
    %add3A_3254 = arith.addi %slice3A_3253, %slice3A_3251 : vector<64x1xi32>
    %jit3A_3255 = arith.constant 2 : i32
    %div3A_3256 = vector.broadcast %jit3A_3255 : i32 to vector<64x1xi32>
    %div3A_3257 = arith.divsi %add3A_3254, %div3A_3256 : vector<64x1xi32>
    %sign3A_3258 = arith.constant 0 : i32
    %sign3A_3259 = vector.broadcast %sign3A_3258 : i32 to vector<64x1xi32>
    %sign3A_3260 = arith.cmpi sgt, %add3A_3254, %sign3A_3259 : vector<64x1xi32>
    %sign3A_3261 = arith.extui %sign3A_3260 : vector<64x1xi1> to vector<64x1xi32>
    %sign3A_3262 = arith.constant 0 : i32
    %sign3A_3263 = vector.broadcast %sign3A_3262 : i32 to vector<64x1xi32>
    %sign3A_3264 = arith.cmpi slt, %add3A_3254, %sign3A_3263 : vector<64x1xi32>
    %sign3A_3265 = arith.extui %sign3A_3264 : vector<64x1xi1> to vector<64x1xi32>
    %sign3A_3266 = arith.subi %sign3A_3261, %sign3A_3265 : vector<64x1xi32>
    %sign3A_3267 = arith.constant 0 : i32
    %sign3A_3268 = arith.cmpi sgt, %jit3A_3255, %sign3A_3267 : i32
    %sign3A_3269 = arith.extui %sign3A_3268 : i1 to i32
    %sign3A_3270 = arith.constant 0 : i32
    %sign3A_3271 = arith.cmpi slt, %jit3A_3255, %sign3A_3270 : i32
    %sign3A_3272 = arith.extui %sign3A_3271 : i1 to i32
    %sign3A_3273 = arith.subi %sign3A_3269, %sign3A_3272 : i32
    %ne3A_3274 = vector.broadcast %sign3A_3273 : i32 to vector<64x1xi32>
    %ne3A_3275 = arith.cmpi ne, %sign3A_3266, %ne3A_3274 : vector<64x1xi32>
    %rem3A_3276 = vector.broadcast %jit3A_3255 : i32 to vector<64x1xi32>
    %rem3A_3277 = arith.remsi %add3A_3254, %rem3A_3276 : vector<64x1xi32>
    %ne3A_3278 = arith.constant 0 : i32
    %ne3A_3279 = vector.broadcast %ne3A_3278 : i32 to vector<64x1xi32>
    %ne3A_3280 = arith.cmpi ne, %rem3A_3277, %ne3A_3279 : vector<64x1xi32>
    %and3A_3281 = arith.andi %ne3A_3275, %ne3A_3280 : vector<64x1xi1>
    %sub3A_3282 = arith.constant 1 : i32
    %sub3A_3283 = vector.broadcast %sub3A_3282 : i32 to vector<64x1xi32>
    %sub3A_3284 = arith.subi %div3A_3257, %sub3A_3283 : vector<64x1xi32>
    %select_n3A_3285 = arith.select %and3A_3281, %sub3A_3284, %div3A_3257 : vector<64x1xi1>, vector<64x1xi32>
    %eq3A_3286 = arith.constant 10 : i32
    %eq3A_3287 = vector.broadcast %eq3A_3286 : i32 to vector<64x1xi32>
    %eq3A_3288 = arith.cmpi eq, %broadcast_in_dim3A_897, %eq3A_3287 : vector<64x1xi32>
    %add3A_3289 = arith.addi %slice3A_3251, %slice3A_3252 : vector<64x1xi32>
    %jit3A_3290 = arith.constant 2 : i32
    %div3A_3291 = vector.broadcast %jit3A_3290 : i32 to vector<64x1xi32>
    %div3A_3292 = arith.divsi %add3A_3289, %div3A_3291 : vector<64x1xi32>
    %sign3A_3293 = arith.constant 0 : i32
    %sign3A_3294 = vector.broadcast %sign3A_3293 : i32 to vector<64x1xi32>
    %sign3A_3295 = arith.cmpi sgt, %add3A_3289, %sign3A_3294 : vector<64x1xi32>
    %sign3A_3296 = arith.extui %sign3A_3295 : vector<64x1xi1> to vector<64x1xi32>
    %sign3A_3297 = arith.constant 0 : i32
    %sign3A_3298 = vector.broadcast %sign3A_3297 : i32 to vector<64x1xi32>
    %sign3A_3299 = arith.cmpi slt, %add3A_3289, %sign3A_3298 : vector<64x1xi32>
    %sign3A_3300 = arith.extui %sign3A_3299 : vector<64x1xi1> to vector<64x1xi32>
    %sign3A_3301 = arith.subi %sign3A_3296, %sign3A_3300 : vector<64x1xi32>
    %sign3A_3302 = arith.constant 0 : i32
    %sign3A_3303 = arith.cmpi sgt, %jit3A_3290, %sign3A_3302 : i32
    %sign3A_3304 = arith.extui %sign3A_3303 : i1 to i32
    %sign3A_3305 = arith.constant 0 : i32
    %sign3A_3306 = arith.cmpi slt, %jit3A_3290, %sign3A_3305 : i32
    %sign3A_3307 = arith.extui %sign3A_3306 : i1 to i32
    %sign3A_3308 = arith.subi %sign3A_3304, %sign3A_3307 : i32
    %ne3A_3309 = vector.broadcast %sign3A_3308 : i32 to vector<64x1xi32>
    %ne3A_3310 = arith.cmpi ne, %sign3A_3301, %ne3A_3309 : vector<64x1xi32>
    %rem3A_3311 = vector.broadcast %jit3A_3290 : i32 to vector<64x1xi32>
    %rem3A_3312 = arith.remsi %add3A_3289, %rem3A_3311 : vector<64x1xi32>
    %ne3A_3313 = arith.constant 0 : i32
    %ne3A_3314 = vector.broadcast %ne3A_3313 : i32 to vector<64x1xi32>
    %ne3A_3315 = arith.cmpi ne, %rem3A_3312, %ne3A_3314 : vector<64x1xi32>
    %and3A_3316 = arith.andi %ne3A_3310, %ne3A_3315 : vector<64x1xi1>
    %sub3A_3317 = arith.constant 1 : i32
    %sub3A_3318 = vector.broadcast %sub3A_3317 : i32 to vector<64x1xi32>
    %sub3A_3319 = arith.subi %div3A_3292, %sub3A_3318 : vector<64x1xi32>
    %select_n3A_3320 = arith.select %and3A_3316, %sub3A_3319, %div3A_3292 : vector<64x1xi1>, vector<64x1xi32>
    %jit3A_3321 = arith.constant 1000 : i32
    %broadcast_in_dim3A_3322 = vector.broadcast %jit3A_3321 : i32 to vector<64x1xi32>
    %select_n3A_3323 = arith.select %eq3A_3288, %broadcast_in_dim3A_3322, %select_n3A_3320 : vector<64x1xi1>, vector<64x1xi32>
    %min3A_3324 = arith.constant 1000 : i32
    %min3A_3325 = vector.broadcast %min3A_3324 : i32 to vector<64x1xi32>
    %min3A_3326 = arith.minsi %select_n3A_3323, %min3A_3325 : vector<64x1xi32>
    %sub3A_3327 = arith.subi %min3A_3326, %select_n3A_3285 : vector<64x1xi32>
    %max3A_3328 = arith.constant 1 : i32
    %max3A_3329 = vector.broadcast %max3A_3328 : i32 to vector<64x1xi32>
    %max3A_3330 = arith.maxsi %sub3A_3327, %max3A_3329 : vector<64x1xi32>
    %lt3A_3331 = arith.constant 96 : i32
    %lt3A_3332 = vector.broadcast %lt3A_3331 : i32 to vector<64x1xi32>
    %lt3A_3333 = arith.cmpi slt, %max3A_3330, %lt3A_3332 : vector<64x1xi32>
    %sub3A_3334 = arith.constant 96 : i32
    %sub3A_3335 = vector.broadcast %sub3A_3334 : i32 to vector<64x1xi32>
    %sub3A_3336 = arith.subi %sub3A_3335, %max3A_3330 : vector<64x1xi32>
    %jit3A_3337 = arith.constant 2 : i32
    %div3A_3338 = vector.broadcast %jit3A_3337 : i32 to vector<64x1xi32>
    %div3A_3339 = arith.divsi %sub3A_3336, %div3A_3338 : vector<64x1xi32>
    %sign3A_3340 = arith.constant 0 : i32
    %sign3A_3341 = vector.broadcast %sign3A_3340 : i32 to vector<64x1xi32>
    %sign3A_3342 = arith.cmpi sgt, %sub3A_3336, %sign3A_3341 : vector<64x1xi32>
    %sign3A_3343 = arith.extui %sign3A_3342 : vector<64x1xi1> to vector<64x1xi32>
    %sign3A_3344 = arith.constant 0 : i32
    %sign3A_3345 = vector.broadcast %sign3A_3344 : i32 to vector<64x1xi32>
    %sign3A_3346 = arith.cmpi slt, %sub3A_3336, %sign3A_3345 : vector<64x1xi32>
    %sign3A_3347 = arith.extui %sign3A_3346 : vector<64x1xi1> to vector<64x1xi32>
    %sign3A_3348 = arith.subi %sign3A_3343, %sign3A_3347 : vector<64x1xi32>
    %sign3A_3349 = arith.constant 0 : i32
    %sign3A_3350 = arith.cmpi sgt, %jit3A_3337, %sign3A_3349 : i32
    %sign3A_3351 = arith.extui %sign3A_3350 : i1 to i32
    %sign3A_3352 = arith.constant 0 : i32
    %sign3A_3353 = arith.cmpi slt, %jit3A_3337, %sign3A_3352 : i32
    %sign3A_3354 = arith.extui %sign3A_3353 : i1 to i32
    %sign3A_3355 = arith.subi %sign3A_3351, %sign3A_3354 : i32
    %ne3A_3356 = vector.broadcast %sign3A_3355 : i32 to vector<64x1xi32>
    %ne3A_3357 = arith.cmpi ne, %sign3A_3348, %ne3A_3356 : vector<64x1xi32>
    %rem3A_3358 = vector.broadcast %jit3A_3337 : i32 to vector<64x1xi32>
    %rem3A_3359 = arith.remsi %sub3A_3336, %rem3A_3358 : vector<64x1xi32>
    %ne3A_3360 = arith.constant 0 : i32
    %ne3A_3361 = vector.broadcast %ne3A_3360 : i32 to vector<64x1xi32>
    %ne3A_3362 = arith.cmpi ne, %rem3A_3359, %ne3A_3361 : vector<64x1xi32>
    %and3A_3363 = arith.andi %ne3A_3357, %ne3A_3362 : vector<64x1xi1>
    %sub3A_3364 = arith.constant 1 : i32
    %sub3A_3365 = vector.broadcast %sub3A_3364 : i32 to vector<64x1xi32>
    %sub3A_3366 = arith.subi %div3A_3339, %sub3A_3365 : vector<64x1xi32>
    %select_n3A_3367 = arith.select %and3A_3363, %sub3A_3366, %div3A_3339 : vector<64x1xi1>, vector<64x1xi32>
    %sub3A_3368 = arith.constant 96 : i32
    %sub3A_3369 = vector.broadcast %sub3A_3368 : i32 to vector<64x1xi32>
    %sub3A_3370 = arith.subi %max3A_3330, %sub3A_3369 : vector<64x1xi32>
    %jit3A_3371 = arith.constant 2 : i32
    %div3A_3372 = vector.broadcast %jit3A_3371 : i32 to vector<64x1xi32>
    %div3A_3373 = arith.divsi %sub3A_3370, %div3A_3372 : vector<64x1xi32>
    %sign3A_3374 = arith.constant 0 : i32
    %sign3A_3375 = vector.broadcast %sign3A_3374 : i32 to vector<64x1xi32>
    %sign3A_3376 = arith.cmpi sgt, %sub3A_3370, %sign3A_3375 : vector<64x1xi32>
    %sign3A_3377 = arith.extui %sign3A_3376 : vector<64x1xi1> to vector<64x1xi32>
    %sign3A_3378 = arith.constant 0 : i32
    %sign3A_3379 = vector.broadcast %sign3A_3378 : i32 to vector<64x1xi32>
    %sign3A_3380 = arith.cmpi slt, %sub3A_3370, %sign3A_3379 : vector<64x1xi32>
    %sign3A_3381 = arith.extui %sign3A_3380 : vector<64x1xi1> to vector<64x1xi32>
    %sign3A_3382 = arith.subi %sign3A_3377, %sign3A_3381 : vector<64x1xi32>
    %sign3A_3383 = arith.constant 0 : i32
    %sign3A_3384 = arith.cmpi sgt, %jit3A_3371, %sign3A_3383 : i32
    %sign3A_3385 = arith.extui %sign3A_3384 : i1 to i32
    %sign3A_3386 = arith.constant 0 : i32
    %sign3A_3387 = arith.cmpi slt, %jit3A_3371, %sign3A_3386 : i32
    %sign3A_3388 = arith.extui %sign3A_3387 : i1 to i32
    %sign3A_3389 = arith.subi %sign3A_3385, %sign3A_3388 : i32
    %ne3A_3390 = vector.broadcast %sign3A_3389 : i32 to vector<64x1xi32>
    %ne3A_3391 = arith.cmpi ne, %sign3A_3382, %ne3A_3390 : vector<64x1xi32>
    %rem3A_3392 = vector.broadcast %jit3A_3371 : i32 to vector<64x1xi32>
    %rem3A_3393 = arith.remsi %sub3A_3370, %rem3A_3392 : vector<64x1xi32>
    %ne3A_3394 = arith.constant 0 : i32
    %ne3A_3395 = vector.broadcast %ne3A_3394 : i32 to vector<64x1xi32>
    %ne3A_3396 = arith.cmpi ne, %rem3A_3393, %ne3A_3395 : vector<64x1xi32>
    %and3A_3397 = arith.andi %ne3A_3391, %ne3A_3396 : vector<64x1xi1>
    %sub3A_3398 = arith.constant 1 : i32
    %sub3A_3399 = vector.broadcast %sub3A_3398 : i32 to vector<64x1xi32>
    %sub3A_3400 = arith.subi %div3A_3373, %sub3A_3399 : vector<64x1xi32>
    %select_n3A_3401 = arith.select %and3A_3397, %sub3A_3400, %div3A_3373 : vector<64x1xi1>, vector<64x1xi32>
    %neg3A_3402 = arith.constant 0 : i32
    %neg3A_3403 = vector.broadcast %neg3A_3402 : i32 to vector<64x1xi32>
    %neg3A_3404 = arith.subi %neg3A_3403, %select_n3A_3401 : vector<64x1xi32>
    %select_n3A_3405 = arith.select %lt3A_3333, %select_n3A_3367, %neg3A_3404 : vector<64x1xi1>, vector<64x1xi32>
    %sub3A_3406 = vector.broadcast %select_n3A_3405 : vector<64x1xi32> to vector<64x96xi32>
    %sub3A_3407 = arith.subi %iota3A_1270, %sub3A_3406 : vector<64x96xi32>
    %sub3A_3408 = arith.constant 1 : i32
    %sub3A_3409 = vector.broadcast %sub3A_3408 : i32 to vector<64x1xi32>
    %sub3A_3410 = arith.subi %max3A_3330, %sub3A_3409 : vector<64x1xi32>
    %jit3A_3411 = arith.constant 0 : i32
    %max3A_3412 = vector.broadcast %jit3A_3411 : i32 to vector<64x96xi32>
    %max3A_3413 = arith.maxsi %max3A_3412, %sub3A_3407 : vector<64x96xi32>
    %min3A_3414 = vector.broadcast %sub3A_3410 : vector<64x1xi32> to vector<64x96xi32>
    %min3A_3415 = arith.minsi %min3A_3414, %max3A_3413 : vector<64x96xi32>
    %add3A_3416 = vector.broadcast %select_n3A_3285 : vector<64x1xi32> to vector<64x96xi32>
    %add3A_3417 = arith.addi %add3A_3416, %min3A_3415 : vector<64x96xi32>
    %jit3A_3418 = arith.constant 0 : i32
    %jit3A_3419 = arith.constant 999 : i32
    %max3A_3420 = vector.broadcast %jit3A_3418 : i32 to vector<64x96xi32>
    %max3A_3421 = arith.maxsi %max3A_3420, %add3A_3417 : vector<64x96xi32>
    %min3A_3422 = vector.broadcast %jit3A_3419 : i32 to vector<64x96xi32>
    %min3A_3423 = arith.minsi %min3A_3422, %max3A_3421 : vector<64x96xi32>
    %slice3A_3424 = vector.extract_strided_slice %min3A_3423 {offsets = [0, 0], sizes = [64, 1], strides = [1, 1]} : vector<64x96xi32> to vector<64x1xi32>
    %jit3A_3425 = arith.constant 128 : i32
    %div3A_3426 = vector.broadcast %jit3A_3425 : i32 to vector<64x1xi32>
    %div3A_3427 = arith.divsi %slice3A_3424, %div3A_3426 : vector<64x1xi32>
    %sign3A_3428 = arith.constant 0 : i32
    %sign3A_3429 = vector.broadcast %sign3A_3428 : i32 to vector<64x1xi32>
    %sign3A_3430 = arith.cmpi sgt, %slice3A_3424, %sign3A_3429 : vector<64x1xi32>
    %sign3A_3431 = arith.extui %sign3A_3430 : vector<64x1xi1> to vector<64x1xi32>
    %sign3A_3432 = arith.constant 0 : i32
    %sign3A_3433 = vector.broadcast %sign3A_3432 : i32 to vector<64x1xi32>
    %sign3A_3434 = arith.cmpi slt, %slice3A_3424, %sign3A_3433 : vector<64x1xi32>
    %sign3A_3435 = arith.extui %sign3A_3434 : vector<64x1xi1> to vector<64x1xi32>
    %sign3A_3436 = arith.subi %sign3A_3431, %sign3A_3435 : vector<64x1xi32>
    %sign3A_3437 = arith.constant 0 : i32
    %sign3A_3438 = arith.cmpi sgt, %jit3A_3425, %sign3A_3437 : i32
    %sign3A_3439 = arith.extui %sign3A_3438 : i1 to i32
    %sign3A_3440 = arith.constant 0 : i32
    %sign3A_3441 = arith.cmpi slt, %jit3A_3425, %sign3A_3440 : i32
    %sign3A_3442 = arith.extui %sign3A_3441 : i1 to i32
    %sign3A_3443 = arith.subi %sign3A_3439, %sign3A_3442 : i32
    %ne3A_3444 = vector.broadcast %sign3A_3443 : i32 to vector<64x1xi32>
    %ne3A_3445 = arith.cmpi ne, %sign3A_3436, %ne3A_3444 : vector<64x1xi32>
    %rem3A_3446 = vector.broadcast %jit3A_3425 : i32 to vector<64x1xi32>
    %rem3A_3447 = arith.remsi %slice3A_3424, %rem3A_3446 : vector<64x1xi32>
    %ne3A_3448 = arith.constant 0 : i32
    %ne3A_3449 = vector.broadcast %ne3A_3448 : i32 to vector<64x1xi32>
    %ne3A_3450 = arith.cmpi ne, %rem3A_3447, %ne3A_3449 : vector<64x1xi32>
    %and3A_3451 = arith.andi %ne3A_3445, %ne3A_3450 : vector<64x1xi1>
    %sub3A_3452 = arith.constant 1 : i32
    %sub3A_3453 = vector.broadcast %sub3A_3452 : i32 to vector<64x1xi32>
    %sub3A_3454 = arith.subi %div3A_3427, %sub3A_3453 : vector<64x1xi32>
    %select_n3A_3455 = arith.select %and3A_3451, %sub3A_3454, %div3A_3427 : vector<64x1xi1>, vector<64x1xi32>
    %gt3A_3456 = arith.constant 9 : i32
    %gt3A_3457 = vector.broadcast %gt3A_3456 : i32 to vector<64x1xi32>
    %gt3A_3458 = arith.cmpi sgt, %broadcast_in_dim3A_897, %gt3A_3457 : vector<64x1xi32>
    %mul3A_3459 = arith.constant 128 : i32
    %mul3A_3460 = vector.broadcast %mul3A_3459 : i32 to vector<64x1xi32>
    %mul3A_3461 = arith.muli %mul3A_3460, %select_n3A_3455 : vector<64x1xi32>
    %sub3A_3462 = vector.broadcast %mul3A_3461 : vector<64x1xi32> to vector<64x96xi32>
    %sub3A_3463 = arith.subi %min3A_3423, %sub3A_3462 : vector<64x96xi32>
    %jit3A_3464 = arith.constant 300 : i32
    %broadcast_in_dim3A_3465 = vector.shape_cast %gt3A_3458 : vector<64x1xi1> to vector<64x1xi1>
    %broadcast_in_dim3A_3466 = vector.broadcast %broadcast_in_dim3A_3465 : vector<64x1xi1> to vector<64x96xi1>
    %broadcast_in_dim3A_3467 = vector.broadcast %jit3A_3464 : i32 to vector<64x96xi32>
    %select_n3A_3468 = arith.select %broadcast_in_dim3A_3466, %sub3A_3463, %broadcast_in_dim3A_3467 : vector<64x96xi1>, vector<64x96xi32>
    %swap3A_3469 = arith.constant 0 : index
    %swap3A_3470 = arith.constant 9 : index
    %swap3A_3471 = arith.constant 0 : index
    %swap3A_3472 = vector.load %arg5[%swap3A_3469, %swap3A_3470, %swap3A_3471] : memref<64x10x96xi32, #tpu.memory_space<vmem>>, vector<64x1x96xi32>
    %swap3A_3473 = vector.shape_cast %swap3A_3472 : vector<64x1x96xi32> to vector<64x96xi32>
    %swap3A_3474 = vector.shape_cast %select_n3A_3468 : vector<64x96xi32> to vector<64x1x96xi32>
    tpu.vector_store %arg5[%swap3A_3469, %swap3A_3470, %swap3A_3471], %swap3A_3474 {strides = array<i32>} : memref<64x10x96xi32, #tpu.memory_space<vmem>>, vector<64x1x96xi32>,
    %concatenate3A_3475 = tpu.concatenate %select_n3A_1439, %select_n3A_1663, %select_n3A_1887, %select_n3A_2111, %select_n3A_2335, %select_n3A_2559, %select_n3A_2783, %select_n3A_3007, %select_n3A_3231, %select_n3A_3455 in 1 : vector<64x1xi32>, vector<64x1xi32>, vector<64x1xi32>, vector<64x1xi32>, vector<64x1xi32>, vector<64x1xi32>, vector<64x1xi32>, vector<64x1xi32>, vector<64x1xi32>, vector<64x1xi32> -> vector<64x10xi32>
    %iota3A_3476 = tpu.iota {dimensions = array<i32: 0>} : vector<64x10x12x2xi32>
    %mul3A_3477 = arith.constant 64 : i32
    %mul3A_3478 = arith.muli %arg0, %mul3A_3477 : i32
    %add3A_3479 = vector.broadcast %mul3A_3478 : i32 to vector<64x10x12x2xi32>
    %add3A_3480 = arith.addi %iota3A_3476, %add3A_3479 : vector<64x10x12x2xi32>
    %iota3A_3481 = tpu.iota {dimensions = array<i32: 2>} : vector<64x10x12x2xi32>
    %iota3A_3482 = tpu.iota {dimensions = array<i32: 3>} : vector<64x10x12x2xi32>
    %mul3A_3483 = arith.constant 12 : i32
    %mul3A_3484 = vector.broadcast %mul3A_3483 : i32 to vector<64x10x12x2xi32>
    %mul3A_3485 = arith.muli %add3A_3480, %mul3A_3484 : vector<64x10x12x2xi32>
    %add3A_3486 = arith.addi %mul3A_3485, %iota3A_3481 : vector<64x10x12x2xi32>
    %mul3A_3487 = arith.constant 9 : i32
    %mul3A_3488 = vector.broadcast %mul3A_3487 : i32 to vector<64x10x12x2xi32>
    %mul3A_3489 = arith.muli %add3A_3486, %mul3A_3488 : vector<64x10x12x2xi32>
    %broadcast_in_dim3A_3490 = vector.shape_cast %concatenate3A_3475 : vector<64x10xi32> to vector<64x10x1x1xi32>
    %add3A_3491 = vector.broadcast %broadcast_in_dim3A_3490 : vector<64x10x1x1xi32> to vector<64x10x12x2xi32>
    %add3A_3492 = arith.addi %mul3A_3489, %add3A_3491 : vector<64x10x12x2xi32>
    %add3A_3493 = arith.addi %add3A_3492, %iota3A_3482 : vector<64x10x12x2xi32>
    %swap3A_3494 = arith.constant 0 : index
    %swap3A_3495 = arith.constant 0 : index
    %swap3A_3496 = arith.constant 0 : index
    %swap3A_3497 = arith.constant 0 : index
    %swap3A_3498 = vector.load %arg4[%swap3A_3494, %swap3A_3495, %swap3A_3496, %swap3A_3497] : memref<64x10x12x2xi32, #tpu.memory_space<vmem>>, vector<64x10x12x2xi32>
    tpu.vector_store %arg4[%swap3A_3494, %swap3A_3495, %swap3A_3496, %swap3A_3497], %add3A_3493 {strides = array<i32>} : memref<64x10x12x2xi32, #tpu.memory_space<vmem>>, vector<64x10x12x2xi32>,
    %iota3A_3499 = tpu.iota {dimensions = array<i32: 1>} : vector<64x120xi32>
    %jit3A_3500 = arith.constant 100 : i32
    %div3A_3501 = vector.broadcast %jit3A_3500 : i32 to vector<64x25xi32>
    %div3A_3502 = arith.divsi %concatenate3A_1269, %div3A_3501 : vector<64x25xi32>
    %sign3A_3503 = arith.constant 0 : i32
    %sign3A_3504 = vector.broadcast %sign3A_3503 : i32 to vector<64x25xi32>
    %sign3A_3505 = arith.cmpi sgt, %concatenate3A_1269, %sign3A_3504 : vector<64x25xi32>
    %sign3A_3506 = arith.extui %sign3A_3505 : vector<64x25xi1> to vector<64x25xi32>
    %sign3A_3507 = arith.constant 0 : i32
    %sign3A_3508 = vector.broadcast %sign3A_3507 : i32 to vector<64x25xi32>
    %sign3A_3509 = arith.cmpi slt, %concatenate3A_1269, %sign3A_3508 : vector<64x25xi32>
    %sign3A_3510 = arith.extui %sign3A_3509 : vector<64x25xi1> to vector<64x25xi32>
    %sign3A_3511 = arith.subi %sign3A_3506, %sign3A_3510 : vector<64x25xi32>
    %sign3A_3512 = arith.constant 0 : i32
    %sign3A_3513 = arith.cmpi sgt, %jit3A_3500, %sign3A_3512 : i32
    %sign3A_3514 = arith.extui %sign3A_3513 : i1 to i32
    %sign3A_3515 = arith.constant 0 : i32
    %sign3A_3516 = arith.cmpi slt, %jit3A_3500, %sign3A_3515 : i32
    %sign3A_3517 = arith.extui %sign3A_3516 : i1 to i32
    %sign3A_3518 = arith.subi %sign3A_3514, %sign3A_3517 : i32
    %ne3A_3519 = vector.broadcast %sign3A_3518 : i32 to vector<64x25xi32>
    %ne3A_3520 = arith.cmpi ne, %sign3A_3511, %ne3A_3519 : vector<64x25xi32>
    %rem3A_3521 = vector.broadcast %jit3A_3500 : i32 to vector<64x25xi32>
    %rem3A_3522 = arith.remsi %concatenate3A_1269, %rem3A_3521 : vector<64x25xi32>
    %ne3A_3523 = arith.constant 0 : i32
    %ne3A_3524 = vector.broadcast %ne3A_3523 : i32 to vector<64x25xi32>
    %ne3A_3525 = arith.cmpi ne, %rem3A_3522, %ne3A_3524 : vector<64x25xi32>
    %and3A_3526 = arith.andi %ne3A_3520, %ne3A_3525 : vector<64x25xi1>
    %sub3A_3527 = arith.constant 1 : i32
    %sub3A_3528 = vector.broadcast %sub3A_3527 : i32 to vector<64x25xi32>
    %sub3A_3529 = arith.subi %div3A_3502, %sub3A_3528 : vector<64x25xi32>
    %select_n3A_3530 = arith.select %and3A_3526, %sub3A_3529, %div3A_3502 : vector<64x25xi1>, vector<64x25xi32>
    %add3A_3531 = arith.constant 1 : i32
    %add3A_3532 = vector.broadcast %add3A_3531 : i32 to vector<64x25xi32>
    %add3A_3533 = arith.addi %select_n3A_3530, %add3A_3532 : vector<64x25xi32>
    %eq3A_3534 = arith.constant 0 : i32
    %eq3A_3535 = vector.broadcast %eq3A_3534 : i32 to vector<64x1xi32>
    %eq3A_3536 = arith.cmpi eq, %broadcast_in_dim3A_897, %eq3A_3535 : vector<64x1xi32>
    %broadcast_in_dim3A_3537 = arith.constant 1 : i32
    %broadcast_in_dim3A_3538 = vector.broadcast %broadcast_in_dim3A_3537 : i32 to vector<64x1xi32>
    %select_n3A_3539 = arith.select %eq3A_3536, %broadcast_in_dim3A_3538, %broadcast_in_dim3A_897 : vector<64x1xi1>, vector<64x1xi32>
    %rem3A_3540 = vector.broadcast %select_n3A_3539 : vector<64x1xi32> to vector<64x120xi32>
    %rem3A_3541 = arith.remsi %iota3A_3499, %rem3A_3540 : vector<64x120xi32>
    %ne3A_3542 = arith.constant 0 : i32
    %ne3A_3543 = vector.broadcast %ne3A_3542 : i32 to vector<64x120xi32>
    %ne3A_3544 = arith.cmpi ne, %rem3A_3541, %ne3A_3543 : vector<64x120xi32>
    %lt3A_3545 = arith.constant 0 : i32
    %lt3A_3546 = vector.broadcast %lt3A_3545 : i32 to vector<64x120xi32>
    %lt3A_3547 = arith.cmpi slt, %rem3A_3541, %lt3A_3546 : vector<64x120xi32>
    %lt3A_3548 = arith.constant 0 : i32
    %lt3A_3549 = vector.broadcast %lt3A_3548 : i32 to vector<64x1xi32>
    %lt3A_3550 = arith.cmpi slt, %select_n3A_3539, %lt3A_3549 : vector<64x1xi32>
    %ne3A_3551 = vector.broadcast %lt3A_3550 : vector<64x1xi1> to vector<64x120xi1>
    %ne3A_3552 = vector.broadcast %ne3A_3551 : vector<64x120xi1> to vector<64x120xi1>
    %ne3A_3553 = arith.xori %lt3A_3547, %ne3A_3552 : vector<64x120xi1>
    %and3A_3554 = arith.andi %ne3A_3553, %ne3A_3544 : vector<64x120xi1>
    %add3A_3555 = vector.broadcast %select_n3A_3539 : vector<64x1xi32> to vector<64x120xi32>
    %add3A_3556 = arith.addi %rem3A_3541, %add3A_3555 : vector<64x120xi32>
    %select_n3A_3557 = arith.select %and3A_3554, %add3A_3556, %rem3A_3541 : vector<64x120xi1>, vector<64x120xi32>
    %broadcast_in_dim3A_3558 = arith.constant 0 : i32
    %broadcast_in_dim3A_3559 = vector.broadcast %broadcast_in_dim3A_3558 : i32 to vector<64x120xi32>
    %eq3A_3560 = arith.constant 0 : i32
    %eq3A_3561 = vector.broadcast %eq3A_3560 : i32 to vector<64x120xi32>
    %eq3A_3562 = arith.cmpi eq, %select_n3A_3557, %eq3A_3561 : vector<64x120xi32>
    %slice3A_3563 = vector.extract_strided_slice %add3A_3533 {offsets = [0, 0], sizes = [64, 1], strides = [1, 1]} : vector<64x25xi32> to vector<64x1xi32>
    %jit3A_3564 = arith.constant 0 : i32
    %broadcast_in_dim3A_3565 = vector.shape_cast %slice3A_3563 : vector<64x1xi32> to vector<64x1xi32>
    %broadcast_in_dim3A_3566 = vector.broadcast %broadcast_in_dim3A_3565 : vector<64x1xi32> to vector<64x120xi32>
    %broadcast_in_dim3A_3567 = vector.broadcast %jit3A_3564 : i32 to vector<64x120xi32>
    %select_n3A_3568 = arith.select %eq3A_3562, %broadcast_in_dim3A_3566, %broadcast_in_dim3A_3567 : vector<64x120xi1>, vector<64x120xi32>
    %add3A_3569 = arith.addi %broadcast_in_dim3A_3559, %select_n3A_3568 : vector<64x120xi32>
    %eq3A_3570 = arith.constant 1 : i32
    %eq3A_3571 = vector.broadcast %eq3A_3570 : i32 to vector<64x120xi32>
    %eq3A_3572 = arith.cmpi eq, %select_n3A_3557, %eq3A_3571 : vector<64x120xi32>
    %slice3A_3573 = vector.extract_strided_slice %add3A_3533 {offsets = [0, 1], sizes = [64, 1], strides = [1, 1]} : vector<64x25xi32> to vector<64x1xi32>
    %jit3A_3574 = arith.constant 0 : i32
    %broadcast_in_dim3A_3575 = vector.shape_cast %slice3A_3573 : vector<64x1xi32> to vector<64x1xi32>
    %broadcast_in_dim3A_3576 = vector.broadcast %broadcast_in_dim3A_3575 : vector<64x1xi32> to vector<64x120xi32>
    %broadcast_in_dim3A_3577 = vector.broadcast %jit3A_3574 : i32 to vector<64x120xi32>
    %select_n3A_3578 = arith.select %eq3A_3572, %broadcast_in_dim3A_3576, %broadcast_in_dim3A_3577 : vector<64x120xi1>, vector<64x120xi32>
    %add3A_3579 = arith.addi %add3A_3569, %select_n3A_3578 : vector<64x120xi32>
    %eq3A_3580 = arith.constant 2 : i32
    %eq3A_3581 = vector.broadcast %eq3A_3580 : i32 to vector<64x120xi32>
    %eq3A_3582 = arith.cmpi eq, %select_n3A_3557, %eq3A_3581 : vector<64x120xi32>
    %slice3A_3583 = vector.extract_strided_slice %add3A_3533 {offsets = [0, 2], sizes = [64, 1], strides = [1, 1]} : vector<64x25xi32> to vector<64x1xi32>
    %jit3A_3584 = arith.constant 0 : i32
    %broadcast_in_dim3A_3585 = vector.shape_cast %slice3A_3583 : vector<64x1xi32> to vector<64x1xi32>
    %broadcast_in_dim3A_3586 = vector.broadcast %broadcast_in_dim3A_3585 : vector<64x1xi32> to vector<64x120xi32>
    %broadcast_in_dim3A_3587 = vector.broadcast %jit3A_3584 : i32 to vector<64x120xi32>
    %select_n3A_3588 = arith.select %eq3A_3582, %broadcast_in_dim3A_3586, %broadcast_in_dim3A_3587 : vector<64x120xi1>, vector<64x120xi32>
    %add3A_3589 = arith.addi %add3A_3579, %select_n3A_3588 : vector<64x120xi32>
    %eq3A_3590 = arith.constant 3 : i32
    %eq3A_3591 = vector.broadcast %eq3A_3590 : i32 to vector<64x120xi32>
    %eq3A_3592 = arith.cmpi eq, %select_n3A_3557, %eq3A_3591 : vector<64x120xi32>
    %slice3A_3593 = vector.extract_strided_slice %add3A_3533 {offsets = [0, 3], sizes = [64, 1], strides = [1, 1]} : vector<64x25xi32> to vector<64x1xi32>
    %jit3A_3594 = arith.constant 0 : i32
    %broadcast_in_dim3A_3595 = vector.shape_cast %slice3A_3593 : vector<64x1xi32> to vector<64x1xi32>
    %broadcast_in_dim3A_3596 = vector.broadcast %broadcast_in_dim3A_3595 : vector<64x1xi32> to vector<64x120xi32>
    %broadcast_in_dim3A_3597 = vector.broadcast %jit3A_3594 : i32 to vector<64x120xi32>
    %select_n3A_3598 = arith.select %eq3A_3592, %broadcast_in_dim3A_3596, %broadcast_in_dim3A_3597 : vector<64x120xi1>, vector<64x120xi32>
    %add3A_3599 = arith.addi %add3A_3589, %select_n3A_3598 : vector<64x120xi32>
    %eq3A_3600 = arith.constant 4 : i32
    %eq3A_3601 = vector.broadcast %eq3A_3600 : i32 to vector<64x120xi32>
    %eq3A_3602 = arith.cmpi eq, %select_n3A_3557, %eq3A_3601 : vector<64x120xi32>
    %slice3A_3603 = vector.extract_strided_slice %add3A_3533 {offsets = [0, 4], sizes = [64, 1], strides = [1, 1]} : vector<64x25xi32> to vector<64x1xi32>
    %jit3A_3604 = arith.constant 0 : i32
    %broadcast_in_dim3A_3605 = vector.shape_cast %slice3A_3603 : vector<64x1xi32> to vector<64x1xi32>
    %broadcast_in_dim3A_3606 = vector.broadcast %broadcast_in_dim3A_3605 : vector<64x1xi32> to vector<64x120xi32>
    %broadcast_in_dim3A_3607 = vector.broadcast %jit3A_3604 : i32 to vector<64x120xi32>
    %select_n3A_3608 = arith.select %eq3A_3602, %broadcast_in_dim3A_3606, %broadcast_in_dim3A_3607 : vector<64x120xi1>, vector<64x120xi32>
    %add3A_3609 = arith.addi %add3A_3599, %select_n3A_3608 : vector<64x120xi32>
    %eq3A_3610 = arith.constant 5 : i32
    %eq3A_3611 = vector.broadcast %eq3A_3610 : i32 to vector<64x120xi32>
    %eq3A_3612 = arith.cmpi eq, %select_n3A_3557, %eq3A_3611 : vector<64x120xi32>
    %slice3A_3613 = vector.extract_strided_slice %add3A_3533 {offsets = [0, 5], sizes = [64, 1], strides = [1, 1]} : vector<64x25xi32> to vector<64x1xi32>
    %jit3A_3614 = arith.constant 0 : i32
    %broadcast_in_dim3A_3615 = vector.shape_cast %slice3A_3613 : vector<64x1xi32> to vector<64x1xi32>
    %broadcast_in_dim3A_3616 = vector.broadcast %broadcast_in_dim3A_3615 : vector<64x1xi32> to vector<64x120xi32>
    %broadcast_in_dim3A_3617 = vector.broadcast %jit3A_3614 : i32 to vector<64x120xi32>
    %select_n3A_3618 = arith.select %eq3A_3612, %broadcast_in_dim3A_3616, %broadcast_in_dim3A_3617 : vector<64x120xi1>, vector<64x120xi32>
    %add3A_3619 = arith.addi %add3A_3609, %select_n3A_3618 : vector<64x120xi32>
    %eq3A_3620 = arith.constant 6 : i32
    %eq3A_3621 = vector.broadcast %eq3A_3620 : i32 to vector<64x120xi32>
    %eq3A_3622 = arith.cmpi eq, %select_n3A_3557, %eq3A_3621 : vector<64x120xi32>
    %slice3A_3623 = vector.extract_strided_slice %add3A_3533 {offsets = [0, 6], sizes = [64, 1], strides = [1, 1]} : vector<64x25xi32> to vector<64x1xi32>
    %jit3A_3624 = arith.constant 0 : i32
    %broadcast_in_dim3A_3625 = vector.shape_cast %slice3A_3623 : vector<64x1xi32> to vector<64x1xi32>
    %broadcast_in_dim3A_3626 = vector.broadcast %broadcast_in_dim3A_3625 : vector<64x1xi32> to vector<64x120xi32>
    %broadcast_in_dim3A_3627 = vector.broadcast %jit3A_3624 : i32 to vector<64x120xi32>
    %select_n3A_3628 = arith.select %eq3A_3622, %broadcast_in_dim3A_3626, %broadcast_in_dim3A_3627 : vector<64x120xi1>, vector<64x120xi32>
    %add3A_3629 = arith.addi %add3A_3619, %select_n3A_3628 : vector<64x120xi32>
    %eq3A_3630 = arith.constant 7 : i32
    %eq3A_3631 = vector.broadcast %eq3A_3630 : i32 to vector<64x120xi32>
    %eq3A_3632 = arith.cmpi eq, %select_n3A_3557, %eq3A_3631 : vector<64x120xi32>
    %slice3A_3633 = vector.extract_strided_slice %add3A_3533 {offsets = [0, 7], sizes = [64, 1], strides = [1, 1]} : vector<64x25xi32> to vector<64x1xi32>
    %jit3A_3634 = arith.constant 0 : i32
    %broadcast_in_dim3A_3635 = vector.shape_cast %slice3A_3633 : vector<64x1xi32> to vector<64x1xi32>
    %broadcast_in_dim3A_3636 = vector.broadcast %broadcast_in_dim3A_3635 : vector<64x1xi32> to vector<64x120xi32>
    %broadcast_in_dim3A_3637 = vector.broadcast %jit3A_3634 : i32 to vector<64x120xi32>
    %select_n3A_3638 = arith.select %eq3A_3632, %broadcast_in_dim3A_3636, %broadcast_in_dim3A_3637 : vector<64x120xi1>, vector<64x120xi32>
    %add3A_3639 = arith.addi %add3A_3629, %select_n3A_3638 : vector<64x120xi32>
    %eq3A_3640 = arith.constant 8 : i32
    %eq3A_3641 = vector.broadcast %eq3A_3640 : i32 to vector<64x120xi32>
    %eq3A_3642 = arith.cmpi eq, %select_n3A_3557, %eq3A_3641 : vector<64x120xi32>
    %slice3A_3643 = vector.extract_strided_slice %add3A_3533 {offsets = [0, 8], sizes = [64, 1], strides = [1, 1]} : vector<64x25xi32> to vector<64x1xi32>
    %jit3A_3644 = arith.constant 0 : i32
    %broadcast_in_dim3A_3645 = vector.shape_cast %slice3A_3643 : vector<64x1xi32> to vector<64x1xi32>
    %broadcast_in_dim3A_3646 = vector.broadcast %broadcast_in_dim3A_3645 : vector<64x1xi32> to vector<64x120xi32>
    %broadcast_in_dim3A_3647 = vector.broadcast %jit3A_3644 : i32 to vector<64x120xi32>
    %select_n3A_3648 = arith.select %eq3A_3642, %broadcast_in_dim3A_3646, %broadcast_in_dim3A_3647 : vector<64x120xi1>, vector<64x120xi32>
    %add3A_3649 = arith.addi %add3A_3639, %select_n3A_3648 : vector<64x120xi32>
    %eq3A_3650 = arith.constant 9 : i32
    %eq3A_3651 = vector.broadcast %eq3A_3650 : i32 to vector<64x120xi32>
    %eq3A_3652 = arith.cmpi eq, %select_n3A_3557, %eq3A_3651 : vector<64x120xi32>
    %slice3A_3653 = vector.extract_strided_slice %add3A_3533 {offsets = [0, 9], sizes = [64, 1], strides = [1, 1]} : vector<64x25xi32> to vector<64x1xi32>
    %jit3A_3654 = arith.constant 0 : i32
    %broadcast_in_dim3A_3655 = vector.shape_cast %slice3A_3653 : vector<64x1xi32> to vector<64x1xi32>
    %broadcast_in_dim3A_3656 = vector.broadcast %broadcast_in_dim3A_3655 : vector<64x1xi32> to vector<64x120xi32>
    %broadcast_in_dim3A_3657 = vector.broadcast %jit3A_3654 : i32 to vector<64x120xi32>
    %select_n3A_3658 = arith.select %eq3A_3652, %broadcast_in_dim3A_3656, %broadcast_in_dim3A_3657 : vector<64x120xi1>, vector<64x120xi32>
    %add3A_3659 = arith.addi %add3A_3649, %select_n3A_3658 : vector<64x120xi32>
    %eq3A_3660 = arith.constant 10 : i32
    %eq3A_3661 = vector.broadcast %eq3A_3660 : i32 to vector<64x120xi32>
    %eq3A_3662 = arith.cmpi eq, %select_n3A_3557, %eq3A_3661 : vector<64x120xi32>
    %slice3A_3663 = vector.extract_strided_slice %add3A_3533 {offsets = [0, 10], sizes = [64, 1], strides = [1, 1]} : vector<64x25xi32> to vector<64x1xi32>
    %jit3A_3664 = arith.constant 0 : i32
    %broadcast_in_dim3A_3665 = vector.shape_cast %slice3A_3663 : vector<64x1xi32> to vector<64x1xi32>
    %broadcast_in_dim3A_3666 = vector.broadcast %broadcast_in_dim3A_3665 : vector<64x1xi32> to vector<64x120xi32>
    %broadcast_in_dim3A_3667 = vector.broadcast %jit3A_3664 : i32 to vector<64x120xi32>
    %select_n3A_3668 = arith.select %eq3A_3662, %broadcast_in_dim3A_3666, %broadcast_in_dim3A_3667 : vector<64x120xi1>, vector<64x120xi32>
    %add3A_3669 = arith.addi %add3A_3659, %select_n3A_3668 : vector<64x120xi32>
    %eq3A_3670 = arith.constant 11 : i32
    %eq3A_3671 = vector.broadcast %eq3A_3670 : i32 to vector<64x120xi32>
    %eq3A_3672 = arith.cmpi eq, %select_n3A_3557, %eq3A_3671 : vector<64x120xi32>
    %slice3A_3673 = vector.extract_strided_slice %add3A_3533 {offsets = [0, 11], sizes = [64, 1], strides = [1, 1]} : vector<64x25xi32> to vector<64x1xi32>
    %jit3A_3674 = arith.constant 0 : i32
    %broadcast_in_dim3A_3675 = vector.shape_cast %slice3A_3673 : vector<64x1xi32> to vector<64x1xi32>
    %broadcast_in_dim3A_3676 = vector.broadcast %broadcast_in_dim3A_3675 : vector<64x1xi32> to vector<64x120xi32>
    %broadcast_in_dim3A_3677 = vector.broadcast %jit3A_3674 : i32 to vector<64x120xi32>
    %select_n3A_3678 = arith.select %eq3A_3672, %broadcast_in_dim3A_3676, %broadcast_in_dim3A_3677 : vector<64x120xi1>, vector<64x120xi32>
    %add3A_3679 = arith.addi %add3A_3669, %select_n3A_3678 : vector<64x120xi32>
    %eq3A_3680 = arith.constant 12 : i32
    %eq3A_3681 = vector.broadcast %eq3A_3680 : i32 to vector<64x120xi32>
    %eq3A_3682 = arith.cmpi eq, %select_n3A_3557, %eq3A_3681 : vector<64x120xi32>
    %slice3A_3683 = vector.extract_strided_slice %add3A_3533 {offsets = [0, 12], sizes = [64, 1], strides = [1, 1]} : vector<64x25xi32> to vector<64x1xi32>
    %jit3A_3684 = arith.constant 0 : i32
    %broadcast_in_dim3A_3685 = vector.shape_cast %slice3A_3683 : vector<64x1xi32> to vector<64x1xi32>
    %broadcast_in_dim3A_3686 = vector.broadcast %broadcast_in_dim3A_3685 : vector<64x1xi32> to vector<64x120xi32>
    %broadcast_in_dim3A_3687 = vector.broadcast %jit3A_3684 : i32 to vector<64x120xi32>
    %select_n3A_3688 = arith.select %eq3A_3682, %broadcast_in_dim3A_3686, %broadcast_in_dim3A_3687 : vector<64x120xi1>, vector<64x120xi32>
    %add3A_3689 = arith.addi %add3A_3679, %select_n3A_3688 : vector<64x120xi32>
    %eq3A_3690 = arith.constant 13 : i32
    %eq3A_3691 = vector.broadcast %eq3A_3690 : i32 to vector<64x120xi32>
    %eq3A_3692 = arith.cmpi eq, %select_n3A_3557, %eq3A_3691 : vector<64x120xi32>
    %slice3A_3693 = vector.extract_strided_slice %add3A_3533 {offsets = [0, 13], sizes = [64, 1], strides = [1, 1]} : vector<64x25xi32> to vector<64x1xi32>
    %jit3A_3694 = arith.constant 0 : i32
    %broadcast_in_dim3A_3695 = vector.shape_cast %slice3A_3693 : vector<64x1xi32> to vector<64x1xi32>
    %broadcast_in_dim3A_3696 = vector.broadcast %broadcast_in_dim3A_3695 : vector<64x1xi32> to vector<64x120xi32>
    %broadcast_in_dim3A_3697 = vector.broadcast %jit3A_3694 : i32 to vector<64x120xi32>
    %select_n3A_3698 = arith.select %eq3A_3692, %broadcast_in_dim3A_3696, %broadcast_in_dim3A_3697 : vector<64x120xi1>, vector<64x120xi32>
    %add3A_3699 = arith.addi %add3A_3689, %select_n3A_3698 : vector<64x120xi32>
    %eq3A_3700 = arith.constant 14 : i32
    %eq3A_3701 = vector.broadcast %eq3A_3700 : i32 to vector<64x120xi32>
    %eq3A_3702 = arith.cmpi eq, %select_n3A_3557, %eq3A_3701 : vector<64x120xi32>
    %slice3A_3703 = vector.extract_strided_slice %add3A_3533 {offsets = [0, 14], sizes = [64, 1], strides = [1, 1]} : vector<64x25xi32> to vector<64x1xi32>
    %jit3A_3704 = arith.constant 0 : i32
    %broadcast_in_dim3A_3705 = vector.shape_cast %slice3A_3703 : vector<64x1xi32> to vector<64x1xi32>
    %broadcast_in_dim3A_3706 = vector.broadcast %broadcast_in_dim3A_3705 : vector<64x1xi32> to vector<64x120xi32>
    %broadcast_in_dim3A_3707 = vector.broadcast %jit3A_3704 : i32 to vector<64x120xi32>
    %select_n3A_3708 = arith.select %eq3A_3702, %broadcast_in_dim3A_3706, %broadcast_in_dim3A_3707 : vector<64x120xi1>, vector<64x120xi32>
    %add3A_3709 = arith.addi %add3A_3699, %select_n3A_3708 : vector<64x120xi32>
    %eq3A_3710 = arith.constant 15 : i32
    %eq3A_3711 = vector.broadcast %eq3A_3710 : i32 to vector<64x120xi32>
    %eq3A_3712 = arith.cmpi eq, %select_n3A_3557, %eq3A_3711 : vector<64x120xi32>
    %slice3A_3713 = vector.extract_strided_slice %add3A_3533 {offsets = [0, 15], sizes = [64, 1], strides = [1, 1]} : vector<64x25xi32> to vector<64x1xi32>
    %jit3A_3714 = arith.constant 0 : i32
    %broadcast_in_dim3A_3715 = vector.shape_cast %slice3A_3713 : vector<64x1xi32> to vector<64x1xi32>
    %broadcast_in_dim3A_3716 = vector.broadcast %broadcast_in_dim3A_3715 : vector<64x1xi32> to vector<64x120xi32>
    %broadcast_in_dim3A_3717 = vector.broadcast %jit3A_3714 : i32 to vector<64x120xi32>
    %select_n3A_3718 = arith.select %eq3A_3712, %broadcast_in_dim3A_3716, %broadcast_in_dim3A_3717 : vector<64x120xi1>, vector<64x120xi32>
    %add3A_3719 = arith.addi %add3A_3709, %select_n3A_3718 : vector<64x120xi32>
    %eq3A_3720 = arith.constant 16 : i32
    %eq3A_3721 = vector.broadcast %eq3A_3720 : i32 to vector<64x120xi32>
    %eq3A_3722 = arith.cmpi eq, %select_n3A_3557, %eq3A_3721 : vector<64x120xi32>
    %slice3A_3723 = vector.extract_strided_slice %add3A_3533 {offsets = [0, 16], sizes = [64, 1], strides = [1, 1]} : vector<64x25xi32> to vector<64x1xi32>
    %jit3A_3724 = arith.constant 0 : i32
    %broadcast_in_dim3A_3725 = vector.shape_cast %slice3A_3723 : vector<64x1xi32> to vector<64x1xi32>
    %broadcast_in_dim3A_3726 = vector.broadcast %broadcast_in_dim3A_3725 : vector<64x1xi32> to vector<64x120xi32>
    %broadcast_in_dim3A_3727 = vector.broadcast %jit3A_3724 : i32 to vector<64x120xi32>
    %select_n3A_3728 = arith.select %eq3A_3722, %broadcast_in_dim3A_3726, %broadcast_in_dim3A_3727 : vector<64x120xi1>, vector<64x120xi32>
    %add3A_3729 = arith.addi %add3A_3719, %select_n3A_3728 : vector<64x120xi32>
    %eq3A_3730 = arith.constant 17 : i32
    %eq3A_3731 = vector.broadcast %eq3A_3730 : i32 to vector<64x120xi32>
    %eq3A_3732 = arith.cmpi eq, %select_n3A_3557, %eq3A_3731 : vector<64x120xi32>
    %slice3A_3733 = vector.extract_strided_slice %add3A_3533 {offsets = [0, 17], sizes = [64, 1], strides = [1, 1]} : vector<64x25xi32> to vector<64x1xi32>
    %jit3A_3734 = arith.constant 0 : i32
    %broadcast_in_dim3A_3735 = vector.shape_cast %slice3A_3733 : vector<64x1xi32> to vector<64x1xi32>
    %broadcast_in_dim3A_3736 = vector.broadcast %broadcast_in_dim3A_3735 : vector<64x1xi32> to vector<64x120xi32>
    %broadcast_in_dim3A_3737 = vector.broadcast %jit3A_3734 : i32 to vector<64x120xi32>
    %select_n3A_3738 = arith.select %eq3A_3732, %broadcast_in_dim3A_3736, %broadcast_in_dim3A_3737 : vector<64x120xi1>, vector<64x120xi32>
    %add3A_3739 = arith.addi %add3A_3729, %select_n3A_3738 : vector<64x120xi32>
    %eq3A_3740 = arith.constant 18 : i32
    %eq3A_3741 = vector.broadcast %eq3A_3740 : i32 to vector<64x120xi32>
    %eq3A_3742 = arith.cmpi eq, %select_n3A_3557, %eq3A_3741 : vector<64x120xi32>
    %slice3A_3743 = vector.extract_strided_slice %add3A_3533 {offsets = [0, 18], sizes = [64, 1], strides = [1, 1]} : vector<64x25xi32> to vector<64x1xi32>
    %jit3A_3744 = arith.constant 0 : i32
    %broadcast_in_dim3A_3745 = vector.shape_cast %slice3A_3743 : vector<64x1xi32> to vector<64x1xi32>
    %broadcast_in_dim3A_3746 = vector.broadcast %broadcast_in_dim3A_3745 : vector<64x1xi32> to vector<64x120xi32>
    %broadcast_in_dim3A_3747 = vector.broadcast %jit3A_3744 : i32 to vector<64x120xi32>
    %select_n3A_3748 = arith.select %eq3A_3742, %broadcast_in_dim3A_3746, %broadcast_in_dim3A_3747 : vector<64x120xi1>, vector<64x120xi32>
    %add3A_3749 = arith.addi %add3A_3739, %select_n3A_3748 : vector<64x120xi32>
    %eq3A_3750 = arith.constant 19 : i32
    %eq3A_3751 = vector.broadcast %eq3A_3750 : i32 to vector<64x120xi32>
    %eq3A_3752 = arith.cmpi eq, %select_n3A_3557, %eq3A_3751 : vector<64x120xi32>
    %slice3A_3753 = vector.extract_strided_slice %add3A_3533 {offsets = [0, 19], sizes = [64, 1], strides = [1, 1]} : vector<64x25xi32> to vector<64x1xi32>
    %jit3A_3754 = arith.constant 0 : i32
    %broadcast_in_dim3A_3755 = vector.shape_cast %slice3A_3753 : vector<64x1xi32> to vector<64x1xi32>
    %broadcast_in_dim3A_3756 = vector.broadcast %broadcast_in_dim3A_3755 : vector<64x1xi32> to vector<64x120xi32>
    %broadcast_in_dim3A_3757 = vector.broadcast %jit3A_3754 : i32 to vector<64x120xi32>
    %select_n3A_3758 = arith.select %eq3A_3752, %broadcast_in_dim3A_3756, %broadcast_in_dim3A_3757 : vector<64x120xi1>, vector<64x120xi32>
    %add3A_3759 = arith.addi %add3A_3749, %select_n3A_3758 : vector<64x120xi32>
    %eq3A_3760 = arith.constant 20 : i32
    %eq3A_3761 = vector.broadcast %eq3A_3760 : i32 to vector<64x120xi32>
    %eq3A_3762 = arith.cmpi eq, %select_n3A_3557, %eq3A_3761 : vector<64x120xi32>
    %slice3A_3763 = vector.extract_strided_slice %add3A_3533 {offsets = [0, 20], sizes = [64, 1], strides = [1, 1]} : vector<64x25xi32> to vector<64x1xi32>
    %jit3A_3764 = arith.constant 0 : i32
    %broadcast_in_dim3A_3765 = vector.shape_cast %slice3A_3763 : vector<64x1xi32> to vector<64x1xi32>
    %broadcast_in_dim3A_3766 = vector.broadcast %broadcast_in_dim3A_3765 : vector<64x1xi32> to vector<64x120xi32>
    %broadcast_in_dim3A_3767 = vector.broadcast %jit3A_3764 : i32 to vector<64x120xi32>
    %select_n3A_3768 = arith.select %eq3A_3762, %broadcast_in_dim3A_3766, %broadcast_in_dim3A_3767 : vector<64x120xi1>, vector<64x120xi32>
    %add3A_3769 = arith.addi %add3A_3759, %select_n3A_3768 : vector<64x120xi32>
    %eq3A_3770 = arith.constant 21 : i32
    %eq3A_3771 = vector.broadcast %eq3A_3770 : i32 to vector<64x120xi32>
    %eq3A_3772 = arith.cmpi eq, %select_n3A_3557, %eq3A_3771 : vector<64x120xi32>
    %slice3A_3773 = vector.extract_strided_slice %add3A_3533 {offsets = [0, 21], sizes = [64, 1], strides = [1, 1]} : vector<64x25xi32> to vector<64x1xi32>
    %jit3A_3774 = arith.constant 0 : i32
    %broadcast_in_dim3A_3775 = vector.shape_cast %slice3A_3773 : vector<64x1xi32> to vector<64x1xi32>
    %broadcast_in_dim3A_3776 = vector.broadcast %broadcast_in_dim3A_3775 : vector<64x1xi32> to vector<64x120xi32>
    %broadcast_in_dim3A_3777 = vector.broadcast %jit3A_3774 : i32 to vector<64x120xi32>
    %select_n3A_3778 = arith.select %eq3A_3772, %broadcast_in_dim3A_3776, %broadcast_in_dim3A_3777 : vector<64x120xi1>, vector<64x120xi32>
    %add3A_3779 = arith.addi %add3A_3769, %select_n3A_3778 : vector<64x120xi32>
    %eq3A_3780 = arith.constant 22 : i32
    %eq3A_3781 = vector.broadcast %eq3A_3780 : i32 to vector<64x120xi32>
    %eq3A_3782 = arith.cmpi eq, %select_n3A_3557, %eq3A_3781 : vector<64x120xi32>
    %slice3A_3783 = vector.extract_strided_slice %add3A_3533 {offsets = [0, 22], sizes = [64, 1], strides = [1, 1]} : vector<64x25xi32> to vector<64x1xi32>
    %jit3A_3784 = arith.constant 0 : i32
    %broadcast_in_dim3A_3785 = vector.shape_cast %slice3A_3783 : vector<64x1xi32> to vector<64x1xi32>
    %broadcast_in_dim3A_3786 = vector.broadcast %broadcast_in_dim3A_3785 : vector<64x1xi32> to vector<64x120xi32>
    %broadcast_in_dim3A_3787 = vector.broadcast %jit3A_3784 : i32 to vector<64x120xi32>
    %select_n3A_3788 = arith.select %eq3A_3782, %broadcast_in_dim3A_3786, %broadcast_in_dim3A_3787 : vector<64x120xi1>, vector<64x120xi32>
    %add3A_3789 = arith.addi %add3A_3779, %select_n3A_3788 : vector<64x120xi32>
    %eq3A_3790 = arith.constant 23 : i32
    %eq3A_3791 = vector.broadcast %eq3A_3790 : i32 to vector<64x120xi32>
    %eq3A_3792 = arith.cmpi eq, %select_n3A_3557, %eq3A_3791 : vector<64x120xi32>
    %slice3A_3793 = vector.extract_strided_slice %add3A_3533 {offsets = [0, 23], sizes = [64, 1], strides = [1, 1]} : vector<64x25xi32> to vector<64x1xi32>
    %jit3A_3794 = arith.constant 0 : i32
    %broadcast_in_dim3A_3795 = vector.shape_cast %slice3A_3793 : vector<64x1xi32> to vector<64x1xi32>
    %broadcast_in_dim3A_3796 = vector.broadcast %broadcast_in_dim3A_3795 : vector<64x1xi32> to vector<64x120xi32>
    %broadcast_in_dim3A_3797 = vector.broadcast %jit3A_3794 : i32 to vector<64x120xi32>
    %select_n3A_3798 = arith.select %eq3A_3792, %broadcast_in_dim3A_3796, %broadcast_in_dim3A_3797 : vector<64x120xi1>, vector<64x120xi32>
    %add3A_3799 = arith.addi %add3A_3789, %select_n3A_3798 : vector<64x120xi32>
    %eq3A_3800 = arith.constant 24 : i32
    %eq3A_3801 = vector.broadcast %eq3A_3800 : i32 to vector<64x120xi32>
    %eq3A_3802 = arith.cmpi eq, %select_n3A_3557, %eq3A_3801 : vector<64x120xi32>
    %slice3A_3803 = vector.extract_strided_slice %add3A_3533 {offsets = [0, 24], sizes = [64, 1], strides = [1, 1]} : vector<64x25xi32> to vector<64x1xi32>
    %jit3A_3804 = arith.constant 0 : i32
    %broadcast_in_dim3A_3805 = vector.shape_cast %slice3A_3803 : vector<64x1xi32> to vector<64x1xi32>
    %broadcast_in_dim3A_3806 = vector.broadcast %broadcast_in_dim3A_3805 : vector<64x1xi32> to vector<64x120xi32>
    %broadcast_in_dim3A_3807 = vector.broadcast %jit3A_3804 : i32 to vector<64x120xi32>
    %select_n3A_3808 = arith.select %eq3A_3802, %broadcast_in_dim3A_3806, %broadcast_in_dim3A_3807 : vector<64x120xi1>, vector<64x120xi32>
    %add3A_3809 = arith.addi %add3A_3799, %select_n3A_3808 : vector<64x120xi32>
    %mul3A_3810 = arith.constant 12 : i32
    %mul3A_3811 = vector.broadcast %mul3A_3810 : i32 to vector<64x1xi32>
    %mul3A_3812 = arith.muli %mul3A_3811, %broadcast_in_dim3A_897 : vector<64x1xi32>
    %lt3A_3813 = vector.broadcast %mul3A_3812 : vector<64x1xi32> to vector<64x120xi32>
    %lt3A_3814 = arith.cmpi slt, %iota3A_3499, %lt3A_3813 : vector<64x120xi32>
    %jit3A_3815 = arith.constant 0 : i32
    %broadcast_in_dim3A_3816 = vector.broadcast %jit3A_3815 : i32 to vector<64x120xi32>
    %select_n3A_3817 = arith.select %lt3A_3814, %add3A_3809, %broadcast_in_dim3A_3816 : vector<64x120xi1>, vector<64x120xi32>
    %swap3A_3818 = arith.constant 0 : index
    %swap3A_3819 = arith.constant 0 : index
    %swap3A_3820 = vector.load %arg6[%swap3A_3818, %swap3A_3819] : memref<64x120xi32, #tpu.memory_space<vmem>>, vector<64x120xi32>
    tpu.vector_store %arg6[%swap3A_3818, %swap3A_3819], %select_n3A_3817 {strides = array<i32>} : memref<64x120xi32, #tpu.memory_space<vmem>>, vector<64x120xi32>,
    %div3A_3821 = vector.broadcast %broadcast_in_dim3A_897 : vector<64x1xi32> to vector<64x120xi32>
    %div3A_3822 = arith.divsi %iota3A_3499, %div3A_3821 : vector<64x120xi32>
    %sign3A_3823 = arith.constant 0 : i32
    %sign3A_3824 = vector.broadcast %sign3A_3823 : i32 to vector<64x120xi32>
    %sign3A_3825 = arith.cmpi sgt, %iota3A_3499, %sign3A_3824 : vector<64x120xi32>
    %sign3A_3826 = arith.extui %sign3A_3825 : vector<64x120xi1> to vector<64x120xi32>
    %sign3A_3827 = arith.constant 0 : i32
    %sign3A_3828 = vector.broadcast %sign3A_3827 : i32 to vector<64x120xi32>
    %sign3A_3829 = arith.cmpi slt, %iota3A_3499, %sign3A_3828 : vector<64x120xi32>
    %sign3A_3830 = arith.extui %sign3A_3829 : vector<64x120xi1> to vector<64x120xi32>
    %sign3A_3831 = arith.subi %sign3A_3826, %sign3A_3830 : vector<64x120xi32>
    %sign3A_3832 = arith.constant 0 : i32
    %sign3A_3833 = vector.broadcast %sign3A_3832 : i32 to vector<64x1xi32>
    %sign3A_3834 = arith.cmpi sgt, %broadcast_in_dim3A_897, %sign3A_3833 : vector<64x1xi32>
    %sign3A_3835 = arith.extui %sign3A_3834 : vector<64x1xi1> to vector<64x1xi32>
    %sign3A_3836 = arith.constant 0 : i32
    %sign3A_3837 = vector.broadcast %sign3A_3836 : i32 to vector<64x1xi32>
    %sign3A_3838 = arith.cmpi slt, %broadcast_in_dim3A_897, %sign3A_3837 : vector<64x1xi32>
    %sign3A_3839 = arith.extui %sign3A_3838 : vector<64x1xi1> to vector<64x1xi32>
    %sign3A_3840 = arith.subi %sign3A_3835, %sign3A_3839 : vector<64x1xi32>
    %ne3A_3841 = vector.broadcast %sign3A_3840 : vector<64x1xi32> to vector<64x120xi32>
    %ne3A_3842 = arith.cmpi ne, %sign3A_3831, %ne3A_3841 : vector<64x120xi32>
    %rem3A_3843 = vector.broadcast %broadcast_in_dim3A_897 : vector<64x1xi32> to vector<64x120xi32>
    %rem3A_3844 = arith.remsi %iota3A_3499, %rem3A_3843 : vector<64x120xi32>
    %ne3A_3845 = arith.constant 0 : i32
    %ne3A_3846 = vector.broadcast %ne3A_3845 : i32 to vector<64x120xi32>
    %ne3A_3847 = arith.cmpi ne, %rem3A_3844, %ne3A_3846 : vector<64x120xi32>
    %and3A_3848 = arith.andi %ne3A_3842, %ne3A_3847 : vector<64x120xi1>
    %sub3A_3849 = arith.constant 1 : i32
    %sub3A_3850 = vector.broadcast %sub3A_3849 : i32 to vector<64x120xi32>
    %sub3A_3851 = arith.subi %div3A_3822, %sub3A_3850 : vector<64x120xi32>
    %select_n3A_3852 = arith.select %and3A_3848, %sub3A_3851, %div3A_3822 : vector<64x120xi1>, vector<64x120xi32>
    %add3A_3853 = arith.constant 1 : i32
    %add3A_3854 = vector.broadcast %add3A_3853 : i32 to vector<64x120xi32>
    %add3A_3855 = arith.addi %select_n3A_3852, %add3A_3854 : vector<64x120xi32>
    %jit3A_3856 = arith.constant 0 : i32
    %broadcast_in_dim3A_3857 = vector.broadcast %jit3A_3856 : i32 to vector<64x120xi32>
    %select_n3A_3858 = arith.select %lt3A_3814, %add3A_3855, %broadcast_in_dim3A_3857 : vector<64x120xi1>, vector<64x120xi32>
    %swap3A_3859 = arith.constant 0 : index
    %swap3A_3860 = arith.constant 0 : index
    %swap3A_3861 = vector.load %arg7[%swap3A_3859, %swap3A_3860] : memref<64x120xi32, #tpu.memory_space<vmem>>, vector<64x120xi32>
    tpu.vector_store %arg7[%swap3A_3859, %swap3A_3860], %select_n3A_3858 {strides = array<i32>} : memref<64x120xi32, #tpu.memory_space<vmem>>, vector<64x120xi32>,
    return
  }
  func.func @transform_0(%arg0: i32) -> (i32, i32, i32, i32) {
    %c0_i32 = arith.constant 0 : i32
    %c0_i32_0 = arith.constant 0 : i32
    %c0_i32_1 = arith.constant 0 : i32
    %c0_i32_2 = arith.constant 0 : i32
    return %arg0, %c0_i32, %c0_i32_0, %c0_i32_1 : i32, i32, i32, i32
  }
  func.func @transform_1(%arg0: i32) -> (i32, i32) {
    %c0_i32 = arith.constant 0 : i32
    %c0_i32_0 = arith.constant 0 : i32
    %c0_i32_1 = arith.constant 0 : i32
    return %c0_i32, %c0_i32_0 : i32, i32
  }
  func.func @transform_2(%arg0: i32) -> (i32, i32, i32) {
    %c0_i32 = arith.constant 0 : i32
    %c0_i32_0 = arith.constant 0 : i32
    %c0_i32_1 = arith.constant 0 : i32
    return %arg0, %c0_i32, %c0_i32_0 : i32, i32, i32
  }
  func.func @transform_3(%arg0: i32) -> (i32, i32, i32, i32) {
    %c0_i32 = arith.constant 0 : i32
    %c0_i32_0 = arith.constant 0 : i32
    %c0_i32_1 = arith.constant 0 : i32
    %c0_i32_2 = arith.constant 0 : i32
    return %arg0, %c0_i32, %c0_i32_0, %c0_i32_1 : i32, i32, i32, i32
  }
  func.func @transform_4(%arg0: i32) -> (i32, i32, i32) {
    %c0_i32 = arith.constant 0 : i32
    %c0_i32_0 = arith.constant 0 : i32
    %c0_i32_1 = arith.constant 0 : i32
    return %arg0, %c0_i32, %c0_i32_0 : i32, i32, i32
  }
  func.func @transform_5(%arg0: i32) -> (i32, i32) {
    %c0_i32 = arith.constant 0 : i32
    %c0_i32_0 = arith.constant 0 : i32
    return %arg0, %c0_i32 : i32, i32
  }
  func.func @transform_6(%arg0: i32) -> (i32, i32) {
    %c0_i32 = arith.constant 0 : i32
    %c0_i32_0 = arith.constant 0 : i32
    return %arg0, %c0_i32 : i32, i32
  }
}

module attributes {stable_mosaic.version = 14 : i64} {
  func.func @_unpack_body(%arg0: i32, %arg1: memref<3840x128xf32, #tpu.memory_space<vmem>>, %arg2: memref<16x10x96xi32, #tpu.memory_space<vmem>>, %arg3: memref<16x10x12x96xf32, #tpu.memory_space<vmem>>) attributes {dimension_semantics = [#tpu.dimension_semantics<arbitrary>], iteration_bounds = array<i64: 4>, scalar_prefetch = 0 : i64, scratch_operands = 0 : i64, tpu.core_type = #tpu.core_type<tc>, window_params = [{transform_indices = @transform_0, window_bounds = array<i64: 3840, 128>}, {transform_indices = @transform_1, window_bounds = array<i64: 16, 10, 96>}, {transform_indices = @transform_2, window_bounds = array<i64: 16, 10, 12, 96>}]} {
    %get3A = arith.constant 0 : index
    %get3A_0 = arith.constant 0 : index
    %get3A_1 = vector.load %arg1[%get3A, %get3A_0] : memref<3840x128xf32, #tpu.memory_space<vmem>>, vector<3840x128xf32>
    %reshape3A = vector.shape_cast %get3A_1 : vector<3840x128xf32> to vector<160x12x2x128xf32>
    %get3A_2 = arith.constant 0 : index
    %get3A_3 = arith.constant 0 : index
    %get3A_4 = arith.constant 0 : index
    %get3A_5 = vector.load %arg2[%get3A_2, %get3A_3, %get3A_4] : memref<16x10x96xi32, #tpu.memory_space<vmem>>, vector<16x10x96xi32>
    %reshape3A_6 = vector.shape_cast %get3A_5 : vector<16x10x96xi32> to vector<160x96xi32>
    %iota3A = tpu.iota {dimensions = array<i32: 2>} : vector<160x96x128xi32>
    %broadcast_in_dim3A = arith.constant 0.000000e+00 : f32
    %broadcast_in_dim3A_7 = vector.broadcast %broadcast_in_dim3A : f32 to vector<160x12x96xf32>
    %broadcast_in_dim3A_8 = vector.shape_cast %reshape3A_6 : vector<160x96xi32> to vector<160x96x1xi32>
    %add3A = arith.constant 0 : i32
    %add3A_9 = vector.broadcast %add3A : i32 to vector<160x96x128xi32>
    %add3A_10 = arith.addi %iota3A, %add3A_9 : vector<160x96x128xi32>
    %eq3A = vector.broadcast %broadcast_in_dim3A_8 : vector<160x96x1xi32> to vector<160x96x128xi32>
    %eq3A_11 = arith.cmpi eq, %eq3A, %add3A_10 : vector<160x96x128xi32>
    %convert_element_type3A = arith.extui %eq3A_11 : vector<160x96x128xi1> to vector<160x96x128xi32>
    %convert_element_type3A_12 = arith.sitofp %convert_element_type3A : vector<160x96x128xi32> to vector<160x96x128xf32>
    %slice3A = vector.extract_strided_slice %reshape3A {offsets = [0, 0, 0, 0], sizes = [160, 12, 1, 128], strides = [1, 1, 1, 1]} : vector<160x12x2x128xf32> to vector<160x12x1x128xf32>
    %squeeze3A = vector.shape_cast %slice3A : vector<160x12x1x128xf32> to vector<160x12x128xf32>
    %dot_general3A = arith.constant dense<0.000000e+00> : vector<160x12x96xf32>
    %dot_general3A_13 = tpu.matmul %squeeze3A, %convert_element_type3A_12, %dot_general3A {dimension_numbers = #tpu.dot_dimension_numbers<[2], [2], [1], [1], [0, 0, 0, 1, 1, 1], [0], [0]>, transpose_lhs_hint = false} : vector<160x12x128xf32>, vector<160x96x128xf32>, vector<160x12x96xf32> -> vector<160x12x96xf32>
    %add3A_14 = arith.addf %broadcast_in_dim3A_7, %dot_general3A_13 : vector<160x12x96xf32>
    %broadcast_in_dim3A_15 = vector.shape_cast %reshape3A_6 : vector<160x96xi32> to vector<160x96x1xi32>
    %add3A_16 = arith.constant 128 : i32
    %add3A_17 = vector.broadcast %add3A_16 : i32 to vector<160x96x128xi32>
    %add3A_18 = arith.addi %iota3A, %add3A_17 : vector<160x96x128xi32>
    %eq3A_19 = vector.broadcast %broadcast_in_dim3A_15 : vector<160x96x1xi32> to vector<160x96x128xi32>
    %eq3A_20 = arith.cmpi eq, %eq3A_19, %add3A_18 : vector<160x96x128xi32>
    %convert_element_type3A_21 = arith.extui %eq3A_20 : vector<160x96x128xi1> to vector<160x96x128xi32>
    %convert_element_type3A_22 = arith.sitofp %convert_element_type3A_21 : vector<160x96x128xi32> to vector<160x96x128xf32>
    %slice3A_23 = vector.extract_strided_slice %reshape3A {offsets = [0, 0, 1, 0], sizes = [160, 12, 1, 128], strides = [1, 1, 1, 1]} : vector<160x12x2x128xf32> to vector<160x12x1x128xf32>
    %squeeze3A_24 = vector.shape_cast %slice3A_23 : vector<160x12x1x128xf32> to vector<160x12x128xf32>
    %dot_general3A_25 = arith.constant dense<0.000000e+00> : vector<160x12x96xf32>
    %dot_general3A_26 = tpu.matmul %squeeze3A_24, %convert_element_type3A_22, %dot_general3A_25 {dimension_numbers = #tpu.dot_dimension_numbers<[2], [2], [1], [1], [0, 0, 0, 1, 1, 1], [0], [0]>, transpose_lhs_hint = false} : vector<160x12x128xf32>, vector<160x96x128xf32>, vector<160x12x96xf32> -> vector<160x12x96xf32>
    %add3A_27 = arith.addf %add3A_14, %dot_general3A_26 : vector<160x12x96xf32>
    %reshape3A_28 = vector.shape_cast %add3A_27 : vector<160x12x96xf32> to vector<16x10x12x96xf32>
    %swap3A = arith.constant 0 : index
    %swap3A_29 = arith.constant 0 : index
    %swap3A_30 = arith.constant 0 : index
    %swap3A_31 = arith.constant 0 : index
    %swap3A_32 = vector.load %arg3[%swap3A, %swap3A_29, %swap3A_30, %swap3A_31] : memref<16x10x12x96xf32, #tpu.memory_space<vmem>>, vector<16x10x12x96xf32>
    tpu.vector_store %arg3[%swap3A, %swap3A_29, %swap3A_30, %swap3A_31], %reshape3A_28 {strides = array<i32>} : memref<16x10x12x96xf32, #tpu.memory_space<vmem>>, vector<16x10x12x96xf32>,
    return
  }
  func.func @transform_0(%arg0: i32) -> (i32, i32) {
    %c0_i32 = arith.constant 0 : i32
    %c0_i32_0 = arith.constant 0 : i32
    return %arg0, %c0_i32 : i32, i32
  }
  func.func @transform_1(%arg0: i32) -> (i32, i32, i32) {
    %c0_i32 = arith.constant 0 : i32
    %c0_i32_0 = arith.constant 0 : i32
    %c0_i32_1 = arith.constant 0 : i32
    return %arg0, %c0_i32, %c0_i32_0 : i32, i32, i32
  }
  func.func @transform_2(%arg0: i32) -> (i32, i32, i32, i32) {
    %c0_i32 = arith.constant 0 : i32
    %c0_i32_0 = arith.constant 0 : i32
    %c0_i32_1 = arith.constant 0 : i32
    %c0_i32_2 = arith.constant 0 : i32
    return %arg0, %c0_i32, %c0_i32_0, %c0_i32_1 : i32, i32, i32, i32
  }
}

</mosaic_0001>

<sc_bundles>
// kernel: kernel.5.cloned.1.call-start
scs
__scs_entry_jumppad:
0x0: {  	(pc) =	sbr.rel $0x88, $3  }
0x1: {  	(tag) =	ssettag $0x0;
	lr =	simm.s32 $0x1  }
0x2: {  	[smem:$0x3FA0] =	sst lr;
	_ =	strace $0xD0000000  }
0x3: {  	_ = 	snop  }
0x4: {  	_ = 	snop  }
0x5: {  	_ = 	snop  }
0x6: {  	_ = 	snop  }
0x7: {  	_ = 	snop  }
__scs_overlays_trampoline_lowered:
0x8: {  	[smem:$0x3FAF] =	sst s0  }
0x9: {  	[smem:$0x3FB0] =	sst s1  }
0xa: {  	[smem:$0x3FB1] =	sst s2  }
0xb: {  	[smem:$0x3FB2] =	sst s3  }
0xc: {  	[smem:$0x3FB3] =	sst s4  }
0xd: {  	[smem:$0x3FB4] =	sst s5  }
0xe: {  	[smem:$0x3FB5] =	sst s6  }
0xf: {  	[smem:$0x3FB6] =	sst s7  }
0x10: {  	[smem:$0x3FB7] =	sst s8  }
0x11: {  	[smem:$0x3FB8] =	sst s9;
	s0 =	simm.s32 @!p0 $0x0  }
0x12: {  	s1 =	sld [smem:$0x3F9E];
	s0 =	simm.s32 @p0 $0x1  }
0x13: {  	[smem:$0x3FB9] =	sst s0;
	s0 =	simm.s32 @!p1 $0x0  }
0x14: {  	s2 =	sld [smem:$0x3F9D];
	s0 =	simm.s32 @p1 $0x1  }
0x15: {  	[smem:$0x3FBA] =	sst s0;
	s0 =	simm.s32 @!p2 $0x0  }
0x16: {  	s3 =	sld [smem:$0x3FDB];
	s0 =	simm.s32 @p2 $0x1  }
0x17: {  	s4 =	simm.s32 $0x1BF5;
	[smem:$0x3FBC] =	sst s0  }
0x18: {  	s0 =	sld [smem:$0x3F9F];
	_ =	swait.ge [sflag:s4], $0x0  }
0x19: {  	s7 =	sld [smem:$0x3FA0]  }
0x1a: {  	s8 =	sadd.s32 $0xFFFFE003, lr  }
0x1b: {  	s9 =	sadd.s32 $0xFFFFFEF7, lr;
	s5 =	simm.s32 $0xFFFFFFFF;
	p2 =	slt.u32 s8, $0xFFFFF086  }
0x1c: {  	p1 =	slt.u32 s9, $0xF7A;
	s5 =	simm.s32 @!p2 $0x0  }
0x1d: {  	s5 =	simm.s32 @p1 $0x1;
	p0 =	seq.s32 s7, s2  }
0x1e: {  	s7 =	smul.u32 @!p0 $0xF7A, s2;
	p2 =	seq.s32 @!p0 s5, $0x0  }
0x1f: {  	s9 =	smul.u32 $0xF7A, s1;
	s8 =	simm.s32 @!p0 $0x1BF5;
	p2 =	por !p2, p0  }
0x20: {  	[sflag:s8] =	ssyncset.s32 @!p0 $0xFFFFF086;
	s6 =	sadd.s32 @!p0 s3, s7;
	s7 =	simm.s32 @!p0 $0x108  }
0x21: {  	s3 =	sadd.s32 s3, s9;
	s6 =	sadd.s32 @!p0 $0x88, s6;
	s7 =	simm.s32 @p2 $0x1082  }
0x22: {  	[simem:s7], [sflag:s8] =	dma.local @!p0 [hbm:s6], $0xF7A  }
0x23: {  	s9 =	sor.u32 $0xD0000000, s2;
	s6 =	simm.s32 $0x108;
	_ =	swait.ge @!p0 [sflag:s8], $0x0  }
0x24: {  	s3 =	sadd.s32 $0x88, s3;
	s6 =	simm.s32 @!p1 $0x1082;
	[sflag:s4] =	ssyncset.s32 $0xFFFFF086  }
0x25: {  	[simem:s6], [sflag:s4] =	dma.local [hbm:s3], $0xF7A  }
0x26: {  	[smem:$0x3FA0] =	sst s1;
	(tag) =	ssettag s2;
	_ =	strace s9  }
0x27: {  	s1 =	sld [smem:$0x3FB0]  }
0x28: {  	s2 =	sld [smem:$0x3FB1]  }
0x29: {  	s4 =	sld [smem:$0x3FB3]  }
0x2a: {  	p0 =	seq.s32 s5, $0x0;
	s5 =	sld [smem:$0x3FB4]  }
0x2b: {  	s6 =	sld [smem:$0x3FB5]  }
0x2c: {  	s7 =	sld [smem:$0x3FB6]  }
0x2d: {  	s3 =	simm.s32 $0x108;
	s8 =	sld [smem:$0x3FB7]  }
0x2e: {  	s3 =	simm.s32 @!p0 $0x1082;
	s9 =	sld [smem:$0x3FB8]  }
0x2f: {  	lr =	sadd.s32 s0, s3;
	s0 =	sld [smem:$0x3FAF]  }
0x30: {  	s3 =	sld [smem:$0x3FB2]  }
0x31: {  	[smem:$0x3FBB] =	sst s10  }
0x32: {  	s10 =	sld [smem:$0x3FB9];
	_ =	sdelay $0x3  }
0x33: {  	p0 =	seq.s32 s10, $0x1;
	s10 =	sld [smem:$0x3FBB];
	_ =	sdelay $0x3  }
0x34: {  	[smem:$0x3FBB] =	sst s10  }
0x35: {  	s10 =	sld [smem:$0x3FBA];
	_ =	sdelay $0x3  }
0x36: {  	p1 =	seq.s32 s10, $0x1;
	s10 =	sld [smem:$0x3FBB];
	_ =	sdelay $0x3  }
0x37: {  	[smem:$0x3FBB] =	sst s10  }
0x38: {  	s10 =	sld [smem:$0x3FBC]  }
0x39: {  	_ = 	snop;
	(pc) =	sbr.ind lr, $3  }
0x3a: {  	_ = 	snop  }
0x3b: {  	_ = 	snop  }
0x3c: {  	p2 =	seq.s32 s10, $0x1;
	s10 =	sld [smem:$0x3FBB]  }
0x3d: {  	_ =	shalt  }
0x3e: {  	_ =	shalt  }
0x3f: {  	_ =	shalt  }
0x40: {  	_ =	shalt  }
0x41: {  	_ =	shalt  }
0x42: {  	_ =	shalt  }
0x43: {  	_ =	shalt  }
0x44: {  	_ =	shalt  }
0x45: {  	_ =	shalt  }
0x46: {  	_ =	shalt  }
0x47: {  	_ =	shalt  }
0x48: {  	_ =	shalt  }
0x49: {  	_ =	shalt  }
0x4a: {  	_ =	shalt  }
0x4b: {  	_ =	shalt  }
0x4c: {  	_ =	shalt  }
0x4d: {  	_ =	shalt  }
0x4e: {  	_ =	shalt  }
0x4f: {  	_ =	shalt  }
0x50: {  	_ =	shalt  }
0x51: {  	_ =	shalt  }
0x52: {  	_ =	shalt  }
0x53: {  	_ =	shalt  }
0x54: {  	_ =	shalt  }
0x55: {  	_ =	shalt  }
0x56: {  	_ =	shalt  }
0x57: {  	_ =	shalt  }
0x58: {  	_ =	shalt  }
0x59: {  	_ =	shalt  }
0x5a: {  	_ =	shalt  }
0x5b: {  	_ =	shalt  }
0x5c: {  	_ =	shalt  }
0x5d: {  	_ =	shalt  }
0x5e: {  	_ =	shalt  }
0x5f: {  	_ =	shalt  }
0x60: {  	_ =	shalt  }
0x61: {  	_ =	shalt  }
0x62: {  	_ =	shalt  }
0x63: {  	_ =	shalt  }
0x64: {  	_ =	shalt  }
0x65: {  	_ =	shalt  }
0x66: {  	_ =	shalt  }
0x67: {  	_ =	shalt  }
0x68: {  	_ =	shalt  }
0x69: {  	_ =	shalt  }
0x6a: {  	_ =	shalt  }
0x6b: {  	_ =	shalt  }
0x6c: {  	_ =	shalt  }
0x6d: {  	_ =	shalt  }
0x6e: {  	_ =	shalt  }
0x6f: {  	_ =	shalt  }
0x70: {  	_ =	shalt  }
0x71: {  	_ =	shalt  }
0x72: {  	_ =	shalt  }
0x73: {  	_ =	shalt  }
0x74: {  	_ =	shalt  }
0x75: {  	_ =	shalt  }
0x76: {  	_ =	shalt  }
0x77: {  	_ =	shalt  }
0x78: {  	_ =	shalt  }
0x79: {  	_ =	shalt  }
0x7a: {  	_ =	shalt  }
0x7b: {  	_ =	shalt  }
0x7c: {  	_ =	shalt  }
0x7d: {  	_ =	shalt  }
0x7e: {  	_ =	shalt  }
0x7f: {  	_ =	shalt  }
0x80: {  	_ =	shalt  }
0x81: {  	_ =	shalt  }
0x82: {  	_ =	shalt  }
0x83: {  	_ =	shalt  }
0x84: {  	_ =	shalt  }
0x85: {  	_ =	shalt  }
0x86: {  	_ =	shalt  }
0x87: {  	_ =	shalt  }
.Lfunc_end0:
.L_simem_size_0:
called_computation_lowered:
.L_overlay_start_0:
0x88: {  	s2 =	sld [smem:$0x3FD9]  }
0x89: {  	s3 =	sld [smem:$0x3FFE];
	_ =	sdelay $0x1  }
0x8a: {  	s1 =	srdreg.scid  }
0x8b: {  	s0 =	sand.u32 $0x1, s1  }
0x8c: {  	s14 =	sshll.u32 s0, $0xA;
	s2 =	sadd.s32 s3, s2  }
0x8d: {  	s2 =	sadd.s32 s2, s14  }
0x8e: {  	[smem:$0x3FC7] =	sst s2  }
0x8f: {  	_ = 	snop  }
0x90: {  	s2 =	sld [smem:$0x3FD0];
	_ =	sdelay $0x2  }
0x91: {  	s15 =	simm.s32 $0xA;
	s4 =	simm.s32 $0x10  }
0x92: {  	[smem:s4], [sflag:s15] =	dma.local [hbm:s2], $0x1  }
0x93: {  	_ =	swait.eq [sflag:s15], $0x1  }
0x94: {  	[sflag:s15] =	ssyncset.done $0x0  }
0x95: {  	[sflag:s15] =	ssyncadd.s32 $0xFFFFFFFF  }
0x96: {  	s16 =	sld [smem:$0x10];
	(tm) =	ssettm $0x1  }
0x97: {  	s17 =	sld [smem:$0x3FFB];
	_ =	sdelay $0x3  }
0x98: {  	_ =	strace s17  }
0x99: {  	s3 =	sld [smem:$0x3FFC];
	_ =	sdelay $0x3  }
0x9a: {  	_ =	strace s3  }
0x9b: {  	s3 =	sld [smem:$0x3FFD];
	_ =	sdelay $0x3  }
0x9c: {  	_ =	strace s3  }
0x9d: {  	_ =	strace $0x8FFFFFFF  }
0x9e: {  	s18 =	sld [smem:$0x3FDB];
	_ =	sdelay $0x1  }
0x9f: {  	s19 =	simm.s32 $_scs_section_size  }
0xa0: {  	s5 =	simm.s32 $_size__tile_overlayer_lowered;
	s6 =	simm.s32 $_tile_overlayer_lowered  }
0xa1: {  	s22 =	simm.s32 $0x1BFF;
	s21 =	sshll.u32 s6, $0x1;
	s3 =	sadd.s32 s19, s18  }
0xa2: {  	s7 =	simm.s32 $0x0;
	s20 =	sshll.u32 s5, $0x1;
	s5 =	sadd.s32 s21, s3  }
0xa3: {  	[timem:s7], [sflag:s22] =	dma.local [hbm:s5], s20  }
0xa4: {  	_ =	swait.ge [sflag:s22], s20  }
0xa5: {  	s4 =	ssub.s32 $0x0, s20;
	[sflag:s22] =	ssyncset.done $0x0  }
0xa6: {  	[sflag:s22] =	ssyncadd.s32 s4;
	_ =	sdelay $0x1  }
0xa7: {  	s23 =	simm.s32 $0x1B8B  }
0xa8: {  	_ =	swait.ge [sflag:s23], $0x1  }
0xa9: {  	[sflag:s23] =	ssyncset.done $0x0  }
0xaa: {  	s25 =	simm.s32 $0x1B8E;
	s24 =	sld [smem:$0x3FFE];
	[sflag:s23] =	ssyncadd.s32 $0xFFFFFFFF  }
0xab: {  	s26 =	simm.s32 $execute0_lowered;
	[smem:$0x3FD2] =	sst s25  }
0xac: {  	s5 =	sshll.u32 s26, $0x1;
	_ =	strace $0x80000046;
	[dreg:$0x1] =	wrdreg $0xFFFFFFFF  }
0xad: {  	s28 =	simm.s32 $_size_execute0_lowered;
	s3 =	sadd.s32 s3, s5;
	[dreg:$0x0] =	wrdreg $0x0  }
0xae: {  	s5 =	sshll.u32 s28, $0x1;
	[dreg:$0x2] =	wrdreg s3  }
0xaf: {  	[dreg:$0x3] =	wrdreg s5  }
0xb0: {  	[dreg:$0x4] =	wrdreg $0xC0  }
0xb1: {  	_ =	task [dreg:s7], $0x5FFFF  }
0xb2: {  	[dreg:$0x1] =	wrdreg $0xFFFFFFFF  }
0xb3: {  	[dreg:$0x0] =	wrdreg $0x60  }
0xb4: {  	[dreg:$0x2] =	wrdreg s16  }
0xb5: {  	[dreg:$0x3] =	wrdreg s24  }
0xb6: {  	[dreg:$0x4] =	wrdreg $0x9  }
0xb7: {  	_ =	task.clear_ibuf [dreg:s7], $0x5FFFF;
	_ =	strace $0x90000046  }
0xb8: {  	s29 =	simm.s32 $0x9;
	_ =	strace $0x80000048  }
0xb9: {  	_ =	swait.ge [sflag:s29], $0x1  }
0xba: {  	[sflag:s29] =	ssyncadd.s32 $0xFFFFFFFF  }
0xbb: {  	_ =	strace $0x90000048  }
0xbc: {  	_ =	sfence  }
0xbd: {  	s30 =	sld [smem:$0x0];
	_ =	sdelay $0x2  }
0xbe: {  	s31 =	sshll.u32 s1, $0xD;
	s1 =	sshrl.u32 s1, $0x2  }
0xbf: {  	s3 =	sand.u32 $0x4000, s31;
	s1 =	sadd.s32 s1, s30  }
0xc0: {  	s0 =	sor.u32 s3, s0;
	s1 =	sshll.u32 s1, $0x11  }
0xc1: {  	s0 =	sor.u32 s1, s0  }
0xc2: {  	s0 =	sadd.s32 $0x8F2B, s0  }
0xc3: {  	[sflag:s0] =	ssyncadd.remote.s32 $0x1  }
0xc4: {  	_ =	sfence.sel $0xFFFF  }
0xc5: {  	[dreg:$0x0] =	wrdreg $0xFFFFFFFF;
	(pc) =	sbr.abs _section_cstart, $3  }
0xc6: {  	[dreg:$0x1] =	wrdreg $0xFFFFFFFF  }
0xc7: {  	_ =	task.clear_ibuf [dreg:s7], $0x2FFFF;
	_ =	strace $0x9FFFFFFF  }
0xc8: {  	(tm) =	ssettm $0x7FFFFFFF  }
0xc9: {  	_ =	shalt  }
tec
execute0_lowered:
.L_overlay_start_1:
0x0: {  	(tag) =	ssettag $0x1  }
0x1: {  	s1 =	srdreg.scid  }
0x2: {  	s0 =	stileid.u32;
	s16 =	sand.u32 $0x1, s1  }
0x3: {  	s2 =	rddreg [dreg:$0x0];
	s30 =	sshll.u32 s0, $0xA;
	s3 =	sshll.u32 s16, $0x9  }
0x4: {  	s10 =	rddreg [dreg:$0x1];
	s11 =	sor.u32 s3, s30  }
0x5: {  	s1 =	rddreg [dreg:$0x2];
	s3 =	simm.s32 $0x0;
	s4 =	sshrl.u32 s11, $0x3  }
0x6: {  	[smem:$0x7FF] =	sst s3;
	s4 =	sadd.s32 s4, s10  }
0x7: {  	_ =	strace $0x80000047;
	s5 =	sadd.s32 $0xA00, s4;
	s4 =	simm.s32 $0x3  }
0x8: {  	[tilespmem:s3], [sflag:$0x3] =	stream.linear.gather [hbm4b:s5+s3], $0x200, $0x38;
	[tilespmem:$0x8200] =	vst v63  }
0x9: {  	_ =	swait.ge [sflag:s4], $0x200  }
0xa: {  	[sflag:s4] =	ssyncset.done $0x0  }
0xb: {  	s6 =	simm.s32 $0x80;
	s7 =	simm.s32 $0x200;
	[sflag:s4] =	ssyncadd.s32 $0xFFFFFE00  }
0xc: {  	[tilespmem:s7], [sflag:$0x1] =	stream.indirect.gather [hbm4b:s2+s6], $0x80, s3, s6, $0xb8;
	[tilespmem:$0x8200] =	vst v63  }
0xd: {  	s8 =	simm.s32 $0x4200;
	s9 =	simm.s32 $0x1  }
0xe: {  	[tilespmem:s8], [sflag:$0x2] =	stream.indirect.gather [hbm4b:s2+s6], $0x80, s6, s6, $0xb8;
	[tilespmem:$0x8200] =	vst v63  }
0xf: {  	s11 =	sshll.u32 s11, $0x4;
	_ =	swait.ge [sflag:s9], $0x4000  }
0x10: {  	s17 =	sadd.s32 s11, s10;
	[sflag:s9] =	ssyncset.done $0x0  }
0x11: {  	s10 =	sadd.s32 $0x1200, s17;
	[sflag:s9] =	ssyncadd.s32 $0xFFFFC000  }
0x12: {  	[hbm4b:s10+s3] =	stream.linear.scatter [tilespmem:s7], [sflag:$0x3], $0x4000, $0x38;
	[tilespmem:$0x8200] =	vst v63  }
0x13: {  	_ =	swait.ge [sflag:s4], $0x4000  }
0x14: {  	[sflag:s4] =	ssyncset.done $0x0  }
0x15: {  	s12 =	simm.s32 $0x2;
	s11 =	simm.s32 $0x100;
	[sflag:s4] =	ssyncadd.s32 $0xFFFFC000  }
0x16: {  	[tilespmem:s7], [sflag:$0x1] =	stream.indirect.gather [hbm4b:s2+s6], $0x80, s11, s6, $0xb8;
	[tilespmem:$0x8200] =	vst v63  }
0x17: {  	_ =	swait.ge [sflag:s12], $0x4000  }
0x18: {  	[sflag:s12] =	ssyncset.done $0x0  }
0x19: {  	s13 =	sadd.s32 $0x1A00, s17;
	[sflag:s12] =	ssyncadd.s32 $0xFFFFC000  }
0x1a: {  	[hbm4b:s13+s3] =	stream.linear.scatter [tilespmem:s8], [sflag:$0x3], $0x4000, $0x38;
	[tilespmem:$0x8200] =	vst v63  }
0x1b: {  	_ =	swait.ge [sflag:s4], $0x4000  }
0x1c: {  	[sflag:s4] =	ssyncset.done $0x0  }
0x1d: {  	s14 =	simm.s32 $0x180;
	[sflag:s4] =	ssyncadd.s32 $0xFFFFC000  }
0x1e: {  	[tilespmem:s8], [sflag:$0x2] =	stream.indirect.gather [hbm4b:s2+s6], $0x80, s14, s6, $0xb8;
	[tilespmem:$0x8200] =	vst v63  }
0x1f: {  	_ =	swait.ge [sflag:s9], $0x4000  }
0x20: {  	[sflag:s9] =	ssyncset.done $0x0  }
0x21: {  	s16 =	ssub.s32 $0x2, s16;
	s15 =	sadd.s32 $0x2200, s17;
	[sflag:s9] =	ssyncadd.s32 $0xFFFFC000  }
0x22: {  	[hbm4b:s15+s3] =	stream.linear.scatter [tilespmem:s7], [sflag:$0x3], $0x4000, $0x38;
	[tilespmem:$0x8200] =	vst v63  }
0x23: {  	s18 =	sshrl.u32 s16, $0x1;
	_ =	swait.ge [sflag:s4], $0x4000  }
0x24: {  	s18 =	ssub.s32 s16, s18;
	[sflag:s4] =	ssyncset.done $0x0  }
0x25: {  	s31 =	smax.u32 s18, $0x1;
	[sflag:s4] =	ssyncadd.s32 $0xFFFFC000  }
0x26: {  	p0 =	sne.s32 s31, $0x1;
	_ =	swait.ge [sflag:s12], $0x4000  }
.Ltmp0:
0x27: {  	[sflag:s12] =	ssyncset.done $0x0;
	(pc) =	sbr.rel @!p0 .LBB2_2-.Ltmp0, $4  }
0x28: {  	s16 =	sadd.s32 $0x2A00, s17;
	[sflag:s12] =	ssyncadd.s32 $0xFFFFC000  }
0x29: {  	[hbm4b:s16+s3] =	stream.linear.scatter [tilespmem:s8], [sflag:$0x3], $0x4000, $0x38;
	[tilespmem:$0x8200] =	vst v63  }
0x2a: {  	_ =	swait.ge [sflag:s4], $0x4000  }
0x2b: {  	s17 =	sadd.s32 $0xFFFFFFFF, s31;
	[sflag:s4] =	ssyncset.done $0x0  }
.LBB2_1:
0x2c: {  	p0 =	sne.s32 s17, $0x1;
	s17 =	sadd.s32 $0xFFFFFFFF, s17;
	[sflag:s4] =	ssyncadd.s32 $0xFFFFC000  }
0x2d: {  	[tilespmem:s3], [sflag:$0x3] =	stream.linear.gather [hbm4b:s5+s3], $0x200, $0x38;
	[tilespmem:$0x8200] =	vst v63  }
0x2e: {  	_ =	swait.ge [sflag:s4], $0x200  }
0x2f: {  	[sflag:s4] =	ssyncset.done $0x0  }
0x30: {  	[sflag:s4] =	ssyncadd.s32 $0xFFFFFE00  }
0x31: {  	[tilespmem:s7], [sflag:$0x1] =	stream.indirect.gather [hbm4b:s2+s6], $0x80, s3, s6, $0xb8;
	[tilespmem:$0x8200] =	vst v63  }
0x32: {  	_ = 	snop  }
0x33: {  	[tilespmem:s8], [sflag:$0x2] =	stream.indirect.gather [hbm4b:s2+s6], $0x80, s6, s6, $0xb8;
	[tilespmem:$0x8200] =	vst v63  }
0x34: {  	_ =	swait.ge [sflag:s9], $0x4000  }
0x35: {  	[sflag:s9] =	ssyncset.done $0x0  }
0x36: {  	[sflag:s9] =	ssyncadd.s32 $0xFFFFC000  }
0x37: {  	[hbm4b:s10+s3] =	stream.linear.scatter [tilespmem:s7], [sflag:$0x3], $0x4000, $0x38;
	[tilespmem:$0x8200] =	vst v63  }
0x38: {  	_ =	swait.ge [sflag:s4], $0x4000  }
0x39: {  	[sflag:s4] =	ssyncset.done $0x0  }
0x3a: {  	[sflag:s4] =	ssyncadd.s32 $0xFFFFC000  }
0x3b: {  	[tilespmem:s7], [sflag:$0x1] =	stream.indirect.gather [hbm4b:s2+s6], $0x80, s11, s6, $0xb8;
	[tilespmem:$0x8200] =	vst v63  }
0x3c: {  	_ =	swait.ge [sflag:s12], $0x4000  }
0x3d: {  	[sflag:s12] =	ssyncset.done $0x0  }
0x3e: {  	[sflag:s12] =	ssyncadd.s32 $0xFFFFC000  }
0x3f: {  	[hbm4b:s13+s3] =	stream.linear.scatter [tilespmem:s8], [sflag:$0x3], $0x4000, $0x38;
	[tilespmem:$0x8200] =	vst v63  }
0x40: {  	_ =	swait.ge [sflag:s4], $0x4000  }
0x41: {  	[sflag:s4] =	ssyncset.done $0x0  }
0x42: {  	[sflag:s4] =	ssyncadd.s32 $0xFFFFC000  }
0x43: {  	[tilespmem:s8], [sflag:$0x2] =	stream.indirect.gather [hbm4b:s2+s6], $0x80, s14, s6, $0xb8;
	[tilespmem:$0x8200] =	vst v63  }
0x44: {  	_ =	swait.ge [sflag:s9], $0x4000  }
0x45: {  	[sflag:s9] =	ssyncset.done $0x0  }
0x46: {  	[sflag:s9] =	ssyncadd.s32 $0xFFFFC000  }
0x47: {  	[hbm4b:s15+s3] =	stream.linear.scatter [tilespmem:s7], [sflag:$0x3], $0x4000, $0x38;
	[tilespmem:$0x8200] =	vst v63  }
0x48: {  	_ =	swait.ge [sflag:s4], $0x4000  }
0x49: {  	[sflag:s4] =	ssyncset.done $0x0  }
0x4a: {  	[sflag:s4] =	ssyncadd.s32 $0xFFFFC000  }
0x4b: {  	_ =	swait.ge [sflag:s12], $0x4000  }
.Ltmp1:
0x4c: {  	[sflag:s12] =	ssyncset.done $0x0;
	(pc) =	sbr.rel @p0 .LBB2_1-.Ltmp1, $4  }
0x4d: {  	[sflag:s12] =	ssyncadd.s32 $0xFFFFC000  }
0x4e: {  	[hbm4b:s16+s3] =	stream.linear.scatter [tilespmem:s8], [sflag:$0x3], $0x4000, $0x38;
	[tilespmem:$0x8200] =	vst v63  }
0x4f: {  	_ =	swait.ge [sflag:s4], $0x4000  }
0x50: {  	[sflag:s4] =	ssyncset.done $0x0  }
.LBB2_2:
0x51: {  	[sflag:s4] =	ssyncadd.s32 $0xFFFFC000  }
0x52: {  	_ =	sfence.sel $0x180000  }
0x53: {  	[bflag:$0x0] =	sbarrier.arrive $0xFFFF  }
0x54: {  	p0 =	sne.s32 s0, $0x0;
	_ =	strace $0x90000047  }
0x55: {  	s0 =	sadd.s32 @!p0 $0x100000, s1;
	[bflag:$0x2] =	sbarrier.arrive $0xFFFF  }
0x56: {  	[sflag:s0] =	ssyncadd.tile.s32 @!p0 $0x1;
	_ =	shalt  }
.Lfunc_end2:
_tile_overlayer_lowered:
.L_overlay_start_2:
0x57: {  	(tag) =	ssettag $0x2  }
0x58: {  	s0 =	rddreg [dreg:$0x0];
	s2 =	stileid.u32  }
0x59: {  	s1 =	rddreg [dreg:$0x1];
	p0 =	sne.s32 s2, $0x0  }
0x5a: {  	s3 =	rddreg [dreg:$0x2];
	[bflag:$0x3] =	sbarrier.arrive $0xFFFF;
	s2 =	simm.s32 @!p0 $0x1C03  }
0x5b: {  	[timem:s3], [sflag:s2] =	dma.local @!p0 [hbm:s0], s1  }
0x5c: {  	s0 =	simm.s32 @!p0 $0x3  }
0x5d: {  	_ =	swait.ge @!p0 [sflag:s0], s1  }
0x5e: {  	s1 =	ssub.s32 @!p0 $0x0, s1;
	[sflag:s0] =	ssyncset.done @!p0 $0x0  }
0x5f: {  	[sflag:s0] =	ssyncadd.s32 @!p0 s1  }
0x60: {  	[bflag:$0x3] =	sbarrier.arrive $0xFFFF  }
0x61: {  	_ =	shalt  }

</sc_bundles>
